<compile_context>
chip_gen: v7x
topology: tpu7x:2x2x1
jax: 0.10.2.dev20260603
libtpu: 0.0.44.dev20260713+nightly
codegen_flags: <defaults>
</compile_context>

<pallas_src>
import functools

import jax
import jax.numpy as jnp
from jax import lax
from jax.experimental import pallas as pl
from jax.experimental.pallas import tpu as pltpu
from jax.experimental.pallas import tpu_sc as plsc

_B, _C, _H, _W = 8, 256, 64, 64
_Ho, _Wo = 128, 128
_NW = 32
_RPW = (_B * _H) // _NW
_NBLK = _RPW * 2
_CB = _C // 2
_NCHB = _CB // 16


def _unpool_sc(xt, it):
    mesh = plsc.VectorSubcoreMesh(core_axis_name="c", subcore_axis_name="s")

    @functools.partial(
        pl.kernel,
        mesh=mesh,
        compiler_params=pltpu.CompilerParams(needs_layout_passes=False),
        out_type=jax.ShapeDtypeStruct((_B, _C, _Ho, _Wo), jnp.float32),
        scratch_types=[
            pltpu.VMEM((_W, _CB), jnp.float32),
            pltpu.VMEM((_W, _CB), jnp.float32),
            pltpu.VMEM((_W, _CB), jnp.int32),
            pltpu.VMEM((_W, _CB), jnp.int32),
            pltpu.VMEM((_W, _CB), jnp.int32),
            pltpu.VMEM((_W, _CB), jnp.int32),
            pltpu.VMEM((_CB, 2, _Wo), jnp.float32),
            pltpu.VMEM((_CB, 2, _Wo), jnp.float32),
            pltpu.SemaphoreType.DMA,
            pltpu.SemaphoreType.DMA,
            pltpu.SemaphoreType.DMA,
            pltpu.SemaphoreType.DMA,
            pltpu.SemaphoreType.DMA,
            pltpu.SemaphoreType.DMA,
            pltpu.SemaphoreType.DMA,
            pltpu.SemaphoreType.DMA,
        ],
    )
    def body(x_hbm, i_hbm, o_hbm, x_v0, x_v1, i_v0, i_v1, i_v2, i_v3,
             st0, st1, smx0, smx1, smi0, smi1, smi2, smi3, smf0, smf1):
        w = lax.axis_index("s") * 2 + lax.axis_index("c")
        r0 = w * _RPW
        zf = jnp.zeros((16,), jnp.float32)
        iota = lax.iota(jnp.int32, 16)
        xbufs = [x_v0, x_v1]
        ibufs = [i_v0, i_v1, i_v2, i_v3]
        stbufs = [st0, st1]
        smx, smi, smf = [smx0, smx1], [smi0, smi1, smi2, smi3], [smf0, smf1]

        def blk_coords(q):
            rid = r0 + (q >> 1)
            return rid >> 6, rid & 63

        def issue_in(q, h, xb, ib):
            bq, iq = blk_coords(q)
            c0 = h * _CB
            pltpu.async_copy(x_hbm.at[bq, iq, pl.ds(0, _W), pl.ds(c0, _CB)],
                             xbufs[xb], smx[xb])
            pltpu.async_copy(i_hbm.at[bq, iq, pl.ds(0, _W), pl.ds(c0, _CB)],
                             ibufs[ib], smi[ib])

        def wait_in(xb, ib):
            pltpu.make_async_copy(
                x_hbm.at[0, 0, pl.ds(0, _W), pl.ds(0, _CB)],
                xbufs[xb], smx[xb]).wait()
            pltpu.make_async_copy(
                i_hbm.at[0, 0, pl.ds(0, _W), pl.ds(0, _CB)],
                ibufs[ib], smi[ib]).wait()

        def out_slice(q, h):
            bq, iq = blk_coords(q)
            return o_hbm.at[bq, pl.ds(h * _CB, _CB), pl.ds(2 * iq, 2),
                            pl.ds(0, _Wo)]

        def flush(sb, q, h):
            pltpu.async_copy(stbufs[sb], out_slice(q, h), smf[sb])

        def flush_wait(sb, q, h):
            pltpu.make_async_copy(stbufs[sb], out_slice(q, h), smf[sb]).wait()

        def scat_like(q, ib, sb, xb):
            _, iq = blk_coords(q)
            ir, st = ibufs[ib], stbufs[sb]
            xr = None if xb is None else xbufs[xb]
            ri2 = 2 * iq

            def kbody(j, c):
                ivs, xvs = [], []
                for u in range(_NCHB):
                    ivs.append(ir[j, pl.ds(u * 16, 16)])
                    if xr is not None:
                        xvs.append(xr[j, pl.ds(u * 16, 16)])
                for u in range(_NCHB):
                    cvec = iota + u * 16
                    drv = (ivs[u] >> 7) - ri2
                    dcv = ivs[u] & 127
                    val = zf if xr is None else xvs[u]
                    plsc.store_scatter(st, [cvec, drv, dcv], val)
                return c

            lax.fori_loop(0, _W, kbody, 0)

        issue_in(0, 0, 0, 0)

        def zero_body(k, carry):
            st0[k >> 4, (k >> 3) & 1, pl.ds((k & 7) * 16, 16)] = zf
            st1[k >> 4, (k >> 3) & 1, pl.ds((k & 7) * 16, 16)] = zf
            return carry

        lax.fori_loop(0, (_CB * 2 * _Wo) // 16, zero_body, 0)

        def run_block(q, s, peeled):
            h = s & 1
            xb, ib, sb = s % 2, s % 4, s % 2
            wait_in(xb, ib)
            qn = lax.min(q + 1, _NBLK - 1)
            issue_in(qn, (s + 1) & 1, (s + 1) % 2, (s + 1) % 4)
            if not (peeled and s < 2):
                flush_wait(sb, q - 2, h)
                scat_like(q - 2, (s + 2) % 4, sb, None)
            scat_like(q, ib, sb, xb)
            flush(sb, q, h)

        for s in range(4):
            run_block(s, s, peeled=True)

        def steady(mi, carry):
            for s in range(4):
                run_block(4 * mi + s, s, peeled=False)
            return carry

        lax.fori_loop(1, _NBLK // 4, steady, 0)

        flush_wait(0, _NBLK - 2, 0)
        flush_wait(1, _NBLK - 1, 1)
        pltpu.make_async_copy(x_hbm.at[0, 0, pl.ds(0, _W), pl.ds(0, _CB)],
                              xbufs[0], smx[0]).wait()
        pltpu.make_async_copy(i_hbm.at[0, 0, pl.ds(0, _W), pl.ds(0, _CB)],
                              ibufs[0], smi[0]).wait()

    return body(xt, it)


def kernel(x, indices, output_size):
    del output_size
    xt = x.transpose(0, 2, 3, 1)
    it = indices.transpose(0, 2, 3, 1)
    return _unpool_sc(xt, it)

# --- scband reference (transcript-rebuilt; emitter-appended) ---
"""Pipeline reference for scband-unpool-27608049779459 (READ-ONLY COPY).

The authoritative reference and input builder live on the scoring server;
editing this copy changes nothing except your own understanding.
"""

import jax, jax.numpy as jnp
import numpy as np

B, C, H, W = 8, 256, 64, 64
Ho, Wo = 128, 128


def setup_inputs(seed: int = 0) -> dict:
    key = jax.random.key(seed)
    k1, k2, k3 = jax.random.split(key, 3)
    x = jax.random.normal(k1, (B, C, H, W), dtype=jnp.float32)
    # Realistic MaxPool2d(2,2) indices: each pooled element picks one cell of its
    # 2x2 window in the (Ho, Wo) output plane, flattened per-channel (torch semantics).
    di = jax.random.randint(k2, (B, C, H, W), 0, 2)
    dj = jax.random.randint(k3, (B, C, H, W), 0, 2)
    rows = 2 * jnp.arange(H)[None, None, :, None] + di
    cols = 2 * jnp.arange(W)[None, None, None, :] + dj
    indices = (rows * Wo + cols).astype(jnp.int32)
    output_size = jnp.array([Ho, Wo], dtype=jnp.int32)
    return {"x": x, "indices": indices, "output_size": output_size}


def reference(x, indices, output_size):
    # Faithful jax translation of nn.MaxUnpool2d(kernel_size=2, stride=2):
    # zero-init output of size (B, C, Ho, Wo); scatter-overwrite x values at the
    # per-(batch, channel) flattened spatial indices.
    Bx, Cx, Hx, Wx = x.shape
    xf = x.reshape(Bx, Cx, Hx * Wx)
    idxf = indices.reshape(Bx, Cx, Hx * Wx)
    out = jnp.zeros((Bx, Cx, Ho * Wo), dtype=x.dtype)
    b_idx = jnp.arange(Bx)[:, None, None]
    c_idx = jnp.arange(Cx)[None, :, None]
    out = out.at[b_idx, c_idx, idxf].set(xf)
    return out.reshape(Bx, Cx, Ho, Wo)

if __name__ == "__main__":
    import jax
    _d = setup_inputs()
    print(jax.jit(kernel)(*tuple(_d.values())))

</pallas_src>

<mosaic_0001>
#map = affine_map<(d0, d1) -> (0, 0, 0, 0)>
module attributes {stable_mosaic.version = 14 : i64} {
  func.func @body(%arg0: i32, %arg1: i32, %arg2: memref<8x64x64x256xf32, #tpu.memory_space<hbm>>, %arg3: memref<8x64x64x256xi32, #tpu.memory_space<hbm>>, %arg4: memref<8x256x128x128xf32, #tpu.memory_space<hbm>>, %arg5: memref<64x128xf32, #tpu.memory_space<vmem>>, %arg6: memref<64x128xf32, #tpu.memory_space<vmem>>, %arg7: memref<64x128xi32, #tpu.memory_space<vmem>>, %arg8: memref<64x128xi32, #tpu.memory_space<vmem>>, %arg9: memref<64x128xi32, #tpu.memory_space<vmem>>, %arg10: memref<64x128xi32, #tpu.memory_space<vmem>>, %arg11: memref<128x2x128xf32, #tpu.memory_space<vmem>>, %arg12: memref<128x2x128xf32, #tpu.memory_space<vmem>>, %arg13: memref<!tpu.dma_semaphore, #tpu.memory_space<semaphore_mem>>, %arg14: memref<!tpu.dma_semaphore, #tpu.memory_space<semaphore_mem>>, %arg15: memref<!tpu.dma_semaphore, #tpu.memory_space<semaphore_mem>>, %arg16: memref<!tpu.dma_semaphore, #tpu.memory_space<semaphore_mem>>, %arg17: memref<!tpu.dma_semaphore, #tpu.memory_space<semaphore_mem>>, %arg18: memref<!tpu.dma_semaphore, #tpu.memory_space<semaphore_mem>>, %arg19: memref<!tpu.dma_semaphore, #tpu.memory_space<semaphore_mem>>, %arg20: memref<!tpu.dma_semaphore, #tpu.memory_space<semaphore_mem>>) attributes {dimension_semantics = [#tpu.dimension_semantics<core_parallel>, #tpu.dimension_semantics<subcore_parallel>], iteration_bounds = array<i64: 2, 16>, scalar_prefetch = 0 : i64, scratch_operands = 16 : i64, tpu.core_type = #tpu.core_type<sc_vector_subcore>, window_params = [{transform_indices = #map}, {transform_indices = #map}, {transform_indices = #map}]} {
    %mul3A = arith.constant 2 : i32
    %mul3A_0 = arith.muli %arg1, %mul3A : i32
    %add3A = arith.addi %mul3A_0, %arg0 : i32
    %mul3A_1 = arith.constant 16 : i32
    %mul3A_2 = arith.muli %add3A, %mul3A_1 : i32
    %broadcast_in_dim3A = arith.constant 0.000000e+00 : f32
    %broadcast_in_dim3A_3 = vector.broadcast %broadcast_in_dim3A : f32 to vector<16xf32>
    %iota3A = tpu.iota {dimensions = array<i32: 0>} : vector<16xi32>
    %add3A_4 = arith.constant 0 : i32
    %add3A_5 = arith.addi %mul3A_2, %add3A_4 : i32
    %shift_right_arithmetic3A = arith.constant 6 : i32
    %shift_right_arithmetic3A_6 = arith.shrsi %add3A_5, %shift_right_arithmetic3A : i32
    %and3A = arith.constant 63 : i32
    %and3A_7 = arith.andi %add3A_5, %and3A : i32
    %dma_start3A = arith.constant 0 : i32
    %dma_start3A_8 = arith.constant 0 : i32
    %dma_start3A_9 = tpu.memref_slice %arg2[%shift_right_arithmetic3A_6, %and3A_7, %dma_start3A, %dma_start3A_8] : memref<8x64x64x256xf32, #tpu.memory_space<hbm>> -> memref<1x1x64x128xf32, #tpu.memory_space<hbm>>
    %dma_start3A_10 = tpu.memref_squeeze %dma_start3A_9 : memref<1x1x64x128xf32, #tpu.memory_space<hbm>> -> memref<64x128xf32, #tpu.memory_space<hbm>>
    %dma_start3A_11 = arith.constant 0 : i32
    %dma_start3A_12 = arith.constant 0 : i32
    %dma_start3A_13 = tpu.memref_slice %arg2[%shift_right_arithmetic3A_6, %and3A_7, %dma_start3A_11, %dma_start3A_12] : memref<8x64x64x256xf32, #tpu.memory_space<hbm>> -> memref<1x1x64x128xf32, #tpu.memory_space<hbm>>
    %dma_start3A_14 = tpu.memref_squeeze %dma_start3A_13 : memref<1x1x64x128xf32, #tpu.memory_space<hbm>> -> memref<64x128xf32, #tpu.memory_space<hbm>>
    tpu.enqueue_dma source(%dma_start3A_14 : memref<64x128xf32, #tpu.memory_space<hbm>>) target(%arg5 : memref<64x128xf32, #tpu.memory_space<vmem>>) target_semaphore(%arg13 : memref<!tpu.dma_semaphore, #tpu.memory_space<semaphore_mem>>)
    %dma_start3A_15 = arith.constant 0 : i32
    %dma_start3A_16 = arith.constant 0 : i32
    %dma_start3A_17 = tpu.memref_slice %arg3[%shift_right_arithmetic3A_6, %and3A_7, %dma_start3A_15, %dma_start3A_16] : memref<8x64x64x256xi32, #tpu.memory_space<hbm>> -> memref<1x1x64x128xi32, #tpu.memory_space<hbm>>
    %dma_start3A_18 = tpu.memref_squeeze %dma_start3A_17 : memref<1x1x64x128xi32, #tpu.memory_space<hbm>> -> memref<64x128xi32, #tpu.memory_space<hbm>>
    %dma_start3A_19 = arith.constant 0 : i32
    %dma_start3A_20 = arith.constant 0 : i32
    %dma_start3A_21 = tpu.memref_slice %arg3[%shift_right_arithmetic3A_6, %and3A_7, %dma_start3A_19, %dma_start3A_20] : memref<8x64x64x256xi32, #tpu.memory_space<hbm>> -> memref<1x1x64x128xi32, #tpu.memory_space<hbm>>
    %dma_start3A_22 = tpu.memref_squeeze %dma_start3A_21 : memref<1x1x64x128xi32, #tpu.memory_space<hbm>> -> memref<64x128xi32, #tpu.memory_space<hbm>>
    tpu.enqueue_dma source(%dma_start3A_22 : memref<64x128xi32, #tpu.memory_space<hbm>>) target(%arg7 : memref<64x128xi32, #tpu.memory_space<vmem>>) target_semaphore(%arg15 : memref<!tpu.dma_semaphore, #tpu.memory_space<semaphore_mem>>)
    %scan3A = arith.constant 0 : i32
    %scan3A_23 = arith.constant 0 : i32
    %scan3A_24 = arith.constant 2048 : i32
    %scan3A_25 = arith.addi %scan3A_23, %scan3A_24 : i32
    %scan3A_26 = arith.constant 1 : i32
    scf.for %scan3A_448 = %scan3A_23 to %scan3A_25 step %scan3A_26  : i32 {
      %shift_right_arithmetic3A_449 = arith.constant 4 : i32
      %shift_right_arithmetic3A_450 = arith.shrsi %scan3A_448, %shift_right_arithmetic3A_449 : i32
      %shift_right_arithmetic3A_451 = arith.constant 3 : i32
      %shift_right_arithmetic3A_452 = arith.shrsi %scan3A_448, %shift_right_arithmetic3A_451 : i32
      %and3A_453 = arith.constant 1 : i32
      %and3A_454 = arith.andi %shift_right_arithmetic3A_452, %and3A_453 : i32
      %and3A_455 = arith.constant 7 : i32
      %and3A_456 = arith.andi %scan3A_448, %and3A_455 : i32
      %mul3A_457 = arith.constant 16 : i32
      %mul3A_458 = arith.muli %and3A_456, %mul3A_457 : i32
      %swap3A = arith.index_cast %shift_right_arithmetic3A_450 : i32 to index
      %swap3A_459 = arith.index_cast %and3A_454 : i32 to index
      %swap3A_460 = arith.index_cast %mul3A_458 : i32 to index
      %swap3A_461 = tpu.vector_load %arg11[%swap3A, %swap3A_459, %swap3A_460] {strides = array<i32>} : memref<128x2x128xf32, #tpu.memory_space<vmem>>, vector<16xf32>,
      tpu.vector_store %arg11[%swap3A, %swap3A_459, %swap3A_460], %broadcast_in_dim3A_3 {strides = array<i32>} : memref<128x2x128xf32, #tpu.memory_space<vmem>>, vector<16xf32>,
      %shift_right_arithmetic3A_462 = arith.constant 4 : i32
      %shift_right_arithmetic3A_463 = arith.shrsi %scan3A_448, %shift_right_arithmetic3A_462 : i32
      %shift_right_arithmetic3A_464 = arith.constant 3 : i32
      %shift_right_arithmetic3A_465 = arith.shrsi %scan3A_448, %shift_right_arithmetic3A_464 : i32
      %and3A_466 = arith.constant 1 : i32
      %and3A_467 = arith.andi %shift_right_arithmetic3A_465, %and3A_466 : i32
      %and3A_468 = arith.constant 7 : i32
      %and3A_469 = arith.andi %scan3A_448, %and3A_468 : i32
      %mul3A_470 = arith.constant 16 : i32
      %mul3A_471 = arith.muli %and3A_469, %mul3A_470 : i32
      %swap3A_472 = arith.index_cast %shift_right_arithmetic3A_463 : i32 to index
      %swap3A_473 = arith.index_cast %and3A_467 : i32 to index
      %swap3A_474 = arith.index_cast %mul3A_471 : i32 to index
      %swap3A_475 = tpu.vector_load %arg12[%swap3A_472, %swap3A_473, %swap3A_474] {strides = array<i32>} : memref<128x2x128xf32, #tpu.memory_space<vmem>>, vector<16xf32>,
      tpu.vector_store %arg12[%swap3A_472, %swap3A_473, %swap3A_474], %broadcast_in_dim3A_3 {strides = array<i32>} : memref<128x2x128xf32, #tpu.memory_space<vmem>>, vector<16xf32>,
    }
    %scan3A_27 = arith.constant 2048 : i32
    %dma_wait3A = arith.constant 0 : i32
    %dma_wait3A_28 = arith.constant 0 : i32
    %dma_wait3A_29 = arith.constant 0 : i32
    %dma_wait3A_30 = arith.constant 0 : i32
    %dma_wait3A_31 = tpu.memref_slice %arg2[%dma_wait3A, %dma_wait3A_28, %dma_wait3A_29, %dma_wait3A_30] : memref<8x64x64x256xf32, #tpu.memory_space<hbm>> -> memref<1x1x64x128xf32, #tpu.memory_space<hbm>>
    %dma_wait3A_32 = tpu.memref_squeeze %dma_wait3A_31 : memref<1x1x64x128xf32, #tpu.memory_space<hbm>> -> memref<64x128xf32, #tpu.memory_space<hbm>>
    %dma_wait3A_33 = arith.constant 0 : i32
    %dma_wait3A_34 = arith.constant 0 : i32
    %dma_wait3A_35 = tpu.memref_slice %arg2[%dma_wait3A, %dma_wait3A_28, %dma_wait3A_33, %dma_wait3A_34] : memref<8x64x64x256xf32, #tpu.memory_space<hbm>> -> memref<1x1x64x128xf32, #tpu.memory_space<hbm>>
    %dma_wait3A_36 = tpu.memref_squeeze %dma_wait3A_35 : memref<1x1x64x128xf32, #tpu.memory_space<hbm>> -> memref<64x128xf32, #tpu.memory_space<hbm>>
    tpu.wait_dma2 semaphore(%arg13 : memref<!tpu.dma_semaphore, #tpu.memory_space<semaphore_mem>>) src(%dma_wait3A_36 : memref<64x128xf32, #tpu.memory_space<hbm>>) dst(%arg5 : memref<64x128xf32, #tpu.memory_space<vmem>>)
    %dma_wait3A_37 = arith.constant 0 : i32
    %dma_wait3A_38 = arith.constant 0 : i32
    %dma_wait3A_39 = arith.constant 0 : i32
    %dma_wait3A_40 = arith.constant 0 : i32
    %dma_wait3A_41 = tpu.memref_slice %arg3[%dma_wait3A_37, %dma_wait3A_38, %dma_wait3A_39, %dma_wait3A_40] : memref<8x64x64x256xi32, #tpu.memory_space<hbm>> -> memref<1x1x64x128xi32, #tpu.memory_space<hbm>>
    %dma_wait3A_42 = tpu.memref_squeeze %dma_wait3A_41 : memref<1x1x64x128xi32, #tpu.memory_space<hbm>> -> memref<64x128xi32, #tpu.memory_space<hbm>>
    %dma_wait3A_43 = arith.constant 0 : i32
    %dma_wait3A_44 = arith.constant 0 : i32
    %dma_wait3A_45 = tpu.memref_slice %arg3[%dma_wait3A_37, %dma_wait3A_38, %dma_wait3A_43, %dma_wait3A_44] : memref<8x64x64x256xi32, #tpu.memory_space<hbm>> -> memref<1x1x64x128xi32, #tpu.memory_space<hbm>>
    %dma_wait3A_46 = tpu.memref_squeeze %dma_wait3A_45 : memref<1x1x64x128xi32, #tpu.memory_space<hbm>> -> memref<64x128xi32, #tpu.memory_space<hbm>>
    tpu.wait_dma2 semaphore(%arg15 : memref<!tpu.dma_semaphore, #tpu.memory_space<semaphore_mem>>) src(%dma_wait3A_46 : memref<64x128xi32, #tpu.memory_space<hbm>>) dst(%arg7 : memref<64x128xi32, #tpu.memory_space<vmem>>)
    %min3A = arith.constant 1 : i32
    %min3A_47 = arith.constant 31 : i32
    %min3A_48 = arith.minsi %min3A, %min3A_47 : i32
    %shift_right_arithmetic3A_49 = arith.constant 1 : i32
    %shift_right_arithmetic3A_50 = arith.shrsi %min3A_48, %shift_right_arithmetic3A_49 : i32
    %add3A_51 = arith.addi %mul3A_2, %shift_right_arithmetic3A_50 : i32
    %shift_right_arithmetic3A_52 = arith.constant 6 : i32
    %shift_right_arithmetic3A_53 = arith.shrsi %add3A_51, %shift_right_arithmetic3A_52 : i32
    %and3A_54 = arith.constant 63 : i32
    %and3A_55 = arith.andi %add3A_51, %and3A_54 : i32
    %dma_start3A_56 = arith.constant 0 : i32
    %dma_start3A_57 = arith.constant 128 : i32
    %dma_start3A_58 = tpu.memref_slice %arg2[%shift_right_arithmetic3A_53, %and3A_55, %dma_start3A_56, %dma_start3A_57] : memref<8x64x64x256xf32, #tpu.memory_space<hbm>> -> memref<1x1x64x128xf32, #tpu.memory_space<hbm>>
    %dma_start3A_59 = tpu.memref_squeeze %dma_start3A_58 : memref<1x1x64x128xf32, #tpu.memory_space<hbm>> -> memref<64x128xf32, #tpu.memory_space<hbm>>
    %dma_start3A_60 = arith.constant 0 : i32
    %dma_start3A_61 = arith.constant 128 : i32
    %dma_start3A_62 = tpu.memref_slice %arg2[%shift_right_arithmetic3A_53, %and3A_55, %dma_start3A_60, %dma_start3A_61] : memref<8x64x64x256xf32, #tpu.memory_space<hbm>> -> memref<1x1x64x128xf32, #tpu.memory_space<hbm>>
    %dma_start3A_63 = tpu.memref_squeeze %dma_start3A_62 : memref<1x1x64x128xf32, #tpu.memory_space<hbm>> -> memref<64x128xf32, #tpu.memory_space<hbm>>
    tpu.enqueue_dma source(%dma_start3A_63 : memref<64x128xf32, #tpu.memory_space<hbm>>) target(%arg6 : memref<64x128xf32, #tpu.memory_space<vmem>>) target_semaphore(%arg14 : memref<!tpu.dma_semaphore, #tpu.memory_space<semaphore_mem>>)
    %dma_start3A_64 = arith.constant 0 : i32
    %dma_start3A_65 = arith.constant 128 : i32
    %dma_start3A_66 = tpu.memref_slice %arg3[%shift_right_arithmetic3A_53, %and3A_55, %dma_start3A_64, %dma_start3A_65] : memref<8x64x64x256xi32, #tpu.memory_space<hbm>> -> memref<1x1x64x128xi32, #tpu.memory_space<hbm>>
    %dma_start3A_67 = tpu.memref_squeeze %dma_start3A_66 : memref<1x1x64x128xi32, #tpu.memory_space<hbm>> -> memref<64x128xi32, #tpu.memory_space<hbm>>
    %dma_start3A_68 = arith.constant 0 : i32
    %dma_start3A_69 = arith.constant 128 : i32
    %dma_start3A_70 = tpu.memref_slice %arg3[%shift_right_arithmetic3A_53, %and3A_55, %dma_start3A_68, %dma_start3A_69] : memref<8x64x64x256xi32, #tpu.memory_space<hbm>> -> memref<1x1x64x128xi32, #tpu.memory_space<hbm>>
    %dma_start3A_71 = tpu.memref_squeeze %dma_start3A_70 : memref<1x1x64x128xi32, #tpu.memory_space<hbm>> -> memref<64x128xi32, #tpu.memory_space<hbm>>
    tpu.enqueue_dma source(%dma_start3A_71 : memref<64x128xi32, #tpu.memory_space<hbm>>) target(%arg8 : memref<64x128xi32, #tpu.memory_space<vmem>>) target_semaphore(%arg16 : memref<!tpu.dma_semaphore, #tpu.memory_space<semaphore_mem>>)
    %add3A_72 = arith.constant 0 : i32
    %add3A_73 = arith.addi %mul3A_2, %add3A_72 : i32
    %shift_right_arithmetic3A_74 = arith.constant 6 : i32
    %shift_right_arithmetic3A_75 = arith.shrsi %add3A_73, %shift_right_arithmetic3A_74 : i32
    %and3A_76 = arith.constant 63 : i32
    %and3A_77 = arith.andi %add3A_73, %and3A_76 : i32
    %mul3A_78 = arith.constant 2 : i32
    %mul3A_79 = arith.muli %mul3A_78, %and3A_77 : i32
    %scan3A_80 = arith.constant 0 : i32
    %scan3A_81 = arith.constant 0 : i32
    %scan3A_82 = arith.constant 64 : i32
    %scan3A_83 = arith.addi %scan3A_81, %scan3A_82 : i32
    %scan3A_84 = arith.constant 1 : i32
    scf.for %scan3A_448 = %scan3A_81 to %scan3A_83 step %scan3A_84  : i32 {
      %get3A = arith.index_cast %scan3A_448 : i32 to index
      %get3A_449 = arith.constant 0 : index
      %get3A_450 = tpu.vector_load %arg7[%get3A, %get3A_449] {strides = array<i32>} : memref<64x128xi32, #tpu.memory_space<vmem>>, vector<16xi32>,
      %get3A_451 = arith.index_cast %scan3A_448 : i32 to index
      %get3A_452 = arith.constant 0 : index
      %get3A_453 = tpu.vector_load %arg5[%get3A_451, %get3A_452] {strides = array<i32>} : memref<64x128xf32, #tpu.memory_space<vmem>>, vector<16xf32>,
      %get3A_454 = arith.index_cast %scan3A_448 : i32 to index
      %get3A_455 = arith.constant 16 : index
      %get3A_456 = tpu.vector_load %arg7[%get3A_454, %get3A_455] {strides = array<i32>} : memref<64x128xi32, #tpu.memory_space<vmem>>, vector<16xi32>,
      %get3A_457 = arith.index_cast %scan3A_448 : i32 to index
      %get3A_458 = arith.constant 16 : index
      %get3A_459 = tpu.vector_load %arg5[%get3A_457, %get3A_458] {strides = array<i32>} : memref<64x128xf32, #tpu.memory_space<vmem>>, vector<16xf32>,
      %get3A_460 = arith.index_cast %scan3A_448 : i32 to index
      %get3A_461 = arith.constant 32 : index
      %get3A_462 = tpu.vector_load %arg7[%get3A_460, %get3A_461] {strides = array<i32>} : memref<64x128xi32, #tpu.memory_space<vmem>>, vector<16xi32>,
      %get3A_463 = arith.index_cast %scan3A_448 : i32 to index
      %get3A_464 = arith.constant 32 : index
      %get3A_465 = tpu.vector_load %arg5[%get3A_463, %get3A_464] {strides = array<i32>} : memref<64x128xf32, #tpu.memory_space<vmem>>, vector<16xf32>,
      %get3A_466 = arith.index_cast %scan3A_448 : i32 to index
      %get3A_467 = arith.constant 48 : index
      %get3A_468 = tpu.vector_load %arg7[%get3A_466, %get3A_467] {strides = array<i32>} : memref<64x128xi32, #tpu.memory_space<vmem>>, vector<16xi32>,
      %get3A_469 = arith.index_cast %scan3A_448 : i32 to index
      %get3A_470 = arith.constant 48 : index
      %get3A_471 = tpu.vector_load %arg5[%get3A_469, %get3A_470] {strides = array<i32>} : memref<64x128xf32, #tpu.memory_space<vmem>>, vector<16xf32>,
      %get3A_472 = arith.index_cast %scan3A_448 : i32 to index
      %get3A_473 = arith.constant 64 : index
      %get3A_474 = tpu.vector_load %arg7[%get3A_472, %get3A_473] {strides = array<i32>} : memref<64x128xi32, #tpu.memory_space<vmem>>, vector<16xi32>,
      %get3A_475 = arith.index_cast %scan3A_448 : i32 to index
      %get3A_476 = arith.constant 64 : index
      %get3A_477 = tpu.vector_load %arg5[%get3A_475, %get3A_476] {strides = array<i32>} : memref<64x128xf32, #tpu.memory_space<vmem>>, vector<16xf32>,
      %get3A_478 = arith.index_cast %scan3A_448 : i32 to index
      %get3A_479 = arith.constant 80 : index
      %get3A_480 = tpu.vector_load %arg7[%get3A_478, %get3A_479] {strides = array<i32>} : memref<64x128xi32, #tpu.memory_space<vmem>>, vector<16xi32>,
      %get3A_481 = arith.index_cast %scan3A_448 : i32 to index
      %get3A_482 = arith.constant 80 : index
      %get3A_483 = tpu.vector_load %arg5[%get3A_481, %get3A_482] {strides = array<i32>} : memref<64x128xf32, #tpu.memory_space<vmem>>, vector<16xf32>,
      %get3A_484 = arith.index_cast %scan3A_448 : i32 to index
      %get3A_485 = arith.constant 96 : index
      %get3A_486 = tpu.vector_load %arg7[%get3A_484, %get3A_485] {strides = array<i32>} : memref<64x128xi32, #tpu.memory_space<vmem>>, vector<16xi32>,
      %get3A_487 = arith.index_cast %scan3A_448 : i32 to index
      %get3A_488 = arith.constant 96 : index
      %get3A_489 = tpu.vector_load %arg5[%get3A_487, %get3A_488] {strides = array<i32>} : memref<64x128xf32, #tpu.memory_space<vmem>>, vector<16xf32>,
      %get3A_490 = arith.index_cast %scan3A_448 : i32 to index
      %get3A_491 = arith.constant 112 : index
      %get3A_492 = tpu.vector_load %arg7[%get3A_490, %get3A_491] {strides = array<i32>} : memref<64x128xi32, #tpu.memory_space<vmem>>, vector<16xi32>,
      %get3A_493 = arith.index_cast %scan3A_448 : i32 to index
      %get3A_494 = arith.constant 112 : index
      %get3A_495 = tpu.vector_load %arg5[%get3A_493, %get3A_494] {strides = array<i32>} : memref<64x128xf32, #tpu.memory_space<vmem>>, vector<16xf32>,
      %add3A_496 = arith.constant 0 : i32
      %add3A_497 = vector.broadcast %add3A_496 : i32 to vector<16xi32>
      %add3A_498 = arith.addi %iota3A, %add3A_497 : vector<16xi32>
      %shift_right_arithmetic3A_499 = arith.constant 7 : i32
      %shift_right_arithmetic3A_500 = vector.broadcast %shift_right_arithmetic3A_499 : i32 to vector<16xi32>
      %shift_right_arithmetic3A_501 = arith.shrsi %get3A_450, %shift_right_arithmetic3A_500 : vector<16xi32>
      %sub3A = vector.broadcast %mul3A_79 : i32 to vector<16xi32>
      %sub3A_502 = arith.subi %shift_right_arithmetic3A_501, %sub3A : vector<16xi32>
      %and3A_503 = arith.constant 127 : i32
      %and3A_504 = vector.broadcast %and3A_503 : i32 to vector<16xi32>
      %and3A_505 = arith.andi %get3A_450, %and3A_504 : vector<16xi32>
      tpu.vector_store_idx %arg11[%add3A_498, %sub3A_502, %and3A_505], %get3A_453 : memref<128x2x128xf32, #tpu.memory_space<vmem>>[vector<16xi32>, vector<16xi32>, vector<16xi32>], vector<16xf32>,
      %add3A_506 = arith.constant 16 : i32
      %add3A_507 = vector.broadcast %add3A_506 : i32 to vector<16xi32>
      %add3A_508 = arith.addi %iota3A, %add3A_507 : vector<16xi32>
      %shift_right_arithmetic3A_509 = arith.constant 7 : i32
      %shift_right_arithmetic3A_510 = vector.broadcast %shift_right_arithmetic3A_509 : i32 to vector<16xi32>
      %shift_right_arithmetic3A_511 = arith.shrsi %get3A_456, %shift_right_arithmetic3A_510 : vector<16xi32>
      %sub3A_512 = vector.broadcast %mul3A_79 : i32 to vector<16xi32>
      %sub3A_513 = arith.subi %shift_right_arithmetic3A_511, %sub3A_512 : vector<16xi32>
      %and3A_514 = arith.constant 127 : i32
      %and3A_515 = vector.broadcast %and3A_514 : i32 to vector<16xi32>
      %and3A_516 = arith.andi %get3A_456, %and3A_515 : vector<16xi32>
      tpu.vector_store_idx %arg11[%add3A_508, %sub3A_513, %and3A_516], %get3A_459 : memref<128x2x128xf32, #tpu.memory_space<vmem>>[vector<16xi32>, vector<16xi32>, vector<16xi32>], vector<16xf32>,
      %add3A_517 = arith.constant 32 : i32
      %add3A_518 = vector.broadcast %add3A_517 : i32 to vector<16xi32>
      %add3A_519 = arith.addi %iota3A, %add3A_518 : vector<16xi32>
      %shift_right_arithmetic3A_520 = arith.constant 7 : i32
      %shift_right_arithmetic3A_521 = vector.broadcast %shift_right_arithmetic3A_520 : i32 to vector<16xi32>
      %shift_right_arithmetic3A_522 = arith.shrsi %get3A_462, %shift_right_arithmetic3A_521 : vector<16xi32>
      %sub3A_523 = vector.broadcast %mul3A_79 : i32 to vector<16xi32>
      %sub3A_524 = arith.subi %shift_right_arithmetic3A_522, %sub3A_523 : vector<16xi32>
      %and3A_525 = arith.constant 127 : i32
      %and3A_526 = vector.broadcast %and3A_525 : i32 to vector<16xi32>
      %and3A_527 = arith.andi %get3A_462, %and3A_526 : vector<16xi32>
      tpu.vector_store_idx %arg11[%add3A_519, %sub3A_524, %and3A_527], %get3A_465 : memref<128x2x128xf32, #tpu.memory_space<vmem>>[vector<16xi32>, vector<16xi32>, vector<16xi32>], vector<16xf32>,
      %add3A_528 = arith.constant 48 : i32
      %add3A_529 = vector.broadcast %add3A_528 : i32 to vector<16xi32>
      %add3A_530 = arith.addi %iota3A, %add3A_529 : vector<16xi32>
      %shift_right_arithmetic3A_531 = arith.constant 7 : i32
      %shift_right_arithmetic3A_532 = vector.broadcast %shift_right_arithmetic3A_531 : i32 to vector<16xi32>
      %shift_right_arithmetic3A_533 = arith.shrsi %get3A_468, %shift_right_arithmetic3A_532 : vector<16xi32>
      %sub3A_534 = vector.broadcast %mul3A_79 : i32 to vector<16xi32>
      %sub3A_535 = arith.subi %shift_right_arithmetic3A_533, %sub3A_534 : vector<16xi32>
      %and3A_536 = arith.constant 127 : i32
      %and3A_537 = vector.broadcast %and3A_536 : i32 to vector<16xi32>
      %and3A_538 = arith.andi %get3A_468, %and3A_537 : vector<16xi32>
      tpu.vector_store_idx %arg11[%add3A_530, %sub3A_535, %and3A_538], %get3A_471 : memref<128x2x128xf32, #tpu.memory_space<vmem>>[vector<16xi32>, vector<16xi32>, vector<16xi32>], vector<16xf32>,
      %add3A_539 = arith.constant 64 : i32
      %add3A_540 = vector.broadcast %add3A_539 : i32 to vector<16xi32>
      %add3A_541 = arith.addi %iota3A, %add3A_540 : vector<16xi32>
      %shift_right_arithmetic3A_542 = arith.constant 7 : i32
      %shift_right_arithmetic3A_543 = vector.broadcast %shift_right_arithmetic3A_542 : i32 to vector<16xi32>
      %shift_right_arithmetic3A_544 = arith.shrsi %get3A_474, %shift_right_arithmetic3A_543 : vector<16xi32>
      %sub3A_545 = vector.broadcast %mul3A_79 : i32 to vector<16xi32>
      %sub3A_546 = arith.subi %shift_right_arithmetic3A_544, %sub3A_545 : vector<16xi32>
      %and3A_547 = arith.constant 127 : i32
      %and3A_548 = vector.broadcast %and3A_547 : i32 to vector<16xi32>
      %and3A_549 = arith.andi %get3A_474, %and3A_548 : vector<16xi32>
      tpu.vector_store_idx %arg11[%add3A_541, %sub3A_546, %and3A_549], %get3A_477 : memref<128x2x128xf32, #tpu.memory_space<vmem>>[vector<16xi32>, vector<16xi32>, vector<16xi32>], vector<16xf32>,
      %add3A_550 = arith.constant 80 : i32
      %add3A_551 = vector.broadcast %add3A_550 : i32 to vector<16xi32>
      %add3A_552 = arith.addi %iota3A, %add3A_551 : vector<16xi32>
      %shift_right_arithmetic3A_553 = arith.constant 7 : i32
      %shift_right_arithmetic3A_554 = vector.broadcast %shift_right_arithmetic3A_553 : i32 to vector<16xi32>
      %shift_right_arithmetic3A_555 = arith.shrsi %get3A_480, %shift_right_arithmetic3A_554 : vector<16xi32>
      %sub3A_556 = vector.broadcast %mul3A_79 : i32 to vector<16xi32>
      %sub3A_557 = arith.subi %shift_right_arithmetic3A_555, %sub3A_556 : vector<16xi32>
      %and3A_558 = arith.constant 127 : i32
      %and3A_559 = vector.broadcast %and3A_558 : i32 to vector<16xi32>
      %and3A_560 = arith.andi %get3A_480, %and3A_559 : vector<16xi32>
      tpu.vector_store_idx %arg11[%add3A_552, %sub3A_557, %and3A_560], %get3A_483 : memref<128x2x128xf32, #tpu.memory_space<vmem>>[vector<16xi32>, vector<16xi32>, vector<16xi32>], vector<16xf32>,
      %add3A_561 = arith.constant 96 : i32
      %add3A_562 = vector.broadcast %add3A_561 : i32 to vector<16xi32>
      %add3A_563 = arith.addi %iota3A, %add3A_562 : vector<16xi32>
      %shift_right_arithmetic3A_564 = arith.constant 7 : i32
      %shift_right_arithmetic3A_565 = vector.broadcast %shift_right_arithmetic3A_564 : i32 to vector<16xi32>
      %shift_right_arithmetic3A_566 = arith.shrsi %get3A_486, %shift_right_arithmetic3A_565 : vector<16xi32>
      %sub3A_567 = vector.broadcast %mul3A_79 : i32 to vector<16xi32>
      %sub3A_568 = arith.subi %shift_right_arithmetic3A_566, %sub3A_567 : vector<16xi32>
      %and3A_569 = arith.constant 127 : i32
      %and3A_570 = vector.broadcast %and3A_569 : i32 to vector<16xi32>
      %and3A_571 = arith.andi %get3A_486, %and3A_570 : vector<16xi32>
      tpu.vector_store_idx %arg11[%add3A_563, %sub3A_568, %and3A_571], %get3A_489 : memref<128x2x128xf32, #tpu.memory_space<vmem>>[vector<16xi32>, vector<16xi32>, vector<16xi32>], vector<16xf32>,
      %add3A_572 = arith.constant 112 : i32
      %add3A_573 = vector.broadcast %add3A_572 : i32 to vector<16xi32>
      %add3A_574 = arith.addi %iota3A, %add3A_573 : vector<16xi32>
      %shift_right_arithmetic3A_575 = arith.constant 7 : i32
      %shift_right_arithmetic3A_576 = vector.broadcast %shift_right_arithmetic3A_575 : i32 to vector<16xi32>
      %shift_right_arithmetic3A_577 = arith.shrsi %get3A_492, %shift_right_arithmetic3A_576 : vector<16xi32>
      %sub3A_578 = vector.broadcast %mul3A_79 : i32 to vector<16xi32>
      %sub3A_579 = arith.subi %shift_right_arithmetic3A_577, %sub3A_578 : vector<16xi32>
      %and3A_580 = arith.constant 127 : i32
      %and3A_581 = vector.broadcast %and3A_580 : i32 to vector<16xi32>
      %and3A_582 = arith.andi %get3A_492, %and3A_581 : vector<16xi32>
      tpu.vector_store_idx %arg11[%add3A_574, %sub3A_579, %and3A_582], %get3A_495 : memref<128x2x128xf32, #tpu.memory_space<vmem>>[vector<16xi32>, vector<16xi32>, vector<16xi32>], vector<16xf32>,
    }
    %scan3A_85 = arith.constant 64 : i32
    %add3A_86 = arith.constant 0 : i32
    %add3A_87 = arith.addi %mul3A_2, %add3A_86 : i32
    %shift_right_arithmetic3A_88 = arith.constant 6 : i32
    %shift_right_arithmetic3A_89 = arith.shrsi %add3A_87, %shift_right_arithmetic3A_88 : i32
    %and3A_90 = arith.constant 63 : i32
    %and3A_91 = arith.andi %add3A_87, %and3A_90 : i32
    %mul3A_92 = arith.constant 2 : i32
    %mul3A_93 = arith.muli %mul3A_92, %and3A_91 : i32
    %dma_start3A_94 = arith.constant 0 : i32
    %dma_start3A_95 = arith.constant 0 : i32
    %dma_start3A_96 = tpu.memref_slice %arg4[%shift_right_arithmetic3A_89, %dma_start3A_94, %mul3A_93, %dma_start3A_95] : memref<8x256x128x128xf32, #tpu.memory_space<hbm>> -> memref<1x128x2x128xf32, #tpu.memory_space<hbm>>
    %dma_start3A_97 = tpu.memref_squeeze %dma_start3A_96 : memref<1x128x2x128xf32, #tpu.memory_space<hbm>> -> memref<128x2x128xf32, #tpu.memory_space<hbm>>
    %dma_start3A_98 = arith.constant 0 : i32
    %dma_start3A_99 = arith.constant 0 : i32
    %dma_start3A_100 = tpu.memref_slice %arg4[%shift_right_arithmetic3A_89, %dma_start3A_98, %mul3A_93, %dma_start3A_99] : memref<8x256x128x128xf32, #tpu.memory_space<hbm>> -> memref<1x128x2x128xf32, #tpu.memory_space<hbm>>
    %dma_start3A_101 = tpu.memref_squeeze %dma_start3A_100 : memref<1x128x2x128xf32, #tpu.memory_space<hbm>> -> memref<128x2x128xf32, #tpu.memory_space<hbm>>
    tpu.enqueue_dma source(%arg11 : memref<128x2x128xf32, #tpu.memory_space<vmem>>) target(%dma_start3A_101 : memref<128x2x128xf32, #tpu.memory_space<hbm>>) target_semaphore(%arg19 : memref<!tpu.dma_semaphore, #tpu.memory_space<semaphore_mem>>)
    %dma_wait3A_102 = arith.constant 0 : i32
    %dma_wait3A_103 = arith.constant 0 : i32
    %dma_wait3A_104 = arith.constant 0 : i32
    %dma_wait3A_105 = arith.constant 0 : i32
    %dma_wait3A_106 = tpu.memref_slice %arg2[%dma_wait3A_102, %dma_wait3A_103, %dma_wait3A_104, %dma_wait3A_105] : memref<8x64x64x256xf32, #tpu.memory_space<hbm>> -> memref<1x1x64x128xf32, #tpu.memory_space<hbm>>
    %dma_wait3A_107 = tpu.memref_squeeze %dma_wait3A_106 : memref<1x1x64x128xf32, #tpu.memory_space<hbm>> -> memref<64x128xf32, #tpu.memory_space<hbm>>
    %dma_wait3A_108 = arith.constant 0 : i32
    %dma_wait3A_109 = arith.constant 0 : i32
    %dma_wait3A_110 = tpu.memref_slice %arg2[%dma_wait3A_102, %dma_wait3A_103, %dma_wait3A_108, %dma_wait3A_109] : memref<8x64x64x256xf32, #tpu.memory_space<hbm>> -> memref<1x1x64x128xf32, #tpu.memory_space<hbm>>
    %dma_wait3A_111 = tpu.memref_squeeze %dma_wait3A_110 : memref<1x1x64x128xf32, #tpu.memory_space<hbm>> -> memref<64x128xf32, #tpu.memory_space<hbm>>
    tpu.wait_dma2 semaphore(%arg14 : memref<!tpu.dma_semaphore, #tpu.memory_space<semaphore_mem>>) src(%dma_wait3A_111 : memref<64x128xf32, #tpu.memory_space<hbm>>) dst(%arg6 : memref<64x128xf32, #tpu.memory_space<vmem>>)
    %dma_wait3A_112 = arith.constant 0 : i32
    %dma_wait3A_113 = arith.constant 0 : i32
    %dma_wait3A_114 = arith.constant 0 : i32
    %dma_wait3A_115 = arith.constant 0 : i32
    %dma_wait3A_116 = tpu.memref_slice %arg3[%dma_wait3A_112, %dma_wait3A_113, %dma_wait3A_114, %dma_wait3A_115] : memref<8x64x64x256xi32, #tpu.memory_space<hbm>> -> memref<1x1x64x128xi32, #tpu.memory_space<hbm>>
    %dma_wait3A_117 = tpu.memref_squeeze %dma_wait3A_116 : memref<1x1x64x128xi32, #tpu.memory_space<hbm>> -> memref<64x128xi32, #tpu.memory_space<hbm>>
    %dma_wait3A_118 = arith.constant 0 : i32
    %dma_wait3A_119 = arith.constant 0 : i32
    %dma_wait3A_120 = tpu.memref_slice %arg3[%dma_wait3A_112, %dma_wait3A_113, %dma_wait3A_118, %dma_wait3A_119] : memref<8x64x64x256xi32, #tpu.memory_space<hbm>> -> memref<1x1x64x128xi32, #tpu.memory_space<hbm>>
    %dma_wait3A_121 = tpu.memref_squeeze %dma_wait3A_120 : memref<1x1x64x128xi32, #tpu.memory_space<hbm>> -> memref<64x128xi32, #tpu.memory_space<hbm>>
    tpu.wait_dma2 semaphore(%arg16 : memref<!tpu.dma_semaphore, #tpu.memory_space<semaphore_mem>>) src(%dma_wait3A_121 : memref<64x128xi32, #tpu.memory_space<hbm>>) dst(%arg8 : memref<64x128xi32, #tpu.memory_space<vmem>>)
    %min3A_122 = arith.constant 2 : i32
    %min3A_123 = arith.constant 31 : i32
    %min3A_124 = arith.minsi %min3A_122, %min3A_123 : i32
    %shift_right_arithmetic3A_125 = arith.constant 1 : i32
    %shift_right_arithmetic3A_126 = arith.shrsi %min3A_124, %shift_right_arithmetic3A_125 : i32
    %add3A_127 = arith.addi %mul3A_2, %shift_right_arithmetic3A_126 : i32
    %shift_right_arithmetic3A_128 = arith.constant 6 : i32
    %shift_right_arithmetic3A_129 = arith.shrsi %add3A_127, %shift_right_arithmetic3A_128 : i32
    %and3A_130 = arith.constant 63 : i32
    %and3A_131 = arith.andi %add3A_127, %and3A_130 : i32
    %dma_start3A_132 = arith.constant 0 : i32
    %dma_start3A_133 = arith.constant 0 : i32
    %dma_start3A_134 = tpu.memref_slice %arg2[%shift_right_arithmetic3A_129, %and3A_131, %dma_start3A_132, %dma_start3A_133] : memref<8x64x64x256xf32, #tpu.memory_space<hbm>> -> memref<1x1x64x128xf32, #tpu.memory_space<hbm>>
    %dma_start3A_135 = tpu.memref_squeeze %dma_start3A_134 : memref<1x1x64x128xf32, #tpu.memory_space<hbm>> -> memref<64x128xf32, #tpu.memory_space<hbm>>
    %dma_start3A_136 = arith.constant 0 : i32
    %dma_start3A_137 = arith.constant 0 : i32
    %dma_start3A_138 = tpu.memref_slice %arg2[%shift_right_arithmetic3A_129, %and3A_131, %dma_start3A_136, %dma_start3A_137] : memref<8x64x64x256xf32, #tpu.memory_space<hbm>> -> memref<1x1x64x128xf32, #tpu.memory_space<hbm>>
    %dma_start3A_139 = tpu.memref_squeeze %dma_start3A_138 : memref<1x1x64x128xf32, #tpu.memory_space<hbm>> -> memref<64x128xf32, #tpu.memory_space<hbm>>
    tpu.enqueue_dma source(%dma_start3A_139 : memref<64x128xf32, #tpu.memory_space<hbm>>) target(%arg5 : memref<64x128xf32, #tpu.memory_space<vmem>>) target_semaphore(%arg13 : memref<!tpu.dma_semaphore, #tpu.memory_space<semaphore_mem>>)
    %dma_start3A_140 = arith.constant 0 : i32
    %dma_start3A_141 = arith.constant 0 : i32
    %dma_start3A_142 = tpu.memref_slice %arg3[%shift_right_arithmetic3A_129, %and3A_131, %dma_start3A_140, %dma_start3A_141] : memref<8x64x64x256xi32, #tpu.memory_space<hbm>> -> memref<1x1x64x128xi32, #tpu.memory_space<hbm>>
    %dma_start3A_143 = tpu.memref_squeeze %dma_start3A_142 : memref<1x1x64x128xi32, #tpu.memory_space<hbm>> -> memref<64x128xi32, #tpu.memory_space<hbm>>
    %dma_start3A_144 = arith.constant 0 : i32
    %dma_start3A_145 = arith.constant 0 : i32
    %dma_start3A_146 = tpu.memref_slice %arg3[%shift_right_arithmetic3A_129, %and3A_131, %dma_start3A_144, %dma_start3A_145] : memref<8x64x64x256xi32, #tpu.memory_space<hbm>> -> memref<1x1x64x128xi32, #tpu.memory_space<hbm>>
    %dma_start3A_147 = tpu.memref_squeeze %dma_start3A_146 : memref<1x1x64x128xi32, #tpu.memory_space<hbm>> -> memref<64x128xi32, #tpu.memory_space<hbm>>
    tpu.enqueue_dma source(%dma_start3A_147 : memref<64x128xi32, #tpu.memory_space<hbm>>) target(%arg9 : memref<64x128xi32, #tpu.memory_space<vmem>>) target_semaphore(%arg17 : memref<!tpu.dma_semaphore, #tpu.memory_space<semaphore_mem>>)
    %add3A_148 = arith.constant 0 : i32
    %add3A_149 = arith.addi %mul3A_2, %add3A_148 : i32
    %shift_right_arithmetic3A_150 = arith.constant 6 : i32
    %shift_right_arithmetic3A_151 = arith.shrsi %add3A_149, %shift_right_arithmetic3A_150 : i32
    %and3A_152 = arith.constant 63 : i32
    %and3A_153 = arith.andi %add3A_149, %and3A_152 : i32
    %mul3A_154 = arith.constant 2 : i32
    %mul3A_155 = arith.muli %mul3A_154, %and3A_153 : i32
    %scan3A_156 = arith.constant 0 : i32
    %scan3A_157 = arith.constant 0 : i32
    %scan3A_158 = arith.constant 64 : i32
    %scan3A_159 = arith.addi %scan3A_157, %scan3A_158 : i32
    %scan3A_160 = arith.constant 1 : i32
    scf.for %scan3A_448 = %scan3A_157 to %scan3A_159 step %scan3A_160  : i32 {
      %get3A = arith.index_cast %scan3A_448 : i32 to index
      %get3A_449 = arith.constant 0 : index
      %get3A_450 = tpu.vector_load %arg8[%get3A, %get3A_449] {strides = array<i32>} : memref<64x128xi32, #tpu.memory_space<vmem>>, vector<16xi32>,
      %get3A_451 = arith.index_cast %scan3A_448 : i32 to index
      %get3A_452 = arith.constant 0 : index
      %get3A_453 = tpu.vector_load %arg6[%get3A_451, %get3A_452] {strides = array<i32>} : memref<64x128xf32, #tpu.memory_space<vmem>>, vector<16xf32>,
      %get3A_454 = arith.index_cast %scan3A_448 : i32 to index
      %get3A_455 = arith.constant 16 : index
      %get3A_456 = tpu.vector_load %arg8[%get3A_454, %get3A_455] {strides = array<i32>} : memref<64x128xi32, #tpu.memory_space<vmem>>, vector<16xi32>,
      %get3A_457 = arith.index_cast %scan3A_448 : i32 to index
      %get3A_458 = arith.constant 16 : index
      %get3A_459 = tpu.vector_load %arg6[%get3A_457, %get3A_458] {strides = array<i32>} : memref<64x128xf32, #tpu.memory_space<vmem>>, vector<16xf32>,
      %get3A_460 = arith.index_cast %scan3A_448 : i32 to index
      %get3A_461 = arith.constant 32 : index
      %get3A_462 = tpu.vector_load %arg8[%get3A_460, %get3A_461] {strides = array<i32>} : memref<64x128xi32, #tpu.memory_space<vmem>>, vector<16xi32>,
      %get3A_463 = arith.index_cast %scan3A_448 : i32 to index
      %get3A_464 = arith.constant 32 : index
      %get3A_465 = tpu.vector_load %arg6[%get3A_463, %get3A_464] {strides = array<i32>} : memref<64x128xf32, #tpu.memory_space<vmem>>, vector<16xf32>,
      %get3A_466 = arith.index_cast %scan3A_448 : i32 to index
      %get3A_467 = arith.constant 48 : index
      %get3A_468 = tpu.vector_load %arg8[%get3A_466, %get3A_467] {strides = array<i32>} : memref<64x128xi32, #tpu.memory_space<vmem>>, vector<16xi32>,
      %get3A_469 = arith.index_cast %scan3A_448 : i32 to index
      %get3A_470 = arith.constant 48 : index
      %get3A_471 = tpu.vector_load %arg6[%get3A_469, %get3A_470] {strides = array<i32>} : memref<64x128xf32, #tpu.memory_space<vmem>>, vector<16xf32>,
      %get3A_472 = arith.index_cast %scan3A_448 : i32 to index
      %get3A_473 = arith.constant 64 : index
      %get3A_474 = tpu.vector_load %arg8[%get3A_472, %get3A_473] {strides = array<i32>} : memref<64x128xi32, #tpu.memory_space<vmem>>, vector<16xi32>,
      %get3A_475 = arith.index_cast %scan3A_448 : i32 to index
      %get3A_476 = arith.constant 64 : index
      %get3A_477 = tpu.vector_load %arg6[%get3A_475, %get3A_476] {strides = array<i32>} : memref<64x128xf32, #tpu.memory_space<vmem>>, vector<16xf32>,
      %get3A_478 = arith.index_cast %scan3A_448 : i32 to index
      %get3A_479 = arith.constant 80 : index
      %get3A_480 = tpu.vector_load %arg8[%get3A_478, %get3A_479] {strides = array<i32>} : memref<64x128xi32, #tpu.memory_space<vmem>>, vector<16xi32>,
      %get3A_481 = arith.index_cast %scan3A_448 : i32 to index
      %get3A_482 = arith.constant 80 : index
      %get3A_483 = tpu.vector_load %arg6[%get3A_481, %get3A_482] {strides = array<i32>} : memref<64x128xf32, #tpu.memory_space<vmem>>, vector<16xf32>,
      %get3A_484 = arith.index_cast %scan3A_448 : i32 to index
      %get3A_485 = arith.constant 96 : index
      %get3A_486 = tpu.vector_load %arg8[%get3A_484, %get3A_485] {strides = array<i32>} : memref<64x128xi32, #tpu.memory_space<vmem>>, vector<16xi32>,
      %get3A_487 = arith.index_cast %scan3A_448 : i32 to index
      %get3A_488 = arith.constant 96 : index
      %get3A_489 = tpu.vector_load %arg6[%get3A_487, %get3A_488] {strides = array<i32>} : memref<64x128xf32, #tpu.memory_space<vmem>>, vector<16xf32>,
      %get3A_490 = arith.index_cast %scan3A_448 : i32 to index
      %get3A_491 = arith.constant 112 : index
      %get3A_492 = tpu.vector_load %arg8[%get3A_490, %get3A_491] {strides = array<i32>} : memref<64x128xi32, #tpu.memory_space<vmem>>, vector<16xi32>,
      %get3A_493 = arith.index_cast %scan3A_448 : i32 to index
      %get3A_494 = arith.constant 112 : index
      %get3A_495 = tpu.vector_load %arg6[%get3A_493, %get3A_494] {strides = array<i32>} : memref<64x128xf32, #tpu.memory_space<vmem>>, vector<16xf32>,
      %add3A_496 = arith.constant 0 : i32
      %add3A_497 = vector.broadcast %add3A_496 : i32 to vector<16xi32>
      %add3A_498 = arith.addi %iota3A, %add3A_497 : vector<16xi32>
      %shift_right_arithmetic3A_499 = arith.constant 7 : i32
      %shift_right_arithmetic3A_500 = vector.broadcast %shift_right_arithmetic3A_499 : i32 to vector<16xi32>
      %shift_right_arithmetic3A_501 = arith.shrsi %get3A_450, %shift_right_arithmetic3A_500 : vector<16xi32>
      %sub3A = vector.broadcast %mul3A_155 : i32 to vector<16xi32>
      %sub3A_502 = arith.subi %shift_right_arithmetic3A_501, %sub3A : vector<16xi32>
      %and3A_503 = arith.constant 127 : i32
      %and3A_504 = vector.broadcast %and3A_503 : i32 to vector<16xi32>
      %and3A_505 = arith.andi %get3A_450, %and3A_504 : vector<16xi32>
      tpu.vector_store_idx %arg12[%add3A_498, %sub3A_502, %and3A_505], %get3A_453 : memref<128x2x128xf32, #tpu.memory_space<vmem>>[vector<16xi32>, vector<16xi32>, vector<16xi32>], vector<16xf32>,
      %add3A_506 = arith.constant 16 : i32
      %add3A_507 = vector.broadcast %add3A_506 : i32 to vector<16xi32>
      %add3A_508 = arith.addi %iota3A, %add3A_507 : vector<16xi32>
      %shift_right_arithmetic3A_509 = arith.constant 7 : i32
      %shift_right_arithmetic3A_510 = vector.broadcast %shift_right_arithmetic3A_509 : i32 to vector<16xi32>
      %shift_right_arithmetic3A_511 = arith.shrsi %get3A_456, %shift_right_arithmetic3A_510 : vector<16xi32>
      %sub3A_512 = vector.broadcast %mul3A_155 : i32 to vector<16xi32>
      %sub3A_513 = arith.subi %shift_right_arithmetic3A_511, %sub3A_512 : vector<16xi32>
      %and3A_514 = arith.constant 127 : i32
      %and3A_515 = vector.broadcast %and3A_514 : i32 to vector<16xi32>
      %and3A_516 = arith.andi %get3A_456, %and3A_515 : vector<16xi32>
      tpu.vector_store_idx %arg12[%add3A_508, %sub3A_513, %and3A_516], %get3A_459 : memref<128x2x128xf32, #tpu.memory_space<vmem>>[vector<16xi32>, vector<16xi32>, vector<16xi32>], vector<16xf32>,
      %add3A_517 = arith.constant 32 : i32
      %add3A_518 = vector.broadcast %add3A_517 : i32 to vector<16xi32>
      %add3A_519 = arith.addi %iota3A, %add3A_518 : vector<16xi32>
      %shift_right_arithmetic3A_520 = arith.constant 7 : i32
      %shift_right_arithmetic3A_521 = vector.broadcast %shift_right_arithmetic3A_520 : i32 to vector<16xi32>
      %shift_right_arithmetic3A_522 = arith.shrsi %get3A_462, %shift_right_arithmetic3A_521 : vector<16xi32>
      %sub3A_523 = vector.broadcast %mul3A_155 : i32 to vector<16xi32>
      %sub3A_524 = arith.subi %shift_right_arithmetic3A_522, %sub3A_523 : vector<16xi32>
      %and3A_525 = arith.constant 127 : i32
      %and3A_526 = vector.broadcast %and3A_525 : i32 to vector<16xi32>
      %and3A_527 = arith.andi %get3A_462, %and3A_526 : vector<16xi32>
      tpu.vector_store_idx %arg12[%add3A_519, %sub3A_524, %and3A_527], %get3A_465 : memref<128x2x128xf32, #tpu.memory_space<vmem>>[vector<16xi32>, vector<16xi32>, vector<16xi32>], vector<16xf32>,
      %add3A_528 = arith.constant 48 : i32
      %add3A_529 = vector.broadcast %add3A_528 : i32 to vector<16xi32>
      %add3A_530 = arith.addi %iota3A, %add3A_529 : vector<16xi32>
      %shift_right_arithmetic3A_531 = arith.constant 7 : i32
      %shift_right_arithmetic3A_532 = vector.broadcast %shift_right_arithmetic3A_531 : i32 to vector<16xi32>
      %shift_right_arithmetic3A_533 = arith.shrsi %get3A_468, %shift_right_arithmetic3A_532 : vector<16xi32>
      %sub3A_534 = vector.broadcast %mul3A_155 : i32 to vector<16xi32>
      %sub3A_535 = arith.subi %shift_right_arithmetic3A_533, %sub3A_534 : vector<16xi32>
      %and3A_536 = arith.constant 127 : i32
      %and3A_537 = vector.broadcast %and3A_536 : i32 to vector<16xi32>
      %and3A_538 = arith.andi %get3A_468, %and3A_537 : vector<16xi32>
      tpu.vector_store_idx %arg12[%add3A_530, %sub3A_535, %and3A_538], %get3A_471 : memref<128x2x128xf32, #tpu.memory_space<vmem>>[vector<16xi32>, vector<16xi32>, vector<16xi32>], vector<16xf32>,
      %add3A_539 = arith.constant 64 : i32
      %add3A_540 = vector.broadcast %add3A_539 : i32 to vector<16xi32>
      %add3A_541 = arith.addi %iota3A, %add3A_540 : vector<16xi32>
      %shift_right_arithmetic3A_542 = arith.constant 7 : i32
      %shift_right_arithmetic3A_543 = vector.broadcast %shift_right_arithmetic3A_542 : i32 to vector<16xi32>
      %shift_right_arithmetic3A_544 = arith.shrsi %get3A_474, %shift_right_arithmetic3A_543 : vector<16xi32>
      %sub3A_545 = vector.broadcast %mul3A_155 : i32 to vector<16xi32>
      %sub3A_546 = arith.subi %shift_right_arithmetic3A_544, %sub3A_545 : vector<16xi32>
      %and3A_547 = arith.constant 127 : i32
      %and3A_548 = vector.broadcast %and3A_547 : i32 to vector<16xi32>
      %and3A_549 = arith.andi %get3A_474, %and3A_548 : vector<16xi32>
      tpu.vector_store_idx %arg12[%add3A_541, %sub3A_546, %and3A_549], %get3A_477 : memref<128x2x128xf32, #tpu.memory_space<vmem>>[vector<16xi32>, vector<16xi32>, vector<16xi32>], vector<16xf32>,
      %add3A_550 = arith.constant 80 : i32
      %add3A_551 = vector.broadcast %add3A_550 : i32 to vector<16xi32>
      %add3A_552 = arith.addi %iota3A, %add3A_551 : vector<16xi32>
      %shift_right_arithmetic3A_553 = arith.constant 7 : i32
      %shift_right_arithmetic3A_554 = vector.broadcast %shift_right_arithmetic3A_553 : i32 to vector<16xi32>
      %shift_right_arithmetic3A_555 = arith.shrsi %get3A_480, %shift_right_arithmetic3A_554 : vector<16xi32>
      %sub3A_556 = vector.broadcast %mul3A_155 : i32 to vector<16xi32>
      %sub3A_557 = arith.subi %shift_right_arithmetic3A_555, %sub3A_556 : vector<16xi32>
      %and3A_558 = arith.constant 127 : i32
      %and3A_559 = vector.broadcast %and3A_558 : i32 to vector<16xi32>
      %and3A_560 = arith.andi %get3A_480, %and3A_559 : vector<16xi32>
      tpu.vector_store_idx %arg12[%add3A_552, %sub3A_557, %and3A_560], %get3A_483 : memref<128x2x128xf32, #tpu.memory_space<vmem>>[vector<16xi32>, vector<16xi32>, vector<16xi32>], vector<16xf32>,
      %add3A_561 = arith.constant 96 : i32
      %add3A_562 = vector.broadcast %add3A_561 : i32 to vector<16xi32>
      %add3A_563 = arith.addi %iota3A, %add3A_562 : vector<16xi32>
      %shift_right_arithmetic3A_564 = arith.constant 7 : i32
      %shift_right_arithmetic3A_565 = vector.broadcast %shift_right_arithmetic3A_564 : i32 to vector<16xi32>
      %shift_right_arithmetic3A_566 = arith.shrsi %get3A_486, %shift_right_arithmetic3A_565 : vector<16xi32>
      %sub3A_567 = vector.broadcast %mul3A_155 : i32 to vector<16xi32>
      %sub3A_568 = arith.subi %shift_right_arithmetic3A_566, %sub3A_567 : vector<16xi32>
      %and3A_569 = arith.constant 127 : i32
      %and3A_570 = vector.broadcast %and3A_569 : i32 to vector<16xi32>
      %and3A_571 = arith.andi %get3A_486, %and3A_570 : vector<16xi32>
      tpu.vector_store_idx %arg12[%add3A_563, %sub3A_568, %and3A_571], %get3A_489 : memref<128x2x128xf32, #tpu.memory_space<vmem>>[vector<16xi32>, vector<16xi32>, vector<16xi32>], vector<16xf32>,
      %add3A_572 = arith.constant 112 : i32
      %add3A_573 = vector.broadcast %add3A_572 : i32 to vector<16xi32>
      %add3A_574 = arith.addi %iota3A, %add3A_573 : vector<16xi32>
      %shift_right_arithmetic3A_575 = arith.constant 7 : i32
      %shift_right_arithmetic3A_576 = vector.broadcast %shift_right_arithmetic3A_575 : i32 to vector<16xi32>
      %shift_right_arithmetic3A_577 = arith.shrsi %get3A_492, %shift_right_arithmetic3A_576 : vector<16xi32>
      %sub3A_578 = vector.broadcast %mul3A_155 : i32 to vector<16xi32>
      %sub3A_579 = arith.subi %shift_right_arithmetic3A_577, %sub3A_578 : vector<16xi32>
      %and3A_580 = arith.constant 127 : i32
      %and3A_581 = vector.broadcast %and3A_580 : i32 to vector<16xi32>
      %and3A_582 = arith.andi %get3A_492, %and3A_581 : vector<16xi32>
      tpu.vector_store_idx %arg12[%add3A_574, %sub3A_579, %and3A_582], %get3A_495 : memref<128x2x128xf32, #tpu.memory_space<vmem>>[vector<16xi32>, vector<16xi32>, vector<16xi32>], vector<16xf32>,
    }
    %scan3A_161 = arith.constant 64 : i32
    %add3A_162 = arith.constant 0 : i32
    %add3A_163 = arith.addi %mul3A_2, %add3A_162 : i32
    %shift_right_arithmetic3A_164 = arith.constant 6 : i32
    %shift_right_arithmetic3A_165 = arith.shrsi %add3A_163, %shift_right_arithmetic3A_164 : i32
    %and3A_166 = arith.constant 63 : i32
    %and3A_167 = arith.andi %add3A_163, %and3A_166 : i32
    %mul3A_168 = arith.constant 2 : i32
    %mul3A_169 = arith.muli %mul3A_168, %and3A_167 : i32
    %dma_start3A_170 = arith.constant 128 : i32
    %dma_start3A_171 = arith.constant 0 : i32
    %dma_start3A_172 = tpu.memref_slice %arg4[%shift_right_arithmetic3A_165, %dma_start3A_170, %mul3A_169, %dma_start3A_171] : memref<8x256x128x128xf32, #tpu.memory_space<hbm>> -> memref<1x128x2x128xf32, #tpu.memory_space<hbm>>
    %dma_start3A_173 = tpu.memref_squeeze %dma_start3A_172 : memref<1x128x2x128xf32, #tpu.memory_space<hbm>> -> memref<128x2x128xf32, #tpu.memory_space<hbm>>
    %dma_start3A_174 = arith.constant 128 : i32
    %dma_start3A_175 = arith.constant 0 : i32
    %dma_start3A_176 = tpu.memref_slice %arg4[%shift_right_arithmetic3A_165, %dma_start3A_174, %mul3A_169, %dma_start3A_175] : memref<8x256x128x128xf32, #tpu.memory_space<hbm>> -> memref<1x128x2x128xf32, #tpu.memory_space<hbm>>
    %dma_start3A_177 = tpu.memref_squeeze %dma_start3A_176 : memref<1x128x2x128xf32, #tpu.memory_space<hbm>> -> memref<128x2x128xf32, #tpu.memory_space<hbm>>
    tpu.enqueue_dma source(%arg12 : memref<128x2x128xf32, #tpu.memory_space<vmem>>) target(%dma_start3A_177 : memref<128x2x128xf32, #tpu.memory_space<hbm>>) target_semaphore(%arg20 : memref<!tpu.dma_semaphore, #tpu.memory_space<semaphore_mem>>)
    %dma_wait3A_178 = arith.constant 0 : i32
    %dma_wait3A_179 = arith.constant 0 : i32
    %dma_wait3A_180 = arith.constant 0 : i32
    %dma_wait3A_181 = arith.constant 0 : i32
    %dma_wait3A_182 = tpu.memref_slice %arg2[%dma_wait3A_178, %dma_wait3A_179, %dma_wait3A_180, %dma_wait3A_181] : memref<8x64x64x256xf32, #tpu.memory_space<hbm>> -> memref<1x1x64x128xf32, #tpu.memory_space<hbm>>
    %dma_wait3A_183 = tpu.memref_squeeze %dma_wait3A_182 : memref<1x1x64x128xf32, #tpu.memory_space<hbm>> -> memref<64x128xf32, #tpu.memory_space<hbm>>
    %dma_wait3A_184 = arith.constant 0 : i32
    %dma_wait3A_185 = arith.constant 0 : i32
    %dma_wait3A_186 = tpu.memref_slice %arg2[%dma_wait3A_178, %dma_wait3A_179, %dma_wait3A_184, %dma_wait3A_185] : memref<8x64x64x256xf32, #tpu.memory_space<hbm>> -> memref<1x1x64x128xf32, #tpu.memory_space<hbm>>
    %dma_wait3A_187 = tpu.memref_squeeze %dma_wait3A_186 : memref<1x1x64x128xf32, #tpu.memory_space<hbm>> -> memref<64x128xf32, #tpu.memory_space<hbm>>
    tpu.wait_dma2 semaphore(%arg13 : memref<!tpu.dma_semaphore, #tpu.memory_space<semaphore_mem>>) src(%dma_wait3A_187 : memref<64x128xf32, #tpu.memory_space<hbm>>) dst(%arg5 : memref<64x128xf32, #tpu.memory_space<vmem>>)
    %dma_wait3A_188 = arith.constant 0 : i32
    %dma_wait3A_189 = arith.constant 0 : i32
    %dma_wait3A_190 = arith.constant 0 : i32
    %dma_wait3A_191 = arith.constant 0 : i32
    %dma_wait3A_192 = tpu.memref_slice %arg3[%dma_wait3A_188, %dma_wait3A_189, %dma_wait3A_190, %dma_wait3A_191] : memref<8x64x64x256xi32, #tpu.memory_space<hbm>> -> memref<1x1x64x128xi32, #tpu.memory_space<hbm>>
    %dma_wait3A_193 = tpu.memref_squeeze %dma_wait3A_192 : memref<1x1x64x128xi32, #tpu.memory_space<hbm>> -> memref<64x128xi32, #tpu.memory_space<hbm>>
    %dma_wait3A_194 = arith.constant 0 : i32
    %dma_wait3A_195 = arith.constant 0 : i32
    %dma_wait3A_196 = tpu.memref_slice %arg3[%dma_wait3A_188, %dma_wait3A_189, %dma_wait3A_194, %dma_wait3A_195] : memref<8x64x64x256xi32, #tpu.memory_space<hbm>> -> memref<1x1x64x128xi32, #tpu.memory_space<hbm>>
    %dma_wait3A_197 = tpu.memref_squeeze %dma_wait3A_196 : memref<1x1x64x128xi32, #tpu.memory_space<hbm>> -> memref<64x128xi32, #tpu.memory_space<hbm>>
    tpu.wait_dma2 semaphore(%arg17 : memref<!tpu.dma_semaphore, #tpu.memory_space<semaphore_mem>>) src(%dma_wait3A_197 : memref<64x128xi32, #tpu.memory_space<hbm>>) dst(%arg9 : memref<64x128xi32, #tpu.memory_space<vmem>>)
    %min3A_198 = arith.constant 3 : i32
    %min3A_199 = arith.constant 31 : i32
    %min3A_200 = arith.minsi %min3A_198, %min3A_199 : i32
    %shift_right_arithmetic3A_201 = arith.constant 1 : i32
    %shift_right_arithmetic3A_202 = arith.shrsi %min3A_200, %shift_right_arithmetic3A_201 : i32
    %add3A_203 = arith.addi %mul3A_2, %shift_right_arithmetic3A_202 : i32
    %shift_right_arithmetic3A_204 = arith.constant 6 : i32
    %shift_right_arithmetic3A_205 = arith.shrsi %add3A_203, %shift_right_arithmetic3A_204 : i32
    %and3A_206 = arith.constant 63 : i32
    %and3A_207 = arith.andi %add3A_203, %and3A_206 : i32
    %dma_start3A_208 = arith.constant 0 : i32
    %dma_start3A_209 = arith.constant 128 : i32
    %dma_start3A_210 = tpu.memref_slice %arg2[%shift_right_arithmetic3A_205, %and3A_207, %dma_start3A_208, %dma_start3A_209] : memref<8x64x64x256xf32, #tpu.memory_space<hbm>> -> memref<1x1x64x128xf32, #tpu.memory_space<hbm>>
    %dma_start3A_211 = tpu.memref_squeeze %dma_start3A_210 : memref<1x1x64x128xf32, #tpu.memory_space<hbm>> -> memref<64x128xf32, #tpu.memory_space<hbm>>
    %dma_start3A_212 = arith.constant 0 : i32
    %dma_start3A_213 = arith.constant 128 : i32
    %dma_start3A_214 = tpu.memref_slice %arg2[%shift_right_arithmetic3A_205, %and3A_207, %dma_start3A_212, %dma_start3A_213] : memref<8x64x64x256xf32, #tpu.memory_space<hbm>> -> memref<1x1x64x128xf32, #tpu.memory_space<hbm>>
    %dma_start3A_215 = tpu.memref_squeeze %dma_start3A_214 : memref<1x1x64x128xf32, #tpu.memory_space<hbm>> -> memref<64x128xf32, #tpu.memory_space<hbm>>
    tpu.enqueue_dma source(%dma_start3A_215 : memref<64x128xf32, #tpu.memory_space<hbm>>) target(%arg6 : memref<64x128xf32, #tpu.memory_space<vmem>>) target_semaphore(%arg14 : memref<!tpu.dma_semaphore, #tpu.memory_space<semaphore_mem>>)
    %dma_start3A_216 = arith.constant 0 : i32
    %dma_start3A_217 = arith.constant 128 : i32
    %dma_start3A_218 = tpu.memref_slice %arg3[%shift_right_arithmetic3A_205, %and3A_207, %dma_start3A_216, %dma_start3A_217] : memref<8x64x64x256xi32, #tpu.memory_space<hbm>> -> memref<1x1x64x128xi32, #tpu.memory_space<hbm>>
    %dma_start3A_219 = tpu.memref_squeeze %dma_start3A_218 : memref<1x1x64x128xi32, #tpu.memory_space<hbm>> -> memref<64x128xi32, #tpu.memory_space<hbm>>
    %dma_start3A_220 = arith.constant 0 : i32
    %dma_start3A_221 = arith.constant 128 : i32
    %dma_start3A_222 = tpu.memref_slice %arg3[%shift_right_arithmetic3A_205, %and3A_207, %dma_start3A_220, %dma_start3A_221] : memref<8x64x64x256xi32, #tpu.memory_space<hbm>> -> memref<1x1x64x128xi32, #tpu.memory_space<hbm>>
    %dma_start3A_223 = tpu.memref_squeeze %dma_start3A_222 : memref<1x1x64x128xi32, #tpu.memory_space<hbm>> -> memref<64x128xi32, #tpu.memory_space<hbm>>
    tpu.enqueue_dma source(%dma_start3A_223 : memref<64x128xi32, #tpu.memory_space<hbm>>) target(%arg10 : memref<64x128xi32, #tpu.memory_space<vmem>>) target_semaphore(%arg18 : memref<!tpu.dma_semaphore, #tpu.memory_space<semaphore_mem>>)
    %add3A_224 = arith.constant 0 : i32
    %add3A_225 = arith.addi %mul3A_2, %add3A_224 : i32
    %shift_right_arithmetic3A_226 = arith.constant 6 : i32
    %shift_right_arithmetic3A_227 = arith.shrsi %add3A_225, %shift_right_arithmetic3A_226 : i32
    %and3A_228 = arith.constant 63 : i32
    %and3A_229 = arith.andi %add3A_225, %and3A_228 : i32
    %mul3A_230 = arith.constant 2 : i32
    %mul3A_231 = arith.muli %mul3A_230, %and3A_229 : i32
    %dma_wait3A_232 = arith.constant 0 : i32
    %dma_wait3A_233 = arith.constant 0 : i32
    %dma_wait3A_234 = tpu.memref_slice %arg4[%shift_right_arithmetic3A_227, %dma_wait3A_232, %mul3A_231, %dma_wait3A_233] : memref<8x256x128x128xf32, #tpu.memory_space<hbm>> -> memref<1x128x2x128xf32, #tpu.memory_space<hbm>>
    %dma_wait3A_235 = tpu.memref_squeeze %dma_wait3A_234 : memref<1x128x2x128xf32, #tpu.memory_space<hbm>> -> memref<128x2x128xf32, #tpu.memory_space<hbm>>
    %dma_wait3A_236 = arith.constant 0 : i32
    %dma_wait3A_237 = arith.constant 0 : i32
    %dma_wait3A_238 = tpu.memref_slice %arg4[%shift_right_arithmetic3A_227, %dma_wait3A_236, %mul3A_231, %dma_wait3A_237] : memref<8x256x128x128xf32, #tpu.memory_space<hbm>> -> memref<1x128x2x128xf32, #tpu.memory_space<hbm>>
    %dma_wait3A_239 = tpu.memref_squeeze %dma_wait3A_238 : memref<1x128x2x128xf32, #tpu.memory_space<hbm>> -> memref<128x2x128xf32, #tpu.memory_space<hbm>>
    tpu.wait_dma2 semaphore(%arg19 : memref<!tpu.dma_semaphore, #tpu.memory_space<semaphore_mem>>) src(%arg11 : memref<128x2x128xf32, #tpu.memory_space<vmem>>) dst(%dma_wait3A_239 : memref<128x2x128xf32, #tpu.memory_space<hbm>>)
    %add3A_240 = arith.constant 0 : i32
    %add3A_241 = arith.addi %mul3A_2, %add3A_240 : i32
    %shift_right_arithmetic3A_242 = arith.constant 6 : i32
    %shift_right_arithmetic3A_243 = arith.shrsi %add3A_241, %shift_right_arithmetic3A_242 : i32
    %and3A_244 = arith.constant 63 : i32
    %and3A_245 = arith.andi %add3A_241, %and3A_244 : i32
    %mul3A_246 = arith.constant 2 : i32
    %mul3A_247 = arith.muli %mul3A_246, %and3A_245 : i32
    %scan3A_248 = arith.constant 0 : i32
    %scan3A_249 = arith.constant 0 : i32
    %scan3A_250 = arith.constant 64 : i32
    %scan3A_251 = arith.addi %scan3A_249, %scan3A_250 : i32
    %scan3A_252 = arith.constant 1 : i32
    scf.for %scan3A_448 = %scan3A_249 to %scan3A_251 step %scan3A_252  : i32 {
      %get3A = arith.index_cast %scan3A_448 : i32 to index
      %get3A_449 = arith.constant 0 : index
      %get3A_450 = tpu.vector_load %arg7[%get3A, %get3A_449] {strides = array<i32>} : memref<64x128xi32, #tpu.memory_space<vmem>>, vector<16xi32>,
      %get3A_451 = arith.index_cast %scan3A_448 : i32 to index
      %get3A_452 = arith.constant 16 : index
      %get3A_453 = tpu.vector_load %arg7[%get3A_451, %get3A_452] {strides = array<i32>} : memref<64x128xi32, #tpu.memory_space<vmem>>, vector<16xi32>,
      %get3A_454 = arith.index_cast %scan3A_448 : i32 to index
      %get3A_455 = arith.constant 32 : index
      %get3A_456 = tpu.vector_load %arg7[%get3A_454, %get3A_455] {strides = array<i32>} : memref<64x128xi32, #tpu.memory_space<vmem>>, vector<16xi32>,
      %get3A_457 = arith.index_cast %scan3A_448 : i32 to index
      %get3A_458 = arith.constant 48 : index
      %get3A_459 = tpu.vector_load %arg7[%get3A_457, %get3A_458] {strides = array<i32>} : memref<64x128xi32, #tpu.memory_space<vmem>>, vector<16xi32>,
      %get3A_460 = arith.index_cast %scan3A_448 : i32 to index
      %get3A_461 = arith.constant 64 : index
      %get3A_462 = tpu.vector_load %arg7[%get3A_460, %get3A_461] {strides = array<i32>} : memref<64x128xi32, #tpu.memory_space<vmem>>, vector<16xi32>,
      %get3A_463 = arith.index_cast %scan3A_448 : i32 to index
      %get3A_464 = arith.constant 80 : index
      %get3A_465 = tpu.vector_load %arg7[%get3A_463, %get3A_464] {strides = array<i32>} : memref<64x128xi32, #tpu.memory_space<vmem>>, vector<16xi32>,
      %get3A_466 = arith.index_cast %scan3A_448 : i32 to index
      %get3A_467 = arith.constant 96 : index
      %get3A_468 = tpu.vector_load %arg7[%get3A_466, %get3A_467] {strides = array<i32>} : memref<64x128xi32, #tpu.memory_space<vmem>>, vector<16xi32>,
      %get3A_469 = arith.index_cast %scan3A_448 : i32 to index
      %get3A_470 = arith.constant 112 : index
      %get3A_471 = tpu.vector_load %arg7[%get3A_469, %get3A_470] {strides = array<i32>} : memref<64x128xi32, #tpu.memory_space<vmem>>, vector<16xi32>,
      %add3A_472 = arith.constant 0 : i32
      %add3A_473 = vector.broadcast %add3A_472 : i32 to vector<16xi32>
      %add3A_474 = arith.addi %iota3A, %add3A_473 : vector<16xi32>
      %shift_right_arithmetic3A_475 = arith.constant 7 : i32
      %shift_right_arithmetic3A_476 = vector.broadcast %shift_right_arithmetic3A_475 : i32 to vector<16xi32>
      %shift_right_arithmetic3A_477 = arith.shrsi %get3A_450, %shift_right_arithmetic3A_476 : vector<16xi32>
      %sub3A = vector.broadcast %mul3A_247 : i32 to vector<16xi32>
      %sub3A_478 = arith.subi %shift_right_arithmetic3A_477, %sub3A : vector<16xi32>
      %and3A_479 = arith.constant 127 : i32
      %and3A_480 = vector.broadcast %and3A_479 : i32 to vector<16xi32>
      %and3A_481 = arith.andi %get3A_450, %and3A_480 : vector<16xi32>
      tpu.vector_store_idx %arg11[%add3A_474, %sub3A_478, %and3A_481], %broadcast_in_dim3A_3 : memref<128x2x128xf32, #tpu.memory_space<vmem>>[vector<16xi32>, vector<16xi32>, vector<16xi32>], vector<16xf32>,
      %add3A_482 = arith.constant 16 : i32
      %add3A_483 = vector.broadcast %add3A_482 : i32 to vector<16xi32>
      %add3A_484 = arith.addi %iota3A, %add3A_483 : vector<16xi32>
      %shift_right_arithmetic3A_485 = arith.constant 7 : i32
      %shift_right_arithmetic3A_486 = vector.broadcast %shift_right_arithmetic3A_485 : i32 to vector<16xi32>
      %shift_right_arithmetic3A_487 = arith.shrsi %get3A_453, %shift_right_arithmetic3A_486 : vector<16xi32>
      %sub3A_488 = vector.broadcast %mul3A_247 : i32 to vector<16xi32>
      %sub3A_489 = arith.subi %shift_right_arithmetic3A_487, %sub3A_488 : vector<16xi32>
      %and3A_490 = arith.constant 127 : i32
      %and3A_491 = vector.broadcast %and3A_490 : i32 to vector<16xi32>
      %and3A_492 = arith.andi %get3A_453, %and3A_491 : vector<16xi32>
      tpu.vector_store_idx %arg11[%add3A_484, %sub3A_489, %and3A_492], %broadcast_in_dim3A_3 : memref<128x2x128xf32, #tpu.memory_space<vmem>>[vector<16xi32>, vector<16xi32>, vector<16xi32>], vector<16xf32>,
      %add3A_493 = arith.constant 32 : i32
      %add3A_494 = vector.broadcast %add3A_493 : i32 to vector<16xi32>
      %add3A_495 = arith.addi %iota3A, %add3A_494 : vector<16xi32>
      %shift_right_arithmetic3A_496 = arith.constant 7 : i32
      %shift_right_arithmetic3A_497 = vector.broadcast %shift_right_arithmetic3A_496 : i32 to vector<16xi32>
      %shift_right_arithmetic3A_498 = arith.shrsi %get3A_456, %shift_right_arithmetic3A_497 : vector<16xi32>
      %sub3A_499 = vector.broadcast %mul3A_247 : i32 to vector<16xi32>
      %sub3A_500 = arith.subi %shift_right_arithmetic3A_498, %sub3A_499 : vector<16xi32>
      %and3A_501 = arith.constant 127 : i32
      %and3A_502 = vector.broadcast %and3A_501 : i32 to vector<16xi32>
      %and3A_503 = arith.andi %get3A_456, %and3A_502 : vector<16xi32>
      tpu.vector_store_idx %arg11[%add3A_495, %sub3A_500, %and3A_503], %broadcast_in_dim3A_3 : memref<128x2x128xf32, #tpu.memory_space<vmem>>[vector<16xi32>, vector<16xi32>, vector<16xi32>], vector<16xf32>,
      %add3A_504 = arith.constant 48 : i32
      %add3A_505 = vector.broadcast %add3A_504 : i32 to vector<16xi32>
      %add3A_506 = arith.addi %iota3A, %add3A_505 : vector<16xi32>
      %shift_right_arithmetic3A_507 = arith.constant 7 : i32
      %shift_right_arithmetic3A_508 = vector.broadcast %shift_right_arithmetic3A_507 : i32 to vector<16xi32>
      %shift_right_arithmetic3A_509 = arith.shrsi %get3A_459, %shift_right_arithmetic3A_508 : vector<16xi32>
      %sub3A_510 = vector.broadcast %mul3A_247 : i32 to vector<16xi32>
      %sub3A_511 = arith.subi %shift_right_arithmetic3A_509, %sub3A_510 : vector<16xi32>
      %and3A_512 = arith.constant 127 : i32
      %and3A_513 = vector.broadcast %and3A_512 : i32 to vector<16xi32>
      %and3A_514 = arith.andi %get3A_459, %and3A_513 : vector<16xi32>
      tpu.vector_store_idx %arg11[%add3A_506, %sub3A_511, %and3A_514], %broadcast_in_dim3A_3 : memref<128x2x128xf32, #tpu.memory_space<vmem>>[vector<16xi32>, vector<16xi32>, vector<16xi32>], vector<16xf32>,
      %add3A_515 = arith.constant 64 : i32
      %add3A_516 = vector.broadcast %add3A_515 : i32 to vector<16xi32>
      %add3A_517 = arith.addi %iota3A, %add3A_516 : vector<16xi32>
      %shift_right_arithmetic3A_518 = arith.constant 7 : i32
      %shift_right_arithmetic3A_519 = vector.broadcast %shift_right_arithmetic3A_518 : i32 to vector<16xi32>
      %shift_right_arithmetic3A_520 = arith.shrsi %get3A_462, %shift_right_arithmetic3A_519 : vector<16xi32>
      %sub3A_521 = vector.broadcast %mul3A_247 : i32 to vector<16xi32>
      %sub3A_522 = arith.subi %shift_right_arithmetic3A_520, %sub3A_521 : vector<16xi32>
      %and3A_523 = arith.constant 127 : i32
      %and3A_524 = vector.broadcast %and3A_523 : i32 to vector<16xi32>
      %and3A_525 = arith.andi %get3A_462, %and3A_524 : vector<16xi32>
      tpu.vector_store_idx %arg11[%add3A_517, %sub3A_522, %and3A_525], %broadcast_in_dim3A_3 : memref<128x2x128xf32, #tpu.memory_space<vmem>>[vector<16xi32>, vector<16xi32>, vector<16xi32>], vector<16xf32>,
      %add3A_526 = arith.constant 80 : i32
      %add3A_527 = vector.broadcast %add3A_526 : i32 to vector<16xi32>
      %add3A_528 = arith.addi %iota3A, %add3A_527 : vector<16xi32>
      %shift_right_arithmetic3A_529 = arith.constant 7 : i32
      %shift_right_arithmetic3A_530 = vector.broadcast %shift_right_arithmetic3A_529 : i32 to vector<16xi32>
      %shift_right_arithmetic3A_531 = arith.shrsi %get3A_465, %shift_right_arithmetic3A_530 : vector<16xi32>
      %sub3A_532 = vector.broadcast %mul3A_247 : i32 to vector<16xi32>
      %sub3A_533 = arith.subi %shift_right_arithmetic3A_531, %sub3A_532 : vector<16xi32>
      %and3A_534 = arith.constant 127 : i32
      %and3A_535 = vector.broadcast %and3A_534 : i32 to vector<16xi32>
      %and3A_536 = arith.andi %get3A_465, %and3A_535 : vector<16xi32>
      tpu.vector_store_idx %arg11[%add3A_528, %sub3A_533, %and3A_536], %broadcast_in_dim3A_3 : memref<128x2x128xf32, #tpu.memory_space<vmem>>[vector<16xi32>, vector<16xi32>, vector<16xi32>], vector<16xf32>,
      %add3A_537 = arith.constant 96 : i32
      %add3A_538 = vector.broadcast %add3A_537 : i32 to vector<16xi32>
      %add3A_539 = arith.addi %iota3A, %add3A_538 : vector<16xi32>
      %shift_right_arithmetic3A_540 = arith.constant 7 : i32
      %shift_right_arithmetic3A_541 = vector.broadcast %shift_right_arithmetic3A_540 : i32 to vector<16xi32>
      %shift_right_arithmetic3A_542 = arith.shrsi %get3A_468, %shift_right_arithmetic3A_541 : vector<16xi32>
      %sub3A_543 = vector.broadcast %mul3A_247 : i32 to vector<16xi32>
      %sub3A_544 = arith.subi %shift_right_arithmetic3A_542, %sub3A_543 : vector<16xi32>
      %and3A_545 = arith.constant 127 : i32
      %and3A_546 = vector.broadcast %and3A_545 : i32 to vector<16xi32>
      %and3A_547 = arith.andi %get3A_468, %and3A_546 : vector<16xi32>
      tpu.vector_store_idx %arg11[%add3A_539, %sub3A_544, %and3A_547], %broadcast_in_dim3A_3 : memref<128x2x128xf32, #tpu.memory_space<vmem>>[vector<16xi32>, vector<16xi32>, vector<16xi32>], vector<16xf32>,
      %add3A_548 = arith.constant 112 : i32
      %add3A_549 = vector.broadcast %add3A_548 : i32 to vector<16xi32>
      %add3A_550 = arith.addi %iota3A, %add3A_549 : vector<16xi32>
      %shift_right_arithmetic3A_551 = arith.constant 7 : i32
      %shift_right_arithmetic3A_552 = vector.broadcast %shift_right_arithmetic3A_551 : i32 to vector<16xi32>
      %shift_right_arithmetic3A_553 = arith.shrsi %get3A_471, %shift_right_arithmetic3A_552 : vector<16xi32>
      %sub3A_554 = vector.broadcast %mul3A_247 : i32 to vector<16xi32>
      %sub3A_555 = arith.subi %shift_right_arithmetic3A_553, %sub3A_554 : vector<16xi32>
      %and3A_556 = arith.constant 127 : i32
      %and3A_557 = vector.broadcast %and3A_556 : i32 to vector<16xi32>
      %and3A_558 = arith.andi %get3A_471, %and3A_557 : vector<16xi32>
      tpu.vector_store_idx %arg11[%add3A_550, %sub3A_555, %and3A_558], %broadcast_in_dim3A_3 : memref<128x2x128xf32, #tpu.memory_space<vmem>>[vector<16xi32>, vector<16xi32>, vector<16xi32>], vector<16xf32>,
    }
    %scan3A_253 = arith.constant 64 : i32
    %add3A_254 = arith.constant 1 : i32
    %add3A_255 = arith.addi %mul3A_2, %add3A_254 : i32
    %shift_right_arithmetic3A_256 = arith.constant 6 : i32
    %shift_right_arithmetic3A_257 = arith.shrsi %add3A_255, %shift_right_arithmetic3A_256 : i32
    %and3A_258 = arith.constant 63 : i32
    %and3A_259 = arith.andi %add3A_255, %and3A_258 : i32
    %mul3A_260 = arith.constant 2 : i32
    %mul3A_261 = arith.muli %mul3A_260, %and3A_259 : i32
    %scan3A_262 = arith.constant 0 : i32
    %scan3A_263 = arith.constant 0 : i32
    %scan3A_264 = arith.constant 64 : i32
    %scan3A_265 = arith.addi %scan3A_263, %scan3A_264 : i32
    %scan3A_266 = arith.constant 1 : i32
    scf.for %scan3A_448 = %scan3A_263 to %scan3A_265 step %scan3A_266  : i32 {
      %get3A = arith.index_cast %scan3A_448 : i32 to index
      %get3A_449 = arith.constant 0 : index
      %get3A_450 = tpu.vector_load %arg9[%get3A, %get3A_449] {strides = array<i32>} : memref<64x128xi32, #tpu.memory_space<vmem>>, vector<16xi32>,
      %get3A_451 = arith.index_cast %scan3A_448 : i32 to index
      %get3A_452 = arith.constant 0 : index
      %get3A_453 = tpu.vector_load %arg5[%get3A_451, %get3A_452] {strides = array<i32>} : memref<64x128xf32, #tpu.memory_space<vmem>>, vector<16xf32>,
      %get3A_454 = arith.index_cast %scan3A_448 : i32 to index
      %get3A_455 = arith.constant 16 : index
      %get3A_456 = tpu.vector_load %arg9[%get3A_454, %get3A_455] {strides = array<i32>} : memref<64x128xi32, #tpu.memory_space<vmem>>, vector<16xi32>,
      %get3A_457 = arith.index_cast %scan3A_448 : i32 to index
      %get3A_458 = arith.constant 16 : index
      %get3A_459 = tpu.vector_load %arg5[%get3A_457, %get3A_458] {strides = array<i32>} : memref<64x128xf32, #tpu.memory_space<vmem>>, vector<16xf32>,
      %get3A_460 = arith.index_cast %scan3A_448 : i32 to index
      %get3A_461 = arith.constant 32 : index
      %get3A_462 = tpu.vector_load %arg9[%get3A_460, %get3A_461] {strides = array<i32>} : memref<64x128xi32, #tpu.memory_space<vmem>>, vector<16xi32>,
      %get3A_463 = arith.index_cast %scan3A_448 : i32 to index
      %get3A_464 = arith.constant 32 : index
      %get3A_465 = tpu.vector_load %arg5[%get3A_463, %get3A_464] {strides = array<i32>} : memref<64x128xf32, #tpu.memory_space<vmem>>, vector<16xf32>,
      %get3A_466 = arith.index_cast %scan3A_448 : i32 to index
      %get3A_467 = arith.constant 48 : index
      %get3A_468 = tpu.vector_load %arg9[%get3A_466, %get3A_467] {strides = array<i32>} : memref<64x128xi32, #tpu.memory_space<vmem>>, vector<16xi32>,
      %get3A_469 = arith.index_cast %scan3A_448 : i32 to index
      %get3A_470 = arith.constant 48 : index
      %get3A_471 = tpu.vector_load %arg5[%get3A_469, %get3A_470] {strides = array<i32>} : memref<64x128xf32, #tpu.memory_space<vmem>>, vector<16xf32>,
      %get3A_472 = arith.index_cast %scan3A_448 : i32 to index
      %get3A_473 = arith.constant 64 : index
      %get3A_474 = tpu.vector_load %arg9[%get3A_472, %get3A_473] {strides = array<i32>} : memref<64x128xi32, #tpu.memory_space<vmem>>, vector<16xi32>,
      %get3A_475 = arith.index_cast %scan3A_448 : i32 to index
      %get3A_476 = arith.constant 64 : index
      %get3A_477 = tpu.vector_load %arg5[%get3A_475, %get3A_476] {strides = array<i32>} : memref<64x128xf32, #tpu.memory_space<vmem>>, vector<16xf32>,
      %get3A_478 = arith.index_cast %scan3A_448 : i32 to index
      %get3A_479 = arith.constant 80 : index
      %get3A_480 = tpu.vector_load %arg9[%get3A_478, %get3A_479] {strides = array<i32>} : memref<64x128xi32, #tpu.memory_space<vmem>>, vector<16xi32>,
      %get3A_481 = arith.index_cast %scan3A_448 : i32 to index
      %get3A_482 = arith.constant 80 : index
      %get3A_483 = tpu.vector_load %arg5[%get3A_481, %get3A_482] {strides = array<i32>} : memref<64x128xf32, #tpu.memory_space<vmem>>, vector<16xf32>,
      %get3A_484 = arith.index_cast %scan3A_448 : i32 to index
      %get3A_485 = arith.constant 96 : index
      %get3A_486 = tpu.vector_load %arg9[%get3A_484, %get3A_485] {strides = array<i32>} : memref<64x128xi32, #tpu.memory_space<vmem>>, vector<16xi32>,
      %get3A_487 = arith.index_cast %scan3A_448 : i32 to index
      %get3A_488 = arith.constant 96 : index
      %get3A_489 = tpu.vector_load %arg5[%get3A_487, %get3A_488] {strides = array<i32>} : memref<64x128xf32, #tpu.memory_space<vmem>>, vector<16xf32>,
      %get3A_490 = arith.index_cast %scan3A_448 : i32 to index
      %get3A_491 = arith.constant 112 : index
      %get3A_492 = tpu.vector_load %arg9[%get3A_490, %get3A_491] {strides = array<i32>} : memref<64x128xi32, #tpu.memory_space<vmem>>, vector<16xi32>,
      %get3A_493 = arith.index_cast %scan3A_448 : i32 to index
      %get3A_494 = arith.constant 112 : index
      %get3A_495 = tpu.vector_load %arg5[%get3A_493, %get3A_494] {strides = array<i32>} : memref<64x128xf32, #tpu.memory_space<vmem>>, vector<16xf32>,
      %add3A_496 = arith.constant 0 : i32
      %add3A_497 = vector.broadcast %add3A_496 : i32 to vector<16xi32>
      %add3A_498 = arith.addi %iota3A, %add3A_497 : vector<16xi32>
      %shift_right_arithmetic3A_499 = arith.constant 7 : i32
      %shift_right_arithmetic3A_500 = vector.broadcast %shift_right_arithmetic3A_499 : i32 to vector<16xi32>
      %shift_right_arithmetic3A_501 = arith.shrsi %get3A_450, %shift_right_arithmetic3A_500 : vector<16xi32>
      %sub3A = vector.broadcast %mul3A_261 : i32 to vector<16xi32>
      %sub3A_502 = arith.subi %shift_right_arithmetic3A_501, %sub3A : vector<16xi32>
      %and3A_503 = arith.constant 127 : i32
      %and3A_504 = vector.broadcast %and3A_503 : i32 to vector<16xi32>
      %and3A_505 = arith.andi %get3A_450, %and3A_504 : vector<16xi32>
      tpu.vector_store_idx %arg11[%add3A_498, %sub3A_502, %and3A_505], %get3A_453 : memref<128x2x128xf32, #tpu.memory_space<vmem>>[vector<16xi32>, vector<16xi32>, vector<16xi32>], vector<16xf32>,
      %add3A_506 = arith.constant 16 : i32
      %add3A_507 = vector.broadcast %add3A_506 : i32 to vector<16xi32>
      %add3A_508 = arith.addi %iota3A, %add3A_507 : vector<16xi32>
      %shift_right_arithmetic3A_509 = arith.constant 7 : i32
      %shift_right_arithmetic3A_510 = vector.broadcast %shift_right_arithmetic3A_509 : i32 to vector<16xi32>
      %shift_right_arithmetic3A_511 = arith.shrsi %get3A_456, %shift_right_arithmetic3A_510 : vector<16xi32>
      %sub3A_512 = vector.broadcast %mul3A_261 : i32 to vector<16xi32>
      %sub3A_513 = arith.subi %shift_right_arithmetic3A_511, %sub3A_512 : vector<16xi32>
      %and3A_514 = arith.constant 127 : i32
      %and3A_515 = vector.broadcast %and3A_514 : i32 to vector<16xi32>
      %and3A_516 = arith.andi %get3A_456, %and3A_515 : vector<16xi32>
      tpu.vector_store_idx %arg11[%add3A_508, %sub3A_513, %and3A_516], %get3A_459 : memref<128x2x128xf32, #tpu.memory_space<vmem>>[vector<16xi32>, vector<16xi32>, vector<16xi32>], vector<16xf32>,
      %add3A_517 = arith.constant 32 : i32
      %add3A_518 = vector.broadcast %add3A_517 : i32 to vector<16xi32>
      %add3A_519 = arith.addi %iota3A, %add3A_518 : vector<16xi32>
      %shift_right_arithmetic3A_520 = arith.constant 7 : i32
      %shift_right_arithmetic3A_521 = vector.broadcast %shift_right_arithmetic3A_520 : i32 to vector<16xi32>
      %shift_right_arithmetic3A_522 = arith.shrsi %get3A_462, %shift_right_arithmetic3A_521 : vector<16xi32>
      %sub3A_523 = vector.broadcast %mul3A_261 : i32 to vector<16xi32>
      %sub3A_524 = arith.subi %shift_right_arithmetic3A_522, %sub3A_523 : vector<16xi32>
      %and3A_525 = arith.constant 127 : i32
      %and3A_526 = vector.broadcast %and3A_525 : i32 to vector<16xi32>
      %and3A_527 = arith.andi %get3A_462, %and3A_526 : vector<16xi32>
      tpu.vector_store_idx %arg11[%add3A_519, %sub3A_524, %and3A_527], %get3A_465 : memref<128x2x128xf32, #tpu.memory_space<vmem>>[vector<16xi32>, vector<16xi32>, vector<16xi32>], vector<16xf32>,
      %add3A_528 = arith.constant 48 : i32
      %add3A_529 = vector.broadcast %add3A_528 : i32 to vector<16xi32>
      %add3A_530 = arith.addi %iota3A, %add3A_529 : vector<16xi32>
      %shift_right_arithmetic3A_531 = arith.constant 7 : i32
      %shift_right_arithmetic3A_532 = vector.broadcast %shift_right_arithmetic3A_531 : i32 to vector<16xi32>
      %shift_right_arithmetic3A_533 = arith.shrsi %get3A_468, %shift_right_arithmetic3A_532 : vector<16xi32>
      %sub3A_534 = vector.broadcast %mul3A_261 : i32 to vector<16xi32>
      %sub3A_535 = arith.subi %shift_right_arithmetic3A_533, %sub3A_534 : vector<16xi32>
      %and3A_536 = arith.constant 127 : i32
      %and3A_537 = vector.broadcast %and3A_536 : i32 to vector<16xi32>
      %and3A_538 = arith.andi %get3A_468, %and3A_537 : vector<16xi32>
      tpu.vector_store_idx %arg11[%add3A_530, %sub3A_535, %and3A_538], %get3A_471 : memref<128x2x128xf32, #tpu.memory_space<vmem>>[vector<16xi32>, vector<16xi32>, vector<16xi32>], vector<16xf32>,
      %add3A_539 = arith.constant 64 : i32
      %add3A_540 = vector.broadcast %add3A_539 : i32 to vector<16xi32>
      %add3A_541 = arith.addi %iota3A, %add3A_540 : vector<16xi32>
      %shift_right_arithmetic3A_542 = arith.constant 7 : i32
      %shift_right_arithmetic3A_543 = vector.broadcast %shift_right_arithmetic3A_542 : i32 to vector<16xi32>
      %shift_right_arithmetic3A_544 = arith.shrsi %get3A_474, %shift_right_arithmetic3A_543 : vector<16xi32>
      %sub3A_545 = vector.broadcast %mul3A_261 : i32 to vector<16xi32>
      %sub3A_546 = arith.subi %shift_right_arithmetic3A_544, %sub3A_545 : vector<16xi32>
      %and3A_547 = arith.constant 127 : i32
      %and3A_548 = vector.broadcast %and3A_547 : i32 to vector<16xi32>
      %and3A_549 = arith.andi %get3A_474, %and3A_548 : vector<16xi32>
      tpu.vector_store_idx %arg11[%add3A_541, %sub3A_546, %and3A_549], %get3A_477 : memref<128x2x128xf32, #tpu.memory_space<vmem>>[vector<16xi32>, vector<16xi32>, vector<16xi32>], vector<16xf32>,
      %add3A_550 = arith.constant 80 : i32
      %add3A_551 = vector.broadcast %add3A_550 : i32 to vector<16xi32>
      %add3A_552 = arith.addi %iota3A, %add3A_551 : vector<16xi32>
      %shift_right_arithmetic3A_553 = arith.constant 7 : i32
      %shift_right_arithmetic3A_554 = vector.broadcast %shift_right_arithmetic3A_553 : i32 to vector<16xi32>
      %shift_right_arithmetic3A_555 = arith.shrsi %get3A_480, %shift_right_arithmetic3A_554 : vector<16xi32>
      %sub3A_556 = vector.broadcast %mul3A_261 : i32 to vector<16xi32>
      %sub3A_557 = arith.subi %shift_right_arithmetic3A_555, %sub3A_556 : vector<16xi32>
      %and3A_558 = arith.constant 127 : i32
      %and3A_559 = vector.broadcast %and3A_558 : i32 to vector<16xi32>
      %and3A_560 = arith.andi %get3A_480, %and3A_559 : vector<16xi32>
      tpu.vector_store_idx %arg11[%add3A_552, %sub3A_557, %and3A_560], %get3A_483 : memref<128x2x128xf32, #tpu.memory_space<vmem>>[vector<16xi32>, vector<16xi32>, vector<16xi32>], vector<16xf32>,
      %add3A_561 = arith.constant 96 : i32
      %add3A_562 = vector.broadcast %add3A_561 : i32 to vector<16xi32>
      %add3A_563 = arith.addi %iota3A, %add3A_562 : vector<16xi32>
      %shift_right_arithmetic3A_564 = arith.constant 7 : i32
      %shift_right_arithmetic3A_565 = vector.broadcast %shift_right_arithmetic3A_564 : i32 to vector<16xi32>
      %shift_right_arithmetic3A_566 = arith.shrsi %get3A_486, %shift_right_arithmetic3A_565 : vector<16xi32>
      %sub3A_567 = vector.broadcast %mul3A_261 : i32 to vector<16xi32>
      %sub3A_568 = arith.subi %shift_right_arithmetic3A_566, %sub3A_567 : vector<16xi32>
      %and3A_569 = arith.constant 127 : i32
      %and3A_570 = vector.broadcast %and3A_569 : i32 to vector<16xi32>
      %and3A_571 = arith.andi %get3A_486, %and3A_570 : vector<16xi32>
      tpu.vector_store_idx %arg11[%add3A_563, %sub3A_568, %and3A_571], %get3A_489 : memref<128x2x128xf32, #tpu.memory_space<vmem>>[vector<16xi32>, vector<16xi32>, vector<16xi32>], vector<16xf32>,
      %add3A_572 = arith.constant 112 : i32
      %add3A_573 = vector.broadcast %add3A_572 : i32 to vector<16xi32>
      %add3A_574 = arith.addi %iota3A, %add3A_573 : vector<16xi32>
      %shift_right_arithmetic3A_575 = arith.constant 7 : i32
      %shift_right_arithmetic3A_576 = vector.broadcast %shift_right_arithmetic3A_575 : i32 to vector<16xi32>
      %shift_right_arithmetic3A_577 = arith.shrsi %get3A_492, %shift_right_arithmetic3A_576 : vector<16xi32>
      %sub3A_578 = vector.broadcast %mul3A_261 : i32 to vector<16xi32>
      %sub3A_579 = arith.subi %shift_right_arithmetic3A_577, %sub3A_578 : vector<16xi32>
      %and3A_580 = arith.constant 127 : i32
      %and3A_581 = vector.broadcast %and3A_580 : i32 to vector<16xi32>
      %and3A_582 = arith.andi %get3A_492, %and3A_581 : vector<16xi32>
      tpu.vector_store_idx %arg11[%add3A_574, %sub3A_579, %and3A_582], %get3A_495 : memref<128x2x128xf32, #tpu.memory_space<vmem>>[vector<16xi32>, vector<16xi32>, vector<16xi32>], vector<16xf32>,
    }
    %scan3A_267 = arith.constant 64 : i32
    %add3A_268 = arith.constant 1 : i32
    %add3A_269 = arith.addi %mul3A_2, %add3A_268 : i32
    %shift_right_arithmetic3A_270 = arith.constant 6 : i32
    %shift_right_arithmetic3A_271 = arith.shrsi %add3A_269, %shift_right_arithmetic3A_270 : i32
    %and3A_272 = arith.constant 63 : i32
    %and3A_273 = arith.andi %add3A_269, %and3A_272 : i32
    %mul3A_274 = arith.constant 2 : i32
    %mul3A_275 = arith.muli %mul3A_274, %and3A_273 : i32
    %dma_start3A_276 = arith.constant 0 : i32
    %dma_start3A_277 = arith.constant 0 : i32
    %dma_start3A_278 = tpu.memref_slice %arg4[%shift_right_arithmetic3A_271, %dma_start3A_276, %mul3A_275, %dma_start3A_277] : memref<8x256x128x128xf32, #tpu.memory_space<hbm>> -> memref<1x128x2x128xf32, #tpu.memory_space<hbm>>
    %dma_start3A_279 = tpu.memref_squeeze %dma_start3A_278 : memref<1x128x2x128xf32, #tpu.memory_space<hbm>> -> memref<128x2x128xf32, #tpu.memory_space<hbm>>
    %dma_start3A_280 = arith.constant 0 : i32
    %dma_start3A_281 = arith.constant 0 : i32
    %dma_start3A_282 = tpu.memref_slice %arg4[%shift_right_arithmetic3A_271, %dma_start3A_280, %mul3A_275, %dma_start3A_281] : memref<8x256x128x128xf32, #tpu.memory_space<hbm>> -> memref<1x128x2x128xf32, #tpu.memory_space<hbm>>
    %dma_start3A_283 = tpu.memref_squeeze %dma_start3A_282 : memref<1x128x2x128xf32, #tpu.memory_space<hbm>> -> memref<128x2x128xf32, #tpu.memory_space<hbm>>
    tpu.enqueue_dma source(%arg11 : memref<128x2x128xf32, #tpu.memory_space<vmem>>) target(%dma_start3A_283 : memref<128x2x128xf32, #tpu.memory_space<hbm>>) target_semaphore(%arg19 : memref<!tpu.dma_semaphore, #tpu.memory_space<semaphore_mem>>)
    %dma_wait3A_284 = arith.constant 0 : i32
    %dma_wait3A_285 = arith.constant 0 : i32
    %dma_wait3A_286 = arith.constant 0 : i32
    %dma_wait3A_287 = arith.constant 0 : i32
    %dma_wait3A_288 = tpu.memref_slice %arg2[%dma_wait3A_284, %dma_wait3A_285, %dma_wait3A_286, %dma_wait3A_287] : memref<8x64x64x256xf32, #tpu.memory_space<hbm>> -> memref<1x1x64x128xf32, #tpu.memory_space<hbm>>
    %dma_wait3A_289 = tpu.memref_squeeze %dma_wait3A_288 : memref<1x1x64x128xf32, #tpu.memory_space<hbm>> -> memref<64x128xf32, #tpu.memory_space<hbm>>
    %dma_wait3A_290 = arith.constant 0 : i32
    %dma_wait3A_291 = arith.constant 0 : i32
    %dma_wait3A_292 = tpu.memref_slice %arg2[%dma_wait3A_284, %dma_wait3A_285, %dma_wait3A_290, %dma_wait3A_291] : memref<8x64x64x256xf32, #tpu.memory_space<hbm>> -> memref<1x1x64x128xf32, #tpu.memory_space<hbm>>
    %dma_wait3A_293 = tpu.memref_squeeze %dma_wait3A_292 : memref<1x1x64x128xf32, #tpu.memory_space<hbm>> -> memref<64x128xf32, #tpu.memory_space<hbm>>
    tpu.wait_dma2 semaphore(%arg14 : memref<!tpu.dma_semaphore, #tpu.memory_space<semaphore_mem>>) src(%dma_wait3A_293 : memref<64x128xf32, #tpu.memory_space<hbm>>) dst(%arg6 : memref<64x128xf32, #tpu.memory_space<vmem>>)
    %dma_wait3A_294 = arith.constant 0 : i32
    %dma_wait3A_295 = arith.constant 0 : i32
    %dma_wait3A_296 = arith.constant 0 : i32
    %dma_wait3A_297 = arith.constant 0 : i32
    %dma_wait3A_298 = tpu.memref_slice %arg3[%dma_wait3A_294, %dma_wait3A_295, %dma_wait3A_296, %dma_wait3A_297] : memref<8x64x64x256xi32, #tpu.memory_space<hbm>> -> memref<1x1x64x128xi32, #tpu.memory_space<hbm>>
    %dma_wait3A_299 = tpu.memref_squeeze %dma_wait3A_298 : memref<1x1x64x128xi32, #tpu.memory_space<hbm>> -> memref<64x128xi32, #tpu.memory_space<hbm>>
    %dma_wait3A_300 = arith.constant 0 : i32
    %dma_wait3A_301 = arith.constant 0 : i32
    %dma_wait3A_302 = tpu.memref_slice %arg3[%dma_wait3A_294, %dma_wait3A_295, %dma_wait3A_300, %dma_wait3A_301] : memref<8x64x64x256xi32, #tpu.memory_space<hbm>> -> memref<1x1x64x128xi32, #tpu.memory_space<hbm>>
    %dma_wait3A_303 = tpu.memref_squeeze %dma_wait3A_302 : memref<1x1x64x128xi32, #tpu.memory_space<hbm>> -> memref<64x128xi32, #tpu.memory_space<hbm>>
    tpu.wait_dma2 semaphore(%arg18 : memref<!tpu.dma_semaphore, #tpu.memory_space<semaphore_mem>>) src(%dma_wait3A_303 : memref<64x128xi32, #tpu.memory_space<hbm>>) dst(%arg10 : memref<64x128xi32, #tpu.memory_space<vmem>>)
    %min3A_304 = arith.constant 4 : i32
    %min3A_305 = arith.constant 31 : i32
    %min3A_306 = arith.minsi %min3A_304, %min3A_305 : i32
    %shift_right_arithmetic3A_307 = arith.constant 1 : i32
    %shift_right_arithmetic3A_308 = arith.shrsi %min3A_306, %shift_right_arithmetic3A_307 : i32
    %add3A_309 = arith.addi %mul3A_2, %shift_right_arithmetic3A_308 : i32
    %shift_right_arithmetic3A_310 = arith.constant 6 : i32
    %shift_right_arithmetic3A_311 = arith.shrsi %add3A_309, %shift_right_arithmetic3A_310 : i32
    %and3A_312 = arith.constant 63 : i32
    %and3A_313 = arith.andi %add3A_309, %and3A_312 : i32
    %dma_start3A_314 = arith.constant 0 : i32
    %dma_start3A_315 = arith.constant 0 : i32
    %dma_start3A_316 = tpu.memref_slice %arg2[%shift_right_arithmetic3A_311, %and3A_313, %dma_start3A_314, %dma_start3A_315] : memref<8x64x64x256xf32, #tpu.memory_space<hbm>> -> memref<1x1x64x128xf32, #tpu.memory_space<hbm>>
    %dma_start3A_317 = tpu.memref_squeeze %dma_start3A_316 : memref<1x1x64x128xf32, #tpu.memory_space<hbm>> -> memref<64x128xf32, #tpu.memory_space<hbm>>
    %dma_start3A_318 = arith.constant 0 : i32
    %dma_start3A_319 = arith.constant 0 : i32
    %dma_start3A_320 = tpu.memref_slice %arg2[%shift_right_arithmetic3A_311, %and3A_313, %dma_start3A_318, %dma_start3A_319] : memref<8x64x64x256xf32, #tpu.memory_space<hbm>> -> memref<1x1x64x128xf32, #tpu.memory_space<hbm>>
    %dma_start3A_321 = tpu.memref_squeeze %dma_start3A_320 : memref<1x1x64x128xf32, #tpu.memory_space<hbm>> -> memref<64x128xf32, #tpu.memory_space<hbm>>
    tpu.enqueue_dma source(%dma_start3A_321 : memref<64x128xf32, #tpu.memory_space<hbm>>) target(%arg5 : memref<64x128xf32, #tpu.memory_space<vmem>>) target_semaphore(%arg13 : memref<!tpu.dma_semaphore, #tpu.memory_space<semaphore_mem>>)
    %dma_start3A_322 = arith.constant 0 : i32
    %dma_start3A_323 = arith.constant 0 : i32
    %dma_start3A_324 = tpu.memref_slice %arg3[%shift_right_arithmetic3A_311, %and3A_313, %dma_start3A_322, %dma_start3A_323] : memref<8x64x64x256xi32, #tpu.memory_space<hbm>> -> memref<1x1x64x128xi32, #tpu.memory_space<hbm>>
    %dma_start3A_325 = tpu.memref_squeeze %dma_start3A_324 : memref<1x1x64x128xi32, #tpu.memory_space<hbm>> -> memref<64x128xi32, #tpu.memory_space<hbm>>
    %dma_start3A_326 = arith.constant 0 : i32
    %dma_start3A_327 = arith.constant 0 : i32
    %dma_start3A_328 = tpu.memref_slice %arg3[%shift_right_arithmetic3A_311, %and3A_313, %dma_start3A_326, %dma_start3A_327] : memref<8x64x64x256xi32, #tpu.memory_space<hbm>> -> memref<1x1x64x128xi32, #tpu.memory_space<hbm>>
    %dma_start3A_329 = tpu.memref_squeeze %dma_start3A_328 : memref<1x1x64x128xi32, #tpu.memory_space<hbm>> -> memref<64x128xi32, #tpu.memory_space<hbm>>
    tpu.enqueue_dma source(%dma_start3A_329 : memref<64x128xi32, #tpu.memory_space<hbm>>) target(%arg7 : memref<64x128xi32, #tpu.memory_space<vmem>>) target_semaphore(%arg15 : memref<!tpu.dma_semaphore, #tpu.memory_space<semaphore_mem>>)
    %add3A_330 = arith.constant 0 : i32
    %add3A_331 = arith.addi %mul3A_2, %add3A_330 : i32
    %shift_right_arithmetic3A_332 = arith.constant 6 : i32
    %shift_right_arithmetic3A_333 = arith.shrsi %add3A_331, %shift_right_arithmetic3A_332 : i32
    %and3A_334 = arith.constant 63 : i32
    %and3A_335 = arith.andi %add3A_331, %and3A_334 : i32
    %mul3A_336 = arith.constant 2 : i32
    %mul3A_337 = arith.muli %mul3A_336, %and3A_335 : i32
    %dma_wait3A_338 = arith.constant 128 : i32
    %dma_wait3A_339 = arith.constant 0 : i32
    %dma_wait3A_340 = tpu.memref_slice %arg4[%shift_right_arithmetic3A_333, %dma_wait3A_338, %mul3A_337, %dma_wait3A_339] : memref<8x256x128x128xf32, #tpu.memory_space<hbm>> -> memref<1x128x2x128xf32, #tpu.memory_space<hbm>>
    %dma_wait3A_341 = tpu.memref_squeeze %dma_wait3A_340 : memref<1x128x2x128xf32, #tpu.memory_space<hbm>> -> memref<128x2x128xf32, #tpu.memory_space<hbm>>
    %dma_wait3A_342 = arith.constant 128 : i32
    %dma_wait3A_343 = arith.constant 0 : i32
    %dma_wait3A_344 = tpu.memref_slice %arg4[%shift_right_arithmetic3A_333, %dma_wait3A_342, %mul3A_337, %dma_wait3A_343] : memref<8x256x128x128xf32, #tpu.memory_space<hbm>> -> memref<1x128x2x128xf32, #tpu.memory_space<hbm>>
    %dma_wait3A_345 = tpu.memref_squeeze %dma_wait3A_344 : memref<1x128x2x128xf32, #tpu.memory_space<hbm>> -> memref<128x2x128xf32, #tpu.memory_space<hbm>>
    tpu.wait_dma2 semaphore(%arg20 : memref<!tpu.dma_semaphore, #tpu.memory_space<semaphore_mem>>) src(%arg12 : memref<128x2x128xf32, #tpu.memory_space<vmem>>) dst(%dma_wait3A_345 : memref<128x2x128xf32, #tpu.memory_space<hbm>>)
    %add3A_346 = arith.constant 0 : i32
    %add3A_347 = arith.addi %mul3A_2, %add3A_346 : i32
    %shift_right_arithmetic3A_348 = arith.constant 6 : i32
    %shift_right_arithmetic3A_349 = arith.shrsi %add3A_347, %shift_right_arithmetic3A_348 : i32
    %and3A_350 = arith.constant 63 : i32
    %and3A_351 = arith.andi %add3A_347, %and3A_350 : i32
    %mul3A_352 = arith.constant 2 : i32
    %mul3A_353 = arith.muli %mul3A_352, %and3A_351 : i32
    %scan3A_354 = arith.constant 0 : i32
    %scan3A_355 = arith.constant 0 : i32
    %scan3A_356 = arith.constant 64 : i32
    %scan3A_357 = arith.addi %scan3A_355, %scan3A_356 : i32
    %scan3A_358 = arith.constant 1 : i32
    scf.for %scan3A_448 = %scan3A_355 to %scan3A_357 step %scan3A_358  : i32 {
      %get3A = arith.index_cast %scan3A_448 : i32 to index
      %get3A_449 = arith.constant 0 : index
      %get3A_450 = tpu.vector_load %arg8[%get3A, %get3A_449] {strides = array<i32>} : memref<64x128xi32, #tpu.memory_space<vmem>>, vector<16xi32>,
      %get3A_451 = arith.index_cast %scan3A_448 : i32 to index
      %get3A_452 = arith.constant 16 : index
      %get3A_453 = tpu.vector_load %arg8[%get3A_451, %get3A_452] {strides = array<i32>} : memref<64x128xi32, #tpu.memory_space<vmem>>, vector<16xi32>,
      %get3A_454 = arith.index_cast %scan3A_448 : i32 to index
      %get3A_455 = arith.constant 32 : index
      %get3A_456 = tpu.vector_load %arg8[%get3A_454, %get3A_455] {strides = array<i32>} : memref<64x128xi32, #tpu.memory_space<vmem>>, vector<16xi32>,
      %get3A_457 = arith.index_cast %scan3A_448 : i32 to index
      %get3A_458 = arith.constant 48 : index
      %get3A_459 = tpu.vector_load %arg8[%get3A_457, %get3A_458] {strides = array<i32>} : memref<64x128xi32, #tpu.memory_space<vmem>>, vector<16xi32>,
      %get3A_460 = arith.index_cast %scan3A_448 : i32 to index
      %get3A_461 = arith.constant 64 : index
      %get3A_462 = tpu.vector_load %arg8[%get3A_460, %get3A_461] {strides = array<i32>} : memref<64x128xi32, #tpu.memory_space<vmem>>, vector<16xi32>,
      %get3A_463 = arith.index_cast %scan3A_448 : i32 to index
      %get3A_464 = arith.constant 80 : index
      %get3A_465 = tpu.vector_load %arg8[%get3A_463, %get3A_464] {strides = array<i32>} : memref<64x128xi32, #tpu.memory_space<vmem>>, vector<16xi32>,
      %get3A_466 = arith.index_cast %scan3A_448 : i32 to index
      %get3A_467 = arith.constant 96 : index
      %get3A_468 = tpu.vector_load %arg8[%get3A_466, %get3A_467] {strides = array<i32>} : memref<64x128xi32, #tpu.memory_space<vmem>>, vector<16xi32>,
      %get3A_469 = arith.index_cast %scan3A_448 : i32 to index
      %get3A_470 = arith.constant 112 : index
      %get3A_471 = tpu.vector_load %arg8[%get3A_469, %get3A_470] {strides = array<i32>} : memref<64x128xi32, #tpu.memory_space<vmem>>, vector<16xi32>,
      %add3A_472 = arith.constant 0 : i32
      %add3A_473 = vector.broadcast %add3A_472 : i32 to vector<16xi32>
      %add3A_474 = arith.addi %iota3A, %add3A_473 : vector<16xi32>
      %shift_right_arithmetic3A_475 = arith.constant 7 : i32
      %shift_right_arithmetic3A_476 = vector.broadcast %shift_right_arithmetic3A_475 : i32 to vector<16xi32>
      %shift_right_arithmetic3A_477 = arith.shrsi %get3A_450, %shift_right_arithmetic3A_476 : vector<16xi32>
      %sub3A = vector.broadcast %mul3A_353 : i32 to vector<16xi32>
      %sub3A_478 = arith.subi %shift_right_arithmetic3A_477, %sub3A : vector<16xi32>
      %and3A_479 = arith.constant 127 : i32
      %and3A_480 = vector.broadcast %and3A_479 : i32 to vector<16xi32>
      %and3A_481 = arith.andi %get3A_450, %and3A_480 : vector<16xi32>
      tpu.vector_store_idx %arg12[%add3A_474, %sub3A_478, %and3A_481], %broadcast_in_dim3A_3 : memref<128x2x128xf32, #tpu.memory_space<vmem>>[vector<16xi32>, vector<16xi32>, vector<16xi32>], vector<16xf32>,
      %add3A_482 = arith.constant 16 : i32
      %add3A_483 = vector.broadcast %add3A_482 : i32 to vector<16xi32>
      %add3A_484 = arith.addi %iota3A, %add3A_483 : vector<16xi32>
      %shift_right_arithmetic3A_485 = arith.constant 7 : i32
      %shift_right_arithmetic3A_486 = vector.broadcast %shift_right_arithmetic3A_485 : i32 to vector<16xi32>
      %shift_right_arithmetic3A_487 = arith.shrsi %get3A_453, %shift_right_arithmetic3A_486 : vector<16xi32>
      %sub3A_488 = vector.broadcast %mul3A_353 : i32 to vector<16xi32>
      %sub3A_489 = arith.subi %shift_right_arithmetic3A_487, %sub3A_488 : vector<16xi32>
      %and3A_490 = arith.constant 127 : i32
      %and3A_491 = vector.broadcast %and3A_490 : i32 to vector<16xi32>
      %and3A_492 = arith.andi %get3A_453, %and3A_491 : vector<16xi32>
      tpu.vector_store_idx %arg12[%add3A_484, %sub3A_489, %and3A_492], %broadcast_in_dim3A_3 : memref<128x2x128xf32, #tpu.memory_space<vmem>>[vector<16xi32>, vector<16xi32>, vector<16xi32>], vector<16xf32>,
      %add3A_493 = arith.constant 32 : i32
      %add3A_494 = vector.broadcast %add3A_493 : i32 to vector<16xi32>
      %add3A_495 = arith.addi %iota3A, %add3A_494 : vector<16xi32>
      %shift_right_arithmetic3A_496 = arith.constant 7 : i32
      %shift_right_arithmetic3A_497 = vector.broadcast %shift_right_arithmetic3A_496 : i32 to vector<16xi32>
      %shift_right_arithmetic3A_498 = arith.shrsi %get3A_456, %shift_right_arithmetic3A_497 : vector<16xi32>
      %sub3A_499 = vector.broadcast %mul3A_353 : i32 to vector<16xi32>
      %sub3A_500 = arith.subi %shift_right_arithmetic3A_498, %sub3A_499 : vector<16xi32>
      %and3A_501 = arith.constant 127 : i32
      %and3A_502 = vector.broadcast %and3A_501 : i32 to vector<16xi32>
      %and3A_503 = arith.andi %get3A_456, %and3A_502 : vector<16xi32>
      tpu.vector_store_idx %arg12[%add3A_495, %sub3A_500, %and3A_503], %broadcast_in_dim3A_3 : memref<128x2x128xf32, #tpu.memory_space<vmem>>[vector<16xi32>, vector<16xi32>, vector<16xi32>], vector<16xf32>,
      %add3A_504 = arith.constant 48 : i32
      %add3A_505 = vector.broadcast %add3A_504 : i32 to vector<16xi32>
      %add3A_506 = arith.addi %iota3A, %add3A_505 : vector<16xi32>
      %shift_right_arithmetic3A_507 = arith.constant 7 : i32
      %shift_right_arithmetic3A_508 = vector.broadcast %shift_right_arithmetic3A_507 : i32 to vector<16xi32>
      %shift_right_arithmetic3A_509 = arith.shrsi %get3A_459, %shift_right_arithmetic3A_508 : vector<16xi32>
      %sub3A_510 = vector.broadcast %mul3A_353 : i32 to vector<16xi32>
      %sub3A_511 = arith.subi %shift_right_arithmetic3A_509, %sub3A_510 : vector<16xi32>
      %and3A_512 = arith.constant 127 : i32
      %and3A_513 = vector.broadcast %and3A_512 : i32 to vector<16xi32>
      %and3A_514 = arith.andi %get3A_459, %and3A_513 : vector<16xi32>
      tpu.vector_store_idx %arg12[%add3A_506, %sub3A_511, %and3A_514], %broadcast_in_dim3A_3 : memref<128x2x128xf32, #tpu.memory_space<vmem>>[vector<16xi32>, vector<16xi32>, vector<16xi32>], vector<16xf32>,
      %add3A_515 = arith.constant 64 : i32
      %add3A_516 = vector.broadcast %add3A_515 : i32 to vector<16xi32>
      %add3A_517 = arith.addi %iota3A, %add3A_516 : vector<16xi32>
      %shift_right_arithmetic3A_518 = arith.constant 7 : i32
      %shift_right_arithmetic3A_519 = vector.broadcast %shift_right_arithmetic3A_518 : i32 to vector<16xi32>
      %shift_right_arithmetic3A_520 = arith.shrsi %get3A_462, %shift_right_arithmetic3A_519 : vector<16xi32>
      %sub3A_521 = vector.broadcast %mul3A_353 : i32 to vector<16xi32>
      %sub3A_522 = arith.subi %shift_right_arithmetic3A_520, %sub3A_521 : vector<16xi32>
      %and3A_523 = arith.constant 127 : i32
      %and3A_524 = vector.broadcast %and3A_523 : i32 to vector<16xi32>
      %and3A_525 = arith.andi %get3A_462, %and3A_524 : vector<16xi32>
      tpu.vector_store_idx %arg12[%add3A_517, %sub3A_522, %and3A_525], %broadcast_in_dim3A_3 : memref<128x2x128xf32, #tpu.memory_space<vmem>>[vector<16xi32>, vector<16xi32>, vector<16xi32>], vector<16xf32>,
      %add3A_526 = arith.constant 80 : i32
      %add3A_527 = vector.broadcast %add3A_526 : i32 to vector<16xi32>
      %add3A_528 = arith.addi %iota3A, %add3A_527 : vector<16xi32>
      %shift_right_arithmetic3A_529 = arith.constant 7 : i32
      %shift_right_arithmetic3A_530 = vector.broadcast %shift_right_arithmetic3A_529 : i32 to vector<16xi32>
      %shift_right_arithmetic3A_531 = arith.shrsi %get3A_465, %shift_right_arithmetic3A_530 : vector<16xi32>
      %sub3A_532 = vector.broadcast %mul3A_353 : i32 to vector<16xi32>
      %sub3A_533 = arith.subi %shift_right_arithmetic3A_531, %sub3A_532 : vector<16xi32>
      %and3A_534 = arith.constant 127 : i32
      %and3A_535 = vector.broadcast %and3A_534 : i32 to vector<16xi32>
      %and3A_536 = arith.andi %get3A_465, %and3A_535 : vector<16xi32>
      tpu.vector_store_idx %arg12[%add3A_528, %sub3A_533, %and3A_536], %broadcast_in_dim3A_3 : memref<128x2x128xf32, #tpu.memory_space<vmem>>[vector<16xi32>, vector<16xi32>, vector<16xi32>], vector<16xf32>,
      %add3A_537 = arith.constant 96 : i32
      %add3A_538 = vector.broadcast %add3A_537 : i32 to vector<16xi32>
      %add3A_539 = arith.addi %iota3A, %add3A_538 : vector<16xi32>
      %shift_right_arithmetic3A_540 = arith.constant 7 : i32
      %shift_right_arithmetic3A_541 = vector.broadcast %shift_right_arithmetic3A_540 : i32 to vector<16xi32>
      %shift_right_arithmetic3A_542 = arith.shrsi %get3A_468, %shift_right_arithmetic3A_541 : vector<16xi32>
      %sub3A_543 = vector.broadcast %mul3A_353 : i32 to vector<16xi32>
      %sub3A_544 = arith.subi %shift_right_arithmetic3A_542, %sub3A_543 : vector<16xi32>
      %and3A_545 = arith.constant 127 : i32
      %and3A_546 = vector.broadcast %and3A_545 : i32 to vector<16xi32>
      %and3A_547 = arith.andi %get3A_468, %and3A_546 : vector<16xi32>
      tpu.vector_store_idx %arg12[%add3A_539, %sub3A_544, %and3A_547], %broadcast_in_dim3A_3 : memref<128x2x128xf32, #tpu.memory_space<vmem>>[vector<16xi32>, vector<16xi32>, vector<16xi32>], vector<16xf32>,
      %add3A_548 = arith.constant 112 : i32
      %add3A_549 = vector.broadcast %add3A_548 : i32 to vector<16xi32>
      %add3A_550 = arith.addi %iota3A, %add3A_549 : vector<16xi32>
      %shift_right_arithmetic3A_551 = arith.constant 7 : i32
      %shift_right_arithmetic3A_552 = vector.broadcast %shift_right_arithmetic3A_551 : i32 to vector<16xi32>
      %shift_right_arithmetic3A_553 = arith.shrsi %get3A_471, %shift_right_arithmetic3A_552 : vector<16xi32>
      %sub3A_554 = vector.broadcast %mul3A_353 : i32 to vector<16xi32>
      %sub3A_555 = arith.subi %shift_right_arithmetic3A_553, %sub3A_554 : vector<16xi32>
      %and3A_556 = arith.constant 127 : i32
      %and3A_557 = vector.broadcast %and3A_556 : i32 to vector<16xi32>
      %and3A_558 = arith.andi %get3A_471, %and3A_557 : vector<16xi32>
      tpu.vector_store_idx %arg12[%add3A_550, %sub3A_555, %and3A_558], %broadcast_in_dim3A_3 : memref<128x2x128xf32, #tpu.memory_space<vmem>>[vector<16xi32>, vector<16xi32>, vector<16xi32>], vector<16xf32>,
    }
    %scan3A_359 = arith.constant 64 : i32
    %add3A_360 = arith.constant 1 : i32
    %add3A_361 = arith.addi %mul3A_2, %add3A_360 : i32
    %shift_right_arithmetic3A_362 = arith.constant 6 : i32
    %shift_right_arithmetic3A_363 = arith.shrsi %add3A_361, %shift_right_arithmetic3A_362 : i32
    %and3A_364 = arith.constant 63 : i32
    %and3A_365 = arith.andi %add3A_361, %and3A_364 : i32
    %mul3A_366 = arith.constant 2 : i32
    %mul3A_367 = arith.muli %mul3A_366, %and3A_365 : i32
    %scan3A_368 = arith.constant 0 : i32
    %scan3A_369 = arith.constant 0 : i32
    %scan3A_370 = arith.constant 64 : i32
    %scan3A_371 = arith.addi %scan3A_369, %scan3A_370 : i32
    %scan3A_372 = arith.constant 1 : i32
    scf.for %scan3A_448 = %scan3A_369 to %scan3A_371 step %scan3A_372  : i32 {
      %get3A = arith.index_cast %scan3A_448 : i32 to index
      %get3A_449 = arith.constant 0 : index
      %get3A_450 = tpu.vector_load %arg10[%get3A, %get3A_449] {strides = array<i32>} : memref<64x128xi32, #tpu.memory_space<vmem>>, vector<16xi32>,
      %get3A_451 = arith.index_cast %scan3A_448 : i32 to index
      %get3A_452 = arith.constant 0 : index
      %get3A_453 = tpu.vector_load %arg6[%get3A_451, %get3A_452] {strides = array<i32>} : memref<64x128xf32, #tpu.memory_space<vmem>>, vector<16xf32>,
      %get3A_454 = arith.index_cast %scan3A_448 : i32 to index
      %get3A_455 = arith.constant 16 : index
      %get3A_456 = tpu.vector_load %arg10[%get3A_454, %get3A_455] {strides = array<i32>} : memref<64x128xi32, #tpu.memory_space<vmem>>, vector<16xi32>,
      %get3A_457 = arith.index_cast %scan3A_448 : i32 to index
      %get3A_458 = arith.constant 16 : index
      %get3A_459 = tpu.vector_load %arg6[%get3A_457, %get3A_458] {strides = array<i32>} : memref<64x128xf32, #tpu.memory_space<vmem>>, vector<16xf32>,
      %get3A_460 = arith.index_cast %scan3A_448 : i32 to index
      %get3A_461 = arith.constant 32 : index
      %get3A_462 = tpu.vector_load %arg10[%get3A_460, %get3A_461] {strides = array<i32>} : memref<64x128xi32, #tpu.memory_space<vmem>>, vector<16xi32>,
      %get3A_463 = arith.index_cast %scan3A_448 : i32 to index
      %get3A_464 = arith.constant 32 : index
      %get3A_465 = tpu.vector_load %arg6[%get3A_463, %get3A_464] {strides = array<i32>} : memref<64x128xf32, #tpu.memory_space<vmem>>, vector<16xf32>,
      %get3A_466 = arith.index_cast %scan3A_448 : i32 to index
      %get3A_467 = arith.constant 48 : index
      %get3A_468 = tpu.vector_load %arg10[%get3A_466, %get3A_467] {strides = array<i32>} : memref<64x128xi32, #tpu.memory_space<vmem>>, vector<16xi32>,
      %get3A_469 = arith.index_cast %scan3A_448 : i32 to index
      %get3A_470 = arith.constant 48 : index
      %get3A_471 = tpu.vector_load %arg6[%get3A_469, %get3A_470] {strides = array<i32>} : memref<64x128xf32, #tpu.memory_space<vmem>>, vector<16xf32>,
      %get3A_472 = arith.index_cast %scan3A_448 : i32 to index
      %get3A_473 = arith.constant 64 : index
      %get3A_474 = tpu.vector_load %arg10[%get3A_472, %get3A_473] {strides = array<i32>} : memref<64x128xi32, #tpu.memory_space<vmem>>, vector<16xi32>,
      %get3A_475 = arith.index_cast %scan3A_448 : i32 to index
      %get3A_476 = arith.constant 64 : index
      %get3A_477 = tpu.vector_load %arg6[%get3A_475, %get3A_476] {strides = array<i32>} : memref<64x128xf32, #tpu.memory_space<vmem>>, vector<16xf32>,
      %get3A_478 = arith.index_cast %scan3A_448 : i32 to index
      %get3A_479 = arith.constant 80 : index
      %get3A_480 = tpu.vector_load %arg10[%get3A_478, %get3A_479] {strides = array<i32>} : memref<64x128xi32, #tpu.memory_space<vmem>>, vector<16xi32>,
      %get3A_481 = arith.index_cast %scan3A_448 : i32 to index
      %get3A_482 = arith.constant 80 : index
      %get3A_483 = tpu.vector_load %arg6[%get3A_481, %get3A_482] {strides = array<i32>} : memref<64x128xf32, #tpu.memory_space<vmem>>, vector<16xf32>,
      %get3A_484 = arith.index_cast %scan3A_448 : i32 to index
      %get3A_485 = arith.constant 96 : index
      %get3A_486 = tpu.vector_load %arg10[%get3A_484, %get3A_485] {strides = array<i32>} : memref<64x128xi32, #tpu.memory_space<vmem>>, vector<16xi32>,
      %get3A_487 = arith.index_cast %scan3A_448 : i32 to index
      %get3A_488 = arith.constant 96 : index
      %get3A_489 = tpu.vector_load %arg6[%get3A_487, %get3A_488] {strides = array<i32>} : memref<64x128xf32, #tpu.memory_space<vmem>>, vector<16xf32>,
      %get3A_490 = arith.index_cast %scan3A_448 : i32 to index
      %get3A_491 = arith.constant 112 : index
      %get3A_492 = tpu.vector_load %arg10[%get3A_490, %get3A_491] {strides = array<i32>} : memref<64x128xi32, #tpu.memory_space<vmem>>, vector<16xi32>,
      %get3A_493 = arith.index_cast %scan3A_448 : i32 to index
      %get3A_494 = arith.constant 112 : index
      %get3A_495 = tpu.vector_load %arg6[%get3A_493, %get3A_494] {strides = array<i32>} : memref<64x128xf32, #tpu.memory_space<vmem>>, vector<16xf32>,
      %add3A_496 = arith.constant 0 : i32
      %add3A_497 = vector.broadcast %add3A_496 : i32 to vector<16xi32>
      %add3A_498 = arith.addi %iota3A, %add3A_497 : vector<16xi32>
      %shift_right_arithmetic3A_499 = arith.constant 7 : i32
      %shift_right_arithmetic3A_500 = vector.broadcast %shift_right_arithmetic3A_499 : i32 to vector<16xi32>
      %shift_right_arithmetic3A_501 = arith.shrsi %get3A_450, %shift_right_arithmetic3A_500 : vector<16xi32>
      %sub3A = vector.broadcast %mul3A_367 : i32 to vector<16xi32>
      %sub3A_502 = arith.subi %shift_right_arithmetic3A_501, %sub3A : vector<16xi32>
      %and3A_503 = arith.constant 127 : i32
      %and3A_504 = vector.broadcast %and3A_503 : i32 to vector<16xi32>
      %and3A_505 = arith.andi %get3A_450, %and3A_504 : vector<16xi32>
      tpu.vector_store_idx %arg12[%add3A_498, %sub3A_502, %and3A_505], %get3A_453 : memref<128x2x128xf32, #tpu.memory_space<vmem>>[vector<16xi32>, vector<16xi32>, vector<16xi32>], vector<16xf32>,
      %add3A_506 = arith.constant 16 : i32
      %add3A_507 = vector.broadcast %add3A_506 : i32 to vector<16xi32>
      %add3A_508 = arith.addi %iota3A, %add3A_507 : vector<16xi32>
      %shift_right_arithmetic3A_509 = arith.constant 7 : i32
      %shift_right_arithmetic3A_510 = vector.broadcast %shift_right_arithmetic3A_509 : i32 to vector<16xi32>
      %shift_right_arithmetic3A_511 = arith.shrsi %get3A_456, %shift_right_arithmetic3A_510 : vector<16xi32>
      %sub3A_512 = vector.broadcast %mul3A_367 : i32 to vector<16xi32>
      %sub3A_513 = arith.subi %shift_right_arithmetic3A_511, %sub3A_512 : vector<16xi32>
      %and3A_514 = arith.constant 127 : i32
      %and3A_515 = vector.broadcast %and3A_514 : i32 to vector<16xi32>
      %and3A_516 = arith.andi %get3A_456, %and3A_515 : vector<16xi32>
      tpu.vector_store_idx %arg12[%add3A_508, %sub3A_513, %and3A_516], %get3A_459 : memref<128x2x128xf32, #tpu.memory_space<vmem>>[vector<16xi32>, vector<16xi32>, vector<16xi32>], vector<16xf32>,
      %add3A_517 = arith.constant 32 : i32
      %add3A_518 = vector.broadcast %add3A_517 : i32 to vector<16xi32>
      %add3A_519 = arith.addi %iota3A, %add3A_518 : vector<16xi32>
      %shift_right_arithmetic3A_520 = arith.constant 7 : i32
      %shift_right_arithmetic3A_521 = vector.broadcast %shift_right_arithmetic3A_520 : i32 to vector<16xi32>
      %shift_right_arithmetic3A_522 = arith.shrsi %get3A_462, %shift_right_arithmetic3A_521 : vector<16xi32>
      %sub3A_523 = vector.broadcast %mul3A_367 : i32 to vector<16xi32>
      %sub3A_524 = arith.subi %shift_right_arithmetic3A_522, %sub3A_523 : vector<16xi32>
      %and3A_525 = arith.constant 127 : i32
      %and3A_526 = vector.broadcast %and3A_525 : i32 to vector<16xi32>
      %and3A_527 = arith.andi %get3A_462, %and3A_526 : vector<16xi32>
      tpu.vector_store_idx %arg12[%add3A_519, %sub3A_524, %and3A_527], %get3A_465 : memref<128x2x128xf32, #tpu.memory_space<vmem>>[vector<16xi32>, vector<16xi32>, vector<16xi32>], vector<16xf32>,
      %add3A_528 = arith.constant 48 : i32
      %add3A_529 = vector.broadcast %add3A_528 : i32 to vector<16xi32>
      %add3A_530 = arith.addi %iota3A, %add3A_529 : vector<16xi32>
      %shift_right_arithmetic3A_531 = arith.constant 7 : i32
      %shift_right_arithmetic3A_532 = vector.broadcast %shift_right_arithmetic3A_531 : i32 to vector<16xi32>
      %shift_right_arithmetic3A_533 = arith.shrsi %get3A_468, %shift_right_arithmetic3A_532 : vector<16xi32>
      %sub3A_534 = vector.broadcast %mul3A_367 : i32 to vector<16xi32>
      %sub3A_535 = arith.subi %shift_right_arithmetic3A_533, %sub3A_534 : vector<16xi32>
      %and3A_536 = arith.constant 127 : i32
      %and3A_537 = vector.broadcast %and3A_536 : i32 to vector<16xi32>
      %and3A_538 = arith.andi %get3A_468, %and3A_537 : vector<16xi32>
      tpu.vector_store_idx %arg12[%add3A_530, %sub3A_535, %and3A_538], %get3A_471 : memref<128x2x128xf32, #tpu.memory_space<vmem>>[vector<16xi32>, vector<16xi32>, vector<16xi32>], vector<16xf32>,
      %add3A_539 = arith.constant 64 : i32
      %add3A_540 = vector.broadcast %add3A_539 : i32 to vector<16xi32>
      %add3A_541 = arith.addi %iota3A, %add3A_540 : vector<16xi32>
      %shift_right_arithmetic3A_542 = arith.constant 7 : i32
      %shift_right_arithmetic3A_543 = vector.broadcast %shift_right_arithmetic3A_542 : i32 to vector<16xi32>
      %shift_right_arithmetic3A_544 = arith.shrsi %get3A_474, %shift_right_arithmetic3A_543 : vector<16xi32>
      %sub3A_545 = vector.broadcast %mul3A_367 : i32 to vector<16xi32>
      %sub3A_546 = arith.subi %shift_right_arithmetic3A_544, %sub3A_545 : vector<16xi32>
      %and3A_547 = arith.constant 127 : i32
      %and3A_548 = vector.broadcast %and3A_547 : i32 to vector<16xi32>
      %and3A_549 = arith.andi %get3A_474, %and3A_548 : vector<16xi32>
      tpu.vector_store_idx %arg12[%add3A_541, %sub3A_546, %and3A_549], %get3A_477 : memref<128x2x128xf32, #tpu.memory_space<vmem>>[vector<16xi32>, vector<16xi32>, vector<16xi32>], vector<16xf32>,
      %add3A_550 = arith.constant 80 : i32
      %add3A_551 = vector.broadcast %add3A_550 : i32 to vector<16xi32>
      %add3A_552 = arith.addi %iota3A, %add3A_551 : vector<16xi32>
      %shift_right_arithmetic3A_553 = arith.constant 7 : i32
      %shift_right_arithmetic3A_554 = vector.broadcast %shift_right_arithmetic3A_553 : i32 to vector<16xi32>
      %shift_right_arithmetic3A_555 = arith.shrsi %get3A_480, %shift_right_arithmetic3A_554 : vector<16xi32>
      %sub3A_556 = vector.broadcast %mul3A_367 : i32 to vector<16xi32>
      %sub3A_557 = arith.subi %shift_right_arithmetic3A_555, %sub3A_556 : vector<16xi32>
      %and3A_558 = arith.constant 127 : i32
      %and3A_559 = vector.broadcast %and3A_558 : i32 to vector<16xi32>
      %and3A_560 = arith.andi %get3A_480, %and3A_559 : vector<16xi32>
      tpu.vector_store_idx %arg12[%add3A_552, %sub3A_557, %and3A_560], %get3A_483 : memref<128x2x128xf32, #tpu.memory_space<vmem>>[vector<16xi32>, vector<16xi32>, vector<16xi32>], vector<16xf32>,
      %add3A_561 = arith.constant 96 : i32
      %add3A_562 = vector.broadcast %add3A_561 : i32 to vector<16xi32>
      %add3A_563 = arith.addi %iota3A, %add3A_562 : vector<16xi32>
      %shift_right_arithmetic3A_564 = arith.constant 7 : i32
      %shift_right_arithmetic3A_565 = vector.broadcast %shift_right_arithmetic3A_564 : i32 to vector<16xi32>
      %shift_right_arithmetic3A_566 = arith.shrsi %get3A_486, %shift_right_arithmetic3A_565 : vector<16xi32>
      %sub3A_567 = vector.broadcast %mul3A_367 : i32 to vector<16xi32>
      %sub3A_568 = arith.subi %shift_right_arithmetic3A_566, %sub3A_567 : vector<16xi32>
      %and3A_569 = arith.constant 127 : i32
      %and3A_570 = vector.broadcast %and3A_569 : i32 to vector<16xi32>
      %and3A_571 = arith.andi %get3A_486, %and3A_570 : vector<16xi32>
      tpu.vector_store_idx %arg12[%add3A_563, %sub3A_568, %and3A_571], %get3A_489 : memref<128x2x128xf32, #tpu.memory_space<vmem>>[vector<16xi32>, vector<16xi32>, vector<16xi32>], vector<16xf32>,
      %add3A_572 = arith.constant 112 : i32
      %add3A_573 = vector.broadcast %add3A_572 : i32 to vector<16xi32>
      %add3A_574 = arith.addi %iota3A, %add3A_573 : vector<16xi32>
      %shift_right_arithmetic3A_575 = arith.constant 7 : i32
      %shift_right_arithmetic3A_576 = vector.broadcast %shift_right_arithmetic3A_575 : i32 to vector<16xi32>
      %shift_right_arithmetic3A_577 = arith.shrsi %get3A_492, %shift_right_arithmetic3A_576 : vector<16xi32>
      %sub3A_578 = vector.broadcast %mul3A_367 : i32 to vector<16xi32>
      %sub3A_579 = arith.subi %shift_right_arithmetic3A_577, %sub3A_578 : vector<16xi32>
      %and3A_580 = arith.constant 127 : i32
      %and3A_581 = vector.broadcast %and3A_580 : i32 to vector<16xi32>
      %and3A_582 = arith.andi %get3A_492, %and3A_581 : vector<16xi32>
      tpu.vector_store_idx %arg12[%add3A_574, %sub3A_579, %and3A_582], %get3A_495 : memref<128x2x128xf32, #tpu.memory_space<vmem>>[vector<16xi32>, vector<16xi32>, vector<16xi32>], vector<16xf32>,
    }
    %scan3A_373 = arith.constant 64 : i32
    %add3A_374 = arith.constant 1 : i32
    %add3A_375 = arith.addi %mul3A_2, %add3A_374 : i32
    %shift_right_arithmetic3A_376 = arith.constant 6 : i32
    %shift_right_arithmetic3A_377 = arith.shrsi %add3A_375, %shift_right_arithmetic3A_376 : i32
    %and3A_378 = arith.constant 63 : i32
    %and3A_379 = arith.andi %add3A_375, %and3A_378 : i32
    %mul3A_380 = arith.constant 2 : i32
    %mul3A_381 = arith.muli %mul3A_380, %and3A_379 : i32
    %dma_start3A_382 = arith.constant 128 : i32
    %dma_start3A_383 = arith.constant 0 : i32
    %dma_start3A_384 = tpu.memref_slice %arg4[%shift_right_arithmetic3A_377, %dma_start3A_382, %mul3A_381, %dma_start3A_383] : memref<8x256x128x128xf32, #tpu.memory_space<hbm>> -> memref<1x128x2x128xf32, #tpu.memory_space<hbm>>
    %dma_start3A_385 = tpu.memref_squeeze %dma_start3A_384 : memref<1x128x2x128xf32, #tpu.memory_space<hbm>> -> memref<128x2x128xf32, #tpu.memory_space<hbm>>
    %dma_start3A_386 = arith.constant 128 : i32
    %dma_start3A_387 = arith.constant 0 : i32
    %dma_start3A_388 = tpu.memref_slice %arg4[%shift_right_arithmetic3A_377, %dma_start3A_386, %mul3A_381, %dma_start3A_387] : memref<8x256x128x128xf32, #tpu.memory_space<hbm>> -> memref<1x128x2x128xf32, #tpu.memory_space<hbm>>
    %dma_start3A_389 = tpu.memref_squeeze %dma_start3A_388 : memref<1x128x2x128xf32, #tpu.memory_space<hbm>> -> memref<128x2x128xf32, #tpu.memory_space<hbm>>
    tpu.enqueue_dma source(%arg12 : memref<128x2x128xf32, #tpu.memory_space<vmem>>) target(%dma_start3A_389 : memref<128x2x128xf32, #tpu.memory_space<hbm>>) target_semaphore(%arg20 : memref<!tpu.dma_semaphore, #tpu.memory_space<semaphore_mem>>)
    %scan3A_390 = arith.constant 0 : i32
    %scan3A_391 = arith.constant 1 : i32
    %scan3A_392 = arith.constant 7 : i32
    %scan3A_393 = arith.addi %scan3A_391, %scan3A_392 : i32
    %scan3A_394 = arith.constant 1 : i32
    scf.for %scan3A_448 = %scan3A_391 to %scan3A_393 step %scan3A_394  : i32 {
      %mul3A_449 = arith.constant 4 : i32
      %mul3A_450 = arith.muli %mul3A_449, %scan3A_448 : i32
      %add3A_451 = arith.constant 0 : i32
      %add3A_452 = arith.addi %mul3A_450, %add3A_451 : i32
      %dma_wait3A_453 = arith.constant 0 : i32
      %dma_wait3A_454 = arith.constant 0 : i32
      %dma_wait3A_455 = arith.constant 0 : i32
      %dma_wait3A_456 = arith.constant 0 : i32
      %dma_wait3A_457 = tpu.memref_slice %arg2[%dma_wait3A_453, %dma_wait3A_454, %dma_wait3A_455, %dma_wait3A_456] : memref<8x64x64x256xf32, #tpu.memory_space<hbm>> -> memref<1x1x64x128xf32, #tpu.memory_space<hbm>>
      %dma_wait3A_458 = tpu.memref_squeeze %dma_wait3A_457 : memref<1x1x64x128xf32, #tpu.memory_space<hbm>> -> memref<64x128xf32, #tpu.memory_space<hbm>>
      %dma_wait3A_459 = arith.constant 0 : i32
      %dma_wait3A_460 = arith.constant 0 : i32
      %dma_wait3A_461 = tpu.memref_slice %arg2[%dma_wait3A_453, %dma_wait3A_454, %dma_wait3A_459, %dma_wait3A_460] : memref<8x64x64x256xf32, #tpu.memory_space<hbm>> -> memref<1x1x64x128xf32, #tpu.memory_space<hbm>>
      %dma_wait3A_462 = tpu.memref_squeeze %dma_wait3A_461 : memref<1x1x64x128xf32, #tpu.memory_space<hbm>> -> memref<64x128xf32, #tpu.memory_space<hbm>>
      tpu.wait_dma2 semaphore(%arg13 : memref<!tpu.dma_semaphore, #tpu.memory_space<semaphore_mem>>) src(%dma_wait3A_462 : memref<64x128xf32, #tpu.memory_space<hbm>>) dst(%arg5 : memref<64x128xf32, #tpu.memory_space<vmem>>)
      %dma_wait3A_463 = arith.constant 0 : i32
      %dma_wait3A_464 = arith.constant 0 : i32
      %dma_wait3A_465 = arith.constant 0 : i32
      %dma_wait3A_466 = arith.constant 0 : i32
      %dma_wait3A_467 = tpu.memref_slice %arg3[%dma_wait3A_463, %dma_wait3A_464, %dma_wait3A_465, %dma_wait3A_466] : memref<8x64x64x256xi32, #tpu.memory_space<hbm>> -> memref<1x1x64x128xi32, #tpu.memory_space<hbm>>
      %dma_wait3A_468 = tpu.memref_squeeze %dma_wait3A_467 : memref<1x1x64x128xi32, #tpu.memory_space<hbm>> -> memref<64x128xi32, #tpu.memory_space<hbm>>
      %dma_wait3A_469 = arith.constant 0 : i32
      %dma_wait3A_470 = arith.constant 0 : i32
      %dma_wait3A_471 = tpu.memref_slice %arg3[%dma_wait3A_463, %dma_wait3A_464, %dma_wait3A_469, %dma_wait3A_470] : memref<8x64x64x256xi32, #tpu.memory_space<hbm>> -> memref<1x1x64x128xi32, #tpu.memory_space<hbm>>
      %dma_wait3A_472 = tpu.memref_squeeze %dma_wait3A_471 : memref<1x1x64x128xi32, #tpu.memory_space<hbm>> -> memref<64x128xi32, #tpu.memory_space<hbm>>
      tpu.wait_dma2 semaphore(%arg15 : memref<!tpu.dma_semaphore, #tpu.memory_space<semaphore_mem>>) src(%dma_wait3A_472 : memref<64x128xi32, #tpu.memory_space<hbm>>) dst(%arg7 : memref<64x128xi32, #tpu.memory_space<vmem>>)
      %add3A_473 = arith.constant 1 : i32
      %add3A_474 = arith.addi %add3A_452, %add3A_473 : i32
      %min3A_475 = arith.constant 31 : i32
      %min3A_476 = arith.minsi %add3A_474, %min3A_475 : i32
      %shift_right_arithmetic3A_477 = arith.constant 1 : i32
      %shift_right_arithmetic3A_478 = arith.shrsi %min3A_476, %shift_right_arithmetic3A_477 : i32
      %add3A_479 = arith.addi %mul3A_2, %shift_right_arithmetic3A_478 : i32
      %shift_right_arithmetic3A_480 = arith.constant 6 : i32
      %shift_right_arithmetic3A_481 = arith.shrsi %add3A_479, %shift_right_arithmetic3A_480 : i32
      %and3A_482 = arith.constant 63 : i32
      %and3A_483 = arith.andi %add3A_479, %and3A_482 : i32
      %dma_start3A_484 = arith.constant 0 : i32
      %dma_start3A_485 = arith.constant 128 : i32
      %dma_start3A_486 = tpu.memref_slice %arg2[%shift_right_arithmetic3A_481, %and3A_483, %dma_start3A_484, %dma_start3A_485] : memref<8x64x64x256xf32, #tpu.memory_space<hbm>> -> memref<1x1x64x128xf32, #tpu.memory_space<hbm>>
      %dma_start3A_487 = tpu.memref_squeeze %dma_start3A_486 : memref<1x1x64x128xf32, #tpu.memory_space<hbm>> -> memref<64x128xf32, #tpu.memory_space<hbm>>
      %dma_start3A_488 = arith.constant 0 : i32
      %dma_start3A_489 = arith.constant 128 : i32
      %dma_start3A_490 = tpu.memref_slice %arg2[%shift_right_arithmetic3A_481, %and3A_483, %dma_start3A_488, %dma_start3A_489] : memref<8x64x64x256xf32, #tpu.memory_space<hbm>> -> memref<1x1x64x128xf32, #tpu.memory_space<hbm>>
      %dma_start3A_491 = tpu.memref_squeeze %dma_start3A_490 : memref<1x1x64x128xf32, #tpu.memory_space<hbm>> -> memref<64x128xf32, #tpu.memory_space<hbm>>
      tpu.enqueue_dma source(%dma_start3A_491 : memref<64x128xf32, #tpu.memory_space<hbm>>) target(%arg6 : memref<64x128xf32, #tpu.memory_space<vmem>>) target_semaphore(%arg14 : memref<!tpu.dma_semaphore, #tpu.memory_space<semaphore_mem>>)
      %dma_start3A_492 = arith.constant 0 : i32
      %dma_start3A_493 = arith.constant 128 : i32
      %dma_start3A_494 = tpu.memref_slice %arg3[%shift_right_arithmetic3A_481, %and3A_483, %dma_start3A_492, %dma_start3A_493] : memref<8x64x64x256xi32, #tpu.memory_space<hbm>> -> memref<1x1x64x128xi32, #tpu.memory_space<hbm>>
      %dma_start3A_495 = tpu.memref_squeeze %dma_start3A_494 : memref<1x1x64x128xi32, #tpu.memory_space<hbm>> -> memref<64x128xi32, #tpu.memory_space<hbm>>
      %dma_start3A_496 = arith.constant 0 : i32
      %dma_start3A_497 = arith.constant 128 : i32
      %dma_start3A_498 = tpu.memref_slice %arg3[%shift_right_arithmetic3A_481, %and3A_483, %dma_start3A_496, %dma_start3A_497] : memref<8x64x64x256xi32, #tpu.memory_space<hbm>> -> memref<1x1x64x128xi32, #tpu.memory_space<hbm>>
      %dma_start3A_499 = tpu.memref_squeeze %dma_start3A_498 : memref<1x1x64x128xi32, #tpu.memory_space<hbm>> -> memref<64x128xi32, #tpu.memory_space<hbm>>
      tpu.enqueue_dma source(%dma_start3A_499 : memref<64x128xi32, #tpu.memory_space<hbm>>) target(%arg8 : memref<64x128xi32, #tpu.memory_space<vmem>>) target_semaphore(%arg16 : memref<!tpu.dma_semaphore, #tpu.memory_space<semaphore_mem>>)
      %sub3A = arith.constant 2 : i32
      %sub3A_500 = arith.subi %add3A_452, %sub3A : i32
      %shift_right_arithmetic3A_501 = arith.constant 1 : i32
      %shift_right_arithmetic3A_502 = arith.shrsi %sub3A_500, %shift_right_arithmetic3A_501 : i32
      %add3A_503 = arith.addi %mul3A_2, %shift_right_arithmetic3A_502 : i32
      %shift_right_arithmetic3A_504 = arith.constant 6 : i32
      %shift_right_arithmetic3A_505 = arith.shrsi %add3A_503, %shift_right_arithmetic3A_504 : i32
      %and3A_506 = arith.constant 63 : i32
      %and3A_507 = arith.andi %add3A_503, %and3A_506 : i32
      %mul3A_508 = arith.constant 2 : i32
      %mul3A_509 = arith.muli %mul3A_508, %and3A_507 : i32
      %dma_wait3A_510 = arith.constant 0 : i32
      %dma_wait3A_511 = arith.constant 0 : i32
      %dma_wait3A_512 = tpu.memref_slice %arg4[%shift_right_arithmetic3A_505, %dma_wait3A_510, %mul3A_509, %dma_wait3A_511] : memref<8x256x128x128xf32, #tpu.memory_space<hbm>> -> memref<1x128x2x128xf32, #tpu.memory_space<hbm>>
      %dma_wait3A_513 = tpu.memref_squeeze %dma_wait3A_512 : memref<1x128x2x128xf32, #tpu.memory_space<hbm>> -> memref<128x2x128xf32, #tpu.memory_space<hbm>>
      %dma_wait3A_514 = arith.constant 0 : i32
      %dma_wait3A_515 = arith.constant 0 : i32
      %dma_wait3A_516 = tpu.memref_slice %arg4[%shift_right_arithmetic3A_505, %dma_wait3A_514, %mul3A_509, %dma_wait3A_515] : memref<8x256x128x128xf32, #tpu.memory_space<hbm>> -> memref<1x128x2x128xf32, #tpu.memory_space<hbm>>
      %dma_wait3A_517 = tpu.memref_squeeze %dma_wait3A_516 : memref<1x128x2x128xf32, #tpu.memory_space<hbm>> -> memref<128x2x128xf32, #tpu.memory_space<hbm>>
      tpu.wait_dma2 semaphore(%arg19 : memref<!tpu.dma_semaphore, #tpu.memory_space<semaphore_mem>>) src(%arg11 : memref<128x2x128xf32, #tpu.memory_space<vmem>>) dst(%dma_wait3A_517 : memref<128x2x128xf32, #tpu.memory_space<hbm>>)
      %sub3A_518 = arith.constant 2 : i32
      %sub3A_519 = arith.subi %add3A_452, %sub3A_518 : i32
      %shift_right_arithmetic3A_520 = arith.constant 1 : i32
      %shift_right_arithmetic3A_521 = arith.shrsi %sub3A_519, %shift_right_arithmetic3A_520 : i32
      %add3A_522 = arith.addi %mul3A_2, %shift_right_arithmetic3A_521 : i32
      %shift_right_arithmetic3A_523 = arith.constant 6 : i32
      %shift_right_arithmetic3A_524 = arith.shrsi %add3A_522, %shift_right_arithmetic3A_523 : i32
      %and3A_525 = arith.constant 63 : i32
      %and3A_526 = arith.andi %add3A_522, %and3A_525 : i32
      %mul3A_527 = arith.constant 2 : i32
      %mul3A_528 = arith.muli %mul3A_527, %and3A_526 : i32
      %scan3A_529 = arith.constant 0 : i32
      %scan3A_530 = arith.constant 0 : i32
      %scan3A_531 = arith.constant 64 : i32
      %scan3A_532 = arith.addi %scan3A_530, %scan3A_531 : i32
      %scan3A_533 = arith.constant 1 : i32
      scf.for %scan3A_924 = %scan3A_530 to %scan3A_532 step %scan3A_533  : i32 {
        %get3A = arith.index_cast %scan3A_924 : i32 to index
        %get3A_925 = arith.constant 0 : index
        %get3A_926 = tpu.vector_load %arg9[%get3A, %get3A_925] {strides = array<i32>} : memref<64x128xi32, #tpu.memory_space<vmem>>, vector<16xi32>,
        %get3A_927 = arith.index_cast %scan3A_924 : i32 to index
        %get3A_928 = arith.constant 16 : index
        %get3A_929 = tpu.vector_load %arg9[%get3A_927, %get3A_928] {strides = array<i32>} : memref<64x128xi32, #tpu.memory_space<vmem>>, vector<16xi32>,
        %get3A_930 = arith.index_cast %scan3A_924 : i32 to index
        %get3A_931 = arith.constant 32 : index
        %get3A_932 = tpu.vector_load %arg9[%get3A_930, %get3A_931] {strides = array<i32>} : memref<64x128xi32, #tpu.memory_space<vmem>>, vector<16xi32>,
        %get3A_933 = arith.index_cast %scan3A_924 : i32 to index
        %get3A_934 = arith.constant 48 : index
        %get3A_935 = tpu.vector_load %arg9[%get3A_933, %get3A_934] {strides = array<i32>} : memref<64x128xi32, #tpu.memory_space<vmem>>, vector<16xi32>,
        %get3A_936 = arith.index_cast %scan3A_924 : i32 to index
        %get3A_937 = arith.constant 64 : index
        %get3A_938 = tpu.vector_load %arg9[%get3A_936, %get3A_937] {strides = array<i32>} : memref<64x128xi32, #tpu.memory_space<vmem>>, vector<16xi32>,
        %get3A_939 = arith.index_cast %scan3A_924 : i32 to index
        %get3A_940 = arith.constant 80 : index
        %get3A_941 = tpu.vector_load %arg9[%get3A_939, %get3A_940] {strides = array<i32>} : memref<64x128xi32, #tpu.memory_space<vmem>>, vector<16xi32>,
        %get3A_942 = arith.index_cast %scan3A_924 : i32 to index
        %get3A_943 = arith.constant 96 : index
        %get3A_944 = tpu.vector_load %arg9[%get3A_942, %get3A_943] {strides = array<i32>} : memref<64x128xi32, #tpu.memory_space<vmem>>, vector<16xi32>,
        %get3A_945 = arith.index_cast %scan3A_924 : i32 to index
        %get3A_946 = arith.constant 112 : index
        %get3A_947 = tpu.vector_load %arg9[%get3A_945, %get3A_946] {strides = array<i32>} : memref<64x128xi32, #tpu.memory_space<vmem>>, vector<16xi32>,
        %add3A_948 = arith.constant 0 : i32
        %add3A_949 = vector.broadcast %add3A_948 : i32 to vector<16xi32>
        %add3A_950 = arith.addi %iota3A, %add3A_949 : vector<16xi32>
        %shift_right_arithmetic3A_951 = arith.constant 7 : i32
        %shift_right_arithmetic3A_952 = vector.broadcast %shift_right_arithmetic3A_951 : i32 to vector<16xi32>
        %shift_right_arithmetic3A_953 = arith.shrsi %get3A_926, %shift_right_arithmetic3A_952 : vector<16xi32>
        %sub3A_954 = vector.broadcast %mul3A_528 : i32 to vector<16xi32>
        %sub3A_955 = arith.subi %shift_right_arithmetic3A_953, %sub3A_954 : vector<16xi32>
        %and3A_956 = arith.constant 127 : i32
        %and3A_957 = vector.broadcast %and3A_956 : i32 to vector<16xi32>
        %and3A_958 = arith.andi %get3A_926, %and3A_957 : vector<16xi32>
        tpu.vector_store_idx %arg11[%add3A_950, %sub3A_955, %and3A_958], %broadcast_in_dim3A_3 : memref<128x2x128xf32, #tpu.memory_space<vmem>>[vector<16xi32>, vector<16xi32>, vector<16xi32>], vector<16xf32>,
        %add3A_959 = arith.constant 16 : i32
        %add3A_960 = vector.broadcast %add3A_959 : i32 to vector<16xi32>
        %add3A_961 = arith.addi %iota3A, %add3A_960 : vector<16xi32>
        %shift_right_arithmetic3A_962 = arith.constant 7 : i32
        %shift_right_arithmetic3A_963 = vector.broadcast %shift_right_arithmetic3A_962 : i32 to vector<16xi32>
        %shift_right_arithmetic3A_964 = arith.shrsi %get3A_929, %shift_right_arithmetic3A_963 : vector<16xi32>
        %sub3A_965 = vector.broadcast %mul3A_528 : i32 to vector<16xi32>
        %sub3A_966 = arith.subi %shift_right_arithmetic3A_964, %sub3A_965 : vector<16xi32>
        %and3A_967 = arith.constant 127 : i32
        %and3A_968 = vector.broadcast %and3A_967 : i32 to vector<16xi32>
        %and3A_969 = arith.andi %get3A_929, %and3A_968 : vector<16xi32>
        tpu.vector_store_idx %arg11[%add3A_961, %sub3A_966, %and3A_969], %broadcast_in_dim3A_3 : memref<128x2x128xf32, #tpu.memory_space<vmem>>[vector<16xi32>, vector<16xi32>, vector<16xi32>], vector<16xf32>,
        %add3A_970 = arith.constant 32 : i32
        %add3A_971 = vector.broadcast %add3A_970 : i32 to vector<16xi32>
        %add3A_972 = arith.addi %iota3A, %add3A_971 : vector<16xi32>
        %shift_right_arithmetic3A_973 = arith.constant 7 : i32
        %shift_right_arithmetic3A_974 = vector.broadcast %shift_right_arithmetic3A_973 : i32 to vector<16xi32>
        %shift_right_arithmetic3A_975 = arith.shrsi %get3A_932, %shift_right_arithmetic3A_974 : vector<16xi32>
        %sub3A_976 = vector.broadcast %mul3A_528 : i32 to vector<16xi32>
        %sub3A_977 = arith.subi %shift_right_arithmetic3A_975, %sub3A_976 : vector<16xi32>
        %and3A_978 = arith.constant 127 : i32
        %and3A_979 = vector.broadcast %and3A_978 : i32 to vector<16xi32>
        %and3A_980 = arith.andi %get3A_932, %and3A_979 : vector<16xi32>
        tpu.vector_store_idx %arg11[%add3A_972, %sub3A_977, %and3A_980], %broadcast_in_dim3A_3 : memref<128x2x128xf32, #tpu.memory_space<vmem>>[vector<16xi32>, vector<16xi32>, vector<16xi32>], vector<16xf32>,
        %add3A_981 = arith.constant 48 : i32
        %add3A_982 = vector.broadcast %add3A_981 : i32 to vector<16xi32>
        %add3A_983 = arith.addi %iota3A, %add3A_982 : vector<16xi32>
        %shift_right_arithmetic3A_984 = arith.constant 7 : i32
        %shift_right_arithmetic3A_985 = vector.broadcast %shift_right_arithmetic3A_984 : i32 to vector<16xi32>
        %shift_right_arithmetic3A_986 = arith.shrsi %get3A_935, %shift_right_arithmetic3A_985 : vector<16xi32>
        %sub3A_987 = vector.broadcast %mul3A_528 : i32 to vector<16xi32>
        %sub3A_988 = arith.subi %shift_right_arithmetic3A_986, %sub3A_987 : vector<16xi32>
        %and3A_989 = arith.constant 127 : i32
        %and3A_990 = vector.broadcast %and3A_989 : i32 to vector<16xi32>
        %and3A_991 = arith.andi %get3A_935, %and3A_990 : vector<16xi32>
        tpu.vector_store_idx %arg11[%add3A_983, %sub3A_988, %and3A_991], %broadcast_in_dim3A_3 : memref<128x2x128xf32, #tpu.memory_space<vmem>>[vector<16xi32>, vector<16xi32>, vector<16xi32>], vector<16xf32>,
        %add3A_992 = arith.constant 64 : i32
        %add3A_993 = vector.broadcast %add3A_992 : i32 to vector<16xi32>
        %add3A_994 = arith.addi %iota3A, %add3A_993 : vector<16xi32>
        %shift_right_arithmetic3A_995 = arith.constant 7 : i32
        %shift_right_arithmetic3A_996 = vector.broadcast %shift_right_arithmetic3A_995 : i32 to vector<16xi32>
        %shift_right_arithmetic3A_997 = arith.shrsi %get3A_938, %shift_right_arithmetic3A_996 : vector<16xi32>
        %sub3A_998 = vector.broadcast %mul3A_528 : i32 to vector<16xi32>
        %sub3A_999 = arith.subi %shift_right_arithmetic3A_997, %sub3A_998 : vector<16xi32>
        %and3A_1000 = arith.constant 127 : i32
        %and3A_1001 = vector.broadcast %and3A_1000 : i32 to vector<16xi32>
        %and3A_1002 = arith.andi %get3A_938, %and3A_1001 : vector<16xi32>
        tpu.vector_store_idx %arg11[%add3A_994, %sub3A_999, %and3A_1002], %broadcast_in_dim3A_3 : memref<128x2x128xf32, #tpu.memory_space<vmem>>[vector<16xi32>, vector<16xi32>, vector<16xi32>], vector<16xf32>,
        %add3A_1003 = arith.constant 80 : i32
        %add3A_1004 = vector.broadcast %add3A_1003 : i32 to vector<16xi32>
        %add3A_1005 = arith.addi %iota3A, %add3A_1004 : vector<16xi32>
        %shift_right_arithmetic3A_1006 = arith.constant 7 : i32
        %shift_right_arithmetic3A_1007 = vector.broadcast %shift_right_arithmetic3A_1006 : i32 to vector<16xi32>
        %shift_right_arithmetic3A_1008 = arith.shrsi %get3A_941, %shift_right_arithmetic3A_1007 : vector<16xi32>
        %sub3A_1009 = vector.broadcast %mul3A_528 : i32 to vector<16xi32>
        %sub3A_1010 = arith.subi %shift_right_arithmetic3A_1008, %sub3A_1009 : vector<16xi32>
        %and3A_1011 = arith.constant 127 : i32
        %and3A_1012 = vector.broadcast %and3A_1011 : i32 to vector<16xi32>
        %and3A_1013 = arith.andi %get3A_941, %and3A_1012 : vector<16xi32>
        tpu.vector_store_idx %arg11[%add3A_1005, %sub3A_1010, %and3A_1013], %broadcast_in_dim3A_3 : memref<128x2x128xf32, #tpu.memory_space<vmem>>[vector<16xi32>, vector<16xi32>, vector<16xi32>], vector<16xf32>,
        %add3A_1014 = arith.constant 96 : i32
        %add3A_1015 = vector.broadcast %add3A_1014 : i32 to vector<16xi32>
        %add3A_1016 = arith.addi %iota3A, %add3A_1015 : vector<16xi32>
        %shift_right_arithmetic3A_1017 = arith.constant 7 : i32
        %shift_right_arithmetic3A_1018 = vector.broadcast %shift_right_arithmetic3A_1017 : i32 to vector<16xi32>
        %shift_right_arithmetic3A_1019 = arith.shrsi %get3A_944, %shift_right_arithmetic3A_1018 : vector<16xi32>
        %sub3A_1020 = vector.broadcast %mul3A_528 : i32 to vector<16xi32>
        %sub3A_1021 = arith.subi %shift_right_arithmetic3A_1019, %sub3A_1020 : vector<16xi32>
        %and3A_1022 = arith.constant 127 : i32
        %and3A_1023 = vector.broadcast %and3A_1022 : i32 to vector<16xi32>
        %and3A_1024 = arith.andi %get3A_944, %and3A_1023 : vector<16xi32>
        tpu.vector_store_idx %arg11[%add3A_1016, %sub3A_1021, %and3A_1024], %broadcast_in_dim3A_3 : memref<128x2x128xf32, #tpu.memory_space<vmem>>[vector<16xi32>, vector<16xi32>, vector<16xi32>], vector<16xf32>,
        %add3A_1025 = arith.constant 112 : i32
        %add3A_1026 = vector.broadcast %add3A_1025 : i32 to vector<16xi32>
        %add3A_1027 = arith.addi %iota3A, %add3A_1026 : vector<16xi32>
        %shift_right_arithmetic3A_1028 = arith.constant 7 : i32
        %shift_right_arithmetic3A_1029 = vector.broadcast %shift_right_arithmetic3A_1028 : i32 to vector<16xi32>
        %shift_right_arithmetic3A_1030 = arith.shrsi %get3A_947, %shift_right_arithmetic3A_1029 : vector<16xi32>
        %sub3A_1031 = vector.broadcast %mul3A_528 : i32 to vector<16xi32>
        %sub3A_1032 = arith.subi %shift_right_arithmetic3A_1030, %sub3A_1031 : vector<16xi32>
        %and3A_1033 = arith.constant 127 : i32
        %and3A_1034 = vector.broadcast %and3A_1033 : i32 to vector<16xi32>
        %and3A_1035 = arith.andi %get3A_947, %and3A_1034 : vector<16xi32>
        tpu.vector_store_idx %arg11[%add3A_1027, %sub3A_1032, %and3A_1035], %broadcast_in_dim3A_3 : memref<128x2x128xf32, #tpu.memory_space<vmem>>[vector<16xi32>, vector<16xi32>, vector<16xi32>], vector<16xf32>,
      }
      %scan3A_534 = arith.constant 64 : i32
      %shift_right_arithmetic3A_535 = arith.constant 1 : i32
      %shift_right_arithmetic3A_536 = arith.shrsi %add3A_452, %shift_right_arithmetic3A_535 : i32
      %add3A_537 = arith.addi %mul3A_2, %shift_right_arithmetic3A_536 : i32
      %shift_right_arithmetic3A_538 = arith.constant 6 : i32
      %shift_right_arithmetic3A_539 = arith.shrsi %add3A_537, %shift_right_arithmetic3A_538 : i32
      %and3A_540 = arith.constant 63 : i32
      %and3A_541 = arith.andi %add3A_537, %and3A_540 : i32
      %mul3A_542 = arith.constant 2 : i32
      %mul3A_543 = arith.muli %mul3A_542, %and3A_541 : i32
      %scan3A_544 = arith.constant 0 : i32
      %scan3A_545 = arith.constant 0 : i32
      %scan3A_546 = arith.constant 64 : i32
      %scan3A_547 = arith.addi %scan3A_545, %scan3A_546 : i32
      %scan3A_548 = arith.constant 1 : i32
      scf.for %scan3A_924 = %scan3A_545 to %scan3A_547 step %scan3A_548  : i32 {
        %get3A = arith.index_cast %scan3A_924 : i32 to index
        %get3A_925 = arith.constant 0 : index
        %get3A_926 = tpu.vector_load %arg7[%get3A, %get3A_925] {strides = array<i32>} : memref<64x128xi32, #tpu.memory_space<vmem>>, vector<16xi32>,
        %get3A_927 = arith.index_cast %scan3A_924 : i32 to index
        %get3A_928 = arith.constant 0 : index
        %get3A_929 = tpu.vector_load %arg5[%get3A_927, %get3A_928] {strides = array<i32>} : memref<64x128xf32, #tpu.memory_space<vmem>>, vector<16xf32>,
        %get3A_930 = arith.index_cast %scan3A_924 : i32 to index
        %get3A_931 = arith.constant 16 : index
        %get3A_932 = tpu.vector_load %arg7[%get3A_930, %get3A_931] {strides = array<i32>} : memref<64x128xi32, #tpu.memory_space<vmem>>, vector<16xi32>,
        %get3A_933 = arith.index_cast %scan3A_924 : i32 to index
        %get3A_934 = arith.constant 16 : index
        %get3A_935 = tpu.vector_load %arg5[%get3A_933, %get3A_934] {strides = array<i32>} : memref<64x128xf32, #tpu.memory_space<vmem>>, vector<16xf32>,
        %get3A_936 = arith.index_cast %scan3A_924 : i32 to index
        %get3A_937 = arith.constant 32 : index
        %get3A_938 = tpu.vector_load %arg7[%get3A_936, %get3A_937] {strides = array<i32>} : memref<64x128xi32, #tpu.memory_space<vmem>>, vector<16xi32>,
        %get3A_939 = arith.index_cast %scan3A_924 : i32 to index
        %get3A_940 = arith.constant 32 : index
        %get3A_941 = tpu.vector_load %arg5[%get3A_939, %get3A_940] {strides = array<i32>} : memref<64x128xf32, #tpu.memory_space<vmem>>, vector<16xf32>,
        %get3A_942 = arith.index_cast %scan3A_924 : i32 to index
        %get3A_943 = arith.constant 48 : index
        %get3A_944 = tpu.vector_load %arg7[%get3A_942, %get3A_943] {strides = array<i32>} : memref<64x128xi32, #tpu.memory_space<vmem>>, vector<16xi32>,
        %get3A_945 = arith.index_cast %scan3A_924 : i32 to index
        %get3A_946 = arith.constant 48 : index
        %get3A_947 = tpu.vector_load %arg5[%get3A_945, %get3A_946] {strides = array<i32>} : memref<64x128xf32, #tpu.memory_space<vmem>>, vector<16xf32>,
        %get3A_948 = arith.index_cast %scan3A_924 : i32 to index
        %get3A_949 = arith.constant 64 : index
        %get3A_950 = tpu.vector_load %arg7[%get3A_948, %get3A_949] {strides = array<i32>} : memref<64x128xi32, #tpu.memory_space<vmem>>, vector<16xi32>,
        %get3A_951 = arith.index_cast %scan3A_924 : i32 to index
        %get3A_952 = arith.constant 64 : index
        %get3A_953 = tpu.vector_load %arg5[%get3A_951, %get3A_952] {strides = array<i32>} : memref<64x128xf32, #tpu.memory_space<vmem>>, vector<16xf32>,
        %get3A_954 = arith.index_cast %scan3A_924 : i32 to index
        %get3A_955 = arith.constant 80 : index
        %get3A_956 = tpu.vector_load %arg7[%get3A_954, %get3A_955] {strides = array<i32>} : memref<64x128xi32, #tpu.memory_space<vmem>>, vector<16xi32>,
        %get3A_957 = arith.index_cast %scan3A_924 : i32 to index
        %get3A_958 = arith.constant 80 : index
        %get3A_959 = tpu.vector_load %arg5[%get3A_957, %get3A_958] {strides = array<i32>} : memref<64x128xf32, #tpu.memory_space<vmem>>, vector<16xf32>,
        %get3A_960 = arith.index_cast %scan3A_924 : i32 to index
        %get3A_961 = arith.constant 96 : index
        %get3A_962 = tpu.vector_load %arg7[%get3A_960, %get3A_961] {strides = array<i32>} : memref<64x128xi32, #tpu.memory_space<vmem>>, vector<16xi32>,
        %get3A_963 = arith.index_cast %scan3A_924 : i32 to index
        %get3A_964 = arith.constant 96 : index
        %get3A_965 = tpu.vector_load %arg5[%get3A_963, %get3A_964] {strides = array<i32>} : memref<64x128xf32, #tpu.memory_space<vmem>>, vector<16xf32>,
        %get3A_966 = arith.index_cast %scan3A_924 : i32 to index
        %get3A_967 = arith.constant 112 : index
        %get3A_968 = tpu.vector_load %arg7[%get3A_966, %get3A_967] {strides = array<i32>} : memref<64x128xi32, #tpu.memory_space<vmem>>, vector<16xi32>,
        %get3A_969 = arith.index_cast %scan3A_924 : i32 to index
        %get3A_970 = arith.constant 112 : index
        %get3A_971 = tpu.vector_load %arg5[%get3A_969, %get3A_970] {strides = array<i32>} : memref<64x128xf32, #tpu.memory_space<vmem>>, vector<16xf32>,
        %add3A_972 = arith.constant 0 : i32
        %add3A_973 = vector.broadcast %add3A_972 : i32 to vector<16xi32>
        %add3A_974 = arith.addi %iota3A, %add3A_973 : vector<16xi32>
        %shift_right_arithmetic3A_975 = arith.constant 7 : i32
        %shift_right_arithmetic3A_976 = vector.broadcast %shift_right_arithmetic3A_975 : i32 to vector<16xi32>
        %shift_right_arithmetic3A_977 = arith.shrsi %get3A_926, %shift_right_arithmetic3A_976 : vector<16xi32>
        %sub3A_978 = vector.broadcast %mul3A_543 : i32 to vector<16xi32>
        %sub3A_979 = arith.subi %shift_right_arithmetic3A_977, %sub3A_978 : vector<16xi32>
        %and3A_980 = arith.constant 127 : i32
        %and3A_981 = vector.broadcast %and3A_980 : i32 to vector<16xi32>
        %and3A_982 = arith.andi %get3A_926, %and3A_981 : vector<16xi32>
        tpu.vector_store_idx %arg11[%add3A_974, %sub3A_979, %and3A_982], %get3A_929 : memref<128x2x128xf32, #tpu.memory_space<vmem>>[vector<16xi32>, vector<16xi32>, vector<16xi32>], vector<16xf32>,
        %add3A_983 = arith.constant 16 : i32
        %add3A_984 = vector.broadcast %add3A_983 : i32 to vector<16xi32>
        %add3A_985 = arith.addi %iota3A, %add3A_984 : vector<16xi32>
        %shift_right_arithmetic3A_986 = arith.constant 7 : i32
        %shift_right_arithmetic3A_987 = vector.broadcast %shift_right_arithmetic3A_986 : i32 to vector<16xi32>
        %shift_right_arithmetic3A_988 = arith.shrsi %get3A_932, %shift_right_arithmetic3A_987 : vector<16xi32>
        %sub3A_989 = vector.broadcast %mul3A_543 : i32 to vector<16xi32>
        %sub3A_990 = arith.subi %shift_right_arithmetic3A_988, %sub3A_989 : vector<16xi32>
        %and3A_991 = arith.constant 127 : i32
        %and3A_992 = vector.broadcast %and3A_991 : i32 to vector<16xi32>
        %and3A_993 = arith.andi %get3A_932, %and3A_992 : vector<16xi32>
        tpu.vector_store_idx %arg11[%add3A_985, %sub3A_990, %and3A_993], %get3A_935 : memref<128x2x128xf32, #tpu.memory_space<vmem>>[vector<16xi32>, vector<16xi32>, vector<16xi32>], vector<16xf32>,
        %add3A_994 = arith.constant 32 : i32
        %add3A_995 = vector.broadcast %add3A_994 : i32 to vector<16xi32>
        %add3A_996 = arith.addi %iota3A, %add3A_995 : vector<16xi32>
        %shift_right_arithmetic3A_997 = arith.constant 7 : i32
        %shift_right_arithmetic3A_998 = vector.broadcast %shift_right_arithmetic3A_997 : i32 to vector<16xi32>
        %shift_right_arithmetic3A_999 = arith.shrsi %get3A_938, %shift_right_arithmetic3A_998 : vector<16xi32>
        %sub3A_1000 = vector.broadcast %mul3A_543 : i32 to vector<16xi32>
        %sub3A_1001 = arith.subi %shift_right_arithmetic3A_999, %sub3A_1000 : vector<16xi32>
        %and3A_1002 = arith.constant 127 : i32
        %and3A_1003 = vector.broadcast %and3A_1002 : i32 to vector<16xi32>
        %and3A_1004 = arith.andi %get3A_938, %and3A_1003 : vector<16xi32>
        tpu.vector_store_idx %arg11[%add3A_996, %sub3A_1001, %and3A_1004], %get3A_941 : memref<128x2x128xf32, #tpu.memory_space<vmem>>[vector<16xi32>, vector<16xi32>, vector<16xi32>], vector<16xf32>,
        %add3A_1005 = arith.constant 48 : i32
        %add3A_1006 = vector.broadcast %add3A_1005 : i32 to vector<16xi32>
        %add3A_1007 = arith.addi %iota3A, %add3A_1006 : vector<16xi32>
        %shift_right_arithmetic3A_1008 = arith.constant 7 : i32
        %shift_right_arithmetic3A_1009 = vector.broadcast %shift_right_arithmetic3A_1008 : i32 to vector<16xi32>
        %shift_right_arithmetic3A_1010 = arith.shrsi %get3A_944, %shift_right_arithmetic3A_1009 : vector<16xi32>
        %sub3A_1011 = vector.broadcast %mul3A_543 : i32 to vector<16xi32>
        %sub3A_1012 = arith.subi %shift_right_arithmetic3A_1010, %sub3A_1011 : vector<16xi32>
        %and3A_1013 = arith.constant 127 : i32
        %and3A_1014 = vector.broadcast %and3A_1013 : i32 to vector<16xi32>
        %and3A_1015 = arith.andi %get3A_944, %and3A_1014 : vector<16xi32>
        tpu.vector_store_idx %arg11[%add3A_1007, %sub3A_1012, %and3A_1015], %get3A_947 : memref<128x2x128xf32, #tpu.memory_space<vmem>>[vector<16xi32>, vector<16xi32>, vector<16xi32>], vector<16xf32>,
        %add3A_1016 = arith.constant 64 : i32
        %add3A_1017 = vector.broadcast %add3A_1016 : i32 to vector<16xi32>
        %add3A_1018 = arith.addi %iota3A, %add3A_1017 : vector<16xi32>
        %shift_right_arithmetic3A_1019 = arith.constant 7 : i32
        %shift_right_arithmetic3A_1020 = vector.broadcast %shift_right_arithmetic3A_1019 : i32 to vector<16xi32>
        %shift_right_arithmetic3A_1021 = arith.shrsi %get3A_950, %shift_right_arithmetic3A_1020 : vector<16xi32>
        %sub3A_1022 = vector.broadcast %mul3A_543 : i32 to vector<16xi32>
        %sub3A_1023 = arith.subi %shift_right_arithmetic3A_1021, %sub3A_1022 : vector<16xi32>
        %and3A_1024 = arith.constant 127 : i32
        %and3A_1025 = vector.broadcast %and3A_1024 : i32 to vector<16xi32>
        %and3A_1026 = arith.andi %get3A_950, %and3A_1025 : vector<16xi32>
        tpu.vector_store_idx %arg11[%add3A_1018, %sub3A_1023, %and3A_1026], %get3A_953 : memref<128x2x128xf32, #tpu.memory_space<vmem>>[vector<16xi32>, vector<16xi32>, vector<16xi32>], vector<16xf32>,
        %add3A_1027 = arith.constant 80 : i32
        %add3A_1028 = vector.broadcast %add3A_1027 : i32 to vector<16xi32>
        %add3A_1029 = arith.addi %iota3A, %add3A_1028 : vector<16xi32>
        %shift_right_arithmetic3A_1030 = arith.constant 7 : i32
        %shift_right_arithmetic3A_1031 = vector.broadcast %shift_right_arithmetic3A_1030 : i32 to vector<16xi32>
        %shift_right_arithmetic3A_1032 = arith.shrsi %get3A_956, %shift_right_arithmetic3A_1031 : vector<16xi32>
        %sub3A_1033 = vector.broadcast %mul3A_543 : i32 to vector<16xi32>
        %sub3A_1034 = arith.subi %shift_right_arithmetic3A_1032, %sub3A_1033 : vector<16xi32>
        %and3A_1035 = arith.constant 127 : i32
        %and3A_1036 = vector.broadcast %and3A_1035 : i32 to vector<16xi32>
        %and3A_1037 = arith.andi %get3A_956, %and3A_1036 : vector<16xi32>
        tpu.vector_store_idx %arg11[%add3A_1029, %sub3A_1034, %and3A_1037], %get3A_959 : memref<128x2x128xf32, #tpu.memory_space<vmem>>[vector<16xi32>, vector<16xi32>, vector<16xi32>], vector<16xf32>,
        %add3A_1038 = arith.constant 96 : i32
        %add3A_1039 = vector.broadcast %add3A_1038 : i32 to vector<16xi32>
        %add3A_1040 = arith.addi %iota3A, %add3A_1039 : vector<16xi32>
        %shift_right_arithmetic3A_1041 = arith.constant 7 : i32
        %shift_right_arithmetic3A_1042 = vector.broadcast %shift_right_arithmetic3A_1041 : i32 to vector<16xi32>
        %shift_right_arithmetic3A_1043 = arith.shrsi %get3A_962, %shift_right_arithmetic3A_1042 : vector<16xi32>
        %sub3A_1044 = vector.broadcast %mul3A_543 : i32 to vector<16xi32>
        %sub3A_1045 = arith.subi %shift_right_arithmetic3A_1043, %sub3A_1044 : vector<16xi32>
        %and3A_1046 = arith.constant 127 : i32
        %and3A_1047 = vector.broadcast %and3A_1046 : i32 to vector<16xi32>
        %and3A_1048 = arith.andi %get3A_962, %and3A_1047 : vector<16xi32>
        tpu.vector_store_idx %arg11[%add3A_1040, %sub3A_1045, %and3A_1048], %get3A_965 : memref<128x2x128xf32, #tpu.memory_space<vmem>>[vector<16xi32>, vector<16xi32>, vector<16xi32>], vector<16xf32>,
        %add3A_1049 = arith.constant 112 : i32
        %add3A_1050 = vector.broadcast %add3A_1049 : i32 to vector<16xi32>
        %add3A_1051 = arith.addi %iota3A, %add3A_1050 : vector<16xi32>
        %shift_right_arithmetic3A_1052 = arith.constant 7 : i32
        %shift_right_arithmetic3A_1053 = vector.broadcast %shift_right_arithmetic3A_1052 : i32 to vector<16xi32>
        %shift_right_arithmetic3A_1054 = arith.shrsi %get3A_968, %shift_right_arithmetic3A_1053 : vector<16xi32>
        %sub3A_1055 = vector.broadcast %mul3A_543 : i32 to vector<16xi32>
        %sub3A_1056 = arith.subi %shift_right_arithmetic3A_1054, %sub3A_1055 : vector<16xi32>
        %and3A_1057 = arith.constant 127 : i32
        %and3A_1058 = vector.broadcast %and3A_1057 : i32 to vector<16xi32>
        %and3A_1059 = arith.andi %get3A_968, %and3A_1058 : vector<16xi32>
        tpu.vector_store_idx %arg11[%add3A_1051, %sub3A_1056, %and3A_1059], %get3A_971 : memref<128x2x128xf32, #tpu.memory_space<vmem>>[vector<16xi32>, vector<16xi32>, vector<16xi32>], vector<16xf32>,
      }
      %scan3A_549 = arith.constant 64 : i32
      %shift_right_arithmetic3A_550 = arith.constant 1 : i32
      %shift_right_arithmetic3A_551 = arith.shrsi %add3A_452, %shift_right_arithmetic3A_550 : i32
      %add3A_552 = arith.addi %mul3A_2, %shift_right_arithmetic3A_551 : i32
      %shift_right_arithmetic3A_553 = arith.constant 6 : i32
      %shift_right_arithmetic3A_554 = arith.shrsi %add3A_552, %shift_right_arithmetic3A_553 : i32
      %and3A_555 = arith.constant 63 : i32
      %and3A_556 = arith.andi %add3A_552, %and3A_555 : i32
      %mul3A_557 = arith.constant 2 : i32
      %mul3A_558 = arith.muli %mul3A_557, %and3A_556 : i32
      %dma_start3A_559 = arith.constant 0 : i32
      %dma_start3A_560 = arith.constant 0 : i32
      %dma_start3A_561 = tpu.memref_slice %arg4[%shift_right_arithmetic3A_554, %dma_start3A_559, %mul3A_558, %dma_start3A_560] : memref<8x256x128x128xf32, #tpu.memory_space<hbm>> -> memref<1x128x2x128xf32, #tpu.memory_space<hbm>>
      %dma_start3A_562 = tpu.memref_squeeze %dma_start3A_561 : memref<1x128x2x128xf32, #tpu.memory_space<hbm>> -> memref<128x2x128xf32, #tpu.memory_space<hbm>>
      %dma_start3A_563 = arith.constant 0 : i32
      %dma_start3A_564 = arith.constant 0 : i32
      %dma_start3A_565 = tpu.memref_slice %arg4[%shift_right_arithmetic3A_554, %dma_start3A_563, %mul3A_558, %dma_start3A_564] : memref<8x256x128x128xf32, #tpu.memory_space<hbm>> -> memref<1x128x2x128xf32, #tpu.memory_space<hbm>>
      %dma_start3A_566 = tpu.memref_squeeze %dma_start3A_565 : memref<1x128x2x128xf32, #tpu.memory_space<hbm>> -> memref<128x2x128xf32, #tpu.memory_space<hbm>>
      tpu.enqueue_dma source(%arg11 : memref<128x2x128xf32, #tpu.memory_space<vmem>>) target(%dma_start3A_566 : memref<128x2x128xf32, #tpu.memory_space<hbm>>) target_semaphore(%arg19 : memref<!tpu.dma_semaphore, #tpu.memory_space<semaphore_mem>>)
      %mul3A_567 = arith.constant 4 : i32
      %mul3A_568 = arith.muli %mul3A_567, %scan3A_448 : i32
      %add3A_569 = arith.constant 1 : i32
      %add3A_570 = arith.addi %mul3A_568, %add3A_569 : i32
      %dma_wait3A_571 = arith.constant 0 : i32
      %dma_wait3A_572 = arith.constant 0 : i32
      %dma_wait3A_573 = arith.constant 0 : i32
      %dma_wait3A_574 = arith.constant 0 : i32
      %dma_wait3A_575 = tpu.memref_slice %arg2[%dma_wait3A_571, %dma_wait3A_572, %dma_wait3A_573, %dma_wait3A_574] : memref<8x64x64x256xf32, #tpu.memory_space<hbm>> -> memref<1x1x64x128xf32, #tpu.memory_space<hbm>>
      %dma_wait3A_576 = tpu.memref_squeeze %dma_wait3A_575 : memref<1x1x64x128xf32, #tpu.memory_space<hbm>> -> memref<64x128xf32, #tpu.memory_space<hbm>>
      %dma_wait3A_577 = arith.constant 0 : i32
      %dma_wait3A_578 = arith.constant 0 : i32
      %dma_wait3A_579 = tpu.memref_slice %arg2[%dma_wait3A_571, %dma_wait3A_572, %dma_wait3A_577, %dma_wait3A_578] : memref<8x64x64x256xf32, #tpu.memory_space<hbm>> -> memref<1x1x64x128xf32, #tpu.memory_space<hbm>>
      %dma_wait3A_580 = tpu.memref_squeeze %dma_wait3A_579 : memref<1x1x64x128xf32, #tpu.memory_space<hbm>> -> memref<64x128xf32, #tpu.memory_space<hbm>>
      tpu.wait_dma2 semaphore(%arg14 : memref<!tpu.dma_semaphore, #tpu.memory_space<semaphore_mem>>) src(%dma_wait3A_580 : memref<64x128xf32, #tpu.memory_space<hbm>>) dst(%arg6 : memref<64x128xf32, #tpu.memory_space<vmem>>)
      %dma_wait3A_581 = arith.constant 0 : i32
      %dma_wait3A_582 = arith.constant 0 : i32
      %dma_wait3A_583 = arith.constant 0 : i32
      %dma_wait3A_584 = arith.constant 0 : i32
      %dma_wait3A_585 = tpu.memref_slice %arg3[%dma_wait3A_581, %dma_wait3A_582, %dma_wait3A_583, %dma_wait3A_584] : memref<8x64x64x256xi32, #tpu.memory_space<hbm>> -> memref<1x1x64x128xi32, #tpu.memory_space<hbm>>
      %dma_wait3A_586 = tpu.memref_squeeze %dma_wait3A_585 : memref<1x1x64x128xi32, #tpu.memory_space<hbm>> -> memref<64x128xi32, #tpu.memory_space<hbm>>
      %dma_wait3A_587 = arith.constant 0 : i32
      %dma_wait3A_588 = arith.constant 0 : i32
      %dma_wait3A_589 = tpu.memref_slice %arg3[%dma_wait3A_581, %dma_wait3A_582, %dma_wait3A_587, %dma_wait3A_588] : memref<8x64x64x256xi32, #tpu.memory_space<hbm>> -> memref<1x1x64x128xi32, #tpu.memory_space<hbm>>
      %dma_wait3A_590 = tpu.memref_squeeze %dma_wait3A_589 : memref<1x1x64x128xi32, #tpu.memory_space<hbm>> -> memref<64x128xi32, #tpu.memory_space<hbm>>
      tpu.wait_dma2 semaphore(%arg16 : memref<!tpu.dma_semaphore, #tpu.memory_space<semaphore_mem>>) src(%dma_wait3A_590 : memref<64x128xi32, #tpu.memory_space<hbm>>) dst(%arg8 : memref<64x128xi32, #tpu.memory_space<vmem>>)
      %add3A_591 = arith.constant 1 : i32
      %add3A_592 = arith.addi %add3A_570, %add3A_591 : i32
      %min3A_593 = arith.constant 31 : i32
      %min3A_594 = arith.minsi %add3A_592, %min3A_593 : i32
      %shift_right_arithmetic3A_595 = arith.constant 1 : i32
      %shift_right_arithmetic3A_596 = arith.shrsi %min3A_594, %shift_right_arithmetic3A_595 : i32
      %add3A_597 = arith.addi %mul3A_2, %shift_right_arithmetic3A_596 : i32
      %shift_right_arithmetic3A_598 = arith.constant 6 : i32
      %shift_right_arithmetic3A_599 = arith.shrsi %add3A_597, %shift_right_arithmetic3A_598 : i32
      %and3A_600 = arith.constant 63 : i32
      %and3A_601 = arith.andi %add3A_597, %and3A_600 : i32
      %dma_start3A_602 = arith.constant 0 : i32
      %dma_start3A_603 = arith.constant 0 : i32
      %dma_start3A_604 = tpu.memref_slice %arg2[%shift_right_arithmetic3A_599, %and3A_601, %dma_start3A_602, %dma_start3A_603] : memref<8x64x64x256xf32, #tpu.memory_space<hbm>> -> memref<1x1x64x128xf32, #tpu.memory_space<hbm>>
      %dma_start3A_605 = tpu.memref_squeeze %dma_start3A_604 : memref<1x1x64x128xf32, #tpu.memory_space<hbm>> -> memref<64x128xf32, #tpu.memory_space<hbm>>
      %dma_start3A_606 = arith.constant 0 : i32
      %dma_start3A_607 = arith.constant 0 : i32
      %dma_start3A_608 = tpu.memref_slice %arg2[%shift_right_arithmetic3A_599, %and3A_601, %dma_start3A_606, %dma_start3A_607] : memref<8x64x64x256xf32, #tpu.memory_space<hbm>> -> memref<1x1x64x128xf32, #tpu.memory_space<hbm>>
      %dma_start3A_609 = tpu.memref_squeeze %dma_start3A_608 : memref<1x1x64x128xf32, #tpu.memory_space<hbm>> -> memref<64x128xf32, #tpu.memory_space<hbm>>
      tpu.enqueue_dma source(%dma_start3A_609 : memref<64x128xf32, #tpu.memory_space<hbm>>) target(%arg5 : memref<64x128xf32, #tpu.memory_space<vmem>>) target_semaphore(%arg13 : memref<!tpu.dma_semaphore, #tpu.memory_space<semaphore_mem>>)
      %dma_start3A_610 = arith.constant 0 : i32
      %dma_start3A_611 = arith.constant 0 : i32
      %dma_start3A_612 = tpu.memref_slice %arg3[%shift_right_arithmetic3A_599, %and3A_601, %dma_start3A_610, %dma_start3A_611] : memref<8x64x64x256xi32, #tpu.memory_space<hbm>> -> memref<1x1x64x128xi32, #tpu.memory_space<hbm>>
      %dma_start3A_613 = tpu.memref_squeeze %dma_start3A_612 : memref<1x1x64x128xi32, #tpu.memory_space<hbm>> -> memref<64x128xi32, #tpu.memory_space<hbm>>
      %dma_start3A_614 = arith.constant 0 : i32
      %dma_start3A_615 = arith.constant 0 : i32
      %dma_start3A_616 = tpu.memref_slice %arg3[%shift_right_arithmetic3A_599, %and3A_601, %dma_start3A_614, %dma_start3A_615] : memref<8x64x64x256xi32, #tpu.memory_space<hbm>> -> memref<1x1x64x128xi32, #tpu.memory_space<hbm>>
      %dma_start3A_617 = tpu.memref_squeeze %dma_start3A_616 : memref<1x1x64x128xi32, #tpu.memory_space<hbm>> -> memref<64x128xi32, #tpu.memory_space<hbm>>
      tpu.enqueue_dma source(%dma_start3A_617 : memref<64x128xi32, #tpu.memory_space<hbm>>) target(%arg9 : memref<64x128xi32, #tpu.memory_space<vmem>>) target_semaphore(%arg17 : memref<!tpu.dma_semaphore, #tpu.memory_space<semaphore_mem>>)
      %sub3A_618 = arith.constant 2 : i32
      %sub3A_619 = arith.subi %add3A_570, %sub3A_618 : i32
      %shift_right_arithmetic3A_620 = arith.constant 1 : i32
      %shift_right_arithmetic3A_621 = arith.shrsi %sub3A_619, %shift_right_arithmetic3A_620 : i32
      %add3A_622 = arith.addi %mul3A_2, %shift_right_arithmetic3A_621 : i32
      %shift_right_arithmetic3A_623 = arith.constant 6 : i32
      %shift_right_arithmetic3A_624 = arith.shrsi %add3A_622, %shift_right_arithmetic3A_623 : i32
      %and3A_625 = arith.constant 63 : i32
      %and3A_626 = arith.andi %add3A_622, %and3A_625 : i32
      %mul3A_627 = arith.constant 2 : i32
      %mul3A_628 = arith.muli %mul3A_627, %and3A_626 : i32
      %dma_wait3A_629 = arith.constant 128 : i32
      %dma_wait3A_630 = arith.constant 0 : i32
      %dma_wait3A_631 = tpu.memref_slice %arg4[%shift_right_arithmetic3A_624, %dma_wait3A_629, %mul3A_628, %dma_wait3A_630] : memref<8x256x128x128xf32, #tpu.memory_space<hbm>> -> memref<1x128x2x128xf32, #tpu.memory_space<hbm>>
      %dma_wait3A_632 = tpu.memref_squeeze %dma_wait3A_631 : memref<1x128x2x128xf32, #tpu.memory_space<hbm>> -> memref<128x2x128xf32, #tpu.memory_space<hbm>>
      %dma_wait3A_633 = arith.constant 128 : i32
      %dma_wait3A_634 = arith.constant 0 : i32
      %dma_wait3A_635 = tpu.memref_slice %arg4[%shift_right_arithmetic3A_624, %dma_wait3A_633, %mul3A_628, %dma_wait3A_634] : memref<8x256x128x128xf32, #tpu.memory_space<hbm>> -> memref<1x128x2x128xf32, #tpu.memory_space<hbm>>
      %dma_wait3A_636 = tpu.memref_squeeze %dma_wait3A_635 : memref<1x128x2x128xf32, #tpu.memory_space<hbm>> -> memref<128x2x128xf32, #tpu.memory_space<hbm>>
      tpu.wait_dma2 semaphore(%arg20 : memref<!tpu.dma_semaphore, #tpu.memory_space<semaphore_mem>>) src(%arg12 : memref<128x2x128xf32, #tpu.memory_space<vmem>>) dst(%dma_wait3A_636 : memref<128x2x128xf32, #tpu.memory_space<hbm>>)
      %sub3A_637 = arith.constant 2 : i32
      %sub3A_638 = arith.subi %add3A_570, %sub3A_637 : i32
      %shift_right_arithmetic3A_639 = arith.constant 1 : i32
      %shift_right_arithmetic3A_640 = arith.shrsi %sub3A_638, %shift_right_arithmetic3A_639 : i32
      %add3A_641 = arith.addi %mul3A_2, %shift_right_arithmetic3A_640 : i32
      %shift_right_arithmetic3A_642 = arith.constant 6 : i32
      %shift_right_arithmetic3A_643 = arith.shrsi %add3A_641, %shift_right_arithmetic3A_642 : i32
      %and3A_644 = arith.constant 63 : i32
      %and3A_645 = arith.andi %add3A_641, %and3A_644 : i32
      %mul3A_646 = arith.constant 2 : i32
      %mul3A_647 = arith.muli %mul3A_646, %and3A_645 : i32
      %scan3A_648 = arith.constant 0 : i32
      %scan3A_649 = arith.constant 0 : i32
      %scan3A_650 = arith.constant 64 : i32
      %scan3A_651 = arith.addi %scan3A_649, %scan3A_650 : i32
      %scan3A_652 = arith.constant 1 : i32
      scf.for %scan3A_924 = %scan3A_649 to %scan3A_651 step %scan3A_652  : i32 {
        %get3A = arith.index_cast %scan3A_924 : i32 to index
        %get3A_925 = arith.constant 0 : index
        %get3A_926 = tpu.vector_load %arg10[%get3A, %get3A_925] {strides = array<i32>} : memref<64x128xi32, #tpu.memory_space<vmem>>, vector<16xi32>,
        %get3A_927 = arith.index_cast %scan3A_924 : i32 to index
        %get3A_928 = arith.constant 16 : index
        %get3A_929 = tpu.vector_load %arg10[%get3A_927, %get3A_928] {strides = array<i32>} : memref<64x128xi32, #tpu.memory_space<vmem>>, vector<16xi32>,
        %get3A_930 = arith.index_cast %scan3A_924 : i32 to index
        %get3A_931 = arith.constant 32 : index
        %get3A_932 = tpu.vector_load %arg10[%get3A_930, %get3A_931] {strides = array<i32>} : memref<64x128xi32, #tpu.memory_space<vmem>>, vector<16xi32>,
        %get3A_933 = arith.index_cast %scan3A_924 : i32 to index
        %get3A_934 = arith.constant 48 : index
        %get3A_935 = tpu.vector_load %arg10[%get3A_933, %get3A_934] {strides = array<i32>} : memref<64x128xi32, #tpu.memory_space<vmem>>, vector<16xi32>,
        %get3A_936 = arith.index_cast %scan3A_924 : i32 to index
        %get3A_937 = arith.constant 64 : index
        %get3A_938 = tpu.vector_load %arg10[%get3A_936, %get3A_937] {strides = array<i32>} : memref<64x128xi32, #tpu.memory_space<vmem>>, vector<16xi32>,
        %get3A_939 = arith.index_cast %scan3A_924 : i32 to index
        %get3A_940 = arith.constant 80 : index
        %get3A_941 = tpu.vector_load %arg10[%get3A_939, %get3A_940] {strides = array<i32>} : memref<64x128xi32, #tpu.memory_space<vmem>>, vector<16xi32>,
        %get3A_942 = arith.index_cast %scan3A_924 : i32 to index
        %get3A_943 = arith.constant 96 : index
        %get3A_944 = tpu.vector_load %arg10[%get3A_942, %get3A_943] {strides = array<i32>} : memref<64x128xi32, #tpu.memory_space<vmem>>, vector<16xi32>,
        %get3A_945 = arith.index_cast %scan3A_924 : i32 to index
        %get3A_946 = arith.constant 112 : index
        %get3A_947 = tpu.vector_load %arg10[%get3A_945, %get3A_946] {strides = array<i32>} : memref<64x128xi32, #tpu.memory_space<vmem>>, vector<16xi32>,
        %add3A_948 = arith.constant 0 : i32
        %add3A_949 = vector.broadcast %add3A_948 : i32 to vector<16xi32>
        %add3A_950 = arith.addi %iota3A, %add3A_949 : vector<16xi32>
        %shift_right_arithmetic3A_951 = arith.constant 7 : i32
        %shift_right_arithmetic3A_952 = vector.broadcast %shift_right_arithmetic3A_951 : i32 to vector<16xi32>
        %shift_right_arithmetic3A_953 = arith.shrsi %get3A_926, %shift_right_arithmetic3A_952 : vector<16xi32>
        %sub3A_954 = vector.broadcast %mul3A_647 : i32 to vector<16xi32>
        %sub3A_955 = arith.subi %shift_right_arithmetic3A_953, %sub3A_954 : vector<16xi32>
        %and3A_956 = arith.constant 127 : i32
        %and3A_957 = vector.broadcast %and3A_956 : i32 to vector<16xi32>
        %and3A_958 = arith.andi %get3A_926, %and3A_957 : vector<16xi32>
        tpu.vector_store_idx %arg12[%add3A_950, %sub3A_955, %and3A_958], %broadcast_in_dim3A_3 : memref<128x2x128xf32, #tpu.memory_space<vmem>>[vector<16xi32>, vector<16xi32>, vector<16xi32>], vector<16xf32>,
        %add3A_959 = arith.constant 16 : i32
        %add3A_960 = vector.broadcast %add3A_959 : i32 to vector<16xi32>
        %add3A_961 = arith.addi %iota3A, %add3A_960 : vector<16xi32>
        %shift_right_arithmetic3A_962 = arith.constant 7 : i32
        %shift_right_arithmetic3A_963 = vector.broadcast %shift_right_arithmetic3A_962 : i32 to vector<16xi32>
        %shift_right_arithmetic3A_964 = arith.shrsi %get3A_929, %shift_right_arithmetic3A_963 : vector<16xi32>
        %sub3A_965 = vector.broadcast %mul3A_647 : i32 to vector<16xi32>
        %sub3A_966 = arith.subi %shift_right_arithmetic3A_964, %sub3A_965 : vector<16xi32>
        %and3A_967 = arith.constant 127 : i32
        %and3A_968 = vector.broadcast %and3A_967 : i32 to vector<16xi32>
        %and3A_969 = arith.andi %get3A_929, %and3A_968 : vector<16xi32>
        tpu.vector_store_idx %arg12[%add3A_961, %sub3A_966, %and3A_969], %broadcast_in_dim3A_3 : memref<128x2x128xf32, #tpu.memory_space<vmem>>[vector<16xi32>, vector<16xi32>, vector<16xi32>], vector<16xf32>,
        %add3A_970 = arith.constant 32 : i32
        %add3A_971 = vector.broadcast %add3A_970 : i32 to vector<16xi32>
        %add3A_972 = arith.addi %iota3A, %add3A_971 : vector<16xi32>
        %shift_right_arithmetic3A_973 = arith.constant 7 : i32
        %shift_right_arithmetic3A_974 = vector.broadcast %shift_right_arithmetic3A_973 : i32 to vector<16xi32>
        %shift_right_arithmetic3A_975 = arith.shrsi %get3A_932, %shift_right_arithmetic3A_974 : vector<16xi32>
        %sub3A_976 = vector.broadcast %mul3A_647 : i32 to vector<16xi32>
        %sub3A_977 = arith.subi %shift_right_arithmetic3A_975, %sub3A_976 : vector<16xi32>
        %and3A_978 = arith.constant 127 : i32
        %and3A_979 = vector.broadcast %and3A_978 : i32 to vector<16xi32>
        %and3A_980 = arith.andi %get3A_932, %and3A_979 : vector<16xi32>
        tpu.vector_store_idx %arg12[%add3A_972, %sub3A_977, %and3A_980], %broadcast_in_dim3A_3 : memref<128x2x128xf32, #tpu.memory_space<vmem>>[vector<16xi32>, vector<16xi32>, vector<16xi32>], vector<16xf32>,
        %add3A_981 = arith.constant 48 : i32
        %add3A_982 = vector.broadcast %add3A_981 : i32 to vector<16xi32>
        %add3A_983 = arith.addi %iota3A, %add3A_982 : vector<16xi32>
        %shift_right_arithmetic3A_984 = arith.constant 7 : i32
        %shift_right_arithmetic3A_985 = vector.broadcast %shift_right_arithmetic3A_984 : i32 to vector<16xi32>
        %shift_right_arithmetic3A_986 = arith.shrsi %get3A_935, %shift_right_arithmetic3A_985 : vector<16xi32>
        %sub3A_987 = vector.broadcast %mul3A_647 : i32 to vector<16xi32>
        %sub3A_988 = arith.subi %shift_right_arithmetic3A_986, %sub3A_987 : vector<16xi32>
        %and3A_989 = arith.constant 127 : i32
        %and3A_990 = vector.broadcast %and3A_989 : i32 to vector<16xi32>
        %and3A_991 = arith.andi %get3A_935, %and3A_990 : vector<16xi32>
        tpu.vector_store_idx %arg12[%add3A_983, %sub3A_988, %and3A_991], %broadcast_in_dim3A_3 : memref<128x2x128xf32, #tpu.memory_space<vmem>>[vector<16xi32>, vector<16xi32>, vector<16xi32>], vector<16xf32>,
        %add3A_992 = arith.constant 64 : i32
        %add3A_993 = vector.broadcast %add3A_992 : i32 to vector<16xi32>
        %add3A_994 = arith.addi %iota3A, %add3A_993 : vector<16xi32>
        %shift_right_arithmetic3A_995 = arith.constant 7 : i32
        %shift_right_arithmetic3A_996 = vector.broadcast %shift_right_arithmetic3A_995 : i32 to vector<16xi32>
        %shift_right_arithmetic3A_997 = arith.shrsi %get3A_938, %shift_right_arithmetic3A_996 : vector<16xi32>
        %sub3A_998 = vector.broadcast %mul3A_647 : i32 to vector<16xi32>
        %sub3A_999 = arith.subi %shift_right_arithmetic3A_997, %sub3A_998 : vector<16xi32>
        %and3A_1000 = arith.constant 127 : i32
        %and3A_1001 = vector.broadcast %and3A_1000 : i32 to vector<16xi32>
        %and3A_1002 = arith.andi %get3A_938, %and3A_1001 : vector<16xi32>
        tpu.vector_store_idx %arg12[%add3A_994, %sub3A_999, %and3A_1002], %broadcast_in_dim3A_3 : memref<128x2x128xf32, #tpu.memory_space<vmem>>[vector<16xi32>, vector<16xi32>, vector<16xi32>], vector<16xf32>,
        %add3A_1003 = arith.constant 80 : i32
        %add3A_1004 = vector.broadcast %add3A_1003 : i32 to vector<16xi32>
        %add3A_1005 = arith.addi %iota3A, %add3A_1004 : vector<16xi32>
        %shift_right_arithmetic3A_1006 = arith.constant 7 : i32
        %shift_right_arithmetic3A_1007 = vector.broadcast %shift_right_arithmetic3A_1006 : i32 to vector<16xi32>
        %shift_right_arithmetic3A_1008 = arith.shrsi %get3A_941, %shift_right_arithmetic3A_1007 : vector<16xi32>
        %sub3A_1009 = vector.broadcast %mul3A_647 : i32 to vector<16xi32>
        %sub3A_1010 = arith.subi %shift_right_arithmetic3A_1008, %sub3A_1009 : vector<16xi32>
        %and3A_1011 = arith.constant 127 : i32
        %and3A_1012 = vector.broadcast %and3A_1011 : i32 to vector<16xi32>
        %and3A_1013 = arith.andi %get3A_941, %and3A_1012 : vector<16xi32>
        tpu.vector_store_idx %arg12[%add3A_1005, %sub3A_1010, %and3A_1013], %broadcast_in_dim3A_3 : memref<128x2x128xf32, #tpu.memory_space<vmem>>[vector<16xi32>, vector<16xi32>, vector<16xi32>], vector<16xf32>,
        %add3A_1014 = arith.constant 96 : i32
        %add3A_1015 = vector.broadcast %add3A_1014 : i32 to vector<16xi32>
        %add3A_1016 = arith.addi %iota3A, %add3A_1015 : vector<16xi32>
        %shift_right_arithmetic3A_1017 = arith.constant 7 : i32
        %shift_right_arithmetic3A_1018 = vector.broadcast %shift_right_arithmetic3A_1017 : i32 to vector<16xi32>
        %shift_right_arithmetic3A_1019 = arith.shrsi %get3A_944, %shift_right_arithmetic3A_1018 : vector<16xi32>
        %sub3A_1020 = vector.broadcast %mul3A_647 : i32 to vector<16xi32>
        %sub3A_1021 = arith.subi %shift_right_arithmetic3A_1019, %sub3A_1020 : vector<16xi32>
        %and3A_1022 = arith.constant 127 : i32
        %and3A_1023 = vector.broadcast %and3A_1022 : i32 to vector<16xi32>
        %and3A_1024 = arith.andi %get3A_944, %and3A_1023 : vector<16xi32>
        tpu.vector_store_idx %arg12[%add3A_1016, %sub3A_1021, %and3A_1024], %broadcast_in_dim3A_3 : memref<128x2x128xf32, #tpu.memory_space<vmem>>[vector<16xi32>, vector<16xi32>, vector<16xi32>], vector<16xf32>,
        %add3A_1025 = arith.constant 112 : i32
        %add3A_1026 = vector.broadcast %add3A_1025 : i32 to vector<16xi32>
        %add3A_1027 = arith.addi %iota3A, %add3A_1026 : vector<16xi32>
        %shift_right_arithmetic3A_1028 = arith.constant 7 : i32
        %shift_right_arithmetic3A_1029 = vector.broadcast %shift_right_arithmetic3A_1028 : i32 to vector<16xi32>
        %shift_right_arithmetic3A_1030 = arith.shrsi %get3A_947, %shift_right_arithmetic3A_1029 : vector<16xi32>
        %sub3A_1031 = vector.broadcast %mul3A_647 : i32 to vector<16xi32>
        %sub3A_1032 = arith.subi %shift_right_arithmetic3A_1030, %sub3A_1031 : vector<16xi32>
        %and3A_1033 = arith.constant 127 : i32
        %and3A_1034 = vector.broadcast %and3A_1033 : i32 to vector<16xi32>
        %and3A_1035 = arith.andi %get3A_947, %and3A_1034 : vector<16xi32>
        tpu.vector_store_idx %arg12[%add3A_1027, %sub3A_1032, %and3A_1035], %broadcast_in_dim3A_3 : memref<128x2x128xf32, #tpu.memory_space<vmem>>[vector<16xi32>, vector<16xi32>, vector<16xi32>], vector<16xf32>,
      }
      %scan3A_653 = arith.constant 64 : i32
      %shift_right_arithmetic3A_654 = arith.constant 1 : i32
      %shift_right_arithmetic3A_655 = arith.shrsi %add3A_570, %shift_right_arithmetic3A_654 : i32
      %add3A_656 = arith.addi %mul3A_2, %shift_right_arithmetic3A_655 : i32
      %shift_right_arithmetic3A_657 = arith.constant 6 : i32
      %shift_right_arithmetic3A_658 = arith.shrsi %add3A_656, %shift_right_arithmetic3A_657 : i32
      %and3A_659 = arith.constant 63 : i32
      %and3A_660 = arith.andi %add3A_656, %and3A_659 : i32
      %mul3A_661 = arith.constant 2 : i32
      %mul3A_662 = arith.muli %mul3A_661, %and3A_660 : i32
      %scan3A_663 = arith.constant 0 : i32
      %scan3A_664 = arith.constant 0 : i32
      %scan3A_665 = arith.constant 64 : i32
      %scan3A_666 = arith.addi %scan3A_664, %scan3A_665 : i32
      %scan3A_667 = arith.constant 1 : i32
      scf.for %scan3A_924 = %scan3A_664 to %scan3A_666 step %scan3A_667  : i32 {
        %get3A = arith.index_cast %scan3A_924 : i32 to index
        %get3A_925 = arith.constant 0 : index
        %get3A_926 = tpu.vector_load %arg8[%get3A, %get3A_925] {strides = array<i32>} : memref<64x128xi32, #tpu.memory_space<vmem>>, vector<16xi32>,
        %get3A_927 = arith.index_cast %scan3A_924 : i32 to index
        %get3A_928 = arith.constant 0 : index
        %get3A_929 = tpu.vector_load %arg6[%get3A_927, %get3A_928] {strides = array<i32>} : memref<64x128xf32, #tpu.memory_space<vmem>>, vector<16xf32>,
        %get3A_930 = arith.index_cast %scan3A_924 : i32 to index
        %get3A_931 = arith.constant 16 : index
        %get3A_932 = tpu.vector_load %arg8[%get3A_930, %get3A_931] {strides = array<i32>} : memref<64x128xi32, #tpu.memory_space<vmem>>, vector<16xi32>,
        %get3A_933 = arith.index_cast %scan3A_924 : i32 to index
        %get3A_934 = arith.constant 16 : index
        %get3A_935 = tpu.vector_load %arg6[%get3A_933, %get3A_934] {strides = array<i32>} : memref<64x128xf32, #tpu.memory_space<vmem>>, vector<16xf32>,
        %get3A_936 = arith.index_cast %scan3A_924 : i32 to index
        %get3A_937 = arith.constant 32 : index
        %get3A_938 = tpu.vector_load %arg8[%get3A_936, %get3A_937] {strides = array<i32>} : memref<64x128xi32, #tpu.memory_space<vmem>>, vector<16xi32>,
        %get3A_939 = arith.index_cast %scan3A_924 : i32 to index
        %get3A_940 = arith.constant 32 : index
        %get3A_941 = tpu.vector_load %arg6[%get3A_939, %get3A_940] {strides = array<i32>} : memref<64x128xf32, #tpu.memory_space<vmem>>, vector<16xf32>,
        %get3A_942 = arith.index_cast %scan3A_924 : i32 to index
        %get3A_943 = arith.constant 48 : index
        %get3A_944 = tpu.vector_load %arg8[%get3A_942, %get3A_943] {strides = array<i32>} : memref<64x128xi32, #tpu.memory_space<vmem>>, vector<16xi32>,
        %get3A_945 = arith.index_cast %scan3A_924 : i32 to index
        %get3A_946 = arith.constant 48 : index
        %get3A_947 = tpu.vector_load %arg6[%get3A_945, %get3A_946] {strides = array<i32>} : memref<64x128xf32, #tpu.memory_space<vmem>>, vector<16xf32>,
        %get3A_948 = arith.index_cast %scan3A_924 : i32 to index
        %get3A_949 = arith.constant 64 : index
        %get3A_950 = tpu.vector_load %arg8[%get3A_948, %get3A_949] {strides = array<i32>} : memref<64x128xi32, #tpu.memory_space<vmem>>, vector<16xi32>,
        %get3A_951 = arith.index_cast %scan3A_924 : i32 to index
        %get3A_952 = arith.constant 64 : index
        %get3A_953 = tpu.vector_load %arg6[%get3A_951, %get3A_952] {strides = array<i32>} : memref<64x128xf32, #tpu.memory_space<vmem>>, vector<16xf32>,
        %get3A_954 = arith.index_cast %scan3A_924 : i32 to index
        %get3A_955 = arith.constant 80 : index
        %get3A_956 = tpu.vector_load %arg8[%get3A_954, %get3A_955] {strides = array<i32>} : memref<64x128xi32, #tpu.memory_space<vmem>>, vector<16xi32>,
        %get3A_957 = arith.index_cast %scan3A_924 : i32 to index
        %get3A_958 = arith.constant 80 : index
        %get3A_959 = tpu.vector_load %arg6[%get3A_957, %get3A_958] {strides = array<i32>} : memref<64x128xf32, #tpu.memory_space<vmem>>, vector<16xf32>,
        %get3A_960 = arith.index_cast %scan3A_924 : i32 to index
        %get3A_961 = arith.constant 96 : index
        %get3A_962 = tpu.vector_load %arg8[%get3A_960, %get3A_961] {strides = array<i32>} : memref<64x128xi32, #tpu.memory_space<vmem>>, vector<16xi32>,
        %get3A_963 = arith.index_cast %scan3A_924 : i32 to index
        %get3A_964 = arith.constant 96 : index
        %get3A_965 = tpu.vector_load %arg6[%get3A_963, %get3A_964] {strides = array<i32>} : memref<64x128xf32, #tpu.memory_space<vmem>>, vector<16xf32>,
        %get3A_966 = arith.index_cast %scan3A_924 : i32 to index
        %get3A_967 = arith.constant 112 : index
        %get3A_968 = tpu.vector_load %arg8[%get3A_966, %get3A_967] {strides = array<i32>} : memref<64x128xi32, #tpu.memory_space<vmem>>, vector<16xi32>,
        %get3A_969 = arith.index_cast %scan3A_924 : i32 to index
        %get3A_970 = arith.constant 112 : index
        %get3A_971 = tpu.vector_load %arg6[%get3A_969, %get3A_970] {strides = array<i32>} : memref<64x128xf32, #tpu.memory_space<vmem>>, vector<16xf32>,
        %add3A_972 = arith.constant 0 : i32
        %add3A_973 = vector.broadcast %add3A_972 : i32 to vector<16xi32>
        %add3A_974 = arith.addi %iota3A, %add3A_973 : vector<16xi32>
        %shift_right_arithmetic3A_975 = arith.constant 7 : i32
        %shift_right_arithmetic3A_976 = vector.broadcast %shift_right_arithmetic3A_975 : i32 to vector<16xi32>
        %shift_right_arithmetic3A_977 = arith.shrsi %get3A_926, %shift_right_arithmetic3A_976 : vector<16xi32>
        %sub3A_978 = vector.broadcast %mul3A_662 : i32 to vector<16xi32>
        %sub3A_979 = arith.subi %shift_right_arithmetic3A_977, %sub3A_978 : vector<16xi32>
        %and3A_980 = arith.constant 127 : i32
        %and3A_981 = vector.broadcast %and3A_980 : i32 to vector<16xi32>
        %and3A_982 = arith.andi %get3A_926, %and3A_981 : vector<16xi32>
        tpu.vector_store_idx %arg12[%add3A_974, %sub3A_979, %and3A_982], %get3A_929 : memref<128x2x128xf32, #tpu.memory_space<vmem>>[vector<16xi32>, vector<16xi32>, vector<16xi32>], vector<16xf32>,
        %add3A_983 = arith.constant 16 : i32
        %add3A_984 = vector.broadcast %add3A_983 : i32 to vector<16xi32>
        %add3A_985 = arith.addi %iota3A, %add3A_984 : vector<16xi32>
        %shift_right_arithmetic3A_986 = arith.constant 7 : i32
        %shift_right_arithmetic3A_987 = vector.broadcast %shift_right_arithmetic3A_986 : i32 to vector<16xi32>
        %shift_right_arithmetic3A_988 = arith.shrsi %get3A_932, %shift_right_arithmetic3A_987 : vector<16xi32>
        %sub3A_989 = vector.broadcast %mul3A_662 : i32 to vector<16xi32>
        %sub3A_990 = arith.subi %shift_right_arithmetic3A_988, %sub3A_989 : vector<16xi32>
        %and3A_991 = arith.constant 127 : i32
        %and3A_992 = vector.broadcast %and3A_991 : i32 to vector<16xi32>
        %and3A_993 = arith.andi %get3A_932, %and3A_992 : vector<16xi32>
        tpu.vector_store_idx %arg12[%add3A_985, %sub3A_990, %and3A_993], %get3A_935 : memref<128x2x128xf32, #tpu.memory_space<vmem>>[vector<16xi32>, vector<16xi32>, vector<16xi32>], vector<16xf32>,
        %add3A_994 = arith.constant 32 : i32
        %add3A_995 = vector.broadcast %add3A_994 : i32 to vector<16xi32>
        %add3A_996 = arith.addi %iota3A, %add3A_995 : vector<16xi32>
        %shift_right_arithmetic3A_997 = arith.constant 7 : i32
        %shift_right_arithmetic3A_998 = vector.broadcast %shift_right_arithmetic3A_997 : i32 to vector<16xi32>
        %shift_right_arithmetic3A_999 = arith.shrsi %get3A_938, %shift_right_arithmetic3A_998 : vector<16xi32>
        %sub3A_1000 = vector.broadcast %mul3A_662 : i32 to vector<16xi32>
        %sub3A_1001 = arith.subi %shift_right_arithmetic3A_999, %sub3A_1000 : vector<16xi32>
        %and3A_1002 = arith.constant 127 : i32
        %and3A_1003 = vector.broadcast %and3A_1002 : i32 to vector<16xi32>
        %and3A_1004 = arith.andi %get3A_938, %and3A_1003 : vector<16xi32>
        tpu.vector_store_idx %arg12[%add3A_996, %sub3A_1001, %and3A_1004], %get3A_941 : memref<128x2x128xf32, #tpu.memory_space<vmem>>[vector<16xi32>, vector<16xi32>, vector<16xi32>], vector<16xf32>,
        %add3A_1005 = arith.constant 48 : i32
        %add3A_1006 = vector.broadcast %add3A_1005 : i32 to vector<16xi32>
        %add3A_1007 = arith.addi %iota3A, %add3A_1006 : vector<16xi32>
        %shift_right_arithmetic3A_1008 = arith.constant 7 : i32
        %shift_right_arithmetic3A_1009 = vector.broadcast %shift_right_arithmetic3A_1008 : i32 to vector<16xi32>
        %shift_right_arithmetic3A_1010 = arith.shrsi %get3A_944, %shift_right_arithmetic3A_1009 : vector<16xi32>
        %sub3A_1011 = vector.broadcast %mul3A_662 : i32 to vector<16xi32>
        %sub3A_1012 = arith.subi %shift_right_arithmetic3A_1010, %sub3A_1011 : vector<16xi32>
        %and3A_1013 = arith.constant 127 : i32
        %and3A_1014 = vector.broadcast %and3A_1013 : i32 to vector<16xi32>
        %and3A_1015 = arith.andi %get3A_944, %and3A_1014 : vector<16xi32>
        tpu.vector_store_idx %arg12[%add3A_1007, %sub3A_1012, %and3A_1015], %get3A_947 : memref<128x2x128xf32, #tpu.memory_space<vmem>>[vector<16xi32>, vector<16xi32>, vector<16xi32>], vector<16xf32>,
        %add3A_1016 = arith.constant 64 : i32
        %add3A_1017 = vector.broadcast %add3A_1016 : i32 to vector<16xi32>
        %add3A_1018 = arith.addi %iota3A, %add3A_1017 : vector<16xi32>
        %shift_right_arithmetic3A_1019 = arith.constant 7 : i32
        %shift_right_arithmetic3A_1020 = vector.broadcast %shift_right_arithmetic3A_1019 : i32 to vector<16xi32>
        %shift_right_arithmetic3A_1021 = arith.shrsi %get3A_950, %shift_right_arithmetic3A_1020 : vector<16xi32>
        %sub3A_1022 = vector.broadcast %mul3A_662 : i32 to vector<16xi32>
        %sub3A_1023 = arith.subi %shift_right_arithmetic3A_1021, %sub3A_1022 : vector<16xi32>
        %and3A_1024 = arith.constant 127 : i32
        %and3A_1025 = vector.broadcast %and3A_1024 : i32 to vector<16xi32>
        %and3A_1026 = arith.andi %get3A_950, %and3A_1025 : vector<16xi32>
        tpu.vector_store_idx %arg12[%add3A_1018, %sub3A_1023, %and3A_1026], %get3A_953 : memref<128x2x128xf32, #tpu.memory_space<vmem>>[vector<16xi32>, vector<16xi32>, vector<16xi32>], vector<16xf32>,
        %add3A_1027 = arith.constant 80 : i32
        %add3A_1028 = vector.broadcast %add3A_1027 : i32 to vector<16xi32>
        %add3A_1029 = arith.addi %iota3A, %add3A_1028 : vector<16xi32>
        %shift_right_arithmetic3A_1030 = arith.constant 7 : i32
        %shift_right_arithmetic3A_1031 = vector.broadcast %shift_right_arithmetic3A_1030 : i32 to vector<16xi32>
        %shift_right_arithmetic3A_1032 = arith.shrsi %get3A_956, %shift_right_arithmetic3A_1031 : vector<16xi32>
        %sub3A_1033 = vector.broadcast %mul3A_662 : i32 to vector<16xi32>
        %sub3A_1034 = arith.subi %shift_right_arithmetic3A_1032, %sub3A_1033 : vector<16xi32>
        %and3A_1035 = arith.constant 127 : i32
        %and3A_1036 = vector.broadcast %and3A_1035 : i32 to vector<16xi32>
        %and3A_1037 = arith.andi %get3A_956, %and3A_1036 : vector<16xi32>
        tpu.vector_store_idx %arg12[%add3A_1029, %sub3A_1034, %and3A_1037], %get3A_959 : memref<128x2x128xf32, #tpu.memory_space<vmem>>[vector<16xi32>, vector<16xi32>, vector<16xi32>], vector<16xf32>,
        %add3A_1038 = arith.constant 96 : i32
        %add3A_1039 = vector.broadcast %add3A_1038 : i32 to vector<16xi32>
        %add3A_1040 = arith.addi %iota3A, %add3A_1039 : vector<16xi32>
        %shift_right_arithmetic3A_1041 = arith.constant 7 : i32
        %shift_right_arithmetic3A_1042 = vector.broadcast %shift_right_arithmetic3A_1041 : i32 to vector<16xi32>
        %shift_right_arithmetic3A_1043 = arith.shrsi %get3A_962, %shift_right_arithmetic3A_1042 : vector<16xi32>
        %sub3A_1044 = vector.broadcast %mul3A_662 : i32 to vector<16xi32>
        %sub3A_1045 = arith.subi %shift_right_arithmetic3A_1043, %sub3A_1044 : vector<16xi32>
        %and3A_1046 = arith.constant 127 : i32
        %and3A_1047 = vector.broadcast %and3A_1046 : i32 to vector<16xi32>
        %and3A_1048 = arith.andi %get3A_962, %and3A_1047 : vector<16xi32>
        tpu.vector_store_idx %arg12[%add3A_1040, %sub3A_1045, %and3A_1048], %get3A_965 : memref<128x2x128xf32, #tpu.memory_space<vmem>>[vector<16xi32>, vector<16xi32>, vector<16xi32>], vector<16xf32>,
        %add3A_1049 = arith.constant 112 : i32
        %add3A_1050 = vector.broadcast %add3A_1049 : i32 to vector<16xi32>
        %add3A_1051 = arith.addi %iota3A, %add3A_1050 : vector<16xi32>
        %shift_right_arithmetic3A_1052 = arith.constant 7 : i32
        %shift_right_arithmetic3A_1053 = vector.broadcast %shift_right_arithmetic3A_1052 : i32 to vector<16xi32>
        %shift_right_arithmetic3A_1054 = arith.shrsi %get3A_968, %shift_right_arithmetic3A_1053 : vector<16xi32>
        %sub3A_1055 = vector.broadcast %mul3A_662 : i32 to vector<16xi32>
        %sub3A_1056 = arith.subi %shift_right_arithmetic3A_1054, %sub3A_1055 : vector<16xi32>
        %and3A_1057 = arith.constant 127 : i32
        %and3A_1058 = vector.broadcast %and3A_1057 : i32 to vector<16xi32>
        %and3A_1059 = arith.andi %get3A_968, %and3A_1058 : vector<16xi32>
        tpu.vector_store_idx %arg12[%add3A_1051, %sub3A_1056, %and3A_1059], %get3A_971 : memref<128x2x128xf32, #tpu.memory_space<vmem>>[vector<16xi32>, vector<16xi32>, vector<16xi32>], vector<16xf32>,
      }
      %scan3A_668 = arith.constant 64 : i32
      %shift_right_arithmetic3A_669 = arith.constant 1 : i32
      %shift_right_arithmetic3A_670 = arith.shrsi %add3A_570, %shift_right_arithmetic3A_669 : i32
      %add3A_671 = arith.addi %mul3A_2, %shift_right_arithmetic3A_670 : i32
      %shift_right_arithmetic3A_672 = arith.constant 6 : i32
      %shift_right_arithmetic3A_673 = arith.shrsi %add3A_671, %shift_right_arithmetic3A_672 : i32
      %and3A_674 = arith.constant 63 : i32
      %and3A_675 = arith.andi %add3A_671, %and3A_674 : i32
      %mul3A_676 = arith.constant 2 : i32
      %mul3A_677 = arith.muli %mul3A_676, %and3A_675 : i32
      %dma_start3A_678 = arith.constant 128 : i32
      %dma_start3A_679 = arith.constant 0 : i32
      %dma_start3A_680 = tpu.memref_slice %arg4[%shift_right_arithmetic3A_673, %dma_start3A_678, %mul3A_677, %dma_start3A_679] : memref<8x256x128x128xf32, #tpu.memory_space<hbm>> -> memref<1x128x2x128xf32, #tpu.memory_space<hbm>>
      %dma_start3A_681 = tpu.memref_squeeze %dma_start3A_680 : memref<1x128x2x128xf32, #tpu.memory_space<hbm>> -> memref<128x2x128xf32, #tpu.memory_space<hbm>>
      %dma_start3A_682 = arith.constant 128 : i32
      %dma_start3A_683 = arith.constant 0 : i32
      %dma_start3A_684 = tpu.memref_slice %arg4[%shift_right_arithmetic3A_673, %dma_start3A_682, %mul3A_677, %dma_start3A_683] : memref<8x256x128x128xf32, #tpu.memory_space<hbm>> -> memref<1x128x2x128xf32, #tpu.memory_space<hbm>>
      %dma_start3A_685 = tpu.memref_squeeze %dma_start3A_684 : memref<1x128x2x128xf32, #tpu.memory_space<hbm>> -> memref<128x2x128xf32, #tpu.memory_space<hbm>>
      tpu.enqueue_dma source(%arg12 : memref<128x2x128xf32, #tpu.memory_space<vmem>>) target(%dma_start3A_685 : memref<128x2x128xf32, #tpu.memory_space<hbm>>) target_semaphore(%arg20 : memref<!tpu.dma_semaphore, #tpu.memory_space<semaphore_mem>>)
      %mul3A_686 = arith.constant 4 : i32
      %mul3A_687 = arith.muli %mul3A_686, %scan3A_448 : i32
      %add3A_688 = arith.constant 2 : i32
      %add3A_689 = arith.addi %mul3A_687, %add3A_688 : i32
      %dma_wait3A_690 = arith.constant 0 : i32
      %dma_wait3A_691 = arith.constant 0 : i32
      %dma_wait3A_692 = arith.constant 0 : i32
      %dma_wait3A_693 = arith.constant 0 : i32
      %dma_wait3A_694 = tpu.memref_slice %arg2[%dma_wait3A_690, %dma_wait3A_691, %dma_wait3A_692, %dma_wait3A_693] : memref<8x64x64x256xf32, #tpu.memory_space<hbm>> -> memref<1x1x64x128xf32, #tpu.memory_space<hbm>>
      %dma_wait3A_695 = tpu.memref_squeeze %dma_wait3A_694 : memref<1x1x64x128xf32, #tpu.memory_space<hbm>> -> memref<64x128xf32, #tpu.memory_space<hbm>>
      %dma_wait3A_696 = arith.constant 0 : i32
      %dma_wait3A_697 = arith.constant 0 : i32
      %dma_wait3A_698 = tpu.memref_slice %arg2[%dma_wait3A_690, %dma_wait3A_691, %dma_wait3A_696, %dma_wait3A_697] : memref<8x64x64x256xf32, #tpu.memory_space<hbm>> -> memref<1x1x64x128xf32, #tpu.memory_space<hbm>>
      %dma_wait3A_699 = tpu.memref_squeeze %dma_wait3A_698 : memref<1x1x64x128xf32, #tpu.memory_space<hbm>> -> memref<64x128xf32, #tpu.memory_space<hbm>>
      tpu.wait_dma2 semaphore(%arg13 : memref<!tpu.dma_semaphore, #tpu.memory_space<semaphore_mem>>) src(%dma_wait3A_699 : memref<64x128xf32, #tpu.memory_space<hbm>>) dst(%arg5 : memref<64x128xf32, #tpu.memory_space<vmem>>)
      %dma_wait3A_700 = arith.constant 0 : i32
      %dma_wait3A_701 = arith.constant 0 : i32
      %dma_wait3A_702 = arith.constant 0 : i32
      %dma_wait3A_703 = arith.constant 0 : i32
      %dma_wait3A_704 = tpu.memref_slice %arg3[%dma_wait3A_700, %dma_wait3A_701, %dma_wait3A_702, %dma_wait3A_703] : memref<8x64x64x256xi32, #tpu.memory_space<hbm>> -> memref<1x1x64x128xi32, #tpu.memory_space<hbm>>
      %dma_wait3A_705 = tpu.memref_squeeze %dma_wait3A_704 : memref<1x1x64x128xi32, #tpu.memory_space<hbm>> -> memref<64x128xi32, #tpu.memory_space<hbm>>
      %dma_wait3A_706 = arith.constant 0 : i32
      %dma_wait3A_707 = arith.constant 0 : i32
      %dma_wait3A_708 = tpu.memref_slice %arg3[%dma_wait3A_700, %dma_wait3A_701, %dma_wait3A_706, %dma_wait3A_707] : memref<8x64x64x256xi32, #tpu.memory_space<hbm>> -> memref<1x1x64x128xi32, #tpu.memory_space<hbm>>
      %dma_wait3A_709 = tpu.memref_squeeze %dma_wait3A_708 : memref<1x1x64x128xi32, #tpu.memory_space<hbm>> -> memref<64x128xi32, #tpu.memory_space<hbm>>
      tpu.wait_dma2 semaphore(%arg17 : memref<!tpu.dma_semaphore, #tpu.memory_space<semaphore_mem>>) src(%dma_wait3A_709 : memref<64x128xi32, #tpu.memory_space<hbm>>) dst(%arg9 : memref<64x128xi32, #tpu.memory_space<vmem>>)
      %add3A_710 = arith.constant 1 : i32
      %add3A_711 = arith.addi %add3A_689, %add3A_710 : i32
      %min3A_712 = arith.constant 31 : i32
      %min3A_713 = arith.minsi %add3A_711, %min3A_712 : i32
      %shift_right_arithmetic3A_714 = arith.constant 1 : i32
      %shift_right_arithmetic3A_715 = arith.shrsi %min3A_713, %shift_right_arithmetic3A_714 : i32
      %add3A_716 = arith.addi %mul3A_2, %shift_right_arithmetic3A_715 : i32
      %shift_right_arithmetic3A_717 = arith.constant 6 : i32
      %shift_right_arithmetic3A_718 = arith.shrsi %add3A_716, %shift_right_arithmetic3A_717 : i32
      %and3A_719 = arith.constant 63 : i32
      %and3A_720 = arith.andi %add3A_716, %and3A_719 : i32
      %dma_start3A_721 = arith.constant 0 : i32
      %dma_start3A_722 = arith.constant 128 : i32
      %dma_start3A_723 = tpu.memref_slice %arg2[%shift_right_arithmetic3A_718, %and3A_720, %dma_start3A_721, %dma_start3A_722] : memref<8x64x64x256xf32, #tpu.memory_space<hbm>> -> memref<1x1x64x128xf32, #tpu.memory_space<hbm>>
      %dma_start3A_724 = tpu.memref_squeeze %dma_start3A_723 : memref<1x1x64x128xf32, #tpu.memory_space<hbm>> -> memref<64x128xf32, #tpu.memory_space<hbm>>
      %dma_start3A_725 = arith.constant 0 : i32
      %dma_start3A_726 = arith.constant 128 : i32
      %dma_start3A_727 = tpu.memref_slice %arg2[%shift_right_arithmetic3A_718, %and3A_720, %dma_start3A_725, %dma_start3A_726] : memref<8x64x64x256xf32, #tpu.memory_space<hbm>> -> memref<1x1x64x128xf32, #tpu.memory_space<hbm>>
      %dma_start3A_728 = tpu.memref_squeeze %dma_start3A_727 : memref<1x1x64x128xf32, #tpu.memory_space<hbm>> -> memref<64x128xf32, #tpu.memory_space<hbm>>
      tpu.enqueue_dma source(%dma_start3A_728 : memref<64x128xf32, #tpu.memory_space<hbm>>) target(%arg6 : memref<64x128xf32, #tpu.memory_space<vmem>>) target_semaphore(%arg14 : memref<!tpu.dma_semaphore, #tpu.memory_space<semaphore_mem>>)
      %dma_start3A_729 = arith.constant 0 : i32
      %dma_start3A_730 = arith.constant 128 : i32
      %dma_start3A_731 = tpu.memref_slice %arg3[%shift_right_arithmetic3A_718, %and3A_720, %dma_start3A_729, %dma_start3A_730] : memref<8x64x64x256xi32, #tpu.memory_space<hbm>> -> memref<1x1x64x128xi32, #tpu.memory_space<hbm>>
      %dma_start3A_732 = tpu.memref_squeeze %dma_start3A_731 : memref<1x1x64x128xi32, #tpu.memory_space<hbm>> -> memref<64x128xi32, #tpu.memory_space<hbm>>
      %dma_start3A_733 = arith.constant 0 : i32
      %dma_start3A_734 = arith.constant 128 : i32
      %dma_start3A_735 = tpu.memref_slice %arg3[%shift_right_arithmetic3A_718, %and3A_720, %dma_start3A_733, %dma_start3A_734] : memref<8x64x64x256xi32, #tpu.memory_space<hbm>> -> memref<1x1x64x128xi32, #tpu.memory_space<hbm>>
      %dma_start3A_736 = tpu.memref_squeeze %dma_start3A_735 : memref<1x1x64x128xi32, #tpu.memory_space<hbm>> -> memref<64x128xi32, #tpu.memory_space<hbm>>
      tpu.enqueue_dma source(%dma_start3A_736 : memref<64x128xi32, #tpu.memory_space<hbm>>) target(%arg10 : memref<64x128xi32, #tpu.memory_space<vmem>>) target_semaphore(%arg18 : memref<!tpu.dma_semaphore, #tpu.memory_space<semaphore_mem>>)
      %sub3A_737 = arith.constant 2 : i32
      %sub3A_738 = arith.subi %add3A_689, %sub3A_737 : i32
      %shift_right_arithmetic3A_739 = arith.constant 1 : i32
      %shift_right_arithmetic3A_740 = arith.shrsi %sub3A_738, %shift_right_arithmetic3A_739 : i32
      %add3A_741 = arith.addi %mul3A_2, %shift_right_arithmetic3A_740 : i32
      %shift_right_arithmetic3A_742 = arith.constant 6 : i32
      %shift_right_arithmetic3A_743 = arith.shrsi %add3A_741, %shift_right_arithmetic3A_742 : i32
      %and3A_744 = arith.constant 63 : i32
      %and3A_745 = arith.andi %add3A_741, %and3A_744 : i32
      %mul3A_746 = arith.constant 2 : i32
      %mul3A_747 = arith.muli %mul3A_746, %and3A_745 : i32
      %dma_wait3A_748 = arith.constant 0 : i32
      %dma_wait3A_749 = arith.constant 0 : i32
      %dma_wait3A_750 = tpu.memref_slice %arg4[%shift_right_arithmetic3A_743, %dma_wait3A_748, %mul3A_747, %dma_wait3A_749] : memref<8x256x128x128xf32, #tpu.memory_space<hbm>> -> memref<1x128x2x128xf32, #tpu.memory_space<hbm>>
      %dma_wait3A_751 = tpu.memref_squeeze %dma_wait3A_750 : memref<1x128x2x128xf32, #tpu.memory_space<hbm>> -> memref<128x2x128xf32, #tpu.memory_space<hbm>>
      %dma_wait3A_752 = arith.constant 0 : i32
      %dma_wait3A_753 = arith.constant 0 : i32
      %dma_wait3A_754 = tpu.memref_slice %arg4[%shift_right_arithmetic3A_743, %dma_wait3A_752, %mul3A_747, %dma_wait3A_753] : memref<8x256x128x128xf32, #tpu.memory_space<hbm>> -> memref<1x128x2x128xf32, #tpu.memory_space<hbm>>
      %dma_wait3A_755 = tpu.memref_squeeze %dma_wait3A_754 : memref<1x128x2x128xf32, #tpu.memory_space<hbm>> -> memref<128x2x128xf32, #tpu.memory_space<hbm>>
      tpu.wait_dma2 semaphore(%arg19 : memref<!tpu.dma_semaphore, #tpu.memory_space<semaphore_mem>>) src(%arg11 : memref<128x2x128xf32, #tpu.memory_space<vmem>>) dst(%dma_wait3A_755 : memref<128x2x128xf32, #tpu.memory_space<hbm>>)
      %sub3A_756 = arith.constant 2 : i32
      %sub3A_757 = arith.subi %add3A_689, %sub3A_756 : i32
      %shift_right_arithmetic3A_758 = arith.constant 1 : i32
      %shift_right_arithmetic3A_759 = arith.shrsi %sub3A_757, %shift_right_arithmetic3A_758 : i32
      %add3A_760 = arith.addi %mul3A_2, %shift_right_arithmetic3A_759 : i32
      %shift_right_arithmetic3A_761 = arith.constant 6 : i32
      %shift_right_arithmetic3A_762 = arith.shrsi %add3A_760, %shift_right_arithmetic3A_761 : i32
      %and3A_763 = arith.constant 63 : i32
      %and3A_764 = arith.andi %add3A_760, %and3A_763 : i32
      %mul3A_765 = arith.constant 2 : i32
      %mul3A_766 = arith.muli %mul3A_765, %and3A_764 : i32
      %scan3A_767 = arith.constant 0 : i32
      %scan3A_768 = arith.constant 0 : i32
      %scan3A_769 = arith.constant 64 : i32
      %scan3A_770 = arith.addi %scan3A_768, %scan3A_769 : i32
      %scan3A_771 = arith.constant 1 : i32
      scf.for %scan3A_924 = %scan3A_768 to %scan3A_770 step %scan3A_771  : i32 {
        %get3A = arith.index_cast %scan3A_924 : i32 to index
        %get3A_925 = arith.constant 0 : index
        %get3A_926 = tpu.vector_load %arg7[%get3A, %get3A_925] {strides = array<i32>} : memref<64x128xi32, #tpu.memory_space<vmem>>, vector<16xi32>,
        %get3A_927 = arith.index_cast %scan3A_924 : i32 to index
        %get3A_928 = arith.constant 16 : index
        %get3A_929 = tpu.vector_load %arg7[%get3A_927, %get3A_928] {strides = array<i32>} : memref<64x128xi32, #tpu.memory_space<vmem>>, vector<16xi32>,
        %get3A_930 = arith.index_cast %scan3A_924 : i32 to index
        %get3A_931 = arith.constant 32 : index
        %get3A_932 = tpu.vector_load %arg7[%get3A_930, %get3A_931] {strides = array<i32>} : memref<64x128xi32, #tpu.memory_space<vmem>>, vector<16xi32>,
        %get3A_933 = arith.index_cast %scan3A_924 : i32 to index
        %get3A_934 = arith.constant 48 : index
        %get3A_935 = tpu.vector_load %arg7[%get3A_933, %get3A_934] {strides = array<i32>} : memref<64x128xi32, #tpu.memory_space<vmem>>, vector<16xi32>,
        %get3A_936 = arith.index_cast %scan3A_924 : i32 to index
        %get3A_937 = arith.constant 64 : index
        %get3A_938 = tpu.vector_load %arg7[%get3A_936, %get3A_937] {strides = array<i32>} : memref<64x128xi32, #tpu.memory_space<vmem>>, vector<16xi32>,
        %get3A_939 = arith.index_cast %scan3A_924 : i32 to index
        %get3A_940 = arith.constant 80 : index
        %get3A_941 = tpu.vector_load %arg7[%get3A_939, %get3A_940] {strides = array<i32>} : memref<64x128xi32, #tpu.memory_space<vmem>>, vector<16xi32>,
        %get3A_942 = arith.index_cast %scan3A_924 : i32 to index
        %get3A_943 = arith.constant 96 : index
        %get3A_944 = tpu.vector_load %arg7[%get3A_942, %get3A_943] {strides = array<i32>} : memref<64x128xi32, #tpu.memory_space<vmem>>, vector<16xi32>,
        %get3A_945 = arith.index_cast %scan3A_924 : i32 to index
        %get3A_946 = arith.constant 112 : index
        %get3A_947 = tpu.vector_load %arg7[%get3A_945, %get3A_946] {strides = array<i32>} : memref<64x128xi32, #tpu.memory_space<vmem>>, vector<16xi32>,
        %add3A_948 = arith.constant 0 : i32
        %add3A_949 = vector.broadcast %add3A_948 : i32 to vector<16xi32>
        %add3A_950 = arith.addi %iota3A, %add3A_949 : vector<16xi32>
        %shift_right_arithmetic3A_951 = arith.constant 7 : i32
        %shift_right_arithmetic3A_952 = vector.broadcast %shift_right_arithmetic3A_951 : i32 to vector<16xi32>
        %shift_right_arithmetic3A_953 = arith.shrsi %get3A_926, %shift_right_arithmetic3A_952 : vector<16xi32>
        %sub3A_954 = vector.broadcast %mul3A_766 : i32 to vector<16xi32>
        %sub3A_955 = arith.subi %shift_right_arithmetic3A_953, %sub3A_954 : vector<16xi32>
        %and3A_956 = arith.constant 127 : i32
        %and3A_957 = vector.broadcast %and3A_956 : i32 to vector<16xi32>
        %and3A_958 = arith.andi %get3A_926, %and3A_957 : vector<16xi32>
        tpu.vector_store_idx %arg11[%add3A_950, %sub3A_955, %and3A_958], %broadcast_in_dim3A_3 : memref<128x2x128xf32, #tpu.memory_space<vmem>>[vector<16xi32>, vector<16xi32>, vector<16xi32>], vector<16xf32>,
        %add3A_959 = arith.constant 16 : i32
        %add3A_960 = vector.broadcast %add3A_959 : i32 to vector<16xi32>
        %add3A_961 = arith.addi %iota3A, %add3A_960 : vector<16xi32>
        %shift_right_arithmetic3A_962 = arith.constant 7 : i32
        %shift_right_arithmetic3A_963 = vector.broadcast %shift_right_arithmetic3A_962 : i32 to vector<16xi32>
        %shift_right_arithmetic3A_964 = arith.shrsi %get3A_929, %shift_right_arithmetic3A_963 : vector<16xi32>
        %sub3A_965 = vector.broadcast %mul3A_766 : i32 to vector<16xi32>
        %sub3A_966 = arith.subi %shift_right_arithmetic3A_964, %sub3A_965 : vector<16xi32>
        %and3A_967 = arith.constant 127 : i32
        %and3A_968 = vector.broadcast %and3A_967 : i32 to vector<16xi32>
        %and3A_969 = arith.andi %get3A_929, %and3A_968 : vector<16xi32>
        tpu.vector_store_idx %arg11[%add3A_961, %sub3A_966, %and3A_969], %broadcast_in_dim3A_3 : memref<128x2x128xf32, #tpu.memory_space<vmem>>[vector<16xi32>, vector<16xi32>, vector<16xi32>], vector<16xf32>,
        %add3A_970 = arith.constant 32 : i32
        %add3A_971 = vector.broadcast %add3A_970 : i32 to vector<16xi32>
        %add3A_972 = arith.addi %iota3A, %add3A_971 : vector<16xi32>
        %shift_right_arithmetic3A_973 = arith.constant 7 : i32
        %shift_right_arithmetic3A_974 = vector.broadcast %shift_right_arithmetic3A_973 : i32 to vector<16xi32>
        %shift_right_arithmetic3A_975 = arith.shrsi %get3A_932, %shift_right_arithmetic3A_974 : vector<16xi32>
        %sub3A_976 = vector.broadcast %mul3A_766 : i32 to vector<16xi32>
        %sub3A_977 = arith.subi %shift_right_arithmetic3A_975, %sub3A_976 : vector<16xi32>
        %and3A_978 = arith.constant 127 : i32
        %and3A_979 = vector.broadcast %and3A_978 : i32 to vector<16xi32>
        %and3A_980 = arith.andi %get3A_932, %and3A_979 : vector<16xi32>
        tpu.vector_store_idx %arg11[%add3A_972, %sub3A_977, %and3A_980], %broadcast_in_dim3A_3 : memref<128x2x128xf32, #tpu.memory_space<vmem>>[vector<16xi32>, vector<16xi32>, vector<16xi32>], vector<16xf32>,
        %add3A_981 = arith.constant 48 : i32
        %add3A_982 = vector.broadcast %add3A_981 : i32 to vector<16xi32>
        %add3A_983 = arith.addi %iota3A, %add3A_982 : vector<16xi32>
        %shift_right_arithmetic3A_984 = arith.constant 7 : i32
        %shift_right_arithmetic3A_985 = vector.broadcast %shift_right_arithmetic3A_984 : i32 to vector<16xi32>
        %shift_right_arithmetic3A_986 = arith.shrsi %get3A_935, %shift_right_arithmetic3A_985 : vector<16xi32>
        %sub3A_987 = vector.broadcast %mul3A_766 : i32 to vector<16xi32>
        %sub3A_988 = arith.subi %shift_right_arithmetic3A_986, %sub3A_987 : vector<16xi32>
        %and3A_989 = arith.constant 127 : i32
        %and3A_990 = vector.broadcast %and3A_989 : i32 to vector<16xi32>
        %and3A_991 = arith.andi %get3A_935, %and3A_990 : vector<16xi32>
        tpu.vector_store_idx %arg11[%add3A_983, %sub3A_988, %and3A_991], %broadcast_in_dim3A_3 : memref<128x2x128xf32, #tpu.memory_space<vmem>>[vector<16xi32>, vector<16xi32>, vector<16xi32>], vector<16xf32>,
        %add3A_992 = arith.constant 64 : i32
        %add3A_993 = vector.broadcast %add3A_992 : i32 to vector<16xi32>
        %add3A_994 = arith.addi %iota3A, %add3A_993 : vector<16xi32>
        %shift_right_arithmetic3A_995 = arith.constant 7 : i32
        %shift_right_arithmetic3A_996 = vector.broadcast %shift_right_arithmetic3A_995 : i32 to vector<16xi32>
        %shift_right_arithmetic3A_997 = arith.shrsi %get3A_938, %shift_right_arithmetic3A_996 : vector<16xi32>
        %sub3A_998 = vector.broadcast %mul3A_766 : i32 to vector<16xi32>
        %sub3A_999 = arith.subi %shift_right_arithmetic3A_997, %sub3A_998 : vector<16xi32>
        %and3A_1000 = arith.constant 127 : i32
        %and3A_1001 = vector.broadcast %and3A_1000 : i32 to vector<16xi32>
        %and3A_1002 = arith.andi %get3A_938, %and3A_1001 : vector<16xi32>
        tpu.vector_store_idx %arg11[%add3A_994, %sub3A_999, %and3A_1002], %broadcast_in_dim3A_3 : memref<128x2x128xf32, #tpu.memory_space<vmem>>[vector<16xi32>, vector<16xi32>, vector<16xi32>], vector<16xf32>,
        %add3A_1003 = arith.constant 80 : i32
        %add3A_1004 = vector.broadcast %add3A_1003 : i32 to vector<16xi32>
        %add3A_1005 = arith.addi %iota3A, %add3A_1004 : vector<16xi32>
        %shift_right_arithmetic3A_1006 = arith.constant 7 : i32
        %shift_right_arithmetic3A_1007 = vector.broadcast %shift_right_arithmetic3A_1006 : i32 to vector<16xi32>
        %shift_right_arithmetic3A_1008 = arith.shrsi %get3A_941, %shift_right_arithmetic3A_1007 : vector<16xi32>
        %sub3A_1009 = vector.broadcast %mul3A_766 : i32 to vector<16xi32>
        %sub3A_1010 = arith.subi %shift_right_arithmetic3A_1008, %sub3A_1009 : vector<16xi32>
        %and3A_1011 = arith.constant 127 : i32
        %and3A_1012 = vector.broadcast %and3A_1011 : i32 to vector<16xi32>
        %and3A_1013 = arith.andi %get3A_941, %and3A_1012 : vector<16xi32>
        tpu.vector_store_idx %arg11[%add3A_1005, %sub3A_1010, %and3A_1013], %broadcast_in_dim3A_3 : memref<128x2x128xf32, #tpu.memory_space<vmem>>[vector<16xi32>, vector<16xi32>, vector<16xi32>], vector<16xf32>,
        %add3A_1014 = arith.constant 96 : i32
        %add3A_1015 = vector.broadcast %add3A_1014 : i32 to vector<16xi32>
        %add3A_1016 = arith.addi %iota3A, %add3A_1015 : vector<16xi32>
        %shift_right_arithmetic3A_1017 = arith.constant 7 : i32
        %shift_right_arithmetic3A_1018 = vector.broadcast %shift_right_arithmetic3A_1017 : i32 to vector<16xi32>
        %shift_right_arithmetic3A_1019 = arith.shrsi %get3A_944, %shift_right_arithmetic3A_1018 : vector<16xi32>
        %sub3A_1020 = vector.broadcast %mul3A_766 : i32 to vector<16xi32>
        %sub3A_1021 = arith.subi %shift_right_arithmetic3A_1019, %sub3A_1020 : vector<16xi32>
        %and3A_1022 = arith.constant 127 : i32
        %and3A_1023 = vector.broadcast %and3A_1022 : i32 to vector<16xi32>
        %and3A_1024 = arith.andi %get3A_944, %and3A_1023 : vector<16xi32>
        tpu.vector_store_idx %arg11[%add3A_1016, %sub3A_1021, %and3A_1024], %broadcast_in_dim3A_3 : memref<128x2x128xf32, #tpu.memory_space<vmem>>[vector<16xi32>, vector<16xi32>, vector<16xi32>], vector<16xf32>,
        %add3A_1025 = arith.constant 112 : i32
        %add3A_1026 = vector.broadcast %add3A_1025 : i32 to vector<16xi32>
        %add3A_1027 = arith.addi %iota3A, %add3A_1026 : vector<16xi32>
        %shift_right_arithmetic3A_1028 = arith.constant 7 : i32
        %shift_right_arithmetic3A_1029 = vector.broadcast %shift_right_arithmetic3A_1028 : i32 to vector<16xi32>
        %shift_right_arithmetic3A_1030 = arith.shrsi %get3A_947, %shift_right_arithmetic3A_1029 : vector<16xi32>
        %sub3A_1031 = vector.broadcast %mul3A_766 : i32 to vector<16xi32>
        %sub3A_1032 = arith.subi %shift_right_arithmetic3A_1030, %sub3A_1031 : vector<16xi32>
        %and3A_1033 = arith.constant 127 : i32
        %and3A_1034 = vector.broadcast %and3A_1033 : i32 to vector<16xi32>
        %and3A_1035 = arith.andi %get3A_947, %and3A_1034 : vector<16xi32>
        tpu.vector_store_idx %arg11[%add3A_1027, %sub3A_1032, %and3A_1035], %broadcast_in_dim3A_3 : memref<128x2x128xf32, #tpu.memory_space<vmem>>[vector<16xi32>, vector<16xi32>, vector<16xi32>], vector<16xf32>,
      }
      %scan3A_772 = arith.constant 64 : i32
      %shift_right_arithmetic3A_773 = arith.constant 1 : i32
      %shift_right_arithmetic3A_774 = arith.shrsi %add3A_689, %shift_right_arithmetic3A_773 : i32
      %add3A_775 = arith.addi %mul3A_2, %shift_right_arithmetic3A_774 : i32
      %shift_right_arithmetic3A_776 = arith.constant 6 : i32
      %shift_right_arithmetic3A_777 = arith.shrsi %add3A_775, %shift_right_arithmetic3A_776 : i32
      %and3A_778 = arith.constant 63 : i32
      %and3A_779 = arith.andi %add3A_775, %and3A_778 : i32
      %mul3A_780 = arith.constant 2 : i32
      %mul3A_781 = arith.muli %mul3A_780, %and3A_779 : i32
      %scan3A_782 = arith.constant 0 : i32
      %scan3A_783 = arith.constant 0 : i32
      %scan3A_784 = arith.constant 64 : i32
      %scan3A_785 = arith.addi %scan3A_783, %scan3A_784 : i32
      %scan3A_786 = arith.constant 1 : i32
      scf.for %scan3A_924 = %scan3A_783 to %scan3A_785 step %scan3A_786  : i32 {
        %get3A = arith.index_cast %scan3A_924 : i32 to index
        %get3A_925 = arith.constant 0 : index
        %get3A_926 = tpu.vector_load %arg9[%get3A, %get3A_925] {strides = array<i32>} : memref<64x128xi32, #tpu.memory_space<vmem>>, vector<16xi32>,
        %get3A_927 = arith.index_cast %scan3A_924 : i32 to index
        %get3A_928 = arith.constant 0 : index
        %get3A_929 = tpu.vector_load %arg5[%get3A_927, %get3A_928] {strides = array<i32>} : memref<64x128xf32, #tpu.memory_space<vmem>>, vector<16xf32>,
        %get3A_930 = arith.index_cast %scan3A_924 : i32 to index
        %get3A_931 = arith.constant 16 : index
        %get3A_932 = tpu.vector_load %arg9[%get3A_930, %get3A_931] {strides = array<i32>} : memref<64x128xi32, #tpu.memory_space<vmem>>, vector<16xi32>,
        %get3A_933 = arith.index_cast %scan3A_924 : i32 to index
        %get3A_934 = arith.constant 16 : index
        %get3A_935 = tpu.vector_load %arg5[%get3A_933, %get3A_934] {strides = array<i32>} : memref<64x128xf32, #tpu.memory_space<vmem>>, vector<16xf32>,
        %get3A_936 = arith.index_cast %scan3A_924 : i32 to index
        %get3A_937 = arith.constant 32 : index
        %get3A_938 = tpu.vector_load %arg9[%get3A_936, %get3A_937] {strides = array<i32>} : memref<64x128xi32, #tpu.memory_space<vmem>>, vector<16xi32>,
        %get3A_939 = arith.index_cast %scan3A_924 : i32 to index
        %get3A_940 = arith.constant 32 : index
        %get3A_941 = tpu.vector_load %arg5[%get3A_939, %get3A_940] {strides = array<i32>} : memref<64x128xf32, #tpu.memory_space<vmem>>, vector<16xf32>,
        %get3A_942 = arith.index_cast %scan3A_924 : i32 to index
        %get3A_943 = arith.constant 48 : index
        %get3A_944 = tpu.vector_load %arg9[%get3A_942, %get3A_943] {strides = array<i32>} : memref<64x128xi32, #tpu.memory_space<vmem>>, vector<16xi32>,
        %get3A_945 = arith.index_cast %scan3A_924 : i32 to index
        %get3A_946 = arith.constant 48 : index
        %get3A_947 = tpu.vector_load %arg5[%get3A_945, %get3A_946] {strides = array<i32>} : memref<64x128xf32, #tpu.memory_space<vmem>>, vector<16xf32>,
        %get3A_948 = arith.index_cast %scan3A_924 : i32 to index
        %get3A_949 = arith.constant 64 : index
        %get3A_950 = tpu.vector_load %arg9[%get3A_948, %get3A_949] {strides = array<i32>} : memref<64x128xi32, #tpu.memory_space<vmem>>, vector<16xi32>,
        %get3A_951 = arith.index_cast %scan3A_924 : i32 to index
        %get3A_952 = arith.constant 64 : index
        %get3A_953 = tpu.vector_load %arg5[%get3A_951, %get3A_952] {strides = array<i32>} : memref<64x128xf32, #tpu.memory_space<vmem>>, vector<16xf32>,
        %get3A_954 = arith.index_cast %scan3A_924 : i32 to index
        %get3A_955 = arith.constant 80 : index
        %get3A_956 = tpu.vector_load %arg9[%get3A_954, %get3A_955] {strides = array<i32>} : memref<64x128xi32, #tpu.memory_space<vmem>>, vector<16xi32>,
        %get3A_957 = arith.index_cast %scan3A_924 : i32 to index
        %get3A_958 = arith.constant 80 : index
        %get3A_959 = tpu.vector_load %arg5[%get3A_957, %get3A_958] {strides = array<i32>} : memref<64x128xf32, #tpu.memory_space<vmem>>, vector<16xf32>,
        %get3A_960 = arith.index_cast %scan3A_924 : i32 to index
        %get3A_961 = arith.constant 96 : index
        %get3A_962 = tpu.vector_load %arg9[%get3A_960, %get3A_961] {strides = array<i32>} : memref<64x128xi32, #tpu.memory_space<vmem>>, vector<16xi32>,
        %get3A_963 = arith.index_cast %scan3A_924 : i32 to index
        %get3A_964 = arith.constant 96 : index
        %get3A_965 = tpu.vector_load %arg5[%get3A_963, %get3A_964] {strides = array<i32>} : memref<64x128xf32, #tpu.memory_space<vmem>>, vector<16xf32>,
        %get3A_966 = arith.index_cast %scan3A_924 : i32 to index
        %get3A_967 = arith.constant 112 : index
        %get3A_968 = tpu.vector_load %arg9[%get3A_966, %get3A_967] {strides = array<i32>} : memref<64x128xi32, #tpu.memory_space<vmem>>, vector<16xi32>,
        %get3A_969 = arith.index_cast %scan3A_924 : i32 to index
        %get3A_970 = arith.constant 112 : index
        %get3A_971 = tpu.vector_load %arg5[%get3A_969, %get3A_970] {strides = array<i32>} : memref<64x128xf32, #tpu.memory_space<vmem>>, vector<16xf32>,
        %add3A_972 = arith.constant 0 : i32
        %add3A_973 = vector.broadcast %add3A_972 : i32 to vector<16xi32>
        %add3A_974 = arith.addi %iota3A, %add3A_973 : vector<16xi32>
        %shift_right_arithmetic3A_975 = arith.constant 7 : i32
        %shift_right_arithmetic3A_976 = vector.broadcast %shift_right_arithmetic3A_975 : i32 to vector<16xi32>
        %shift_right_arithmetic3A_977 = arith.shrsi %get3A_926, %shift_right_arithmetic3A_976 : vector<16xi32>
        %sub3A_978 = vector.broadcast %mul3A_781 : i32 to vector<16xi32>
        %sub3A_979 = arith.subi %shift_right_arithmetic3A_977, %sub3A_978 : vector<16xi32>
        %and3A_980 = arith.constant 127 : i32
        %and3A_981 = vector.broadcast %and3A_980 : i32 to vector<16xi32>
        %and3A_982 = arith.andi %get3A_926, %and3A_981 : vector<16xi32>
        tpu.vector_store_idx %arg11[%add3A_974, %sub3A_979, %and3A_982], %get3A_929 : memref<128x2x128xf32, #tpu.memory_space<vmem>>[vector<16xi32>, vector<16xi32>, vector<16xi32>], vector<16xf32>,
        %add3A_983 = arith.constant 16 : i32
        %add3A_984 = vector.broadcast %add3A_983 : i32 to vector<16xi32>
        %add3A_985 = arith.addi %iota3A, %add3A_984 : vector<16xi32>
        %shift_right_arithmetic3A_986 = arith.constant 7 : i32
        %shift_right_arithmetic3A_987 = vector.broadcast %shift_right_arithmetic3A_986 : i32 to vector<16xi32>
        %shift_right_arithmetic3A_988 = arith.shrsi %get3A_932, %shift_right_arithmetic3A_987 : vector<16xi32>
        %sub3A_989 = vector.broadcast %mul3A_781 : i32 to vector<16xi32>
        %sub3A_990 = arith.subi %shift_right_arithmetic3A_988, %sub3A_989 : vector<16xi32>
        %and3A_991 = arith.constant 127 : i32
        %and3A_992 = vector.broadcast %and3A_991 : i32 to vector<16xi32>
        %and3A_993 = arith.andi %get3A_932, %and3A_992 : vector<16xi32>
        tpu.vector_store_idx %arg11[%add3A_985, %sub3A_990, %and3A_993], %get3A_935 : memref<128x2x128xf32, #tpu.memory_space<vmem>>[vector<16xi32>, vector<16xi32>, vector<16xi32>], vector<16xf32>,
        %add3A_994 = arith.constant 32 : i32
        %add3A_995 = vector.broadcast %add3A_994 : i32 to vector<16xi32>
        %add3A_996 = arith.addi %iota3A, %add3A_995 : vector<16xi32>
        %shift_right_arithmetic3A_997 = arith.constant 7 : i32
        %shift_right_arithmetic3A_998 = vector.broadcast %shift_right_arithmetic3A_997 : i32 to vector<16xi32>
        %shift_right_arithmetic3A_999 = arith.shrsi %get3A_938, %shift_right_arithmetic3A_998 : vector<16xi32>
        %sub3A_1000 = vector.broadcast %mul3A_781 : i32 to vector<16xi32>
        %sub3A_1001 = arith.subi %shift_right_arithmetic3A_999, %sub3A_1000 : vector<16xi32>
        %and3A_1002 = arith.constant 127 : i32
        %and3A_1003 = vector.broadcast %and3A_1002 : i32 to vector<16xi32>
        %and3A_1004 = arith.andi %get3A_938, %and3A_1003 : vector<16xi32>
        tpu.vector_store_idx %arg11[%add3A_996, %sub3A_1001, %and3A_1004], %get3A_941 : memref<128x2x128xf32, #tpu.memory_space<vmem>>[vector<16xi32>, vector<16xi32>, vector<16xi32>], vector<16xf32>,
        %add3A_1005 = arith.constant 48 : i32
        %add3A_1006 = vector.broadcast %add3A_1005 : i32 to vector<16xi32>
        %add3A_1007 = arith.addi %iota3A, %add3A_1006 : vector<16xi32>
        %shift_right_arithmetic3A_1008 = arith.constant 7 : i32
        %shift_right_arithmetic3A_1009 = vector.broadcast %shift_right_arithmetic3A_1008 : i32 to vector<16xi32>
        %shift_right_arithmetic3A_1010 = arith.shrsi %get3A_944, %shift_right_arithmetic3A_1009 : vector<16xi32>
        %sub3A_1011 = vector.broadcast %mul3A_781 : i32 to vector<16xi32>
        %sub3A_1012 = arith.subi %shift_right_arithmetic3A_1010, %sub3A_1011 : vector<16xi32>
        %and3A_1013 = arith.constant 127 : i32
        %and3A_1014 = vector.broadcast %and3A_1013 : i32 to vector<16xi32>
        %and3A_1015 = arith.andi %get3A_944, %and3A_1014 : vector<16xi32>
        tpu.vector_store_idx %arg11[%add3A_1007, %sub3A_1012, %and3A_1015], %get3A_947 : memref<128x2x128xf32, #tpu.memory_space<vmem>>[vector<16xi32>, vector<16xi32>, vector<16xi32>], vector<16xf32>,
        %add3A_1016 = arith.constant 64 : i32
        %add3A_1017 = vector.broadcast %add3A_1016 : i32 to vector<16xi32>
        %add3A_1018 = arith.addi %iota3A, %add3A_1017 : vector<16xi32>
        %shift_right_arithmetic3A_1019 = arith.constant 7 : i32
        %shift_right_arithmetic3A_1020 = vector.broadcast %shift_right_arithmetic3A_1019 : i32 to vector<16xi32>
        %shift_right_arithmetic3A_1021 = arith.shrsi %get3A_950, %shift_right_arithmetic3A_1020 : vector<16xi32>
        %sub3A_1022 = vector.broadcast %mul3A_781 : i32 to vector<16xi32>
        %sub3A_1023 = arith.subi %shift_right_arithmetic3A_1021, %sub3A_1022 : vector<16xi32>
        %and3A_1024 = arith.constant 127 : i32
        %and3A_1025 = vector.broadcast %and3A_1024 : i32 to vector<16xi32>
        %and3A_1026 = arith.andi %get3A_950, %and3A_1025 : vector<16xi32>
        tpu.vector_store_idx %arg11[%add3A_1018, %sub3A_1023, %and3A_1026], %get3A_953 : memref<128x2x128xf32, #tpu.memory_space<vmem>>[vector<16xi32>, vector<16xi32>, vector<16xi32>], vector<16xf32>,
        %add3A_1027 = arith.constant 80 : i32
        %add3A_1028 = vector.broadcast %add3A_1027 : i32 to vector<16xi32>
        %add3A_1029 = arith.addi %iota3A, %add3A_1028 : vector<16xi32>
        %shift_right_arithmetic3A_1030 = arith.constant 7 : i32
        %shift_right_arithmetic3A_1031 = vector.broadcast %shift_right_arithmetic3A_1030 : i32 to vector<16xi32>
        %shift_right_arithmetic3A_1032 = arith.shrsi %get3A_956, %shift_right_arithmetic3A_1031 : vector<16xi32>
        %sub3A_1033 = vector.broadcast %mul3A_781 : i32 to vector<16xi32>
        %sub3A_1034 = arith.subi %shift_right_arithmetic3A_1032, %sub3A_1033 : vector<16xi32>
        %and3A_1035 = arith.constant 127 : i32
        %and3A_1036 = vector.broadcast %and3A_1035 : i32 to vector<16xi32>
        %and3A_1037 = arith.andi %get3A_956, %and3A_1036 : vector<16xi32>
        tpu.vector_store_idx %arg11[%add3A_1029, %sub3A_1034, %and3A_1037], %get3A_959 : memref<128x2x128xf32, #tpu.memory_space<vmem>>[vector<16xi32>, vector<16xi32>, vector<16xi32>], vector<16xf32>,
        %add3A_1038 = arith.constant 96 : i32
        %add3A_1039 = vector.broadcast %add3A_1038 : i32 to vector<16xi32>
        %add3A_1040 = arith.addi %iota3A, %add3A_1039 : vector<16xi32>
        %shift_right_arithmetic3A_1041 = arith.constant 7 : i32
        %shift_right_arithmetic3A_1042 = vector.broadcast %shift_right_arithmetic3A_1041 : i32 to vector<16xi32>
        %shift_right_arithmetic3A_1043 = arith.shrsi %get3A_962, %shift_right_arithmetic3A_1042 : vector<16xi32>
        %sub3A_1044 = vector.broadcast %mul3A_781 : i32 to vector<16xi32>
        %sub3A_1045 = arith.subi %shift_right_arithmetic3A_1043, %sub3A_1044 : vector<16xi32>
        %and3A_1046 = arith.constant 127 : i32
        %and3A_1047 = vector.broadcast %and3A_1046 : i32 to vector<16xi32>
        %and3A_1048 = arith.andi %get3A_962, %and3A_1047 : vector<16xi32>
        tpu.vector_store_idx %arg11[%add3A_1040, %sub3A_1045, %and3A_1048], %get3A_965 : memref<128x2x128xf32, #tpu.memory_space<vmem>>[vector<16xi32>, vector<16xi32>, vector<16xi32>], vector<16xf32>,
        %add3A_1049 = arith.constant 112 : i32
        %add3A_1050 = vector.broadcast %add3A_1049 : i32 to vector<16xi32>
        %add3A_1051 = arith.addi %iota3A, %add3A_1050 : vector<16xi32>
        %shift_right_arithmetic3A_1052 = arith.constant 7 : i32
        %shift_right_arithmetic3A_1053 = vector.broadcast %shift_right_arithmetic3A_1052 : i32 to vector<16xi32>
        %shift_right_arithmetic3A_1054 = arith.shrsi %get3A_968, %shift_right_arithmetic3A_1053 : vector<16xi32>
        %sub3A_1055 = vector.broadcast %mul3A_781 : i32 to vector<16xi32>
        %sub3A_1056 = arith.subi %shift_right_arithmetic3A_1054, %sub3A_1055 : vector<16xi32>
        %and3A_1057 = arith.constant 127 : i32
        %and3A_1058 = vector.broadcast %and3A_1057 : i32 to vector<16xi32>
        %and3A_1059 = arith.andi %get3A_968, %and3A_1058 : vector<16xi32>
        tpu.vector_store_idx %arg11[%add3A_1051, %sub3A_1056, %and3A_1059], %get3A_971 : memref<128x2x128xf32, #tpu.memory_space<vmem>>[vector<16xi32>, vector<16xi32>, vector<16xi32>], vector<16xf32>,
      }
      %scan3A_787 = arith.constant 64 : i32
      %shift_right_arithmetic3A_788 = arith.constant 1 : i32
      %shift_right_arithmetic3A_789 = arith.shrsi %add3A_689, %shift_right_arithmetic3A_788 : i32
      %add3A_790 = arith.addi %mul3A_2, %shift_right_arithmetic3A_789 : i32
      %shift_right_arithmetic3A_791 = arith.constant 6 : i32
      %shift_right_arithmetic3A_792 = arith.shrsi %add3A_790, %shift_right_arithmetic3A_791 : i32
      %and3A_793 = arith.constant 63 : i32
      %and3A_794 = arith.andi %add3A_790, %and3A_793 : i32
      %mul3A_795 = arith.constant 2 : i32
      %mul3A_796 = arith.muli %mul3A_795, %and3A_794 : i32
      %dma_start3A_797 = arith.constant 0 : i32
      %dma_start3A_798 = arith.constant 0 : i32
      %dma_start3A_799 = tpu.memref_slice %arg4[%shift_right_arithmetic3A_792, %dma_start3A_797, %mul3A_796, %dma_start3A_798] : memref<8x256x128x128xf32, #tpu.memory_space<hbm>> -> memref<1x128x2x128xf32, #tpu.memory_space<hbm>>
      %dma_start3A_800 = tpu.memref_squeeze %dma_start3A_799 : memref<1x128x2x128xf32, #tpu.memory_space<hbm>> -> memref<128x2x128xf32, #tpu.memory_space<hbm>>
      %dma_start3A_801 = arith.constant 0 : i32
      %dma_start3A_802 = arith.constant 0 : i32
      %dma_start3A_803 = tpu.memref_slice %arg4[%shift_right_arithmetic3A_792, %dma_start3A_801, %mul3A_796, %dma_start3A_802] : memref<8x256x128x128xf32, #tpu.memory_space<hbm>> -> memref<1x128x2x128xf32, #tpu.memory_space<hbm>>
      %dma_start3A_804 = tpu.memref_squeeze %dma_start3A_803 : memref<1x128x2x128xf32, #tpu.memory_space<hbm>> -> memref<128x2x128xf32, #tpu.memory_space<hbm>>
      tpu.enqueue_dma source(%arg11 : memref<128x2x128xf32, #tpu.memory_space<vmem>>) target(%dma_start3A_804 : memref<128x2x128xf32, #tpu.memory_space<hbm>>) target_semaphore(%arg19 : memref<!tpu.dma_semaphore, #tpu.memory_space<semaphore_mem>>)
      %mul3A_805 = arith.constant 4 : i32
      %mul3A_806 = arith.muli %mul3A_805, %scan3A_448 : i32
      %add3A_807 = arith.constant 3 : i32
      %add3A_808 = arith.addi %mul3A_806, %add3A_807 : i32
      %dma_wait3A_809 = arith.constant 0 : i32
      %dma_wait3A_810 = arith.constant 0 : i32
      %dma_wait3A_811 = arith.constant 0 : i32
      %dma_wait3A_812 = arith.constant 0 : i32
      %dma_wait3A_813 = tpu.memref_slice %arg2[%dma_wait3A_809, %dma_wait3A_810, %dma_wait3A_811, %dma_wait3A_812] : memref<8x64x64x256xf32, #tpu.memory_space<hbm>> -> memref<1x1x64x128xf32, #tpu.memory_space<hbm>>
      %dma_wait3A_814 = tpu.memref_squeeze %dma_wait3A_813 : memref<1x1x64x128xf32, #tpu.memory_space<hbm>> -> memref<64x128xf32, #tpu.memory_space<hbm>>
      %dma_wait3A_815 = arith.constant 0 : i32
      %dma_wait3A_816 = arith.constant 0 : i32
      %dma_wait3A_817 = tpu.memref_slice %arg2[%dma_wait3A_809, %dma_wait3A_810, %dma_wait3A_815, %dma_wait3A_816] : memref<8x64x64x256xf32, #tpu.memory_space<hbm>> -> memref<1x1x64x128xf32, #tpu.memory_space<hbm>>
      %dma_wait3A_818 = tpu.memref_squeeze %dma_wait3A_817 : memref<1x1x64x128xf32, #tpu.memory_space<hbm>> -> memref<64x128xf32, #tpu.memory_space<hbm>>
      tpu.wait_dma2 semaphore(%arg14 : memref<!tpu.dma_semaphore, #tpu.memory_space<semaphore_mem>>) src(%dma_wait3A_818 : memref<64x128xf32, #tpu.memory_space<hbm>>) dst(%arg6 : memref<64x128xf32, #tpu.memory_space<vmem>>)
      %dma_wait3A_819 = arith.constant 0 : i32
      %dma_wait3A_820 = arith.constant 0 : i32
      %dma_wait3A_821 = arith.constant 0 : i32
      %dma_wait3A_822 = arith.constant 0 : i32
      %dma_wait3A_823 = tpu.memref_slice %arg3[%dma_wait3A_819, %dma_wait3A_820, %dma_wait3A_821, %dma_wait3A_822] : memref<8x64x64x256xi32, #tpu.memory_space<hbm>> -> memref<1x1x64x128xi32, #tpu.memory_space<hbm>>
      %dma_wait3A_824 = tpu.memref_squeeze %dma_wait3A_823 : memref<1x1x64x128xi32, #tpu.memory_space<hbm>> -> memref<64x128xi32, #tpu.memory_space<hbm>>
      %dma_wait3A_825 = arith.constant 0 : i32
      %dma_wait3A_826 = arith.constant 0 : i32
      %dma_wait3A_827 = tpu.memref_slice %arg3[%dma_wait3A_819, %dma_wait3A_820, %dma_wait3A_825, %dma_wait3A_826] : memref<8x64x64x256xi32, #tpu.memory_space<hbm>> -> memref<1x1x64x128xi32, #tpu.memory_space<hbm>>
      %dma_wait3A_828 = tpu.memref_squeeze %dma_wait3A_827 : memref<1x1x64x128xi32, #tpu.memory_space<hbm>> -> memref<64x128xi32, #tpu.memory_space<hbm>>
      tpu.wait_dma2 semaphore(%arg18 : memref<!tpu.dma_semaphore, #tpu.memory_space<semaphore_mem>>) src(%dma_wait3A_828 : memref<64x128xi32, #tpu.memory_space<hbm>>) dst(%arg10 : memref<64x128xi32, #tpu.memory_space<vmem>>)
      %add3A_829 = arith.constant 1 : i32
      %add3A_830 = arith.addi %add3A_808, %add3A_829 : i32
      %min3A_831 = arith.constant 31 : i32
      %min3A_832 = arith.minsi %add3A_830, %min3A_831 : i32
      %shift_right_arithmetic3A_833 = arith.constant 1 : i32
      %shift_right_arithmetic3A_834 = arith.shrsi %min3A_832, %shift_right_arithmetic3A_833 : i32
      %add3A_835 = arith.addi %mul3A_2, %shift_right_arithmetic3A_834 : i32
      %shift_right_arithmetic3A_836 = arith.constant 6 : i32
      %shift_right_arithmetic3A_837 = arith.shrsi %add3A_835, %shift_right_arithmetic3A_836 : i32
      %and3A_838 = arith.constant 63 : i32
      %and3A_839 = arith.andi %add3A_835, %and3A_838 : i32
      %dma_start3A_840 = arith.constant 0 : i32
      %dma_start3A_841 = arith.constant 0 : i32
      %dma_start3A_842 = tpu.memref_slice %arg2[%shift_right_arithmetic3A_837, %and3A_839, %dma_start3A_840, %dma_start3A_841] : memref<8x64x64x256xf32, #tpu.memory_space<hbm>> -> memref<1x1x64x128xf32, #tpu.memory_space<hbm>>
      %dma_start3A_843 = tpu.memref_squeeze %dma_start3A_842 : memref<1x1x64x128xf32, #tpu.memory_space<hbm>> -> memref<64x128xf32, #tpu.memory_space<hbm>>
      %dma_start3A_844 = arith.constant 0 : i32
      %dma_start3A_845 = arith.constant 0 : i32
      %dma_start3A_846 = tpu.memref_slice %arg2[%shift_right_arithmetic3A_837, %and3A_839, %dma_start3A_844, %dma_start3A_845] : memref<8x64x64x256xf32, #tpu.memory_space<hbm>> -> memref<1x1x64x128xf32, #tpu.memory_space<hbm>>
      %dma_start3A_847 = tpu.memref_squeeze %dma_start3A_846 : memref<1x1x64x128xf32, #tpu.memory_space<hbm>> -> memref<64x128xf32, #tpu.memory_space<hbm>>
      tpu.enqueue_dma source(%dma_start3A_847 : memref<64x128xf32, #tpu.memory_space<hbm>>) target(%arg5 : memref<64x128xf32, #tpu.memory_space<vmem>>) target_semaphore(%arg13 : memref<!tpu.dma_semaphore, #tpu.memory_space<semaphore_mem>>)
      %dma_start3A_848 = arith.constant 0 : i32
      %dma_start3A_849 = arith.constant 0 : i32
      %dma_start3A_850 = tpu.memref_slice %arg3[%shift_right_arithmetic3A_837, %and3A_839, %dma_start3A_848, %dma_start3A_849] : memref<8x64x64x256xi32, #tpu.memory_space<hbm>> -> memref<1x1x64x128xi32, #tpu.memory_space<hbm>>
      %dma_start3A_851 = tpu.memref_squeeze %dma_start3A_850 : memref<1x1x64x128xi32, #tpu.memory_space<hbm>> -> memref<64x128xi32, #tpu.memory_space<hbm>>
      %dma_start3A_852 = arith.constant 0 : i32
      %dma_start3A_853 = arith.constant 0 : i32
      %dma_start3A_854 = tpu.memref_slice %arg3[%shift_right_arithmetic3A_837, %and3A_839, %dma_start3A_852, %dma_start3A_853] : memref<8x64x64x256xi32, #tpu.memory_space<hbm>> -> memref<1x1x64x128xi32, #tpu.memory_space<hbm>>
      %dma_start3A_855 = tpu.memref_squeeze %dma_start3A_854 : memref<1x1x64x128xi32, #tpu.memory_space<hbm>> -> memref<64x128xi32, #tpu.memory_space<hbm>>
      tpu.enqueue_dma source(%dma_start3A_855 : memref<64x128xi32, #tpu.memory_space<hbm>>) target(%arg7 : memref<64x128xi32, #tpu.memory_space<vmem>>) target_semaphore(%arg15 : memref<!tpu.dma_semaphore, #tpu.memory_space<semaphore_mem>>)
      %sub3A_856 = arith.constant 2 : i32
      %sub3A_857 = arith.subi %add3A_808, %sub3A_856 : i32
      %shift_right_arithmetic3A_858 = arith.constant 1 : i32
      %shift_right_arithmetic3A_859 = arith.shrsi %sub3A_857, %shift_right_arithmetic3A_858 : i32
      %add3A_860 = arith.addi %mul3A_2, %shift_right_arithmetic3A_859 : i32
      %shift_right_arithmetic3A_861 = arith.constant 6 : i32
      %shift_right_arithmetic3A_862 = arith.shrsi %add3A_860, %shift_right_arithmetic3A_861 : i32
      %and3A_863 = arith.constant 63 : i32
      %and3A_864 = arith.andi %add3A_860, %and3A_863 : i32
      %mul3A_865 = arith.constant 2 : i32
      %mul3A_866 = arith.muli %mul3A_865, %and3A_864 : i32
      %dma_wait3A_867 = arith.constant 128 : i32
      %dma_wait3A_868 = arith.constant 0 : i32
      %dma_wait3A_869 = tpu.memref_slice %arg4[%shift_right_arithmetic3A_862, %dma_wait3A_867, %mul3A_866, %dma_wait3A_868] : memref<8x256x128x128xf32, #tpu.memory_space<hbm>> -> memref<1x128x2x128xf32, #tpu.memory_space<hbm>>
      %dma_wait3A_870 = tpu.memref_squeeze %dma_wait3A_869 : memref<1x128x2x128xf32, #tpu.memory_space<hbm>> -> memref<128x2x128xf32, #tpu.memory_space<hbm>>
      %dma_wait3A_871 = arith.constant 128 : i32
      %dma_wait3A_872 = arith.constant 0 : i32
      %dma_wait3A_873 = tpu.memref_slice %arg4[%shift_right_arithmetic3A_862, %dma_wait3A_871, %mul3A_866, %dma_wait3A_872] : memref<8x256x128x128xf32, #tpu.memory_space<hbm>> -> memref<1x128x2x128xf32, #tpu.memory_space<hbm>>
      %dma_wait3A_874 = tpu.memref_squeeze %dma_wait3A_873 : memref<1x128x2x128xf32, #tpu.memory_space<hbm>> -> memref<128x2x128xf32, #tpu.memory_space<hbm>>
      tpu.wait_dma2 semaphore(%arg20 : memref<!tpu.dma_semaphore, #tpu.memory_space<semaphore_mem>>) src(%arg12 : memref<128x2x128xf32, #tpu.memory_space<vmem>>) dst(%dma_wait3A_874 : memref<128x2x128xf32, #tpu.memory_space<hbm>>)
      %sub3A_875 = arith.constant 2 : i32
      %sub3A_876 = arith.subi %add3A_808, %sub3A_875 : i32
      %shift_right_arithmetic3A_877 = arith.constant 1 : i32
      %shift_right_arithmetic3A_878 = arith.shrsi %sub3A_876, %shift_right_arithmetic3A_877 : i32
      %add3A_879 = arith.addi %mul3A_2, %shift_right_arithmetic3A_878 : i32
      %shift_right_arithmetic3A_880 = arith.constant 6 : i32
      %shift_right_arithmetic3A_881 = arith.shrsi %add3A_879, %shift_right_arithmetic3A_880 : i32
      %and3A_882 = arith.constant 63 : i32
      %and3A_883 = arith.andi %add3A_879, %and3A_882 : i32
      %mul3A_884 = arith.constant 2 : i32
      %mul3A_885 = arith.muli %mul3A_884, %and3A_883 : i32
      %scan3A_886 = arith.constant 0 : i32
      %scan3A_887 = arith.constant 0 : i32
      %scan3A_888 = arith.constant 64 : i32
      %scan3A_889 = arith.addi %scan3A_887, %scan3A_888 : i32
      %scan3A_890 = arith.constant 1 : i32
      scf.for %scan3A_924 = %scan3A_887 to %scan3A_889 step %scan3A_890  : i32 {
        %get3A = arith.index_cast %scan3A_924 : i32 to index
        %get3A_925 = arith.constant 0 : index
        %get3A_926 = tpu.vector_load %arg8[%get3A, %get3A_925] {strides = array<i32>} : memref<64x128xi32, #tpu.memory_space<vmem>>, vector<16xi32>,
        %get3A_927 = arith.index_cast %scan3A_924 : i32 to index
        %get3A_928 = arith.constant 16 : index
        %get3A_929 = tpu.vector_load %arg8[%get3A_927, %get3A_928] {strides = array<i32>} : memref<64x128xi32, #tpu.memory_space<vmem>>, vector<16xi32>,
        %get3A_930 = arith.index_cast %scan3A_924 : i32 to index
        %get3A_931 = arith.constant 32 : index
        %get3A_932 = tpu.vector_load %arg8[%get3A_930, %get3A_931] {strides = array<i32>} : memref<64x128xi32, #tpu.memory_space<vmem>>, vector<16xi32>,
        %get3A_933 = arith.index_cast %scan3A_924 : i32 to index
        %get3A_934 = arith.constant 48 : index
        %get3A_935 = tpu.vector_load %arg8[%get3A_933, %get3A_934] {strides = array<i32>} : memref<64x128xi32, #tpu.memory_space<vmem>>, vector<16xi32>,
        %get3A_936 = arith.index_cast %scan3A_924 : i32 to index
        %get3A_937 = arith.constant 64 : index
        %get3A_938 = tpu.vector_load %arg8[%get3A_936, %get3A_937] {strides = array<i32>} : memref<64x128xi32, #tpu.memory_space<vmem>>, vector<16xi32>,
        %get3A_939 = arith.index_cast %scan3A_924 : i32 to index
        %get3A_940 = arith.constant 80 : index
        %get3A_941 = tpu.vector_load %arg8[%get3A_939, %get3A_940] {strides = array<i32>} : memref<64x128xi32, #tpu.memory_space<vmem>>, vector<16xi32>,
        %get3A_942 = arith.index_cast %scan3A_924 : i32 to index
        %get3A_943 = arith.constant 96 : index
        %get3A_944 = tpu.vector_load %arg8[%get3A_942, %get3A_943] {strides = array<i32>} : memref<64x128xi32, #tpu.memory_space<vmem>>, vector<16xi32>,
        %get3A_945 = arith.index_cast %scan3A_924 : i32 to index
        %get3A_946 = arith.constant 112 : index
        %get3A_947 = tpu.vector_load %arg8[%get3A_945, %get3A_946] {strides = array<i32>} : memref<64x128xi32, #tpu.memory_space<vmem>>, vector<16xi32>,
        %add3A_948 = arith.constant 0 : i32
        %add3A_949 = vector.broadcast %add3A_948 : i32 to vector<16xi32>
        %add3A_950 = arith.addi %iota3A, %add3A_949 : vector<16xi32>
        %shift_right_arithmetic3A_951 = arith.constant 7 : i32
        %shift_right_arithmetic3A_952 = vector.broadcast %shift_right_arithmetic3A_951 : i32 to vector<16xi32>
        %shift_right_arithmetic3A_953 = arith.shrsi %get3A_926, %shift_right_arithmetic3A_952 : vector<16xi32>
        %sub3A_954 = vector.broadcast %mul3A_885 : i32 to vector<16xi32>
        %sub3A_955 = arith.subi %shift_right_arithmetic3A_953, %sub3A_954 : vector<16xi32>
        %and3A_956 = arith.constant 127 : i32
        %and3A_957 = vector.broadcast %and3A_956 : i32 to vector<16xi32>
        %and3A_958 = arith.andi %get3A_926, %and3A_957 : vector<16xi32>
        tpu.vector_store_idx %arg12[%add3A_950, %sub3A_955, %and3A_958], %broadcast_in_dim3A_3 : memref<128x2x128xf32, #tpu.memory_space<vmem>>[vector<16xi32>, vector<16xi32>, vector<16xi32>], vector<16xf32>,
        %add3A_959 = arith.constant 16 : i32
        %add3A_960 = vector.broadcast %add3A_959 : i32 to vector<16xi32>
        %add3A_961 = arith.addi %iota3A, %add3A_960 : vector<16xi32>
        %shift_right_arithmetic3A_962 = arith.constant 7 : i32
        %shift_right_arithmetic3A_963 = vector.broadcast %shift_right_arithmetic3A_962 : i32 to vector<16xi32>
        %shift_right_arithmetic3A_964 = arith.shrsi %get3A_929, %shift_right_arithmetic3A_963 : vector<16xi32>
        %sub3A_965 = vector.broadcast %mul3A_885 : i32 to vector<16xi32>
        %sub3A_966 = arith.subi %shift_right_arithmetic3A_964, %sub3A_965 : vector<16xi32>
        %and3A_967 = arith.constant 127 : i32
        %and3A_968 = vector.broadcast %and3A_967 : i32 to vector<16xi32>
        %and3A_969 = arith.andi %get3A_929, %and3A_968 : vector<16xi32>
        tpu.vector_store_idx %arg12[%add3A_961, %sub3A_966, %and3A_969], %broadcast_in_dim3A_3 : memref<128x2x128xf32, #tpu.memory_space<vmem>>[vector<16xi32>, vector<16xi32>, vector<16xi32>], vector<16xf32>,
        %add3A_970 = arith.constant 32 : i32
        %add3A_971 = vector.broadcast %add3A_970 : i32 to vector<16xi32>
        %add3A_972 = arith.addi %iota3A, %add3A_971 : vector<16xi32>
        %shift_right_arithmetic3A_973 = arith.constant 7 : i32
        %shift_right_arithmetic3A_974 = vector.broadcast %shift_right_arithmetic3A_973 : i32 to vector<16xi32>
        %shift_right_arithmetic3A_975 = arith.shrsi %get3A_932, %shift_right_arithmetic3A_974 : vector<16xi32>
        %sub3A_976 = vector.broadcast %mul3A_885 : i32 to vector<16xi32>
        %sub3A_977 = arith.subi %shift_right_arithmetic3A_975, %sub3A_976 : vector<16xi32>
        %and3A_978 = arith.constant 127 : i32
        %and3A_979 = vector.broadcast %and3A_978 : i32 to vector<16xi32>
        %and3A_980 = arith.andi %get3A_932, %and3A_979 : vector<16xi32>
        tpu.vector_store_idx %arg12[%add3A_972, %sub3A_977, %and3A_980], %broadcast_in_dim3A_3 : memref<128x2x128xf32, #tpu.memory_space<vmem>>[vector<16xi32>, vector<16xi32>, vector<16xi32>], vector<16xf32>,
        %add3A_981 = arith.constant 48 : i32
        %add3A_982 = vector.broadcast %add3A_981 : i32 to vector<16xi32>
        %add3A_983 = arith.addi %iota3A, %add3A_982 : vector<16xi32>
        %shift_right_arithmetic3A_984 = arith.constant 7 : i32
        %shift_right_arithmetic3A_985 = vector.broadcast %shift_right_arithmetic3A_984 : i32 to vector<16xi32>
        %shift_right_arithmetic3A_986 = arith.shrsi %get3A_935, %shift_right_arithmetic3A_985 : vector<16xi32>
        %sub3A_987 = vector.broadcast %mul3A_885 : i32 to vector<16xi32>
        %sub3A_988 = arith.subi %shift_right_arithmetic3A_986, %sub3A_987 : vector<16xi32>
        %and3A_989 = arith.constant 127 : i32
        %and3A_990 = vector.broadcast %and3A_989 : i32 to vector<16xi32>
        %and3A_991 = arith.andi %get3A_935, %and3A_990 : vector<16xi32>
        tpu.vector_store_idx %arg12[%add3A_983, %sub3A_988, %and3A_991], %broadcast_in_dim3A_3 : memref<128x2x128xf32, #tpu.memory_space<vmem>>[vector<16xi32>, vector<16xi32>, vector<16xi32>], vector<16xf32>,
        %add3A_992 = arith.constant 64 : i32
        %add3A_993 = vector.broadcast %add3A_992 : i32 to vector<16xi32>
        %add3A_994 = arith.addi %iota3A, %add3A_993 : vector<16xi32>
        %shift_right_arithmetic3A_995 = arith.constant 7 : i32
        %shift_right_arithmetic3A_996 = vector.broadcast %shift_right_arithmetic3A_995 : i32 to vector<16xi32>
        %shift_right_arithmetic3A_997 = arith.shrsi %get3A_938, %shift_right_arithmetic3A_996 : vector<16xi32>
        %sub3A_998 = vector.broadcast %mul3A_885 : i32 to vector<16xi32>
        %sub3A_999 = arith.subi %shift_right_arithmetic3A_997, %sub3A_998 : vector<16xi32>
        %and3A_1000 = arith.constant 127 : i32
        %and3A_1001 = vector.broadcast %and3A_1000 : i32 to vector<16xi32>
        %and3A_1002 = arith.andi %get3A_938, %and3A_1001 : vector<16xi32>
        tpu.vector_store_idx %arg12[%add3A_994, %sub3A_999, %and3A_1002], %broadcast_in_dim3A_3 : memref<128x2x128xf32, #tpu.memory_space<vmem>>[vector<16xi32>, vector<16xi32>, vector<16xi32>], vector<16xf32>,
        %add3A_1003 = arith.constant 80 : i32
        %add3A_1004 = vector.broadcast %add3A_1003 : i32 to vector<16xi32>
        %add3A_1005 = arith.addi %iota3A, %add3A_1004 : vector<16xi32>
        %shift_right_arithmetic3A_1006 = arith.constant 7 : i32
        %shift_right_arithmetic3A_1007 = vector.broadcast %shift_right_arithmetic3A_1006 : i32 to vector<16xi32>
        %shift_right_arithmetic3A_1008 = arith.shrsi %get3A_941, %shift_right_arithmetic3A_1007 : vector<16xi32>
        %sub3A_1009 = vector.broadcast %mul3A_885 : i32 to vector<16xi32>
        %sub3A_1010 = arith.subi %shift_right_arithmetic3A_1008, %sub3A_1009 : vector<16xi32>
        %and3A_1011 = arith.constant 127 : i32
        %and3A_1012 = vector.broadcast %and3A_1011 : i32 to vector<16xi32>
        %and3A_1013 = arith.andi %get3A_941, %and3A_1012 : vector<16xi32>
        tpu.vector_store_idx %arg12[%add3A_1005, %sub3A_1010, %and3A_1013], %broadcast_in_dim3A_3 : memref<128x2x128xf32, #tpu.memory_space<vmem>>[vector<16xi32>, vector<16xi32>, vector<16xi32>], vector<16xf32>,
        %add3A_1014 = arith.constant 96 : i32
        %add3A_1015 = vector.broadcast %add3A_1014 : i32 to vector<16xi32>
        %add3A_1016 = arith.addi %iota3A, %add3A_1015 : vector<16xi32>
        %shift_right_arithmetic3A_1017 = arith.constant 7 : i32
        %shift_right_arithmetic3A_1018 = vector.broadcast %shift_right_arithmetic3A_1017 : i32 to vector<16xi32>
        %shift_right_arithmetic3A_1019 = arith.shrsi %get3A_944, %shift_right_arithmetic3A_1018 : vector<16xi32>
        %sub3A_1020 = vector.broadcast %mul3A_885 : i32 to vector<16xi32>
        %sub3A_1021 = arith.subi %shift_right_arithmetic3A_1019, %sub3A_1020 : vector<16xi32>
        %and3A_1022 = arith.constant 127 : i32
        %and3A_1023 = vector.broadcast %and3A_1022 : i32 to vector<16xi32>
        %and3A_1024 = arith.andi %get3A_944, %and3A_1023 : vector<16xi32>
        tpu.vector_store_idx %arg12[%add3A_1016, %sub3A_1021, %and3A_1024], %broadcast_in_dim3A_3 : memref<128x2x128xf32, #tpu.memory_space<vmem>>[vector<16xi32>, vector<16xi32>, vector<16xi32>], vector<16xf32>,
        %add3A_1025 = arith.constant 112 : i32
        %add3A_1026 = vector.broadcast %add3A_1025 : i32 to vector<16xi32>
        %add3A_1027 = arith.addi %iota3A, %add3A_1026 : vector<16xi32>
        %shift_right_arithmetic3A_1028 = arith.constant 7 : i32
        %shift_right_arithmetic3A_1029 = vector.broadcast %shift_right_arithmetic3A_1028 : i32 to vector<16xi32>
        %shift_right_arithmetic3A_1030 = arith.shrsi %get3A_947, %shift_right_arithmetic3A_1029 : vector<16xi32>
        %sub3A_1031 = vector.broadcast %mul3A_885 : i32 to vector<16xi32>
        %sub3A_1032 = arith.subi %shift_right_arithmetic3A_1030, %sub3A_1031 : vector<16xi32>
        %and3A_1033 = arith.constant 127 : i32
        %and3A_1034 = vector.broadcast %and3A_1033 : i32 to vector<16xi32>
        %and3A_1035 = arith.andi %get3A_947, %and3A_1034 : vector<16xi32>
        tpu.vector_store_idx %arg12[%add3A_1027, %sub3A_1032, %and3A_1035], %broadcast_in_dim3A_3 : memref<128x2x128xf32, #tpu.memory_space<vmem>>[vector<16xi32>, vector<16xi32>, vector<16xi32>], vector<16xf32>,
      }
      %scan3A_891 = arith.constant 64 : i32
      %shift_right_arithmetic3A_892 = arith.constant 1 : i32
      %shift_right_arithmetic3A_893 = arith.shrsi %add3A_808, %shift_right_arithmetic3A_892 : i32
      %add3A_894 = arith.addi %mul3A_2, %shift_right_arithmetic3A_893 : i32
      %shift_right_arithmetic3A_895 = arith.constant 6 : i32
      %shift_right_arithmetic3A_896 = arith.shrsi %add3A_894, %shift_right_arithmetic3A_895 : i32
      %and3A_897 = arith.constant 63 : i32
      %and3A_898 = arith.andi %add3A_894, %and3A_897 : i32
      %mul3A_899 = arith.constant 2 : i32
      %mul3A_900 = arith.muli %mul3A_899, %and3A_898 : i32
      %scan3A_901 = arith.constant 0 : i32
      %scan3A_902 = arith.constant 0 : i32
      %scan3A_903 = arith.constant 64 : i32
      %scan3A_904 = arith.addi %scan3A_902, %scan3A_903 : i32
      %scan3A_905 = arith.constant 1 : i32
      scf.for %scan3A_924 = %scan3A_902 to %scan3A_904 step %scan3A_905  : i32 {
        %get3A = arith.index_cast %scan3A_924 : i32 to index
        %get3A_925 = arith.constant 0 : index
        %get3A_926 = tpu.vector_load %arg10[%get3A, %get3A_925] {strides = array<i32>} : memref<64x128xi32, #tpu.memory_space<vmem>>, vector<16xi32>,
        %get3A_927 = arith.index_cast %scan3A_924 : i32 to index
        %get3A_928 = arith.constant 0 : index
        %get3A_929 = tpu.vector_load %arg6[%get3A_927, %get3A_928] {strides = array<i32>} : memref<64x128xf32, #tpu.memory_space<vmem>>, vector<16xf32>,
        %get3A_930 = arith.index_cast %scan3A_924 : i32 to index
        %get3A_931 = arith.constant 16 : index
        %get3A_932 = tpu.vector_load %arg10[%get3A_930, %get3A_931] {strides = array<i32>} : memref<64x128xi32, #tpu.memory_space<vmem>>, vector<16xi32>,
        %get3A_933 = arith.index_cast %scan3A_924 : i32 to index
        %get3A_934 = arith.constant 16 : index
        %get3A_935 = tpu.vector_load %arg6[%get3A_933, %get3A_934] {strides = array<i32>} : memref<64x128xf32, #tpu.memory_space<vmem>>, vector<16xf32>,
        %get3A_936 = arith.index_cast %scan3A_924 : i32 to index
        %get3A_937 = arith.constant 32 : index
        %get3A_938 = tpu.vector_load %arg10[%get3A_936, %get3A_937] {strides = array<i32>} : memref<64x128xi32, #tpu.memory_space<vmem>>, vector<16xi32>,
        %get3A_939 = arith.index_cast %scan3A_924 : i32 to index
        %get3A_940 = arith.constant 32 : index
        %get3A_941 = tpu.vector_load %arg6[%get3A_939, %get3A_940] {strides = array<i32>} : memref<64x128xf32, #tpu.memory_space<vmem>>, vector<16xf32>,
        %get3A_942 = arith.index_cast %scan3A_924 : i32 to index
        %get3A_943 = arith.constant 48 : index
        %get3A_944 = tpu.vector_load %arg10[%get3A_942, %get3A_943] {strides = array<i32>} : memref<64x128xi32, #tpu.memory_space<vmem>>, vector<16xi32>,
        %get3A_945 = arith.index_cast %scan3A_924 : i32 to index
        %get3A_946 = arith.constant 48 : index
        %get3A_947 = tpu.vector_load %arg6[%get3A_945, %get3A_946] {strides = array<i32>} : memref<64x128xf32, #tpu.memory_space<vmem>>, vector<16xf32>,
        %get3A_948 = arith.index_cast %scan3A_924 : i32 to index
        %get3A_949 = arith.constant 64 : index
        %get3A_950 = tpu.vector_load %arg10[%get3A_948, %get3A_949] {strides = array<i32>} : memref<64x128xi32, #tpu.memory_space<vmem>>, vector<16xi32>,
        %get3A_951 = arith.index_cast %scan3A_924 : i32 to index
        %get3A_952 = arith.constant 64 : index
        %get3A_953 = tpu.vector_load %arg6[%get3A_951, %get3A_952] {strides = array<i32>} : memref<64x128xf32, #tpu.memory_space<vmem>>, vector<16xf32>,
        %get3A_954 = arith.index_cast %scan3A_924 : i32 to index
        %get3A_955 = arith.constant 80 : index
        %get3A_956 = tpu.vector_load %arg10[%get3A_954, %get3A_955] {strides = array<i32>} : memref<64x128xi32, #tpu.memory_space<vmem>>, vector<16xi32>,
        %get3A_957 = arith.index_cast %scan3A_924 : i32 to index
        %get3A_958 = arith.constant 80 : index
        %get3A_959 = tpu.vector_load %arg6[%get3A_957, %get3A_958] {strides = array<i32>} : memref<64x128xf32, #tpu.memory_space<vmem>>, vector<16xf32>,
        %get3A_960 = arith.index_cast %scan3A_924 : i32 to index
        %get3A_961 = arith.constant 96 : index
        %get3A_962 = tpu.vector_load %arg10[%get3A_960, %get3A_961] {strides = array<i32>} : memref<64x128xi32, #tpu.memory_space<vmem>>, vector<16xi32>,
        %get3A_963 = arith.index_cast %scan3A_924 : i32 to index
        %get3A_964 = arith.constant 96 : index
        %get3A_965 = tpu.vector_load %arg6[%get3A_963, %get3A_964] {strides = array<i32>} : memref<64x128xf32, #tpu.memory_space<vmem>>, vector<16xf32>,
        %get3A_966 = arith.index_cast %scan3A_924 : i32 to index
        %get3A_967 = arith.constant 112 : index
        %get3A_968 = tpu.vector_load %arg10[%get3A_966, %get3A_967] {strides = array<i32>} : memref<64x128xi32, #tpu.memory_space<vmem>>, vector<16xi32>,
        %get3A_969 = arith.index_cast %scan3A_924 : i32 to index
        %get3A_970 = arith.constant 112 : index
        %get3A_971 = tpu.vector_load %arg6[%get3A_969, %get3A_970] {strides = array<i32>} : memref<64x128xf32, #tpu.memory_space<vmem>>, vector<16xf32>,
        %add3A_972 = arith.constant 0 : i32
        %add3A_973 = vector.broadcast %add3A_972 : i32 to vector<16xi32>
        %add3A_974 = arith.addi %iota3A, %add3A_973 : vector<16xi32>
        %shift_right_arithmetic3A_975 = arith.constant 7 : i32
        %shift_right_arithmetic3A_976 = vector.broadcast %shift_right_arithmetic3A_975 : i32 to vector<16xi32>
        %shift_right_arithmetic3A_977 = arith.shrsi %get3A_926, %shift_right_arithmetic3A_976 : vector<16xi32>
        %sub3A_978 = vector.broadcast %mul3A_900 : i32 to vector<16xi32>
        %sub3A_979 = arith.subi %shift_right_arithmetic3A_977, %sub3A_978 : vector<16xi32>
        %and3A_980 = arith.constant 127 : i32
        %and3A_981 = vector.broadcast %and3A_980 : i32 to vector<16xi32>
        %and3A_982 = arith.andi %get3A_926, %and3A_981 : vector<16xi32>
        tpu.vector_store_idx %arg12[%add3A_974, %sub3A_979, %and3A_982], %get3A_929 : memref<128x2x128xf32, #tpu.memory_space<vmem>>[vector<16xi32>, vector<16xi32>, vector<16xi32>], vector<16xf32>,
        %add3A_983 = arith.constant 16 : i32
        %add3A_984 = vector.broadcast %add3A_983 : i32 to vector<16xi32>
        %add3A_985 = arith.addi %iota3A, %add3A_984 : vector<16xi32>
        %shift_right_arithmetic3A_986 = arith.constant 7 : i32
        %shift_right_arithmetic3A_987 = vector.broadcast %shift_right_arithmetic3A_986 : i32 to vector<16xi32>
        %shift_right_arithmetic3A_988 = arith.shrsi %get3A_932, %shift_right_arithmetic3A_987 : vector<16xi32>
        %sub3A_989 = vector.broadcast %mul3A_900 : i32 to vector<16xi32>
        %sub3A_990 = arith.subi %shift_right_arithmetic3A_988, %sub3A_989 : vector<16xi32>
        %and3A_991 = arith.constant 127 : i32
        %and3A_992 = vector.broadcast %and3A_991 : i32 to vector<16xi32>
        %and3A_993 = arith.andi %get3A_932, %and3A_992 : vector<16xi32>
        tpu.vector_store_idx %arg12[%add3A_985, %sub3A_990, %and3A_993], %get3A_935 : memref<128x2x128xf32, #tpu.memory_space<vmem>>[vector<16xi32>, vector<16xi32>, vector<16xi32>], vector<16xf32>,
        %add3A_994 = arith.constant 32 : i32
        %add3A_995 = vector.broadcast %add3A_994 : i32 to vector<16xi32>
        %add3A_996 = arith.addi %iota3A, %add3A_995 : vector<16xi32>
        %shift_right_arithmetic3A_997 = arith.constant 7 : i32
        %shift_right_arithmetic3A_998 = vector.broadcast %shift_right_arithmetic3A_997 : i32 to vector<16xi32>
        %shift_right_arithmetic3A_999 = arith.shrsi %get3A_938, %shift_right_arithmetic3A_998 : vector<16xi32>
        %sub3A_1000 = vector.broadcast %mul3A_900 : i32 to vector<16xi32>
        %sub3A_1001 = arith.subi %shift_right_arithmetic3A_999, %sub3A_1000 : vector<16xi32>
        %and3A_1002 = arith.constant 127 : i32
        %and3A_1003 = vector.broadcast %and3A_1002 : i32 to vector<16xi32>
        %and3A_1004 = arith.andi %get3A_938, %and3A_1003 : vector<16xi32>
        tpu.vector_store_idx %arg12[%add3A_996, %sub3A_1001, %and3A_1004], %get3A_941 : memref<128x2x128xf32, #tpu.memory_space<vmem>>[vector<16xi32>, vector<16xi32>, vector<16xi32>], vector<16xf32>,
        %add3A_1005 = arith.constant 48 : i32
        %add3A_1006 = vector.broadcast %add3A_1005 : i32 to vector<16xi32>
        %add3A_1007 = arith.addi %iota3A, %add3A_1006 : vector<16xi32>
        %shift_right_arithmetic3A_1008 = arith.constant 7 : i32
        %shift_right_arithmetic3A_1009 = vector.broadcast %shift_right_arithmetic3A_1008 : i32 to vector<16xi32>
        %shift_right_arithmetic3A_1010 = arith.shrsi %get3A_944, %shift_right_arithmetic3A_1009 : vector<16xi32>
        %sub3A_1011 = vector.broadcast %mul3A_900 : i32 to vector<16xi32>
        %sub3A_1012 = arith.subi %shift_right_arithmetic3A_1010, %sub3A_1011 : vector<16xi32>
        %and3A_1013 = arith.constant 127 : i32
        %and3A_1014 = vector.broadcast %and3A_1013 : i32 to vector<16xi32>
        %and3A_1015 = arith.andi %get3A_944, %and3A_1014 : vector<16xi32>
        tpu.vector_store_idx %arg12[%add3A_1007, %sub3A_1012, %and3A_1015], %get3A_947 : memref<128x2x128xf32, #tpu.memory_space<vmem>>[vector<16xi32>, vector<16xi32>, vector<16xi32>], vector<16xf32>,
        %add3A_1016 = arith.constant 64 : i32
        %add3A_1017 = vector.broadcast %add3A_1016 : i32 to vector<16xi32>
        %add3A_1018 = arith.addi %iota3A, %add3A_1017 : vector<16xi32>
        %shift_right_arithmetic3A_1019 = arith.constant 7 : i32
        %shift_right_arithmetic3A_1020 = vector.broadcast %shift_right_arithmetic3A_1019 : i32 to vector<16xi32>
        %shift_right_arithmetic3A_1021 = arith.shrsi %get3A_950, %shift_right_arithmetic3A_1020 : vector<16xi32>
        %sub3A_1022 = vector.broadcast %mul3A_900 : i32 to vector<16xi32>
        %sub3A_1023 = arith.subi %shift_right_arithmetic3A_1021, %sub3A_1022 : vector<16xi32>
        %and3A_1024 = arith.constant 127 : i32
        %and3A_1025 = vector.broadcast %and3A_1024 : i32 to vector<16xi32>
        %and3A_1026 = arith.andi %get3A_950, %and3A_1025 : vector<16xi32>
        tpu.vector_store_idx %arg12[%add3A_1018, %sub3A_1023, %and3A_1026], %get3A_953 : memref<128x2x128xf32, #tpu.memory_space<vmem>>[vector<16xi32>, vector<16xi32>, vector<16xi32>], vector<16xf32>,
        %add3A_1027 = arith.constant 80 : i32
        %add3A_1028 = vector.broadcast %add3A_1027 : i32 to vector<16xi32>
        %add3A_1029 = arith.addi %iota3A, %add3A_1028 : vector<16xi32>
        %shift_right_arithmetic3A_1030 = arith.constant 7 : i32
        %shift_right_arithmetic3A_1031 = vector.broadcast %shift_right_arithmetic3A_1030 : i32 to vector<16xi32>
        %shift_right_arithmetic3A_1032 = arith.shrsi %get3A_956, %shift_right_arithmetic3A_1031 : vector<16xi32>
        %sub3A_1033 = vector.broadcast %mul3A_900 : i32 to vector<16xi32>
        %sub3A_1034 = arith.subi %shift_right_arithmetic3A_1032, %sub3A_1033 : vector<16xi32>
        %and3A_1035 = arith.constant 127 : i32
        %and3A_1036 = vector.broadcast %and3A_1035 : i32 to vector<16xi32>
        %and3A_1037 = arith.andi %get3A_956, %and3A_1036 : vector<16xi32>
        tpu.vector_store_idx %arg12[%add3A_1029, %sub3A_1034, %and3A_1037], %get3A_959 : memref<128x2x128xf32, #tpu.memory_space<vmem>>[vector<16xi32>, vector<16xi32>, vector<16xi32>], vector<16xf32>,
        %add3A_1038 = arith.constant 96 : i32
        %add3A_1039 = vector.broadcast %add3A_1038 : i32 to vector<16xi32>
        %add3A_1040 = arith.addi %iota3A, %add3A_1039 : vector<16xi32>
        %shift_right_arithmetic3A_1041 = arith.constant 7 : i32
        %shift_right_arithmetic3A_1042 = vector.broadcast %shift_right_arithmetic3A_1041 : i32 to vector<16xi32>
        %shift_right_arithmetic3A_1043 = arith.shrsi %get3A_962, %shift_right_arithmetic3A_1042 : vector<16xi32>
        %sub3A_1044 = vector.broadcast %mul3A_900 : i32 to vector<16xi32>
        %sub3A_1045 = arith.subi %shift_right_arithmetic3A_1043, %sub3A_1044 : vector<16xi32>
        %and3A_1046 = arith.constant 127 : i32
        %and3A_1047 = vector.broadcast %and3A_1046 : i32 to vector<16xi32>
        %and3A_1048 = arith.andi %get3A_962, %and3A_1047 : vector<16xi32>
        tpu.vector_store_idx %arg12[%add3A_1040, %sub3A_1045, %and3A_1048], %get3A_965 : memref<128x2x128xf32, #tpu.memory_space<vmem>>[vector<16xi32>, vector<16xi32>, vector<16xi32>], vector<16xf32>,
        %add3A_1049 = arith.constant 112 : i32
        %add3A_1050 = vector.broadcast %add3A_1049 : i32 to vector<16xi32>
        %add3A_1051 = arith.addi %iota3A, %add3A_1050 : vector<16xi32>
        %shift_right_arithmetic3A_1052 = arith.constant 7 : i32
        %shift_right_arithmetic3A_1053 = vector.broadcast %shift_right_arithmetic3A_1052 : i32 to vector<16xi32>
        %shift_right_arithmetic3A_1054 = arith.shrsi %get3A_968, %shift_right_arithmetic3A_1053 : vector<16xi32>
        %sub3A_1055 = vector.broadcast %mul3A_900 : i32 to vector<16xi32>
        %sub3A_1056 = arith.subi %shift_right_arithmetic3A_1054, %sub3A_1055 : vector<16xi32>
        %and3A_1057 = arith.constant 127 : i32
        %and3A_1058 = vector.broadcast %and3A_1057 : i32 to vector<16xi32>
        %and3A_1059 = arith.andi %get3A_968, %and3A_1058 : vector<16xi32>
        tpu.vector_store_idx %arg12[%add3A_1051, %sub3A_1056, %and3A_1059], %get3A_971 : memref<128x2x128xf32, #tpu.memory_space<vmem>>[vector<16xi32>, vector<16xi32>, vector<16xi32>], vector<16xf32>,
      }
      %scan3A_906 = arith.constant 64 : i32
      %shift_right_arithmetic3A_907 = arith.constant 1 : i32
      %shift_right_arithmetic3A_908 = arith.shrsi %add3A_808, %shift_right_arithmetic3A_907 : i32
      %add3A_909 = arith.addi %mul3A_2, %shift_right_arithmetic3A_908 : i32
      %shift_right_arithmetic3A_910 = arith.constant 6 : i32
      %shift_right_arithmetic3A_911 = arith.shrsi %add3A_909, %shift_right_arithmetic3A_910 : i32
      %and3A_912 = arith.constant 63 : i32
      %and3A_913 = arith.andi %add3A_909, %and3A_912 : i32
      %mul3A_914 = arith.constant 2 : i32
      %mul3A_915 = arith.muli %mul3A_914, %and3A_913 : i32
      %dma_start3A_916 = arith.constant 128 : i32
      %dma_start3A_917 = arith.constant 0 : i32
      %dma_start3A_918 = tpu.memref_slice %arg4[%shift_right_arithmetic3A_911, %dma_start3A_916, %mul3A_915, %dma_start3A_917] : memref<8x256x128x128xf32, #tpu.memory_space<hbm>> -> memref<1x128x2x128xf32, #tpu.memory_space<hbm>>
      %dma_start3A_919 = tpu.memref_squeeze %dma_start3A_918 : memref<1x128x2x128xf32, #tpu.memory_space<hbm>> -> memref<128x2x128xf32, #tpu.memory_space<hbm>>
      %dma_start3A_920 = arith.constant 128 : i32
      %dma_start3A_921 = arith.constant 0 : i32
      %dma_start3A_922 = tpu.memref_slice %arg4[%shift_right_arithmetic3A_911, %dma_start3A_920, %mul3A_915, %dma_start3A_921] : memref<8x256x128x128xf32, #tpu.memory_space<hbm>> -> memref<1x128x2x128xf32, #tpu.memory_space<hbm>>
      %dma_start3A_923 = tpu.memref_squeeze %dma_start3A_922 : memref<1x128x2x128xf32, #tpu.memory_space<hbm>> -> memref<128x2x128xf32, #tpu.memory_space<hbm>>
      tpu.enqueue_dma source(%arg12 : memref<128x2x128xf32, #tpu.memory_space<vmem>>) target(%dma_start3A_923 : memref<128x2x128xf32, #tpu.memory_space<hbm>>) target_semaphore(%arg20 : memref<!tpu.dma_semaphore, #tpu.memory_space<semaphore_mem>>)
    }
    %scan3A_395 = arith.constant 7 : i32
    %add3A_396 = arith.constant 15 : i32
    %add3A_397 = arith.addi %mul3A_2, %add3A_396 : i32
    %shift_right_arithmetic3A_398 = arith.constant 6 : i32
    %shift_right_arithmetic3A_399 = arith.shrsi %add3A_397, %shift_right_arithmetic3A_398 : i32
    %and3A_400 = arith.constant 63 : i32
    %and3A_401 = arith.andi %add3A_397, %and3A_400 : i32
    %mul3A_402 = arith.constant 2 : i32
    %mul3A_403 = arith.muli %mul3A_402, %and3A_401 : i32
    %dma_wait3A_404 = arith.constant 0 : i32
    %dma_wait3A_405 = arith.constant 0 : i32
    %dma_wait3A_406 = tpu.memref_slice %arg4[%shift_right_arithmetic3A_399, %dma_wait3A_404, %mul3A_403, %dma_wait3A_405] : memref<8x256x128x128xf32, #tpu.memory_space<hbm>> -> memref<1x128x2x128xf32, #tpu.memory_space<hbm>>
    %dma_wait3A_407 = tpu.memref_squeeze %dma_wait3A_406 : memref<1x128x2x128xf32, #tpu.memory_space<hbm>> -> memref<128x2x128xf32, #tpu.memory_space<hbm>>
    %dma_wait3A_408 = arith.constant 0 : i32
    %dma_wait3A_409 = arith.constant 0 : i32
    %dma_wait3A_410 = tpu.memref_slice %arg4[%shift_right_arithmetic3A_399, %dma_wait3A_408, %mul3A_403, %dma_wait3A_409] : memref<8x256x128x128xf32, #tpu.memory_space<hbm>> -> memref<1x128x2x128xf32, #tpu.memory_space<hbm>>
    %dma_wait3A_411 = tpu.memref_squeeze %dma_wait3A_410 : memref<1x128x2x128xf32, #tpu.memory_space<hbm>> -> memref<128x2x128xf32, #tpu.memory_space<hbm>>
    tpu.wait_dma2 semaphore(%arg19 : memref<!tpu.dma_semaphore, #tpu.memory_space<semaphore_mem>>) src(%arg11 : memref<128x2x128xf32, #tpu.memory_space<vmem>>) dst(%dma_wait3A_411 : memref<128x2x128xf32, #tpu.memory_space<hbm>>)
    %add3A_412 = arith.constant 15 : i32
    %add3A_413 = arith.addi %mul3A_2, %add3A_412 : i32
    %shift_right_arithmetic3A_414 = arith.constant 6 : i32
    %shift_right_arithmetic3A_415 = arith.shrsi %add3A_413, %shift_right_arithmetic3A_414 : i32
    %and3A_416 = arith.constant 63 : i32
    %and3A_417 = arith.andi %add3A_413, %and3A_416 : i32
    %mul3A_418 = arith.constant 2 : i32
    %mul3A_419 = arith.muli %mul3A_418, %and3A_417 : i32
    %dma_wait3A_420 = arith.constant 128 : i32
    %dma_wait3A_421 = arith.constant 0 : i32
    %dma_wait3A_422 = tpu.memref_slice %arg4[%shift_right_arithmetic3A_415, %dma_wait3A_420, %mul3A_419, %dma_wait3A_421] : memref<8x256x128x128xf32, #tpu.memory_space<hbm>> -> memref<1x128x2x128xf32, #tpu.memory_space<hbm>>
    %dma_wait3A_423 = tpu.memref_squeeze %dma_wait3A_422 : memref<1x128x2x128xf32, #tpu.memory_space<hbm>> -> memref<128x2x128xf32, #tpu.memory_space<hbm>>
    %dma_wait3A_424 = arith.constant 128 : i32
    %dma_wait3A_425 = arith.constant 0 : i32
    %dma_wait3A_426 = tpu.memref_slice %arg4[%shift_right_arithmetic3A_415, %dma_wait3A_424, %mul3A_419, %dma_wait3A_425] : memref<8x256x128x128xf32, #tpu.memory_space<hbm>> -> memref<1x128x2x128xf32, #tpu.memory_space<hbm>>
    %dma_wait3A_427 = tpu.memref_squeeze %dma_wait3A_426 : memref<1x128x2x128xf32, #tpu.memory_space<hbm>> -> memref<128x2x128xf32, #tpu.memory_space<hbm>>
    tpu.wait_dma2 semaphore(%arg20 : memref<!tpu.dma_semaphore, #tpu.memory_space<semaphore_mem>>) src(%arg12 : memref<128x2x128xf32, #tpu.memory_space<vmem>>) dst(%dma_wait3A_427 : memref<128x2x128xf32, #tpu.memory_space<hbm>>)
    %dma_wait3A_428 = arith.constant 0 : i32
    %dma_wait3A_429 = arith.constant 0 : i32
    %dma_wait3A_430 = arith.constant 0 : i32
    %dma_wait3A_431 = arith.constant 0 : i32
    %dma_wait3A_432 = tpu.memref_slice %arg2[%dma_wait3A_428, %dma_wait3A_429, %dma_wait3A_430, %dma_wait3A_431] : memref<8x64x64x256xf32, #tpu.memory_space<hbm>> -> memref<1x1x64x128xf32, #tpu.memory_space<hbm>>
    %dma_wait3A_433 = tpu.memref_squeeze %dma_wait3A_432 : memref<1x1x64x128xf32, #tpu.memory_space<hbm>> -> memref<64x128xf32, #tpu.memory_space<hbm>>
    %dma_wait3A_434 = arith.constant 0 : i32
    %dma_wait3A_435 = arith.constant 0 : i32
    %dma_wait3A_436 = tpu.memref_slice %arg2[%dma_wait3A_428, %dma_wait3A_429, %dma_wait3A_434, %dma_wait3A_435] : memref<8x64x64x256xf32, #tpu.memory_space<hbm>> -> memref<1x1x64x128xf32, #tpu.memory_space<hbm>>
    %dma_wait3A_437 = tpu.memref_squeeze %dma_wait3A_436 : memref<1x1x64x128xf32, #tpu.memory_space<hbm>> -> memref<64x128xf32, #tpu.memory_space<hbm>>
    tpu.wait_dma2 semaphore(%arg13 : memref<!tpu.dma_semaphore, #tpu.memory_space<semaphore_mem>>) src(%dma_wait3A_437 : memref<64x128xf32, #tpu.memory_space<hbm>>) dst(%arg5 : memref<64x128xf32, #tpu.memory_space<vmem>>)
    %dma_wait3A_438 = arith.constant 0 : i32
    %dma_wait3A_439 = arith.constant 0 : i32
    %dma_wait3A_440 = arith.constant 0 : i32
    %dma_wait3A_441 = arith.constant 0 : i32
    %dma_wait3A_442 = tpu.memref_slice %arg3[%dma_wait3A_438, %dma_wait3A_439, %dma_wait3A_440, %dma_wait3A_441] : memref<8x64x64x256xi32, #tpu.memory_space<hbm>> -> memref<1x1x64x128xi32, #tpu.memory_space<hbm>>
    %dma_wait3A_443 = tpu.memref_squeeze %dma_wait3A_442 : memref<1x1x64x128xi32, #tpu.memory_space<hbm>> -> memref<64x128xi32, #tpu.memory_space<hbm>>
    %dma_wait3A_444 = arith.constant 0 : i32
    %dma_wait3A_445 = arith.constant 0 : i32
    %dma_wait3A_446 = tpu.memref_slice %arg3[%dma_wait3A_438, %dma_wait3A_439, %dma_wait3A_444, %dma_wait3A_445] : memref<8x64x64x256xi32, #tpu.memory_space<hbm>> -> memref<1x1x64x128xi32, #tpu.memory_space<hbm>>
    %dma_wait3A_447 = tpu.memref_squeeze %dma_wait3A_446 : memref<1x1x64x128xi32, #tpu.memory_space<hbm>> -> memref<64x128xi32, #tpu.memory_space<hbm>>
    tpu.wait_dma2 semaphore(%arg15 : memref<!tpu.dma_semaphore, #tpu.memory_space<semaphore_mem>>) src(%dma_wait3A_447 : memref<64x128xi32, #tpu.memory_space<hbm>>) dst(%arg7 : memref<64x128xi32, #tpu.memory_space<vmem>>)
    return
  }
}

</mosaic_0001>

<sc_bundles>
// kernel: kernel.3.cloned.1.call-start
scs
__scs_entry_jumppad:
0x0: {  	(pc) =	sbr.rel $0x88, $3  }
0x1: {  	(tag) =	ssettag $0x0;
	lr =	simm.s32 $0x1  }
0x2: {  	[smem:$0x3F9F] =	sst lr;
	_ =	strace $0xD0000000  }
0x3: {  	_ = 	snop  }
0x4: {  	_ = 	snop  }
0x5: {  	_ = 	snop  }
0x6: {  	_ = 	snop  }
0x7: {  	_ = 	snop  }
__scs_overlays_trampoline_lowered:
0x8: {  	[smem:$0x3FAE] =	sst s0  }
0x9: {  	[smem:$0x3FAF] =	sst s1  }
0xa: {  	[smem:$0x3FB0] =	sst s2  }
0xb: {  	[smem:$0x3FB1] =	sst s3  }
0xc: {  	[smem:$0x3FB2] =	sst s4  }
0xd: {  	[smem:$0x3FB3] =	sst s5  }
0xe: {  	[smem:$0x3FB4] =	sst s6  }
0xf: {  	[smem:$0x3FB5] =	sst s7  }
0x10: {  	[smem:$0x3FB6] =	sst s8  }
0x11: {  	[smem:$0x3FB7] =	sst s9;
	s0 =	simm.s32 @!p0 $0x0  }
0x12: {  	s1 =	sld [smem:$0x3F9D];
	s0 =	simm.s32 @p0 $0x1  }
0x13: {  	[smem:$0x3FB8] =	sst s0;
	s0 =	simm.s32 @!p1 $0x0  }
0x14: {  	s2 =	sld [smem:$0x3F9C];
	s0 =	simm.s32 @p1 $0x1  }
0x15: {  	[smem:$0x3FB9] =	sst s0;
	s0 =	simm.s32 @!p2 $0x0  }
0x16: {  	s3 =	sld [smem:$0x3FDB];
	s0 =	simm.s32 @p2 $0x1  }
0x17: {  	s4 =	simm.s32 $0x1BF5;
	[smem:$0x3FBB] =	sst s0  }
0x18: {  	s0 =	sld [smem:$0x3F9E];
	_ =	swait.ge [sflag:s4], $0x0  }
0x19: {  	s7 =	sld [smem:$0x3F9F]  }
0x1a: {  	s8 =	sadd.s32 $0xFFFFE003, lr  }
0x1b: {  	s9 =	sadd.s32 $0xFFFFFEF7, lr;
	s5 =	simm.s32 $0xFFFFFFFF;
	p2 =	slt.u32 s8, $0xFFFFF086  }
0x1c: {  	p1 =	slt.u32 s9, $0xF7A;
	s5 =	simm.s32 @!p2 $0x0  }
0x1d: {  	s5 =	simm.s32 @p1 $0x1;
	p0 =	seq.s32 s7, s2  }
0x1e: {  	s7 =	smul.u32 @!p0 $0xF7A, s2;
	p2 =	seq.s32 @!p0 s5, $0x0  }
0x1f: {  	s9 =	smul.u32 $0xF7A, s1;
	s8 =	simm.s32 @!p0 $0x1BF5;
	p2 =	por !p2, p0  }
0x20: {  	[sflag:s8] =	ssyncset.s32 @!p0 $0xFFFFF086;
	s6 =	sadd.s32 @!p0 s3, s7;
	s7 =	simm.s32 @!p0 $0x108  }
0x21: {  	s3 =	sadd.s32 s3, s9;
	s6 =	sadd.s32 @!p0 $0x88, s6;
	s7 =	simm.s32 @p2 $0x1082  }
0x22: {  	[simem:s7], [sflag:s8] =	dma.local @!p0 [hbm:s6], $0xF7A  }
0x23: {  	s9 =	sor.u32 $0xD0000000, s2;
	s6 =	simm.s32 $0x108;
	_ =	swait.ge @!p0 [sflag:s8], $0x0  }
0x24: {  	s3 =	sadd.s32 $0x88, s3;
	s6 =	simm.s32 @!p1 $0x1082;
	[sflag:s4] =	ssyncset.s32 $0xFFFFF086  }
0x25: {  	[simem:s6], [sflag:s4] =	dma.local [hbm:s3], $0xF7A  }
0x26: {  	[smem:$0x3F9F] =	sst s1;
	(tag) =	ssettag s2;
	_ =	strace s9  }
0x27: {  	s1 =	sld [smem:$0x3FAF]  }
0x28: {  	s2 =	sld [smem:$0x3FB0]  }
0x29: {  	s4 =	sld [smem:$0x3FB2]  }
0x2a: {  	p0 =	seq.s32 s5, $0x0;
	s5 =	sld [smem:$0x3FB3]  }
0x2b: {  	s6 =	sld [smem:$0x3FB4]  }
0x2c: {  	s7 =	sld [smem:$0x3FB5]  }
0x2d: {  	s3 =	simm.s32 $0x108;
	s8 =	sld [smem:$0x3FB6]  }
0x2e: {  	s3 =	simm.s32 @!p0 $0x1082;
	s9 =	sld [smem:$0x3FB7]  }
0x2f: {  	lr =	sadd.s32 s0, s3;
	s0 =	sld [smem:$0x3FAE]  }
0x30: {  	s3 =	sld [smem:$0x3FB1]  }
0x31: {  	[smem:$0x3FBA] =	sst s10  }
0x32: {  	s10 =	sld [smem:$0x3FB8];
	_ =	sdelay $0x3  }
0x33: {  	p0 =	seq.s32 s10, $0x1;
	s10 =	sld [smem:$0x3FBA];
	_ =	sdelay $0x3  }
0x34: {  	[smem:$0x3FBA] =	sst s10  }
0x35: {  	s10 =	sld [smem:$0x3FB9];
	_ =	sdelay $0x3  }
0x36: {  	p1 =	seq.s32 s10, $0x1;
	s10 =	sld [smem:$0x3FBA];
	_ =	sdelay $0x3  }
0x37: {  	[smem:$0x3FBA] =	sst s10  }
0x38: {  	s10 =	sld [smem:$0x3FBB]  }
0x39: {  	_ = 	snop;
	(pc) =	sbr.ind lr, $3  }
0x3a: {  	_ = 	snop  }
0x3b: {  	_ = 	snop  }
0x3c: {  	p2 =	seq.s32 s10, $0x1;
	s10 =	sld [smem:$0x3FBA]  }
0x3d: {  	_ =	shalt  }
0x3e: {  	_ =	shalt  }
0x3f: {  	_ =	shalt  }
0x40: {  	_ =	shalt  }
0x41: {  	_ =	shalt  }
0x42: {  	_ =	shalt  }
0x43: {  	_ =	shalt  }
0x44: {  	_ =	shalt  }
0x45: {  	_ =	shalt  }
0x46: {  	_ =	shalt  }
0x47: {  	_ =	shalt  }
0x48: {  	_ =	shalt  }
0x49: {  	_ =	shalt  }
0x4a: {  	_ =	shalt  }
0x4b: {  	_ =	shalt  }
0x4c: {  	_ =	shalt  }
0x4d: {  	_ =	shalt  }
0x4e: {  	_ =	shalt  }
0x4f: {  	_ =	shalt  }
0x50: {  	_ =	shalt  }
0x51: {  	_ =	shalt  }
0x52: {  	_ =	shalt  }
0x53: {  	_ =	shalt  }
0x54: {  	_ =	shalt  }
0x55: {  	_ =	shalt  }
0x56: {  	_ =	shalt  }
0x57: {  	_ =	shalt  }
0x58: {  	_ =	shalt  }
0x59: {  	_ =	shalt  }
0x5a: {  	_ =	shalt  }
0x5b: {  	_ =	shalt  }
0x5c: {  	_ =	shalt  }
0x5d: {  	_ =	shalt  }
0x5e: {  	_ =	shalt  }
0x5f: {  	_ =	shalt  }
0x60: {  	_ =	shalt  }
0x61: {  	_ =	shalt  }
0x62: {  	_ =	shalt  }
0x63: {  	_ =	shalt  }
0x64: {  	_ =	shalt  }
0x65: {  	_ =	shalt  }
0x66: {  	_ =	shalt  }
0x67: {  	_ =	shalt  }
0x68: {  	_ =	shalt  }
0x69: {  	_ =	shalt  }
0x6a: {  	_ =	shalt  }
0x6b: {  	_ =	shalt  }
0x6c: {  	_ =	shalt  }
0x6d: {  	_ =	shalt  }
0x6e: {  	_ =	shalt  }
0x6f: {  	_ =	shalt  }
0x70: {  	_ =	shalt  }
0x71: {  	_ =	shalt  }
0x72: {  	_ =	shalt  }
0x73: {  	_ =	shalt  }
0x74: {  	_ =	shalt  }
0x75: {  	_ =	shalt  }
0x76: {  	_ =	shalt  }
0x77: {  	_ =	shalt  }
0x78: {  	_ =	shalt  }
0x79: {  	_ =	shalt  }
0x7a: {  	_ =	shalt  }
0x7b: {  	_ =	shalt  }
0x7c: {  	_ =	shalt  }
0x7d: {  	_ =	shalt  }
0x7e: {  	_ =	shalt  }
0x7f: {  	_ =	shalt  }
0x80: {  	_ =	shalt  }
0x81: {  	_ =	shalt  }
0x82: {  	_ =	shalt  }
0x83: {  	_ =	shalt  }
0x84: {  	_ =	shalt  }
0x85: {  	_ =	shalt  }
0x86: {  	_ =	shalt  }
0x87: {  	_ =	shalt  }
.Lfunc_end0:
.L_simem_size_0:
called_computation_lowered:
.L_overlay_start_0:
0x88: {  	s2 =	sld [smem:$0x3FD9]  }
0x89: {  	s3 =	sld [smem:$0x3FFE];
	_ =	sdelay $0x1  }
0x8a: {  	s1 =	srdreg.scid  }
0x8b: {  	s0 =	sand.u32 $0x1, s1  }
0x8c: {  	s18 =	sshll.u32 s0, $0xA;
	s2 =	sadd.s32 s3, s2  }
0x8d: {  	s2 =	sadd.s32 s2, s18  }
0x8e: {  	[smem:$0x3FC6] =	sst s2  }
0x8f: {  	_ = 	snop  }
0x90: {  	s2 =	sld [smem:$0x3FC9]  }
0x91: {  	s19 =	sld [smem:$0x3FC8]  }
0x92: {  	s4 =	sld [smem:$0x3FD0];
	(tm) =	ssettm $0x1  }
0x93: {  	s5 =	sld [smem:$0x3FFB];
	_ =	sdelay $0x3  }
0x94: {  	_ =	strace s5  }
0x95: {  	s5 =	sld [smem:$0x3FFC];
	_ =	sdelay $0x3  }
0x96: {  	_ =	strace s5  }
0x97: {  	s5 =	sld [smem:$0x3FFD];
	_ =	sdelay $0x3  }
0x98: {  	_ =	strace s5  }
0x99: {  	_ =	strace $0x8FFFFFFF  }
0x9a: {  	s20 =	sld [smem:$0x3FDB];
	_ =	sdelay $0x1  }
0x9b: {  	s6 =	simm.s32 $_scs_section_size  }
0x9c: {  	s7 =	simm.s32 $_size__tile_overlayer_lowered;
	s8 =	simm.s32 $_tile_overlayer_lowered  }
0x9d: {  	s23 =	simm.s32 $0x1BFF;
	s22 =	sshll.u32 s8, $0x1;
	s5 =	sadd.s32 s6, s20  }
0x9e: {  	s9 =	simm.s32 $0x0;
	s21 =	sshll.u32 s7, $0x1;
	s7 =	sadd.s32 s22, s5  }
0x9f: {  	[timem:s9], [sflag:s23] =	dma.local [hbm:s7], s21  }
0xa0: {  	_ =	swait.ge [sflag:s23], s21  }
0xa1: {  	s6 =	ssub.s32 $0x0, s21;
	[sflag:s23] =	ssyncset.done $0x0  }
0xa2: {  	[sflag:s23] =	ssyncadd.s32 s6;
	_ =	sdelay $0x1  }
0xa3: {  	s24 =	simm.s32 $0x1B8B  }
0xa4: {  	_ =	swait.ge [sflag:s24], $0x1  }
0xa5: {  	[sflag:s24] =	ssyncset.done $0x0  }
0xa6: {  	s25 =	simm.s32 $0x1B8E;
	[sflag:s24] =	ssyncadd.s32 $0xFFFFFFFF  }
0xa7: {  	s26 =	simm.s32 $execute0_lowered;
	[smem:$0x3FD2] =	sst s25  }
0xa8: {  	s6 =	sshll.u32 s26, $0x1;
	_ =	strace $0x80000046;
	[dreg:$0x1] =	wrdreg $0xFFFFFFFF  }
0xa9: {  	s28 =	simm.s32 $_size_execute0_lowered;
	s5 =	sadd.s32 s5, s6;
	[dreg:$0x0] =	wrdreg $0x0  }
0xaa: {  	s6 =	sshll.u32 s28, $0x1;
	[dreg:$0x2] =	wrdreg s5  }
0xab: {  	[dreg:$0x3] =	wrdreg s6  }
0xac: {  	[dreg:$0x4] =	wrdreg $0xC0  }
0xad: {  	_ =	task [dreg:s9], $0x5FFFF  }
0xae: {  	[dreg:$0x1] =	wrdreg $0xFFFFFFFF  }
0xaf: {  	[dreg:$0x0] =	wrdreg $0x60  }
0xb0: {  	[dreg:$0x2] =	wrdreg s2  }
0xb1: {  	[dreg:$0x3] =	wrdreg s19  }
0xb2: {  	[dreg:$0x4] =	wrdreg s4  }
0xb3: {  	[dreg:$0x5] =	wrdreg $0x9  }
0xb4: {  	_ =	task.clear_ibuf [dreg:s9], $0x6FFFF;
	_ =	strace $0x90000046  }
0xb5: {  	s29 =	simm.s32 $0x9;
	_ =	strace $0x80000048  }
0xb6: {  	_ =	swait.ge [sflag:s29], $0x1  }
0xb7: {  	[sflag:s29] =	ssyncadd.s32 $0xFFFFFFFF  }
0xb8: {  	_ =	strace $0x90000048  }
0xb9: {  	_ =	sfence  }
0xba: {  	s30 =	sld [smem:$0x0];
	_ =	sdelay $0x2  }
0xbb: {  	s31 =	sshll.u32 s1, $0xD;
	s1 =	sshrl.u32 s1, $0x2  }
0xbc: {  	s3 =	sand.u32 $0x4000, s31;
	s1 =	sadd.s32 s1, s30  }
0xbd: {  	s0 =	sor.u32 s3, s0;
	s1 =	sshll.u32 s1, $0x11  }
0xbe: {  	s0 =	sor.u32 s1, s0  }
0xbf: {  	s0 =	sadd.s32 $0x8F2B, s0  }
0xc0: {  	[sflag:s0] =	ssyncadd.remote.s32 $0x1  }
0xc1: {  	_ =	sfence.sel $0xFFFF  }
0xc2: {  	[dreg:$0x0] =	wrdreg $0xFFFFFFFF;
	(pc) =	sbr.abs _section_cstart, $3  }
0xc3: {  	[dreg:$0x1] =	wrdreg $0xFFFFFFFF  }
0xc4: {  	_ =	task.clear_ibuf [dreg:s9], $0x2FFFF;
	_ =	strace $0x9FFFFFFF  }
0xc5: {  	(tm) =	ssettm $0x7FFFFFFF  }
tec
execute0_lowered:
.L_overlay_start_1:
0x0: {  	(tag) =	ssettag $0x1  }
0x1: {  	s0 =	srdreg.scid;
	s1 =	rddreg [dreg:$0x0]  }
0x2: {  	s11 =	stileid.u32;
	s3 =	rddreg [dreg:$0x1]  }
0x3: {  	s5 =	rddreg [dreg:$0x2];
	s9 =	simm.s32 $0x0;
	s28 =	simm.s32 $0x400  }
0x4: {  	s29 =	simm.s32 $0x800;
	s30 =	simm.s32 $0x4000;
	s31 =	simm.s32 $0x1  }
0x5: {  	s0 =	sand.u32 $0x1, s0;
	s2 =	sshll.u32 s11, $0x5;
	s22 =	sshrl.u32 s11, $0x1  }
0x6: {  	[smem:$0x7FF] =	sst s9;
	s19 =	sshll.u32 s11, $0x10;
	s4 =	sshll.u32 s0, $0x4  }
0x7: {  	s7 =	sshll.u32 s22, $0x14;
	s0 =	ssub.s32 $0x2, s0;
	_ =	strace $0x80000047  }
0x8: {  	s4 =	sor.u32 s4, s2;
	s23 =	sshrl.u32 s0, $0x1;
	s2 =	sshll.u32 s22, $0x13  }
0x9: {  	s22 =	sshll.u32 s11, $0x12;
	s11 =	simm.s32 $0x0;
	s6 =	sand.u32 $0x30, s4  }
0xa: {  	s0 =	ssub.s32 s0, s23;
	s18 =	sshll.u32 s4, $0xB;
	s21 =	sshll.u32 s4, $0x1  }
0xb: {  	s8 =	sshll.u32 s6, $0xE;
	s26 =	sor.u32 $0x1, s6;
	s13 =	sshll.u32 s6, $0x5  }
0xc: {  	s6 =	sshll.u32 s6, $0x1;
	s20 =	sor.u32 $0x1000, s18;
	s23 =	sadd.s32 $0x7E, s21  }
0xd: {  	s0 =	smax.u32 s0, $0x1;
	s8 =	sor.u32 s7, s8;
	s12 =	sshll.u32 s26, $0xE  }
0xe: {  	s2 =	sor.u32 s2, s13;
	s17 =	sshll.u32 s26, $0x1;
	[dreg:$0x10] =	wrdreg s23  }
0xf: {  	s9 =	sadd.s32 s3, s20;
	[dreg:$0x12] =	wrdreg s0;
	s0 =	simm.s32 $0x2000  }
0x10: {  	s13 =	simm.s32 $0x14000;
	s23 =	simm.s32 $0x8;
	s8 =	sshrl.u32 s8, $0x3  }
0x11: {  	s7 =	sor.u32 s7, s12;
	s12 =	sadd.s32 s1, s20;
	[dreg:$0xe] =	wrdreg s9  }
0x12: {  	s9 =	simm.s32 $0x2;
	s24 =	sadd.s32 s1, s8;
	[dreg:$0xd] =	wrdreg s12  }
0x13: {  	s25 =	sadd.s32 s3, s8;
	s8 =	sor.u32 $0x80, s8;
	[dreg:$0x4] =	wrdreg s24  }
0x14: {  	v2 =	vmov s17;
	s17 =	simm.s32 $0x6;
	[dreg:$0x5] =	wrdreg s25;
	s10 =	sadd.s32 s1, s8  }
0x15: {  	s7 =	sshrl.u32 s7, $0x3;
	s8 =	sadd.s32 s3, s8;
	[dreg:$0x6] =	wrdreg s10  }
0x16: {  	s14 =	sadd.s32 s1, s7;
	s15 =	sor.u32 $0x80, s7;
	[dreg:$0x7] =	wrdreg s8  }
0x17: {  	s7 =	sadd.s32 s3, s7;
	s10 =	sadd.s32 s5, s2;
	[dreg:$0x9] =	wrdreg s14  }
0x18: {  	[dreg:$0xa] =	wrdreg s7;
	s16 =	sadd.s32 s1, s15;
	s2 =	sadd.s32 s3, s15  }
0x19: {  	s8 =	sand.u32 $0xE0000, s19;
	s7 =	sand.u32 $0x18000, s18;
	[dreg:$0xb] =	wrdreg s16  }
0x1a: {  	s14 =	simm.s32 $0x5;
	[dreg:$0xc] =	wrdreg s2;
	s7 =	sor.u32 s8, s7  }
0x1b: {  	v1 =	vlaneseq.u32;
	v0 =	vmov s6;
	s24 =	sadd.s32 $0x40000, s10;
	s25 =	sadd.s32 $0x20, s10;
	[dreg:$0x8] =	wrdreg s10  }
0x1c: {  	v3 =	vshll.u32 v0, $0x7;
	v0 =	vmul.u32 $0x100, v1;
	s26 =	sadd.s32 $0x40020, s10;
	s2 =	simm.s32 $0x3;
	[dreg:$0x13] =	wrdreg s24  }
0x1d: {  	v1 =	vbroadcast v3, $0x0;
	v2 =	vshll.u32 v2, $0x7;
	s8 =	simm.s32 $0x100;
	s10 =	simm.s32 $0x4;
	[dreg:$0x14] =	wrdreg s25  }
0x1e: {  	v3 =	vimm.f32 $0.0e+00;
	v2 =	vbroadcast v2, $0x0;
	v4 =	vor.u32 $0x1000, v0;
	s16 =	simm.s32 $0x7;
	s7 =	sor.u32 $0x80, s7;
	[dreg:$0x15] =	wrdreg s26  }
0x1f: {  	v5 =	vor.u32 $0x2000, v0;
	v6 =	vor.u32 $0x3000, v0;
	v7 =	vor.u32 $0x4000, v0;
	[dreg:$0xf] =	wrdreg s7;
	s7 =	sand.u32 $0x60, s21;
	s21 =	sand.u32 $0x380000, s22  }
0x20: {  	v8 =	vor.u32 $0x5000, v0;
	v9 =	vor.u32 $0x6000, v0;
	v10 =	vor.u32 $0x7000, v0;
	s22 =	sor.u32 $0x40000, s22;
	[dreg:$0x11] =	wrdreg s7;
	s7 =	simm.s32 $0xC000  }
.LBB2_1:
0x21: {  	[dreg:$0x16] =	wrdreg s11  }
0x22: {  	s6 =	simm.s32 $0x0;
	s25 =	rddreg [dreg:$0x4]  }
0x23: {  	[tilespmem:s6], [sflag:$0x1] =	stream.strided.gather [hbm4b:s25+s28], $0x2000, s29, s28, $0x38;
	[tilespmem:$0x1C000] =	vst v63  }
0x24: {  	s26 =	rddreg [dreg:$0x5];
	s11 =	simm.s32 $0x0;
	s6 =	simm.s32 $0x40  }
0x25: {  	[tilespmem:s30], [sflag:$0x3] =	stream.strided.gather [hbm4b:s26+s28], $0x2000, s29, s28, $0x38;
	[tilespmem:$0x1C000] =	vst v63  }
.LBB2_2:
0x26: {  	p0 =	sne.s32 s6, $0x1FFC0;
	[tilespmem:s11+$0xC000] =	vst v3;
	s12 =	smov.u32 s6;
	s6 =	sadd.s32 $0x40, s6  }
.Ltmp0:
0x27: {  	[tilespmem:s11+$0x14000] =	vst v3;
	(pc) =	sbr.rel @p0 .LBB2_2-.Ltmp0, $2  }
0x28: {  	_ =	sdelay $0x2  }
0x29: {  	s11 =	sshra.s32 s12, $0x2  }
0x2a: {  	[tilespmem:s11+$0xC000] =	vst v3  }
0x2b: {  	[tilespmem:s11+$0x14000] =	vst v3  }
0x2c: {  	_ =	swait.ge [sflag:s31], $0x2000  }
0x2d: {  	[sflag:s31] =	ssyncset.done $0x0  }
0x2e: {  	[sflag:s31] =	ssyncadd.s32 $0xFFFFE000  }
0x2f: {  	_ =	swait.ge [sflag:s2], $0x2000  }
0x30: {  	[sflag:s2] =	ssyncset.done $0x0  }
0x31: {  	s6 =	rddreg [dreg:$0x6];
	[sflag:s2] =	ssyncadd.s32 $0xFFFFE000  }
0x32: {  	[tilespmem:s0], [sflag:$0x2] =	stream.strided.gather [hbm4b:s6+s28], $0x2000, s29, s28, $0x38;
	[tilespmem:$0x1C000] =	vst v63  }
0x33: {  	s26 =	simm.s32 $0x6000;
	s25 =	rddreg [dreg:$0x7];
	s6 =	simm.s32 $0x0  }
0x34: {  	[tilespmem:s26], [sflag:$0x4] =	stream.strided.gather [hbm4b:s25+s28], $0x2000, s29, s28, $0x38;
	[tilespmem:$0x1C000] =	vst v63  }
0x35: {  	v12 =	vld [tilespmem:s6+$0x4050]  }
0x36: {  	v13 =	vld [tilespmem:s6+$0x4040]  }
0x37: {  	v16 =	vld [tilespmem:s6+$0x4030]  }
0x38: {  	v22 =	vld [tilespmem:s6+$0x4010]  }
0x39: {  	v23 =	vld [tilespmem:s6+$0x4000];
	_ =	sdelay $0x1  }
0x3a: {  	v15 =	vsub.s32 v12, v1  }
0x3b: {  	v18 =	vld [tilespmem:s6+$0x4020];
	v19 =	vsub.s32 v13, v1;
	v14 =	vand.u32 $0x7F, v12;
	v12 =	vsub.s32 v16, v1  }
0x3c: {  	v11 =	vld [tilespmem:s6+$0x40];
	v17 =	vand.u32 $0x7F, v13;
	v24 =	vsub.s32 v22, v1;
	v20 =	vand.u32 $0x7F, v16  }
0x3d: {  	v13 =	vld [tilespmem:s6+$0x4070];
	v25 =	vsub.s32 v23, v1;
	v22 =	vand.u32 $0x7F, v22;
	v23 =	vand.u32 $0x7F, v23  }
0x3e: {  	v16 =	vld [tilespmem:s6+$0x4060];
	v15 =	vand.u32 $0xFFFFFF80, v15;
	v19 =	vand.u32 $0xFFFFFF80, v19;
	v26 =	vand.u32 $0xFFFFFF80, v24  }
0x3f: {  	s11 =	simm.s32 $0x200;
	v21 =	vand.u32 $0xFFFFFF80, v12;
	v12 =	vld [tilespmem:s6+$0x70];
	v24 =	vand.u32 $0xFFFFFF80, v25;
	v22 =	vor.u32 v22, v26  }
.LBB2_4:
0x40: {  	p0 =	sne.s32 s11, $0x7E00;
	v25 =	vld [tilespmem:s6+$0x60];
	v23 =	vor.u32 v23, v24;
	v24 =	vsub.s32 v18, v1;
	v20 =	vor.u32 v20, v21;
	s12 =	smov.u32 s11;
	s11 =	sadd.s32 $0x200, s11  }
0x41: {  	v18 =	vand.u32 $0x7F, v18;
	v21 =	vld [tilespmem:s6+$0x0];
	v23 =	vadd.s32 v0, v23;
	v24 =	vand.u32 $0xFFFFFF80, v24  }
0x42: {  	v22 =	vadd.s32 v4, v22;
	v17 =	vor.u32 v17, v19;
	v26 =	vld [tilespmem:s6+$0x10];
	v18 =	vor.u32 v18, v24  }
0x43: {  	v14 =	vor.u32 v14, v15;
	v15 =	vsub.s32 v13, v1;
	v19 =	vld [tilespmem:s6+$0x20];
	v18 =	vadd.s32 v5, v18  }
0x44: {  	s12 =	sshra.s32 s12, $0x2;
	v20 =	vadd.s32 v6, v20;
	v15 =	vand.u32 $0xFFFFFF80, v15;
	v24 =	vld [tilespmem:s6+$0x30];
	v27 =	vsub.s32 v16, v1  }
0x45: {  	v17 =	vadd.s32 v7, v17;
	v16 =	vand.u32 $0x7F, v16;
	v28 =	vld [tilespmem:s6+$0x50];
	v27 =	vand.u32 $0xFFFFFF80, v27;
	s6 =	smov.u32 s12  }
0x46: {  	v14 =	vadd.s32 v8, v14;
	v13 =	vand.u32 $0x7F, v13;
	[tilespmem:v23+s7+$0x0] =	vst.idx.msk $0xffff, v21;
	v16 =	vor.u32 v16, v27  }
0x47: {  	v13 =	vor.u32 v13, v15;
	[tilespmem:v22+s7+$0x0] =	vst.idx.msk $0xffff, v26;
	v16 =	vadd.s32 v9, v16  }
0x48: {  	v13 =	vadd.s32 v10, v13;
	[tilespmem:v18+s7+$0x0] =	vst.idx.msk $0xffff, v19  }
0x49: {  	[tilespmem:v20+s7+$0x0] =	vst.idx.msk $0xffff, v24  }
0x4a: {  	[tilespmem:v17+s7+$0x0] =	vst.idx.msk $0xffff, v11  }
0x4b: {  	[tilespmem:v14+s7+$0x0] =	vst.idx.msk $0xffff, v28  }
0x4c: {  	[tilespmem:v16+s7+$0x0] =	vst.idx.msk $0xffff, v25  }
0x4d: {  	[tilespmem:v13+s7+$0x0] =	vst.idx.msk $0xffff, v12  }
0x4e: {  	v12 =	vld [tilespmem:s6+$0x4050]  }
0x4f: {  	v16 =	vld [tilespmem:s6+$0x4040]  }
0x50: {  	v20 =	vld [tilespmem:s6+$0x4030]  }
0x51: {  	v22 =	vld [tilespmem:s6+$0x4010]  }
0x52: {  	v23 =	vld [tilespmem:s6+$0x4000]  }
0x53: {  	v11 =	vld [tilespmem:s6+$0x40];
	v13 =	vsub.s32 v12, v1  }
.Ltmp1:
0x54: {  	v14 =	vand.u32 $0x7F, v12;
	v18 =	vld [tilespmem:s6+$0x4020];
	v19 =	vsub.s32 v16, v1;
	v15 =	vand.u32 $0xFFFFFF80, v13;
	(pc) =	sbr.rel @p0 .LBB2_4-.Ltmp1, $4  }
0x55: {  	v17 =	vand.u32 $0x7F, v16;
	v13 =	vld [tilespmem:s6+$0x4070];
	v12 =	vsub.s32 v20, v1;
	v19 =	vand.u32 $0xFFFFFF80, v19  }
0x56: {  	v20 =	vand.u32 $0x7F, v20;
	v16 =	vsub.s32 v22, v1;
	v21 =	vand.u32 $0xFFFFFF80, v12  }
0x57: {  	v22 =	vand.u32 $0x7F, v22;
	v12 =	vld [tilespmem:s6+$0x70];
	v24 =	vsub.s32 v23, v1;
	v25 =	vand.u32 $0xFFFFFF80, v16  }
0x58: {  	v23 =	vand.u32 $0x7F, v23;
	v16 =	vld [tilespmem:s6+$0x4060];
	v24 =	vand.u32 $0xFFFFFF80, v24;
	v22 =	vor.u32 v22, v25  }
0x59: {  	v23 =	vor.u32 v23, v24;
	v24 =	vsub.s32 v18, v1;
	v20 =	vor.u32 v20, v21  }
0x5a: {  	v21 =	vld [tilespmem:s6+$0x0];
	v18 =	vand.u32 $0x7F, v18;
	v23 =	vadd.s32 v0, v23;
	v24 =	vand.u32 $0xFFFFFF80, v24  }
0x5b: {  	v26 =	vld [tilespmem:s6+$0x10];
	v22 =	vadd.s32 v4, v22;
	v17 =	vor.u32 v17, v19;
	v18 =	vor.u32 v18, v24  }
0x5c: {  	v19 =	vld [tilespmem:s6+$0x20];
	v14 =	vor.u32 v14, v15;
	v15 =	vsub.s32 v13, v1;
	v18 =	vadd.s32 v5, v18  }
0x5d: {  	v20 =	vadd.s32 v6, v20;
	v17 =	vadd.s32 v7, v17;
	v24 =	vld [tilespmem:s6+$0x30];
	v27 =	vsub.s32 v16, v1  }
0x5e: {  	v25 =	vld [tilespmem:s6+$0x60];
	v14 =	vadd.s32 v8, v14;
	v16 =	vand.u32 $0x7F, v16;
	v27 =	vand.u32 $0xFFFFFF80, v27  }
0x5f: {  	v28 =	vld [tilespmem:s6+$0x50];
	v13 =	vand.u32 $0x7F, v13;
	v15 =	vand.u32 $0xFFFFFF80, v15;
	[tilespmem:v23+s7+$0x0] =	vst.idx.msk $0xffff, v21;
	v16 =	vor.u32 v16, v27  }
0x60: {  	v13 =	vor.u32 v13, v15;
	[tilespmem:v22+s7+$0x0] =	vst.idx.msk $0xffff, v26;
	v16 =	vadd.s32 v9, v16  }
0x61: {  	v13 =	vadd.s32 v10, v13;
	[tilespmem:v18+s7+$0x0] =	vst.idx.msk $0xffff, v19  }
0x62: {  	[tilespmem:v20+s7+$0x0] =	vst.idx.msk $0xffff, v24  }
0x63: {  	[tilespmem:v17+s7+$0x0] =	vst.idx.msk $0xffff, v11  }
0x64: {  	[tilespmem:v14+s7+$0x0] =	vst.idx.msk $0xffff, v28  }
0x65: {  	[tilespmem:v16+s7+$0x0] =	vst.idx.msk $0xffff, v25  }
0x66: {  	s20 =	rddreg [dreg:$0x8];
	[tilespmem:v13+s7+$0x0] =	vst.idx.msk $0xffff, v12  }
0x67: {  	[hbm4b:s20+s8] =	stream.strided.scatter [tilespmem:s7], [sflag:$0x7], $0x8000, s30, s8, $0x38;
	[tilespmem:$0x1C000] =	vst v63  }
0x68: {  	_ =	swait.ge [sflag:s9], $0x2000  }
0x69: {  	[sflag:s9] =	ssyncset.done $0x0  }
0x6a: {  	[sflag:s9] =	ssyncadd.s32 $0xFFFFE000  }
0x6b: {  	_ =	swait.ge [sflag:s10], $0x2000  }
0x6c: {  	[sflag:s10] =	ssyncset.done $0x0  }
0x6d: {  	s24 =	simm.s32 $0x0;
	s11 =	rddreg [dreg:$0x9];
	[sflag:s10] =	ssyncadd.s32 $0xFFFFE000  }
0x6e: {  	[tilespmem:s24], [sflag:$0x1] =	stream.strided.gather [hbm4b:s11+s28], $0x2000, s29, s28, $0x38;
	[tilespmem:$0x1C000] =	vst v63  }
0x6f: {  	s26 =	simm.s32 $0x8000;
	s6 =	simm.s32 $0x0;
	s25 =	rddreg [dreg:$0xa]  }
0x70: {  	[tilespmem:s26], [sflag:$0x5] =	stream.strided.gather [hbm4b:s25+s28], $0x2000, s29, s28, $0x38;
	[tilespmem:$0x1C000] =	vst v63  }
0x71: {  	v12 =	vld [tilespmem:s6+$0x6050]  }
0x72: {  	v13 =	vld [tilespmem:s6+$0x6040]  }
0x73: {  	v16 =	vld [tilespmem:s6+$0x6030]  }
0x74: {  	v22 =	vld [tilespmem:s6+$0x6010]  }
0x75: {  	v23 =	vld [tilespmem:s6+$0x6000];
	_ =	sdelay $0x1  }
0x76: {  	v15 =	vsub.s32 v12, v1  }
0x77: {  	v18 =	vld [tilespmem:s6+$0x6020];
	v19 =	vsub.s32 v13, v1;
	v14 =	vand.u32 $0x7F, v12;
	v12 =	vsub.s32 v16, v1  }
0x78: {  	v11 =	vld [tilespmem:s6+$0x2040];
	v17 =	vand.u32 $0x7F, v13;
	v24 =	vsub.s32 v22, v1;
	v20 =	vand.u32 $0x7F, v16  }
0x79: {  	v13 =	vld [tilespmem:s6+$0x6070];
	v25 =	vsub.s32 v23, v1;
	v22 =	vand.u32 $0x7F, v22;
	v23 =	vand.u32 $0x7F, v23  }
0x7a: {  	v16 =	vld [tilespmem:s6+$0x6060];
	v15 =	vand.u32 $0xFFFFFF80, v15;
	v19 =	vand.u32 $0xFFFFFF80, v19;
	v26 =	vand.u32 $0xFFFFFF80, v24  }
0x7b: {  	s11 =	simm.s32 $0x200;
	v21 =	vand.u32 $0xFFFFFF80, v12;
	v12 =	vld [tilespmem:s6+$0x2070];
	v24 =	vand.u32 $0xFFFFFF80, v25;
	v22 =	vor.u32 v22, v26  }
.LBB2_6:
0x7c: {  	p0 =	sne.s32 s11, $0x7E00;
	v25 =	vld [tilespmem:s6+$0x2060];
	v23 =	vor.u32 v23, v24;
	v24 =	vsub.s32 v18, v1;
	v20 =	vor.u32 v20, v21;
	s12 =	smov.u32 s11;
	s11 =	sadd.s32 $0x200, s11  }
0x7d: {  	v18 =	vand.u32 $0x7F, v18;
	v21 =	vld [tilespmem:s6+$0x2000];
	v23 =	vadd.s32 v0, v23;
	v24 =	vand.u32 $0xFFFFFF80, v24  }
0x7e: {  	v22 =	vadd.s32 v4, v22;
	v17 =	vor.u32 v17, v19;
	v26 =	vld [tilespmem:s6+$0x2010];
	v18 =	vor.u32 v18, v24  }
0x7f: {  	v14 =	vor.u32 v14, v15;
	v15 =	vsub.s32 v13, v1;
	v19 =	vld [tilespmem:s6+$0x2020];
	v18 =	vadd.s32 v5, v18  }
0x80: {  	s12 =	sshra.s32 s12, $0x2;
	v20 =	vadd.s32 v6, v20;
	v15 =	vand.u32 $0xFFFFFF80, v15;
	v24 =	vld [tilespmem:s6+$0x2030];
	v27 =	vsub.s32 v16, v1  }
0x81: {  	v17 =	vadd.s32 v7, v17;
	v16 =	vand.u32 $0x7F, v16;
	v28 =	vld [tilespmem:s6+$0x2050];
	v27 =	vand.u32 $0xFFFFFF80, v27;
	s6 =	smov.u32 s12  }
0x82: {  	v14 =	vadd.s32 v8, v14;
	v13 =	vand.u32 $0x7F, v13;
	[tilespmem:v23+s13+$0x0] =	vst.idx.msk $0xffff, v21;
	v16 =	vor.u32 v16, v27  }
0x83: {  	v13 =	vor.u32 v13, v15;
	[tilespmem:v22+s13+$0x0] =	vst.idx.msk $0xffff, v26;
	v16 =	vadd.s32 v9, v16  }
0x84: {  	v13 =	vadd.s32 v10, v13;
	[tilespmem:v18+s13+$0x0] =	vst.idx.msk $0xffff, v19  }
0x85: {  	[tilespmem:v20+s13+$0x0] =	vst.idx.msk $0xffff, v24  }
0x86: {  	[tilespmem:v17+s13+$0x0] =	vst.idx.msk $0xffff, v11  }
0x87: {  	[tilespmem:v14+s13+$0x0] =	vst.idx.msk $0xffff, v28  }
0x88: {  	[tilespmem:v16+s13+$0x0] =	vst.idx.msk $0xffff, v25  }
0x89: {  	[tilespmem:v13+s13+$0x0] =	vst.idx.msk $0xffff, v12  }
0x8a: {  	v12 =	vld [tilespmem:s6+$0x6050]  }
0x8b: {  	v16 =	vld [tilespmem:s6+$0x6040]  }
0x8c: {  	v20 =	vld [tilespmem:s6+$0x6030]  }
0x8d: {  	v22 =	vld [tilespmem:s6+$0x6010]  }
0x8e: {  	v23 =	vld [tilespmem:s6+$0x6000]  }
0x8f: {  	v11 =	vld [tilespmem:s6+$0x2040];
	v13 =	vsub.s32 v12, v1  }
.Ltmp2:
0x90: {  	v14 =	vand.u32 $0x7F, v12;
	v18 =	vld [tilespmem:s6+$0x6020];
	v19 =	vsub.s32 v16, v1;
	v15 =	vand.u32 $0xFFFFFF80, v13;
	(pc) =	sbr.rel @p0 .LBB2_6-.Ltmp2, $4  }
0x91: {  	v17 =	vand.u32 $0x7F, v16;
	v13 =	vld [tilespmem:s6+$0x6070];
	v12 =	vsub.s32 v20, v1;
	v19 =	vand.u32 $0xFFFFFF80, v19  }
0x92: {  	v20 =	vand.u32 $0x7F, v20;
	v16 =	vsub.s32 v22, v1;
	v21 =	vand.u32 $0xFFFFFF80, v12  }
0x93: {  	v22 =	vand.u32 $0x7F, v22;
	v12 =	vld [tilespmem:s6+$0x2070];
	v24 =	vsub.s32 v23, v1;
	v25 =	vand.u32 $0xFFFFFF80, v16  }
0x94: {  	v23 =	vand.u32 $0x7F, v23;
	v16 =	vld [tilespmem:s6+$0x6060];
	v24 =	vand.u32 $0xFFFFFF80, v24;
	v22 =	vor.u32 v22, v25  }
0x95: {  	v23 =	vor.u32 v23, v24;
	v52 =	vsub.s32 v18, v1;
	v20 =	vor.u32 v20, v21  }
0x96: {  	v53 =	vld [tilespmem:s6+$0x2000];
	v54 =	vand.u32 $0x7F, v18;
	v23 =	vadd.s32 v0, v23;
	v24 =	vand.u32 $0xFFFFFF80, v52  }
0x97: {  	v26 =	vld [tilespmem:s6+$0x2010];
	v22 =	vadd.s32 v4, v22;
	v17 =	vor.u32 v17, v19;
	v18 =	vor.u32 v54, v24  }
0x98: {  	v55 =	vld [tilespmem:s6+$0x2020];
	v14 =	vor.u32 v14, v15;
	v15 =	vsub.s32 v13, v1;
	v18 =	vadd.s32 v5, v18  }
0x99: {  	v56 =	vld [tilespmem:s6+$0x2030];
	v20 =	vadd.s32 v6, v20;
	v17 =	vadd.s32 v7, v17;
	v27 =	vsub.s32 v16, v1  }
0x9a: {  	v25 =	vld [tilespmem:s6+$0x2060];
	v14 =	vadd.s32 v8, v14;
	v16 =	vand.u32 $0x7F, v16;
	v27 =	vand.u32 $0xFFFFFF80, v27  }
0x9b: {  	v28 =	vld [tilespmem:s6+$0x2050];
	v13 =	vand.u32 $0x7F, v13;
	v15 =	vand.u32 $0xFFFFFF80, v15;
	[tilespmem:v23+s13+$0x0] =	vst.idx.msk $0xffff, v53;
	v16 =	vor.u32 v16, v27  }
0x9c: {  	v13 =	vor.u32 v13, v15;
	[tilespmem:v22+s13+$0x0] =	vst.idx.msk $0xffff, v26;
	v16 =	vadd.s32 v9, v16  }
0x9d: {  	v13 =	vadd.s32 v10, v13;
	[tilespmem:v18+s13+$0x0] =	vst.idx.msk $0xffff, v55  }
0x9e: {  	[tilespmem:v20+s13+$0x0] =	vst.idx.msk $0xffff, v56  }
0x9f: {  	[tilespmem:v17+s13+$0x0] =	vst.idx.msk $0xffff, v11  }
0xa0: {  	[tilespmem:v14+s13+$0x0] =	vst.idx.msk $0xffff, v28  }
0xa1: {  	[tilespmem:v16+s13+$0x0] =	vst.idx.msk $0xffff, v25  }
0xa2: {  	s24 =	rddreg [dreg:$0x13];
	[tilespmem:v13+s13+$0x0] =	vst.idx.msk $0xffff, v12  }
0xa3: {  	[hbm4b:s24+s8] =	stream.strided.scatter [tilespmem:s13], [sflag:$0x8], $0x8000, s30, s8, $0x38;
	[tilespmem:$0x1C000] =	vst v63  }
0xa4: {  	_ =	swait.ge [sflag:s31], $0x2000  }
0xa5: {  	[sflag:s31] =	ssyncset.done $0x0  }
0xa6: {  	[sflag:s31] =	ssyncadd.s32 $0xFFFFE000  }
0xa7: {  	_ =	swait.ge [sflag:s14], $0x2000  }
0xa8: {  	[sflag:s14] =	ssyncset.done $0x0  }
0xa9: {  	s25 =	rddreg [dreg:$0xb];
	[sflag:s14] =	ssyncadd.s32 $0xFFFFE000  }
0xaa: {  	[tilespmem:s0], [sflag:$0x2] =	stream.strided.gather [hbm4b:s25+s28], $0x2000, s29, s28, $0x38;
	[tilespmem:$0x1C000] =	vst v63  }
0xab: {  	s11 =	simm.s32 $0xA000;
	s26 =	rddreg [dreg:$0xc]  }
0xac: {  	[tilespmem:s11], [sflag:$0x6] =	stream.strided.gather [hbm4b:s26+s28], $0x2000, s29, s28, $0x38;
	[tilespmem:$0x1C000] =	vst v63  }
0xad: {  	_ =	swait.ge [sflag:s16], $0x8000  }
0xae: {  	[sflag:s16] =	ssyncset.done $0x0  }
0xaf: {  	s6 =	simm.s32 $0x0;
	[sflag:s16] =	ssyncadd.s32 $0xFFFF8000  }
0xb0: {  	v11 =	vld [tilespmem:s6+$0x4010]  }
0xb1: {  	v12 =	vld [tilespmem:s6+$0x4000]  }
0xb2: {  	v14 =	vld [tilespmem:s6+$0x4030]  }
0xb3: {  	v58 =	vld [tilespmem:s6+$0x4060]  }
0xb4: {  	v13 =	vld [tilespmem:s6+$0x4020];
	_ =	sdelay $0x1  }
0xb5: {  	v15 =	vld [tilespmem:s6+$0x4040];
	v16 =	vand.u32 $0x7F, v11;
	v11 =	vsub.s32 v11, v1  }
0xb6: {  	v17 =	vand.u32 $0x7F, v12;
	v12 =	vsub.s32 v12, v1;
	v59 =	vand.u32 $0x7F, v14  }
0xb7: {  	v57 =	vld [tilespmem:s6+$0x4050];
	v14 =	vsub.s32 v14, v1;
	v62 =	vsub.s32 v58, v1;
	v11 =	vand.u32 $0xFFFFFF80, v11  }
0xb8: {  	v12 =	vand.u32 $0xFFFFFF80, v12;
	v11 =	vor.u32 v16, v11;
	v16 =	vand.u32 $0x7F, v13  }
0xb9: {  	v13 =	vsub.s32 v13, v1;
	v12 =	vor.u32 v17, v12;
	v17 =	vadd.s32 v4, v11  }
0xba: {  	v11 =	vsub.s32 v15, v1;
	v13 =	vand.u32 $0xFFFFFF80, v13;
	v15 =	vand.u32 $0x7F, v15  }
0xbb: {  	v60 =	vld [tilespmem:s6+$0x4070];
	v61 =	vadd.s32 v0, v12;
	v11 =	vand.u32 $0xFFFFFF80, v11;
	v12 =	vor.u32 v16, v13  }
0xbc: {  	v13 =	vsub.s32 v57, v1;
	v16 =	vand.u32 $0x7F, v57;
	v11 =	vor.u32 v15, v11  }
0xbd: {  	v15 =	vadd.s32 v5, v12;
	v12 =	vand.u32 $0xFFFFFF80, v14;
	v13 =	vand.u32 $0xFFFFFF80, v13  }
0xbe: {  	v14 =	vand.u32 $0x7F, v58;
	v11 =	vadd.s32 v7, v11;
	v12 =	vor.u32 v59, v12  }
0xbf: {  	v13 =	vor.u32 v16, v13;
	v16 =	vand.u32 $0xFFFFFF80, v62;
	v12 =	vadd.s32 v6, v12  }
0xc0: {  	v14 =	vor.u32 v14, v16;
	v16 =	vsub.s32 v60, v1;
	[tilespmem:v61+s7+$0x0] =	vst.idx.msk $0xffff, v3  }
0xc1: {  	v63 =	vand.u32 $0x7F, v60;
	v13 =	vadd.s32 v8, v13;
	v16 =	vand.u32 $0xFFFFFF80, v16;
	[tilespmem:v17+s7+$0x0] =	vst.idx.msk $0xffff, v3  }
0xc2: {  	s11 =	simm.s32 $0x200;
	v14 =	vadd.s32 v9, v14;
	[tilespmem:v15+s7+$0x0] =	vst.idx.msk $0xffff, v3;
	v15 =	vor.u32 v63, v16  }
.LBB2_8:
0xc3: {  	p0 =	sne.s32 s11, $0x7E00;
	v15 =	vadd.s32 v10, v15;
	s12 =	smov.u32 s11;
	s11 =	sadd.s32 $0x200, s11  }
0xc4: {  	[tilespmem:v12+s7+$0x0] =	vst.idx.msk $0xffff, v3  }
0xc5: {  	[tilespmem:v11+s7+$0x0] =	vst.idx.msk $0xffff, v3  }
0xc6: {  	[tilespmem:v13+s7+$0x0] =	vst.idx.msk $0xffff, v3  }
0xc7: {  	s12 =	sshra.s32 s12, $0x2;
	[tilespmem:v14+s7+$0x0] =	vst.idx.msk $0xffff, v3  }
0xc8: {  	[tilespmem:v15+s7+$0x0] =	vst.idx.msk $0xffff, v3  }
0xc9: {  	v11 =	vld [tilespmem:s12+$0x4010]  }
0xca: {  	v12 =	vld [tilespmem:s12+$0x4000]  }
0xcb: {  	v13 =	vld [tilespmem:s12+$0x4020]  }
0xcc: {  	v14 =	vld [tilespmem:s12+$0x4030]  }
0xcd: {  	v15 =	vld [tilespmem:s12+$0x4040]  }
0xce: {  	v16 =	vand.u32 $0x7F, v11;
	v11 =	vsub.s32 v11, v1  }
0xcf: {  	v17 =	vand.u32 $0x7F, v12;
	v12 =	vsub.s32 v12, v1;
	v11 =	vand.u32 $0xFFFFFF80, v11  }
0xd0: {  	v18 =	vld [tilespmem:s12+$0x4050];
	v12 =	vand.u32 $0xFFFFFF80, v12;
	v11 =	vor.u32 v16, v11;
	v16 =	vand.u32 $0x7F, v13  }
0xd1: {  	v13 =	vsub.s32 v13, v1;
	v19 =	vld [tilespmem:s12+$0x4060];
	v20 =	vand.u32 $0x7F, v14;
	v14 =	vsub.s32 v14, v1  }
0xd2: {  	v12 =	vor.u32 v17, v12;
	v17 =	vadd.s32 v4, v11;
	v11 =	vsub.s32 v15, v1  }
0xd3: {  	v13 =	vand.u32 $0xFFFFFF80, v13;
	v15 =	vand.u32 $0x7F, v15;
	v11 =	vand.u32 $0xFFFFFF80, v11  }
0xd4: {  	v22 =	vadd.s32 v0, v12;
	v12 =	vor.u32 v16, v13;
	v21 =	vld [tilespmem:s12+$0x4070];
	v11 =	vor.u32 v15, v11  }
0xd5: {  	v15 =	vadd.s32 v5, v12;
	v12 =	vand.u32 $0xFFFFFF80, v14;
	v13 =	vsub.s32 v18, v1  }
0xd6: {  	v11 =	vadd.s32 v7, v11;
	v13 =	vand.u32 $0xFFFFFF80, v13;
	v14 =	vand.u32 $0x7F, v19  }
.Ltmp3:
0xd7: {  	v12 =	vor.u32 v20, v12;
	v16 =	vand.u32 $0x7F, v18;
	v18 =	vsub.s32 v19, v1;
	(pc) =	sbr.rel @p0 .LBB2_8-.Ltmp3, $4  }
0xd8: {  	v12 =	vadd.s32 v6, v12;
	v13 =	vor.u32 v16, v13;
	v16 =	vand.u32 $0xFFFFFF80, v18  }
0xd9: {  	v14 =	vor.u32 v14, v16;
	[tilespmem:v22+s7+$0x0] =	vst.idx.msk $0xffff, v3;
	v16 =	vand.u32 $0x7F, v21;
	v18 =	vsub.s32 v21, v1  }
0xda: {  	v13 =	vadd.s32 v8, v13;
	v14 =	vadd.s32 v9, v14;
	[tilespmem:v17+s7+$0x0] =	vst.idx.msk $0xffff, v3;
	v17 =	vand.u32 $0xFFFFFF80, v18  }
0xdb: {  	[tilespmem:v15+s7+$0x0] =	vst.idx.msk $0xffff, v3;
	v15 =	vor.u32 v16, v17  }
0xdc: {  	_ =	sdelay $0x2  }
0xdd: {  	v15 =	vadd.s32 v10, v15  }
0xde: {  	[tilespmem:v12+s7+$0x0] =	vst.idx.msk $0xffff, v3  }
0xdf: {  	[tilespmem:v11+s7+$0x0] =	vst.idx.msk $0xffff, v3  }
0xe0: {  	[tilespmem:v13+s7+$0x0] =	vst.idx.msk $0xffff, v3  }
0xe1: {  	[tilespmem:v14+s7+$0x0] =	vst.idx.msk $0xffff, v3  }
0xe2: {  	[tilespmem:v15+s7+$0x0] =	vst.idx.msk $0xffff, v3  }
0xe3: {  	v12 =	vld [tilespmem:s6+$0x8050]  }
0xe4: {  	v13 =	vld [tilespmem:s6+$0x8040]  }
0xe5: {  	v16 =	vld [tilespmem:s6+$0x8030]  }
0xe6: {  	v22 =	vld [tilespmem:s6+$0x8010]  }
0xe7: {  	v23 =	vld [tilespmem:s6+$0x8000];
	_ =	sdelay $0x1  }
0xe8: {  	v15 =	vsub.s32 v12, v2  }
0xe9: {  	v18 =	vld [tilespmem:s6+$0x8020];
	v19 =	vsub.s32 v13, v2;
	v14 =	vand.u32 $0x7F, v12;
	v12 =	vsub.s32 v16, v2  }
0xea: {  	v11 =	vld [tilespmem:s6+$0x40];
	v17 =	vand.u32 $0x7F, v13;
	v24 =	vsub.s32 v22, v2;
	v20 =	vand.u32 $0x7F, v16  }
0xeb: {  	v13 =	vld [tilespmem:s6+$0x8070];
	v25 =	vsub.s32 v23, v2;
	v22 =	vand.u32 $0x7F, v22;
	v23 =	vand.u32 $0x7F, v23  }
0xec: {  	v16 =	vld [tilespmem:s6+$0x8060];
	v15 =	vand.u32 $0xFFFFFF80, v15;
	v19 =	vand.u32 $0xFFFFFF80, v19;
	v26 =	vand.u32 $0xFFFFFF80, v24  }
0xed: {  	s11 =	simm.s32 $0x200;
	v21 =	vand.u32 $0xFFFFFF80, v12;
	v12 =	vld [tilespmem:s6+$0x70];
	v24 =	vand.u32 $0xFFFFFF80, v25;
	v22 =	vor.u32 v22, v26  }
.LBB2_10:
0xee: {  	p0 =	sne.s32 s11, $0x7E00;
	v25 =	vld [tilespmem:s6+$0x60];
	v23 =	vor.u32 v23, v24;
	v24 =	vsub.s32 v18, v2;
	v20 =	vor.u32 v20, v21;
	s12 =	smov.u32 s11;
	s11 =	sadd.s32 $0x200, s11  }
0xef: {  	v18 =	vand.u32 $0x7F, v18;
	v21 =	vld [tilespmem:s6+$0x0];
	v23 =	vadd.s32 v0, v23;
	v24 =	vand.u32 $0xFFFFFF80, v24  }
0xf0: {  	v22 =	vadd.s32 v4, v22;
	v17 =	vor.u32 v17, v19;
	v26 =	vld [tilespmem:s6+$0x10];
	v18 =	vor.u32 v18, v24  }
0xf1: {  	v14 =	vor.u32 v14, v15;
	v15 =	vsub.s32 v13, v2;
	v19 =	vld [tilespmem:s6+$0x20];
	v18 =	vadd.s32 v5, v18  }
0xf2: {  	s12 =	sshra.s32 s12, $0x2;
	v20 =	vadd.s32 v6, v20;
	v15 =	vand.u32 $0xFFFFFF80, v15;
	v24 =	vld [tilespmem:s6+$0x30];
	v27 =	vsub.s32 v16, v2  }
0xf3: {  	v17 =	vadd.s32 v7, v17;
	v16 =	vand.u32 $0x7F, v16;
	v28 =	vld [tilespmem:s6+$0x50];
	v27 =	vand.u32 $0xFFFFFF80, v27;
	s6 =	smov.u32 s12  }
0xf4: {  	v14 =	vadd.s32 v8, v14;
	v13 =	vand.u32 $0x7F, v13;
	[tilespmem:v23+s7+$0x0] =	vst.idx.msk $0xffff, v21;
	v16 =	vor.u32 v16, v27  }
0xf5: {  	v13 =	vor.u32 v13, v15;
	[tilespmem:v22+s7+$0x0] =	vst.idx.msk $0xffff, v26;
	v16 =	vadd.s32 v9, v16  }
0xf6: {  	v13 =	vadd.s32 v10, v13;
	[tilespmem:v18+s7+$0x0] =	vst.idx.msk $0xffff, v19  }
0xf7: {  	[tilespmem:v20+s7+$0x0] =	vst.idx.msk $0xffff, v24  }
0xf8: {  	[tilespmem:v17+s7+$0x0] =	vst.idx.msk $0xffff, v11  }
0xf9: {  	[tilespmem:v14+s7+$0x0] =	vst.idx.msk $0xffff, v28  }
0xfa: {  	[tilespmem:v16+s7+$0x0] =	vst.idx.msk $0xffff, v25  }
0xfb: {  	[tilespmem:v13+s7+$0x0] =	vst.idx.msk $0xffff, v12  }
0xfc: {  	v12 =	vld [tilespmem:s6+$0x8050]  }
0xfd: {  	v16 =	vld [tilespmem:s6+$0x8040]  }
0xfe: {  	v20 =	vld [tilespmem:s6+$0x8030]  }
0xff: {  	v22 =	vld [tilespmem:s6+$0x8010]  }
0x100: {  	v23 =	vld [tilespmem:s6+$0x8000]  }
0x101: {  	v11 =	vld [tilespmem:s6+$0x40];
	v13 =	vsub.s32 v12, v2  }
.Ltmp4:
0x102: {  	v14 =	vand.u32 $0x7F, v12;
	v18 =	vld [tilespmem:s6+$0x8020];
	v19 =	vsub.s32 v16, v2;
	v15 =	vand.u32 $0xFFFFFF80, v13;
	(pc) =	sbr.rel @p0 .LBB2_10-.Ltmp4, $4  }
0x103: {  	v17 =	vand.u32 $0x7F, v16;
	v13 =	vld [tilespmem:s6+$0x8070];
	v12 =	vsub.s32 v20, v2;
	v19 =	vand.u32 $0xFFFFFF80, v19  }
0x104: {  	v20 =	vand.u32 $0x7F, v20;
	v16 =	vsub.s32 v22, v2;
	v21 =	vand.u32 $0xFFFFFF80, v12  }
0x105: {  	v22 =	vand.u32 $0x7F, v22;
	v12 =	vld [tilespmem:s6+$0x70];
	v24 =	vsub.s32 v23, v2;
	v25 =	vand.u32 $0xFFFFFF80, v16  }
0x106: {  	v23 =	vand.u32 $0x7F, v23;
	v16 =	vld [tilespmem:s6+$0x8060];
	v24 =	vand.u32 $0xFFFFFF80, v24;
	v22 =	vor.u32 v22, v25  }
0x107: {  	v23 =	vor.u32 v23, v24;
	v52 =	vsub.s32 v18, v2;
	v20 =	vor.u32 v20, v21  }
0x108: {  	v53 =	vld [tilespmem:s6+$0x0];
	v54 =	vand.u32 $0x7F, v18;
	v23 =	vadd.s32 v0, v23;
	v24 =	vand.u32 $0xFFFFFF80, v52  }
0x109: {  	v26 =	vld [tilespmem:s6+$0x10];
	v22 =	vadd.s32 v4, v22;
	v17 =	vor.u32 v17, v19;
	v18 =	vor.u32 v54, v24  }
0x10a: {  	v55 =	vld [tilespmem:s6+$0x20];
	v14 =	vor.u32 v14, v15;
	v15 =	vsub.s32 v13, v2;
	v18 =	vadd.s32 v5, v18  }
0x10b: {  	v56 =	vld [tilespmem:s6+$0x30];
	v20 =	vadd.s32 v6, v20;
	v17 =	vadd.s32 v7, v17;
	v27 =	vsub.s32 v16, v2  }
0x10c: {  	v25 =	vld [tilespmem:s6+$0x60];
	v14 =	vadd.s32 v8, v14;
	v16 =	vand.u32 $0x7F, v16;
	v27 =	vand.u32 $0xFFFFFF80, v27  }
0x10d: {  	v28 =	vld [tilespmem:s6+$0x50];
	v13 =	vand.u32 $0x7F, v13;
	v15 =	vand.u32 $0xFFFFFF80, v15;
	[tilespmem:v23+s7+$0x0] =	vst.idx.msk $0xffff, v53;
	v16 =	vor.u32 v16, v27  }
0x10e: {  	v13 =	vor.u32 v13, v15;
	[tilespmem:v22+s7+$0x0] =	vst.idx.msk $0xffff, v26;
	v16 =	vadd.s32 v9, v16  }
0x10f: {  	v13 =	vadd.s32 v10, v13;
	[tilespmem:v18+s7+$0x0] =	vst.idx.msk $0xffff, v55  }
0x110: {  	[tilespmem:v20+s7+$0x0] =	vst.idx.msk $0xffff, v56  }
0x111: {  	[tilespmem:v17+s7+$0x0] =	vst.idx.msk $0xffff, v11  }
0x112: {  	[tilespmem:v14+s7+$0x0] =	vst.idx.msk $0xffff, v28  }
0x113: {  	[tilespmem:v16+s7+$0x0] =	vst.idx.msk $0xffff, v25  }
0x114: {  	s24 =	rddreg [dreg:$0x14];
	[tilespmem:v13+s7+$0x0] =	vst.idx.msk $0xffff, v12  }
0x115: {  	[hbm4b:s24+s8] =	stream.strided.scatter [tilespmem:s7], [sflag:$0x7], $0x8000, s30, s8, $0x38;
	[tilespmem:$0x1C000] =	vst v63  }
0x116: {  	_ =	swait.ge [sflag:s9], $0x2000  }
0x117: {  	[sflag:s9] =	ssyncset.done $0x0  }
0x118: {  	[sflag:s9] =	ssyncadd.s32 $0xFFFFE000  }
0x119: {  	_ =	swait.ge [sflag:s17], $0x2000  }
0x11a: {  	[sflag:s17] =	ssyncset.done $0x0  }
0x11b: {  	s25 =	simm.s32 $0x0;
	s11 =	rddreg [dreg:$0xd];
	[sflag:s17] =	ssyncadd.s32 $0xFFFFE000  }
0x11c: {  	[tilespmem:s25], [sflag:$0x1] =	stream.strided.gather [hbm4b:s11+s28], $0x2000, s29, s28, $0x38;
	[tilespmem:$0x1C000] =	vst v63  }
0x11d: {  	s26 =	rddreg [dreg:$0xe]  }
0x11e: {  	[tilespmem:s30], [sflag:$0x3] =	stream.strided.gather [hbm4b:s26+s28], $0x2000, s29, s28, $0x38;
	[tilespmem:$0x1C000] =	vst v63  }
0x11f: {  	_ =	swait.ge [sflag:s23], $0x8000  }
0x120: {  	[sflag:s23] =	ssyncset.done $0x0  }
0x121: {  	s6 =	simm.s32 $0x0;
	[sflag:s23] =	ssyncadd.s32 $0xFFFF8000  }
0x122: {  	v11 =	vld [tilespmem:s6+$0x6010]  }
0x123: {  	v12 =	vld [tilespmem:s6+$0x6000]  }
0x124: {  	v14 =	vld [tilespmem:s6+$0x6030]  }
0x125: {  	v58 =	vld [tilespmem:s6+$0x6060]  }
0x126: {  	v13 =	vld [tilespmem:s6+$0x6020];
	_ =	sdelay $0x1  }
0x127: {  	v15 =	vld [tilespmem:s6+$0x6040];
	v16 =	vand.u32 $0x7F, v11;
	v11 =	vsub.s32 v11, v1  }
0x128: {  	v17 =	vand.u32 $0x7F, v12;
	v12 =	vsub.s32 v12, v1;
	v59 =	vand.u32 $0x7F, v14  }
0x129: {  	v57 =	vld [tilespmem:s6+$0x6050];
	v14 =	vsub.s32 v14, v1;
	v62 =	vsub.s32 v58, v1;
	v11 =	vand.u32 $0xFFFFFF80, v11  }
0x12a: {  	v12 =	vand.u32 $0xFFFFFF80, v12;
	v11 =	vor.u32 v16, v11;
	v16 =	vand.u32 $0x7F, v13  }
0x12b: {  	v13 =	vsub.s32 v13, v1;
	v12 =	vor.u32 v17, v12;
	v17 =	vadd.s32 v4, v11  }
0x12c: {  	v11 =	vsub.s32 v15, v1;
	v13 =	vand.u32 $0xFFFFFF80, v13;
	v15 =	vand.u32 $0x7F, v15  }
0x12d: {  	v60 =	vld [tilespmem:s6+$0x6070];
	v61 =	vadd.s32 v0, v12;
	v11 =	vand.u32 $0xFFFFFF80, v11;
	v12 =	vor.u32 v16, v13  }
0x12e: {  	v13 =	vsub.s32 v57, v1;
	v16 =	vand.u32 $0x7F, v57;
	v11 =	vor.u32 v15, v11  }
0x12f: {  	v15 =	vadd.s32 v5, v12;
	v12 =	vand.u32 $0xFFFFFF80, v14;
	v13 =	vand.u32 $0xFFFFFF80, v13  }
0x130: {  	v14 =	vand.u32 $0x7F, v58;
	v11 =	vadd.s32 v7, v11;
	v12 =	vor.u32 v59, v12  }
0x131: {  	v13 =	vor.u32 v16, v13;
	v16 =	vand.u32 $0xFFFFFF80, v62;
	v12 =	vadd.s32 v6, v12  }
0x132: {  	v14 =	vor.u32 v14, v16;
	v16 =	vsub.s32 v60, v1;
	[tilespmem:v61+s13+$0x0] =	vst.idx.msk $0xffff, v3  }
0x133: {  	v63 =	vand.u32 $0x7F, v60;
	v13 =	vadd.s32 v8, v13;
	v16 =	vand.u32 $0xFFFFFF80, v16;
	[tilespmem:v17+s13+$0x0] =	vst.idx.msk $0xffff, v3  }
0x134: {  	s11 =	simm.s32 $0x200;
	v14 =	vadd.s32 v9, v14;
	[tilespmem:v15+s13+$0x0] =	vst.idx.msk $0xffff, v3;
	v15 =	vor.u32 v63, v16  }
.LBB2_12:
0x135: {  	p0 =	sne.s32 s11, $0x7E00;
	v15 =	vadd.s32 v10, v15;
	s12 =	smov.u32 s11;
	s11 =	sadd.s32 $0x200, s11  }
0x136: {  	[tilespmem:v12+s13+$0x0] =	vst.idx.msk $0xffff, v3  }
0x137: {  	[tilespmem:v11+s13+$0x0] =	vst.idx.msk $0xffff, v3  }
0x138: {  	[tilespmem:v13+s13+$0x0] =	vst.idx.msk $0xffff, v3  }
0x139: {  	s12 =	sshra.s32 s12, $0x2;
	[tilespmem:v14+s13+$0x0] =	vst.idx.msk $0xffff, v3  }
0x13a: {  	[tilespmem:v15+s13+$0x0] =	vst.idx.msk $0xffff, v3  }
0x13b: {  	v11 =	vld [tilespmem:s12+$0x6010]  }
0x13c: {  	v12 =	vld [tilespmem:s12+$0x6000]  }
0x13d: {  	v13 =	vld [tilespmem:s12+$0x6020]  }
0x13e: {  	v14 =	vld [tilespmem:s12+$0x6030]  }
0x13f: {  	v15 =	vld [tilespmem:s12+$0x6040]  }
0x140: {  	v16 =	vand.u32 $0x7F, v11;
	v11 =	vsub.s32 v11, v1  }
0x141: {  	v17 =	vand.u32 $0x7F, v12;
	v12 =	vsub.s32 v12, v1;
	v11 =	vand.u32 $0xFFFFFF80, v11  }
0x142: {  	v18 =	vld [tilespmem:s12+$0x6050];
	v12 =	vand.u32 $0xFFFFFF80, v12;
	v11 =	vor.u32 v16, v11;
	v16 =	vand.u32 $0x7F, v13  }
0x143: {  	v13 =	vsub.s32 v13, v1;
	v19 =	vld [tilespmem:s12+$0x6060];
	v20 =	vand.u32 $0x7F, v14;
	v14 =	vsub.s32 v14, v1  }
0x144: {  	v12 =	vor.u32 v17, v12;
	v17 =	vadd.s32 v4, v11;
	v11 =	vsub.s32 v15, v1  }
0x145: {  	v13 =	vand.u32 $0xFFFFFF80, v13;
	v15 =	vand.u32 $0x7F, v15;
	v11 =	vand.u32 $0xFFFFFF80, v11  }
0x146: {  	v22 =	vadd.s32 v0, v12;
	v12 =	vor.u32 v16, v13;
	v21 =	vld [tilespmem:s12+$0x6070];
	v11 =	vor.u32 v15, v11  }
0x147: {  	v15 =	vadd.s32 v5, v12;
	v12 =	vand.u32 $0xFFFFFF80, v14;
	v13 =	vsub.s32 v18, v1  }
0x148: {  	v11 =	vadd.s32 v7, v11;
	v13 =	vand.u32 $0xFFFFFF80, v13;
	v14 =	vand.u32 $0x7F, v19  }
.Ltmp5:
0x149: {  	v12 =	vor.u32 v20, v12;
	v16 =	vand.u32 $0x7F, v18;
	v18 =	vsub.s32 v19, v1;
	(pc) =	sbr.rel @p0 .LBB2_12-.Ltmp5, $4  }
0x14a: {  	v12 =	vadd.s32 v6, v12;
	v13 =	vor.u32 v16, v13;
	v16 =	vand.u32 $0xFFFFFF80, v18  }
0x14b: {  	v14 =	vor.u32 v14, v16;
	[tilespmem:v22+s13+$0x0] =	vst.idx.msk $0xffff, v3;
	v16 =	vand.u32 $0x7F, v21;
	v18 =	vsub.s32 v21, v1  }
0x14c: {  	v13 =	vadd.s32 v8, v13;
	v14 =	vadd.s32 v9, v14;
	[tilespmem:v17+s13+$0x0] =	vst.idx.msk $0xffff, v3;
	v17 =	vand.u32 $0xFFFFFF80, v18  }
0x14d: {  	[tilespmem:v15+s13+$0x0] =	vst.idx.msk $0xffff, v3;
	v15 =	vor.u32 v16, v17  }
0x14e: {  	_ =	sdelay $0x2  }
0x14f: {  	v15 =	vadd.s32 v10, v15  }
0x150: {  	[tilespmem:v12+s13+$0x0] =	vst.idx.msk $0xffff, v3  }
0x151: {  	[tilespmem:v11+s13+$0x0] =	vst.idx.msk $0xffff, v3  }
0x152: {  	[tilespmem:v13+s13+$0x0] =	vst.idx.msk $0xffff, v3  }
0x153: {  	[tilespmem:v14+s13+$0x0] =	vst.idx.msk $0xffff, v3  }
0x154: {  	[tilespmem:v15+s13+$0x0] =	vst.idx.msk $0xffff, v3  }
0x155: {  	v12 =	vld [tilespmem:s6+$0xA050]  }
0x156: {  	v13 =	vld [tilespmem:s6+$0xA040]  }
0x157: {  	v16 =	vld [tilespmem:s6+$0xA030]  }
0x158: {  	v22 =	vld [tilespmem:s6+$0xA010]  }
0x159: {  	v23 =	vld [tilespmem:s6+$0xA000];
	_ =	sdelay $0x1  }
0x15a: {  	v15 =	vsub.s32 v12, v2  }
0x15b: {  	v18 =	vld [tilespmem:s6+$0xA020];
	v19 =	vsub.s32 v13, v2;
	v14 =	vand.u32 $0x7F, v12;
	v12 =	vsub.s32 v16, v2  }
0x15c: {  	v11 =	vld [tilespmem:s6+$0x2040];
	v17 =	vand.u32 $0x7F, v13;
	v24 =	vsub.s32 v22, v2;
	v20 =	vand.u32 $0x7F, v16  }
0x15d: {  	v13 =	vld [tilespmem:s6+$0xA070];
	v25 =	vsub.s32 v23, v2;
	v22 =	vand.u32 $0x7F, v22;
	v23 =	vand.u32 $0x7F, v23  }
0x15e: {  	v16 =	vld [tilespmem:s6+$0xA060];
	v15 =	vand.u32 $0xFFFFFF80, v15;
	v19 =	vand.u32 $0xFFFFFF80, v19;
	v26 =	vand.u32 $0xFFFFFF80, v24  }
0x15f: {  	s11 =	simm.s32 $0x200;
	v21 =	vand.u32 $0xFFFFFF80, v12;
	v12 =	vld [tilespmem:s6+$0x2070];
	v24 =	vand.u32 $0xFFFFFF80, v25;
	v22 =	vor.u32 v22, v26  }
.LBB2_14:
0x160: {  	p0 =	sne.s32 s11, $0x7E00;
	v25 =	vld [tilespmem:s6+$0x2060];
	v23 =	vor.u32 v23, v24;
	v24 =	vsub.s32 v18, v2;
	v20 =	vor.u32 v20, v21;
	s12 =	smov.u32 s11;
	s11 =	sadd.s32 $0x200, s11  }
0x161: {  	v18 =	vand.u32 $0x7F, v18;
	v21 =	vld [tilespmem:s6+$0x2000];
	v23 =	vadd.s32 v0, v23;
	v24 =	vand.u32 $0xFFFFFF80, v24  }
0x162: {  	v22 =	vadd.s32 v4, v22;
	v17 =	vor.u32 v17, v19;
	v26 =	vld [tilespmem:s6+$0x2010];
	v18 =	vor.u32 v18, v24  }
0x163: {  	v14 =	vor.u32 v14, v15;
	v15 =	vsub.s32 v13, v2;
	v19 =	vld [tilespmem:s6+$0x2020];
	v18 =	vadd.s32 v5, v18  }
0x164: {  	s12 =	sshra.s32 s12, $0x2;
	v20 =	vadd.s32 v6, v20;
	v15 =	vand.u32 $0xFFFFFF80, v15;
	v24 =	vld [tilespmem:s6+$0x2030];
	v27 =	vsub.s32 v16, v2  }
0x165: {  	v17 =	vadd.s32 v7, v17;
	v16 =	vand.u32 $0x7F, v16;
	v28 =	vld [tilespmem:s6+$0x2050];
	v27 =	vand.u32 $0xFFFFFF80, v27;
	s6 =	smov.u32 s12  }
0x166: {  	v14 =	vadd.s32 v8, v14;
	v13 =	vand.u32 $0x7F, v13;
	[tilespmem:v23+s13+$0x0] =	vst.idx.msk $0xffff, v21;
	v16 =	vor.u32 v16, v27  }
0x167: {  	v13 =	vor.u32 v13, v15;
	[tilespmem:v22+s13+$0x0] =	vst.idx.msk $0xffff, v26;
	v16 =	vadd.s32 v9, v16  }
0x168: {  	v13 =	vadd.s32 v10, v13;
	[tilespmem:v18+s13+$0x0] =	vst.idx.msk $0xffff, v19  }
0x169: {  	[tilespmem:v20+s13+$0x0] =	vst.idx.msk $0xffff, v24  }
0x16a: {  	[tilespmem:v17+s13+$0x0] =	vst.idx.msk $0xffff, v11  }
0x16b: {  	[tilespmem:v14+s13+$0x0] =	vst.idx.msk $0xffff, v28  }
0x16c: {  	[tilespmem:v16+s13+$0x0] =	vst.idx.msk $0xffff, v25  }
0x16d: {  	[tilespmem:v13+s13+$0x0] =	vst.idx.msk $0xffff, v12  }
0x16e: {  	v12 =	vld [tilespmem:s6+$0xA050]  }
0x16f: {  	v16 =	vld [tilespmem:s6+$0xA040]  }
0x170: {  	v20 =	vld [tilespmem:s6+$0xA030]  }
0x171: {  	v22 =	vld [tilespmem:s6+$0xA010]  }
0x172: {  	v23 =	vld [tilespmem:s6+$0xA000]  }
0x173: {  	v11 =	vld [tilespmem:s6+$0x2040];
	v13 =	vsub.s32 v12, v2  }
.Ltmp6:
0x174: {  	v14 =	vand.u32 $0x7F, v12;
	v18 =	vld [tilespmem:s6+$0xA020];
	v19 =	vsub.s32 v16, v2;
	v15 =	vand.u32 $0xFFFFFF80, v13;
	(pc) =	sbr.rel @p0 .LBB2_14-.Ltmp6, $4  }
0x175: {  	v17 =	vand.u32 $0x7F, v16;
	v13 =	vld [tilespmem:s6+$0xA070];
	v12 =	vsub.s32 v20, v2;
	v19 =	vand.u32 $0xFFFFFF80, v19  }
0x176: {  	v20 =	vand.u32 $0x7F, v20;
	v16 =	vsub.s32 v22, v2;
	v21 =	vand.u32 $0xFFFFFF80, v12  }
0x177: {  	v22 =	vand.u32 $0x7F, v22;
	v12 =	vld [tilespmem:s6+$0x2070];
	v24 =	vsub.s32 v23, v2;
	v25 =	vand.u32 $0xFFFFFF80, v16  }
0x178: {  	v23 =	vand.u32 $0x7F, v23;
	v16 =	vld [tilespmem:s6+$0xA060];
	v24 =	vand.u32 $0xFFFFFF80, v24;
	v22 =	vor.u32 v22, v25  }
0x179: {  	v23 =	vor.u32 v23, v24;
	v56 =	vsub.s32 v18, v2;
	v20 =	vor.u32 v20, v21  }
0x17a: {  	v57 =	vld [tilespmem:s6+$0x2000];
	v58 =	vand.u32 $0x7F, v18;
	v23 =	vadd.s32 v0, v23;
	v24 =	vand.u32 $0xFFFFFF80, v56  }
0x17b: {  	v26 =	vld [tilespmem:s6+$0x2010];
	v22 =	vadd.s32 v4, v22;
	v17 =	vor.u32 v17, v19;
	v18 =	vor.u32 v58, v24  }
0x17c: {  	v59 =	vld [tilespmem:s6+$0x2020];
	v14 =	vor.u32 v14, v15;
	v60 =	vsub.s32 v13, v2;
	v18 =	vadd.s32 v5, v18  }
0x17d: {  	v61 =	vld [tilespmem:s6+$0x2030];
	v20 =	vadd.s32 v6, v20;
	v17 =	vadd.s32 v7, v17;
	v27 =	vsub.s32 v16, v2  }
0x17e: {  	v25 =	vld [tilespmem:s6+$0x2060];
	v14 =	vadd.s32 v8, v14;
	v62 =	vand.u32 $0x7F, v16;
	v27 =	vand.u32 $0xFFFFFF80, v27  }
0x17f: {  	v28 =	vld [tilespmem:s6+$0x2050];
	v63 =	vand.u32 $0x7F, v13;
	v15 =	vand.u32 $0xFFFFFF80, v60;
	[tilespmem:v23+s13+$0x0] =	vst.idx.msk $0xffff, v57;
	v16 =	vor.u32 v62, v27  }
0x180: {  	v13 =	vor.u32 v63, v15;
	[tilespmem:v22+s13+$0x0] =	vst.idx.msk $0xffff, v26;
	v16 =	vadd.s32 v9, v16  }
0x181: {  	v13 =	vadd.s32 v10, v13;
	[tilespmem:v18+s13+$0x0] =	vst.idx.msk $0xffff, v59  }
0x182: {  	[tilespmem:v20+s13+$0x0] =	vst.idx.msk $0xffff, v61  }
0x183: {  	[tilespmem:v17+s13+$0x0] =	vst.idx.msk $0xffff, v11  }
0x184: {  	[tilespmem:v14+s13+$0x0] =	vst.idx.msk $0xffff, v28  }
0x185: {  	[tilespmem:v16+s13+$0x0] =	vst.idx.msk $0xffff, v25  }
0x186: {  	s26 =	rddreg [dreg:$0x15];
	s25 =	simm.s32 $0x1;
	[tilespmem:v13+s13+$0x0] =	vst.idx.msk $0xffff, v12  }
0x187: {  	[hbm4b:s26+s8] =	stream.strided.scatter [tilespmem:s13], [sflag:$0x8], $0x8000, s30, s8, $0x38;
	[tilespmem:$0x1C000] =	vst v63  }
.LBB2_16:
0x188: {  	_ =	swait.ge [sflag:s31], $0x2000  }
0x189: {  	[sflag:s31] =	ssyncset.done $0x0  }
0x18a: {  	[sflag:s31] =	ssyncadd.s32 $0xFFFFE000  }
0x18b: {  	_ =	swait.ge [sflag:s2], $0x2000  }
0x18c: {  	s6 =	sshll.u32 s25, $0xC;
	s11 =	rddreg [dreg:$0xf]  }
0x18d: {  	[sflag:s2] =	ssyncset.done $0x0;
	s6 =	sadd.s32 s11, s6  }
0x18e: {  	[sflag:s2] =	ssyncadd.s32 $0xFFFFE000;
	s11 =	sadd.s32 s1, s6  }
0x18f: {  	[tilespmem:s0], [sflag:$0x2] =	stream.strided.gather [hbm4b:s11+s28], $0x2000, s29, s28, $0x38;
	[tilespmem:$0x1C000] =	vst v63  }
0x190: {  	s19 =	simm.s32 $0x6000;
	s6 =	sadd.s32 s3, s6  }
0x191: {  	[tilespmem:s19], [sflag:$0x4] =	stream.strided.gather [hbm4b:s6+s28], $0x2000, s29, s28, $0x38;
	[tilespmem:$0x1C000] =	vst v63  }
0x192: {  	_ =	swait.ge [sflag:s16], $0x8000  }
0x193: {  	s26 =	sshll.u32 s25, $0x2;
	[sflag:s16] =	ssyncset.done $0x0  }
0x194: {  	s24 =	simm.s32 $0x0;
	s20 =	rddreg [dreg:$0x10];
	[sflag:s16] =	ssyncadd.s32 $0xFFFF8000  }
0x195: {  	s6 =	sadd.s32 s26, s20;
	v11 =	vld [tilespmem:s24+$0x8010]  }
0x196: {  	s6 =	sand.u32 $0x7E, s6;
	v13 =	vld [tilespmem:s24+$0x8000]  }
0x197: {  	v15 =	vld [tilespmem:s24+$0x8030];
	v12 =	vmov s6  }
0x198: {  	v12 =	vshll.u32 v12, $0x7  }
0x199: {  	v14 =	vld [tilespmem:s24+$0x8020];
	v12 =	vbroadcast v12, $0x0  }
0x19a: {  	v16 =	vld [tilespmem:s24+$0x8040]  }
0x19b: {  	v17 =	vand.u32 $0x7F, v11;
	v11 =	vsub.s32 v11, v12  }
0x19c: {  	v19 =	vld [tilespmem:s24+$0x8050];
	v18 =	vand.u32 $0x7F, v13;
	v13 =	vsub.s32 v13, v12;
	v21 =	vand.u32 $0x7F, v15  }
0x19d: {  	v20 =	vld [tilespmem:s24+$0x8060];
	v15 =	vsub.s32 v15, v12;
	v11 =	vand.u32 $0xFFFFFF80, v11;
	v13 =	vand.u32 $0xFFFFFF80, v13  }
0x19e: {  	v11 =	vor.u32 v17, v11;
	v17 =	vand.u32 $0x7F, v14;
	v14 =	vsub.s32 v14, v12  }
0x19f: {  	v13 =	vor.u32 v18, v13;
	v18 =	vadd.s32 v4, v11;
	v11 =	vsub.s32 v16, v12  }
0x1a0: {  	v14 =	vand.u32 $0xFFFFFF80, v14;
	v16 =	vand.u32 $0x7F, v16;
	v23 =	vadd.s32 v0, v13  }
0x1a1: {  	v22 =	vld [tilespmem:s24+$0x8070];
	v11 =	vand.u32 $0xFFFFFF80, v11;
	v13 =	vor.u32 v17, v14;
	v14 =	vsub.s32 v19, v12  }
0x1a2: {  	v17 =	vand.u32 $0x7F, v19;
	v19 =	vsub.s32 v20, v12;
	v11 =	vor.u32 v16, v11  }
0x1a3: {  	v16 =	vadd.s32 v5, v13;
	v13 =	vand.u32 $0xFFFFFF80, v15;
	v14 =	vand.u32 $0xFFFFFF80, v14  }
0x1a4: {  	v15 =	vand.u32 $0x7F, v20;
	v11 =	vadd.s32 v7, v11;
	v13 =	vor.u32 v21, v13  }
0x1a5: {  	v14 =	vor.u32 v17, v14;
	v17 =	vand.u32 $0xFFFFFF80, v19;
	v13 =	vadd.s32 v6, v13  }
0x1a6: {  	v15 =	vor.u32 v15, v17;
	v17 =	vsub.s32 v22, v12;
	[tilespmem:v23+s7+$0x0] =	vst.idx.msk $0xffff, v3  }
0x1a7: {  	v19 =	vand.u32 $0x7F, v22;
	v14 =	vadd.s32 v8, v14;
	v17 =	vand.u32 $0xFFFFFF80, v17;
	[tilespmem:v18+s7+$0x0] =	vst.idx.msk $0xffff, v3  }
0x1a8: {  	s6 =	simm.s32 $0x200;
	v15 =	vadd.s32 v9, v15;
	[tilespmem:v16+s7+$0x0] =	vst.idx.msk $0xffff, v3;
	v16 =	vor.u32 v19, v17  }
.LBB2_17:
0x1a9: {  	p0 =	sne.s32 s6, $0x7E00;
	v16 =	vadd.s32 v10, v16;
	s11 =	smov.u32 s6;
	s6 =	sadd.s32 $0x200, s6  }
0x1aa: {  	[tilespmem:v13+s7+$0x0] =	vst.idx.msk $0xffff, v3  }
0x1ab: {  	[tilespmem:v11+s7+$0x0] =	vst.idx.msk $0xffff, v3  }
0x1ac: {  	[tilespmem:v14+s7+$0x0] =	vst.idx.msk $0xffff, v3  }
0x1ad: {  	s11 =	sshra.s32 s11, $0x2;
	[tilespmem:v15+s7+$0x0] =	vst.idx.msk $0xffff, v3  }
0x1ae: {  	[tilespmem:v16+s7+$0x0] =	vst.idx.msk $0xffff, v3  }
0x1af: {  	v11 =	vld [tilespmem:s11+$0x8010]  }
0x1b0: {  	v13 =	vld [tilespmem:s11+$0x8000]  }
0x1b1: {  	v14 =	vld [tilespmem:s11+$0x8020]  }
0x1b2: {  	v15 =	vld [tilespmem:s11+$0x8030]  }
0x1b3: {  	v16 =	vld [tilespmem:s11+$0x8040]  }
0x1b4: {  	v17 =	vand.u32 $0x7F, v11;
	v11 =	vsub.s32 v11, v12  }
0x1b5: {  	v18 =	vand.u32 $0x7F, v13;
	v13 =	vsub.s32 v13, v12;
	v11 =	vand.u32 $0xFFFFFF80, v11  }
0x1b6: {  	v19 =	vld [tilespmem:s11+$0x8050];
	v13 =	vand.u32 $0xFFFFFF80, v13;
	v11 =	vor.u32 v17, v11;
	v17 =	vand.u32 $0x7F, v14  }
0x1b7: {  	v14 =	vsub.s32 v14, v12;
	v20 =	vld [tilespmem:s11+$0x8060];
	v21 =	vand.u32 $0x7F, v15;
	v15 =	vsub.s32 v15, v12  }
0x1b8: {  	v13 =	vor.u32 v18, v13;
	v18 =	vadd.s32 v4, v11;
	v11 =	vsub.s32 v16, v12  }
0x1b9: {  	v14 =	vand.u32 $0xFFFFFF80, v14;
	v16 =	vand.u32 $0x7F, v16;
	v11 =	vand.u32 $0xFFFFFF80, v11  }
0x1ba: {  	v23 =	vadd.s32 v0, v13;
	v13 =	vor.u32 v17, v14;
	v22 =	vld [tilespmem:s11+$0x8070];
	v11 =	vor.u32 v16, v11  }
0x1bb: {  	v16 =	vadd.s32 v5, v13;
	v13 =	vand.u32 $0xFFFFFF80, v15;
	v14 =	vsub.s32 v19, v12  }
0x1bc: {  	v11 =	vadd.s32 v7, v11;
	v14 =	vand.u32 $0xFFFFFF80, v14;
	v15 =	vand.u32 $0x7F, v20  }
.Ltmp7:
0x1bd: {  	v13 =	vor.u32 v21, v13;
	v17 =	vand.u32 $0x7F, v19;
	v19 =	vsub.s32 v20, v12;
	(pc) =	sbr.rel @p0 .LBB2_17-.Ltmp7, $4  }
0x1be: {  	v13 =	vadd.s32 v6, v13;
	v14 =	vor.u32 v17, v14;
	v17 =	vand.u32 $0xFFFFFF80, v19  }
0x1bf: {  	v15 =	vor.u32 v15, v17;
	[tilespmem:v23+s7+$0x0] =	vst.idx.msk $0xffff, v3;
	v17 =	vand.u32 $0x7F, v22;
	v19 =	vsub.s32 v22, v12  }
0x1c0: {  	v14 =	vadd.s32 v8, v14;
	v15 =	vadd.s32 v9, v15;
	[tilespmem:v18+s7+$0x0] =	vst.idx.msk $0xffff, v3;
	v18 =	vand.u32 $0xFFFFFF80, v19  }
0x1c1: {  	[tilespmem:v16+s7+$0x0] =	vst.idx.msk $0xffff, v3;
	v16 =	vor.u32 v17, v18  }
0x1c2: {  	_ =	sdelay $0x2  }
0x1c3: {  	v16 =	vadd.s32 v10, v16  }
0x1c4: {  	[tilespmem:v13+s7+$0x0] =	vst.idx.msk $0xffff, v3  }
0x1c5: {  	[tilespmem:v11+s7+$0x0] =	vst.idx.msk $0xffff, v3  }
0x1c6: {  	[tilespmem:v14+s7+$0x0] =	vst.idx.msk $0xffff, v3  }
0x1c7: {  	[tilespmem:v15+s7+$0x0] =	vst.idx.msk $0xffff, v3  }
0x1c8: {  	s11 =	simm.s32 $0x0;
	[tilespmem:v16+s7+$0x0] =	vst.idx.msk $0xffff, v3  }
0x1c9: {  	s6 =	rddreg [dreg:$0x11];
	v14 =	vld [tilespmem:s11+$0x4050]  }
0x1ca: {  	s6 =	sor.u32 s6, s26;
	v15 =	vld [tilespmem:s11+$0x4040]  }
0x1cb: {  	v11 =	vmov s6;
	v18 =	vld [tilespmem:s11+$0x4030]  }
0x1cc: {  	v11 =	vshll.u32 v11, $0x7;
	v24 =	vld [tilespmem:s11+$0x4010]  }
0x1cd: {  	v11 =	vbroadcast v11, $0x0;
	v25 =	vld [tilespmem:s11+$0x4000];
	_ =	sdelay $0x1  }
0x1ce: {  	v17 =	vsub.s32 v14, v11  }
0x1cf: {  	v20 =	vld [tilespmem:s11+$0x4020];
	v21 =	vsub.s32 v15, v11;
	v16 =	vand.u32 $0x7F, v14;
	v14 =	vsub.s32 v18, v11  }
0x1d0: {  	v13 =	vld [tilespmem:s11+$0x40];
	v19 =	vand.u32 $0x7F, v15;
	v26 =	vsub.s32 v24, v11;
	v22 =	vand.u32 $0x7F, v18  }
0x1d1: {  	v15 =	vld [tilespmem:s11+$0x4070];
	v27 =	vsub.s32 v25, v11;
	v24 =	vand.u32 $0x7F, v24;
	v25 =	vand.u32 $0x7F, v25  }
0x1d2: {  	v18 =	vld [tilespmem:s11+$0x4060];
	v17 =	vand.u32 $0xFFFFFF80, v17;
	v21 =	vand.u32 $0xFFFFFF80, v21;
	v28 =	vand.u32 $0xFFFFFF80, v26  }
0x1d3: {  	s12 =	simm.s32 $0x200;
	v23 =	vand.u32 $0xFFFFFF80, v14;
	v14 =	vld [tilespmem:s11+$0x70];
	v26 =	vand.u32 $0xFFFFFF80, v27;
	v24 =	vor.u32 v24, v28  }
.LBB2_19:
0x1d4: {  	p0 =	sne.s32 s12, $0x7E00;
	v27 =	vld [tilespmem:s11+$0x60];
	v25 =	vor.u32 v25, v26;
	v26 =	vsub.s32 v20, v11;
	v22 =	vor.u32 v22, v23;
	s15 =	smov.u32 s12;
	s12 =	sadd.s32 $0x200, s12  }
0x1d5: {  	v20 =	vand.u32 $0x7F, v20;
	v23 =	vld [tilespmem:s11+$0x0];
	v25 =	vadd.s32 v0, v25;
	v26 =	vand.u32 $0xFFFFFF80, v26  }
0x1d6: {  	v24 =	vadd.s32 v4, v24;
	v19 =	vor.u32 v19, v21;
	v28 =	vld [tilespmem:s11+$0x10];
	v20 =	vor.u32 v20, v26  }
0x1d7: {  	v16 =	vor.u32 v16, v17;
	v17 =	vsub.s32 v15, v11;
	v21 =	vld [tilespmem:s11+$0x20];
	v20 =	vadd.s32 v5, v20  }
0x1d8: {  	s15 =	sshra.s32 s15, $0x2;
	v22 =	vadd.s32 v6, v22;
	v17 =	vand.u32 $0xFFFFFF80, v17;
	v26 =	vld [tilespmem:s11+$0x30];
	v29 =	vsub.s32 v18, v11  }
0x1d9: {  	v19 =	vadd.s32 v7, v19;
	v18 =	vand.u32 $0x7F, v18;
	v30 =	vld [tilespmem:s11+$0x50];
	v29 =	vand.u32 $0xFFFFFF80, v29;
	s11 =	smov.u32 s15  }
0x1da: {  	v16 =	vadd.s32 v8, v16;
	v15 =	vand.u32 $0x7F, v15;
	[tilespmem:v25+s7+$0x0] =	vst.idx.msk $0xffff, v23;
	v18 =	vor.u32 v18, v29  }
0x1db: {  	v15 =	vor.u32 v15, v17;
	[tilespmem:v24+s7+$0x0] =	vst.idx.msk $0xffff, v28;
	v18 =	vadd.s32 v9, v18  }
0x1dc: {  	v15 =	vadd.s32 v10, v15;
	[tilespmem:v20+s7+$0x0] =	vst.idx.msk $0xffff, v21  }
0x1dd: {  	[tilespmem:v22+s7+$0x0] =	vst.idx.msk $0xffff, v26  }
0x1de: {  	[tilespmem:v19+s7+$0x0] =	vst.idx.msk $0xffff, v13  }
0x1df: {  	[tilespmem:v16+s7+$0x0] =	vst.idx.msk $0xffff, v30  }
0x1e0: {  	[tilespmem:v18+s7+$0x0] =	vst.idx.msk $0xffff, v27  }
0x1e1: {  	[tilespmem:v15+s7+$0x0] =	vst.idx.msk $0xffff, v14  }
0x1e2: {  	v14 =	vld [tilespmem:s11+$0x4050]  }
0x1e3: {  	v18 =	vld [tilespmem:s11+$0x4040]  }
0x1e4: {  	v22 =	vld [tilespmem:s11+$0x4030]  }
0x1e5: {  	v24 =	vld [tilespmem:s11+$0x4010]  }
0x1e6: {  	v25 =	vld [tilespmem:s11+$0x4000]  }
0x1e7: {  	v13 =	vld [tilespmem:s11+$0x40];
	v15 =	vsub.s32 v14, v11  }
.Ltmp8:
0x1e8: {  	v16 =	vand.u32 $0x7F, v14;
	v20 =	vld [tilespmem:s11+$0x4020];
	v21 =	vsub.s32 v18, v11;
	v17 =	vand.u32 $0xFFFFFF80, v15;
	(pc) =	sbr.rel @p0 .LBB2_19-.Ltmp8, $4  }
0x1e9: {  	v19 =	vand.u32 $0x7F, v18;
	v15 =	vld [tilespmem:s11+$0x4070];
	v14 =	vsub.s32 v22, v11;
	v21 =	vand.u32 $0xFFFFFF80, v21  }
0x1ea: {  	v22 =	vand.u32 $0x7F, v22;
	v18 =	vsub.s32 v24, v11;
	v23 =	vand.u32 $0xFFFFFF80, v14  }
0x1eb: {  	v24 =	vand.u32 $0x7F, v24;
	v14 =	vld [tilespmem:s11+$0x70];
	v26 =	vsub.s32 v25, v11;
	v27 =	vand.u32 $0xFFFFFF80, v18  }
0x1ec: {  	v25 =	vand.u32 $0x7F, v25;
	v18 =	vld [tilespmem:s11+$0x4060];
	v26 =	vand.u32 $0xFFFFFF80, v26;
	v24 =	vor.u32 v24, v27  }
0x1ed: {  	v25 =	vor.u32 v25, v26;
	v52 =	vsub.s32 v20, v11;
	v22 =	vor.u32 v22, v23  }
0x1ee: {  	v53 =	vld [tilespmem:s11+$0x0];
	v54 =	vand.u32 $0x7F, v20;
	v25 =	vadd.s32 v0, v25;
	v26 =	vand.u32 $0xFFFFFF80, v52  }
0x1ef: {  	v28 =	vld [tilespmem:s11+$0x10];
	v24 =	vadd.s32 v4, v24;
	v19 =	vor.u32 v19, v21;
	v20 =	vor.u32 v54, v26  }
0x1f0: {  	v55 =	vld [tilespmem:s11+$0x20];
	v16 =	vor.u32 v16, v17;
	v17 =	vsub.s32 v15, v11;
	v20 =	vadd.s32 v5, v20  }
0x1f1: {  	v56 =	vld [tilespmem:s11+$0x30];
	v22 =	vadd.s32 v6, v22;
	v19 =	vadd.s32 v7, v19;
	v29 =	vsub.s32 v18, v11  }
0x1f2: {  	v27 =	vld [tilespmem:s11+$0x60];
	v16 =	vadd.s32 v8, v16;
	v18 =	vand.u32 $0x7F, v18;
	v29 =	vand.u32 $0xFFFFFF80, v29  }
0x1f3: {  	v30 =	vld [tilespmem:s11+$0x50];
	v15 =	vand.u32 $0x7F, v15;
	v17 =	vand.u32 $0xFFFFFF80, v17;
	[tilespmem:v25+s7+$0x0] =	vst.idx.msk $0xffff, v53;
	v18 =	vor.u32 v18, v29  }
0x1f4: {  	v15 =	vor.u32 v15, v17;
	[tilespmem:v24+s7+$0x0] =	vst.idx.msk $0xffff, v28;
	v18 =	vadd.s32 v9, v18  }
0x1f5: {  	v15 =	vadd.s32 v10, v15;
	[tilespmem:v20+s7+$0x0] =	vst.idx.msk $0xffff, v55  }
0x1f6: {  	[tilespmem:v22+s7+$0x0] =	vst.idx.msk $0xffff, v56  }
0x1f7: {  	s6 =	sshll.u32 s6, $0x4;
	s12 =	sshll.u32 s25, $0x6;
	[tilespmem:v19+s7+$0x0] =	vst.idx.msk $0xffff, v13  }
0x1f8: {  	s11 =	sand.u32 $0x780, s6;
	s12 =	sand.u32 $0x40, s12;
	[tilespmem:v16+s7+$0x0] =	vst.idx.msk $0xffff, v30  }
0x1f9: {  	s6 =	sor.u32 s11, s21;
	s15 =	sadd.s32 s5, s12;
	[tilespmem:v18+s7+$0x0] =	vst.idx.msk $0xffff, v27  }
0x1fa: {  	s6 =	sadd.s32 s6, s15;
	[tilespmem:v15+s7+$0x0] =	vst.idx.msk $0xffff, v14  }
0x1fb: {  	[hbm4b:s6+s8] =	stream.strided.scatter [tilespmem:s7], [sflag:$0x7], $0x8000, s30, s8, $0x38;
	[tilespmem:$0x1C000] =	vst v63  }
0x1fc: {  	s24 =	sor.u32 $0x2, s26;
	_ =	swait.ge [sflag:s9], $0x2000  }
0x1fd: {  	s18 =	sshrl.u32 s24, $0x1;
	[sflag:s9] =	ssyncset.done $0x0  }
0x1fe: {  	s6 =	sor.u32 s4, s18;
	[sflag:s9] =	ssyncadd.s32 $0xFFFFE000  }
0x1ff: {  	s19 =	sshll.u32 s6, $0xB;
	_ =	swait.ge [sflag:s10], $0x2000  }
0x200: {  	s15 =	sand.u32 $0xFFFF800, s19;
	[sflag:s10] =	ssyncset.done $0x0  }
0x201: {  	s19 =	simm.s32 $0x0;
	s18 =	sadd.s32 s1, s15;
	[sflag:s10] =	ssyncadd.s32 $0xFFFFE000  }
0x202: {  	[tilespmem:s19], [sflag:$0x1] =	stream.strided.gather [hbm4b:s18+s28], $0x2000, s29, s28, $0x38;
	[tilespmem:$0x1C000] =	vst v63  }
0x203: {  	s20 =	simm.s32 $0x8000;
	s15 =	sadd.s32 s3, s15  }
0x204: {  	[tilespmem:s20], [sflag:$0x5] =	stream.strided.gather [hbm4b:s15+s28], $0x2000, s29, s28, $0x38;
	[tilespmem:$0x1C000] =	vst v63  }
0x205: {  	_ =	swait.ge [sflag:s23], $0x8000  }
0x206: {  	[sflag:s23] =	ssyncset.done $0x0  }
0x207: {  	s15 =	simm.s32 $0x0;
	[sflag:s23] =	ssyncadd.s32 $0xFFFF8000  }
0x208: {  	v13 =	vld [tilespmem:s15+$0xA010]  }
0x209: {  	v14 =	vld [tilespmem:s15+$0xA000]  }
0x20a: {  	v16 =	vld [tilespmem:s15+$0xA030]  }
0x20b: {  	v58 =	vld [tilespmem:s15+$0xA060]  }
0x20c: {  	v15 =	vld [tilespmem:s15+$0xA020];
	_ =	sdelay $0x1  }
0x20d: {  	v17 =	vld [tilespmem:s15+$0xA040];
	v18 =	vand.u32 $0x7F, v13;
	v13 =	vsub.s32 v13, v12  }
0x20e: {  	v19 =	vand.u32 $0x7F, v14;
	v14 =	vsub.s32 v14, v12;
	v59 =	vand.u32 $0x7F, v16  }
0x20f: {  	v57 =	vld [tilespmem:s15+$0xA050];
	v16 =	vsub.s32 v16, v12;
	v62 =	vsub.s32 v58, v12;
	v13 =	vand.u32 $0xFFFFFF80, v13  }
0x210: {  	v14 =	vand.u32 $0xFFFFFF80, v14;
	v13 =	vor.u32 v18, v13;
	v18 =	vand.u32 $0x7F, v15  }
0x211: {  	v15 =	vsub.s32 v15, v12;
	v14 =	vor.u32 v19, v14;
	v19 =	vadd.s32 v4, v13  }
0x212: {  	v13 =	vsub.s32 v17, v12;
	v15 =	vand.u32 $0xFFFFFF80, v15;
	v17 =	vand.u32 $0x7F, v17  }
0x213: {  	v60 =	vld [tilespmem:s15+$0xA070];
	v61 =	vadd.s32 v0, v14;
	v13 =	vand.u32 $0xFFFFFF80, v13;
	v14 =	vor.u32 v18, v15  }
0x214: {  	v15 =	vsub.s32 v57, v12;
	v18 =	vand.u32 $0x7F, v57;
	v13 =	vor.u32 v17, v13  }
0x215: {  	v17 =	vadd.s32 v5, v14;
	v14 =	vand.u32 $0xFFFFFF80, v16;
	v15 =	vand.u32 $0xFFFFFF80, v15  }
0x216: {  	v16 =	vand.u32 $0x7F, v58;
	v13 =	vadd.s32 v7, v13;
	v14 =	vor.u32 v59, v14  }
0x217: {  	v15 =	vor.u32 v18, v15;
	v18 =	vand.u32 $0xFFFFFF80, v62;
	v14 =	vadd.s32 v6, v14  }
0x218: {  	v16 =	vor.u32 v16, v18;
	v18 =	vsub.s32 v60, v12;
	[tilespmem:v61+s13+$0x0] =	vst.idx.msk $0xffff, v3  }
0x219: {  	v63 =	vand.u32 $0x7F, v60;
	v15 =	vadd.s32 v8, v15;
	v18 =	vand.u32 $0xFFFFFF80, v18;
	[tilespmem:v19+s13+$0x0] =	vst.idx.msk $0xffff, v3  }
0x21a: {  	s18 =	simm.s32 $0x200;
	v16 =	vadd.s32 v9, v16;
	[tilespmem:v17+s13+$0x0] =	vst.idx.msk $0xffff, v3;
	v17 =	vor.u32 v63, v18  }
.LBB2_21:
0x21b: {  	p0 =	sne.s32 s18, $0x7E00;
	v17 =	vadd.s32 v10, v17;
	s19 =	smov.u32 s18;
	s18 =	sadd.s32 $0x200, s18  }
0x21c: {  	[tilespmem:v14+s13+$0x0] =	vst.idx.msk $0xffff, v3  }
0x21d: {  	[tilespmem:v13+s13+$0x0] =	vst.idx.msk $0xffff, v3  }
0x21e: {  	[tilespmem:v15+s13+$0x0] =	vst.idx.msk $0xffff, v3  }
0x21f: {  	s19 =	sshra.s32 s19, $0x2;
	[tilespmem:v16+s13+$0x0] =	vst.idx.msk $0xffff, v3  }
0x220: {  	[tilespmem:v17+s13+$0x0] =	vst.idx.msk $0xffff, v3  }
0x221: {  	v13 =	vld [tilespmem:s19+$0xA010]  }
0x222: {  	v14 =	vld [tilespmem:s19+$0xA000]  }
0x223: {  	v15 =	vld [tilespmem:s19+$0xA020]  }
0x224: {  	v16 =	vld [tilespmem:s19+$0xA030]  }
0x225: {  	v17 =	vld [tilespmem:s19+$0xA040]  }
0x226: {  	v18 =	vand.u32 $0x7F, v13;
	v13 =	vsub.s32 v13, v12  }
0x227: {  	v19 =	vand.u32 $0x7F, v14;
	v14 =	vsub.s32 v14, v12;
	v13 =	vand.u32 $0xFFFFFF80, v13  }
0x228: {  	v20 =	vld [tilespmem:s19+$0xA050];
	v14 =	vand.u32 $0xFFFFFF80, v14;
	v13 =	vor.u32 v18, v13;
	v18 =	vand.u32 $0x7F, v15  }
0x229: {  	v15 =	vsub.s32 v15, v12;
	v21 =	vld [tilespmem:s19+$0xA060];
	v22 =	vand.u32 $0x7F, v16;
	v16 =	vsub.s32 v16, v12  }
0x22a: {  	v14 =	vor.u32 v19, v14;
	v19 =	vadd.s32 v4, v13;
	v13 =	vsub.s32 v17, v12  }
0x22b: {  	v15 =	vand.u32 $0xFFFFFF80, v15;
	v17 =	vand.u32 $0x7F, v17;
	v13 =	vand.u32 $0xFFFFFF80, v13  }
0x22c: {  	v24 =	vadd.s32 v0, v14;
	v14 =	vor.u32 v18, v15;
	v23 =	vld [tilespmem:s19+$0xA070];
	v13 =	vor.u32 v17, v13  }
0x22d: {  	v17 =	vadd.s32 v5, v14;
	v14 =	vand.u32 $0xFFFFFF80, v16;
	v15 =	vsub.s32 v20, v12  }
0x22e: {  	v13 =	vadd.s32 v7, v13;
	v15 =	vand.u32 $0xFFFFFF80, v15;
	v16 =	vand.u32 $0x7F, v21  }
.Ltmp9:
0x22f: {  	v14 =	vor.u32 v22, v14;
	v18 =	vand.u32 $0x7F, v20;
	v20 =	vsub.s32 v21, v12;
	(pc) =	sbr.rel @p0 .LBB2_21-.Ltmp9, $4  }
0x230: {  	v14 =	vadd.s32 v6, v14;
	v15 =	vor.u32 v18, v15;
	v18 =	vand.u32 $0xFFFFFF80, v20  }
0x231: {  	v16 =	vor.u32 v16, v18;
	[tilespmem:v24+s13+$0x0] =	vst.idx.msk $0xffff, v3;
	v18 =	vand.u32 $0x7F, v23;
	v20 =	vsub.s32 v23, v12  }
0x232: {  	v15 =	vadd.s32 v8, v15;
	v16 =	vadd.s32 v9, v16;
	[tilespmem:v19+s13+$0x0] =	vst.idx.msk $0xffff, v3;
	v19 =	vand.u32 $0xFFFFFF80, v20  }
0x233: {  	[tilespmem:v17+s13+$0x0] =	vst.idx.msk $0xffff, v3;
	v17 =	vor.u32 v18, v19  }
0x234: {  	_ =	sdelay $0x2  }
0x235: {  	v12 =	vadd.s32 v10, v17  }
0x236: {  	[tilespmem:v14+s13+$0x0] =	vst.idx.msk $0xffff, v3  }
0x237: {  	[tilespmem:v13+s13+$0x0] =	vst.idx.msk $0xffff, v3  }
0x238: {  	[tilespmem:v15+s13+$0x0] =	vst.idx.msk $0xffff, v3  }
0x239: {  	[tilespmem:v16+s13+$0x0] =	vst.idx.msk $0xffff, v3  }
0x23a: {  	[tilespmem:v12+s13+$0x0] =	vst.idx.msk $0xffff, v3  }
0x23b: {  	v13 =	vld [tilespmem:s15+$0x6050]  }
0x23c: {  	v14 =	vld [tilespmem:s15+$0x6040]  }
0x23d: {  	v17 =	vld [tilespmem:s15+$0x6030]  }
0x23e: {  	v23 =	vld [tilespmem:s15+$0x6010]  }
0x23f: {  	v24 =	vld [tilespmem:s15+$0x6000];
	_ =	sdelay $0x1  }
0x240: {  	v16 =	vsub.s32 v13, v11  }
0x241: {  	v19 =	vld [tilespmem:s15+$0x6020];
	v20 =	vsub.s32 v14, v11;
	v15 =	vand.u32 $0x7F, v13;
	v13 =	vsub.s32 v17, v11  }
0x242: {  	v12 =	vld [tilespmem:s15+$0x2040];
	v18 =	vand.u32 $0x7F, v14;
	v25 =	vsub.s32 v23, v11;
	v21 =	vand.u32 $0x7F, v17  }
0x243: {  	v14 =	vld [tilespmem:s15+$0x6070];
	v26 =	vsub.s32 v24, v11;
	v23 =	vand.u32 $0x7F, v23;
	v24 =	vand.u32 $0x7F, v24  }
0x244: {  	v17 =	vld [tilespmem:s15+$0x6060];
	v16 =	vand.u32 $0xFFFFFF80, v16;
	v20 =	vand.u32 $0xFFFFFF80, v20;
	v27 =	vand.u32 $0xFFFFFF80, v25  }
0x245: {  	s18 =	simm.s32 $0x200;
	v22 =	vand.u32 $0xFFFFFF80, v13;
	v13 =	vld [tilespmem:s15+$0x2070];
	v25 =	vand.u32 $0xFFFFFF80, v26;
	v23 =	vor.u32 v23, v27  }
.LBB2_23:
0x246: {  	p0 =	sne.s32 s18, $0x7E00;
	v26 =	vld [tilespmem:s15+$0x2060];
	v24 =	vor.u32 v24, v25;
	v25 =	vsub.s32 v19, v11;
	v21 =	vor.u32 v21, v22;
	s19 =	smov.u32 s18;
	s18 =	sadd.s32 $0x200, s18  }
0x247: {  	v19 =	vand.u32 $0x7F, v19;
	v22 =	vld [tilespmem:s15+$0x2000];
	v24 =	vadd.s32 v0, v24;
	v25 =	vand.u32 $0xFFFFFF80, v25  }
0x248: {  	v23 =	vadd.s32 v4, v23;
	v18 =	vor.u32 v18, v20;
	v27 =	vld [tilespmem:s15+$0x2010];
	v19 =	vor.u32 v19, v25  }
0x249: {  	v15 =	vor.u32 v15, v16;
	v16 =	vsub.s32 v14, v11;
	v20 =	vld [tilespmem:s15+$0x2020];
	v19 =	vadd.s32 v5, v19  }
0x24a: {  	s19 =	sshra.s32 s19, $0x2;
	v21 =	vadd.s32 v6, v21;
	v16 =	vand.u32 $0xFFFFFF80, v16;
	v25 =	vld [tilespmem:s15+$0x2030];
	v28 =	vsub.s32 v17, v11  }
0x24b: {  	v18 =	vadd.s32 v7, v18;
	v17 =	vand.u32 $0x7F, v17;
	v29 =	vld [tilespmem:s15+$0x2050];
	v28 =	vand.u32 $0xFFFFFF80, v28;
	s15 =	smov.u32 s19  }
0x24c: {  	v15 =	vadd.s32 v8, v15;
	v14 =	vand.u32 $0x7F, v14;
	[tilespmem:v24+s13+$0x0] =	vst.idx.msk $0xffff, v22;
	v17 =	vor.u32 v17, v28  }
0x24d: {  	v14 =	vor.u32 v14, v16;
	[tilespmem:v23+s13+$0x0] =	vst.idx.msk $0xffff, v27;
	v17 =	vadd.s32 v9, v17  }
0x24e: {  	v14 =	vadd.s32 v10, v14;
	[tilespmem:v19+s13+$0x0] =	vst.idx.msk $0xffff, v20  }
0x24f: {  	[tilespmem:v21+s13+$0x0] =	vst.idx.msk $0xffff, v25  }
0x250: {  	[tilespmem:v18+s13+$0x0] =	vst.idx.msk $0xffff, v12  }
0x251: {  	[tilespmem:v15+s13+$0x0] =	vst.idx.msk $0xffff, v29  }
0x252: {  	[tilespmem:v17+s13+$0x0] =	vst.idx.msk $0xffff, v26  }
0x253: {  	[tilespmem:v14+s13+$0x0] =	vst.idx.msk $0xffff, v13  }
0x254: {  	v13 =	vld [tilespmem:s15+$0x6050]  }
0x255: {  	v17 =	vld [tilespmem:s15+$0x6040]  }
0x256: {  	v21 =	vld [tilespmem:s15+$0x6030]  }
0x257: {  	v23 =	vld [tilespmem:s15+$0x6010]  }
0x258: {  	v24 =	vld [tilespmem:s15+$0x6000]  }
0x259: {  	v12 =	vld [tilespmem:s15+$0x2040];
	v14 =	vsub.s32 v13, v11  }
.Ltmp10:
0x25a: {  	v15 =	vand.u32 $0x7F, v13;
	v19 =	vld [tilespmem:s15+$0x6020];
	v20 =	vsub.s32 v17, v11;
	v16 =	vand.u32 $0xFFFFFF80, v14;
	(pc) =	sbr.rel @p0 .LBB2_23-.Ltmp10, $4  }
0x25b: {  	v18 =	vand.u32 $0x7F, v17;
	v14 =	vld [tilespmem:s15+$0x6070];
	v13 =	vsub.s32 v21, v11;
	v20 =	vand.u32 $0xFFFFFF80, v20  }
0x25c: {  	v21 =	vand.u32 $0x7F, v21;
	v17 =	vsub.s32 v23, v11;
	v22 =	vand.u32 $0xFFFFFF80, v13  }
0x25d: {  	v23 =	vand.u32 $0x7F, v23;
	v13 =	vld [tilespmem:s15+$0x2070];
	v25 =	vsub.s32 v24, v11;
	v26 =	vand.u32 $0xFFFFFF80, v17  }
0x25e: {  	v24 =	vand.u32 $0x7F, v24;
	v17 =	vld [tilespmem:s15+$0x6060];
	v25 =	vand.u32 $0xFFFFFF80, v25;
	v23 =	vor.u32 v23, v26  }
0x25f: {  	v24 =	vor.u32 v24, v25;
	v56 =	vsub.s32 v19, v11;
	v21 =	vor.u32 v21, v22  }
0x260: {  	v57 =	vld [tilespmem:s15+$0x2000];
	v19 =	vand.u32 $0x7F, v19;
	v24 =	vadd.s32 v0, v24;
	v25 =	vand.u32 $0xFFFFFF80, v56  }
0x261: {  	v27 =	vld [tilespmem:s15+$0x2010];
	v23 =	vadd.s32 v4, v23;
	v18 =	vor.u32 v18, v20;
	v19 =	vor.u32 v19, v25  }
0x262: {  	v58 =	vld [tilespmem:s15+$0x2020];
	v15 =	vor.u32 v15, v16;
	v16 =	vsub.s32 v14, v11;
	v19 =	vadd.s32 v5, v19  }
0x263: {  	v59 =	vld [tilespmem:s15+$0x2030];
	v21 =	vadd.s32 v6, v21;
	v18 =	vadd.s32 v7, v18;
	v28 =	vsub.s32 v17, v11  }
0x264: {  	v26 =	vld [tilespmem:s15+$0x2060];
	v15 =	vadd.s32 v8, v15;
	v17 =	vand.u32 $0x7F, v17;
	v28 =	vand.u32 $0xFFFFFF80, v28  }
0x265: {  	v29 =	vld [tilespmem:s15+$0x2050];
	v14 =	vand.u32 $0x7F, v14;
	v16 =	vand.u32 $0xFFFFFF80, v16;
	[tilespmem:v24+s13+$0x0] =	vst.idx.msk $0xffff, v57;
	v17 =	vor.u32 v17, v28  }
0x266: {  	v14 =	vor.u32 v14, v16;
	[tilespmem:v23+s13+$0x0] =	vst.idx.msk $0xffff, v27;
	v17 =	vadd.s32 v9, v17  }
0x267: {  	v14 =	vadd.s32 v10, v14;
	[tilespmem:v19+s13+$0x0] =	vst.idx.msk $0xffff, v58  }
0x268: {  	[tilespmem:v21+s13+$0x0] =	vst.idx.msk $0xffff, v59  }
0x269: {  	[tilespmem:v18+s13+$0x0] =	vst.idx.msk $0xffff, v12  }
0x26a: {  	s12 =	sor.u32 s22, s12;
	[tilespmem:v15+s13+$0x0] =	vst.idx.msk $0xffff, v29  }
0x26b: {  	s11 =	sor.u32 s11, s12;
	[tilespmem:v17+s13+$0x0] =	vst.idx.msk $0xffff, v26  }
0x26c: {  	s11 =	sadd.s32 s5, s11;
	[tilespmem:v14+s13+$0x0] =	vst.idx.msk $0xffff, v13  }
0x26d: {  	[hbm4b:s11+s8] =	stream.strided.scatter [tilespmem:s13], [sflag:$0x8], $0x8000, s30, s8, $0x38;
	[tilespmem:$0x1C000] =	vst v63  }
0x26e: {  	_ =	swait.ge [sflag:s31], $0x2000  }
0x26f: {  	s11 =	sshllo.u32 s25, $0x1;
	[sflag:s31] =	ssyncset.done $0x0  }
0x270: {  	s12 =	sor.u32 s4, s11;
	[sflag:s31] =	ssyncadd.s32 $0xFFFFE000  }
0x271: {  	s18 =	sshll.u32 s12, $0xB;
	_ =	swait.ge [sflag:s14], $0x2000  }
0x272: {  	s15 =	sor.u32 $0x80, s18;
	[sflag:s14] =	ssyncset.done $0x0  }
0x273: {  	s18 =	sadd.s32 s1, s15;
	[sflag:s14] =	ssyncadd.s32 $0xFFFFE000  }
0x274: {  	[tilespmem:s0], [sflag:$0x2] =	stream.strided.gather [hbm4b:s18+s28], $0x2000, s29, s28, $0x38;
	[tilespmem:$0x1C000] =	vst v63  }
0x275: {  	s19 =	simm.s32 $0xA000;
	s15 =	sadd.s32 s3, s15  }
0x276: {  	[tilespmem:s19], [sflag:$0x6] =	stream.strided.gather [hbm4b:s15+s28], $0x2000, s29, s28, $0x38;
	[tilespmem:$0x1C000] =	vst v63  }
0x277: {  	_ =	swait.ge [sflag:s16], $0x8000  }
0x278: {  	[sflag:s16] =	ssyncset.done $0x0  }
0x279: {  	s20 =	simm.s32 $0x0;
	[sflag:s16] =	ssyncadd.s32 $0xFFFF8000  }
0x27a: {  	v12 =	vld [tilespmem:s20+$0x4010]  }
0x27b: {  	v13 =	vld [tilespmem:s20+$0x4000]  }
0x27c: {  	v15 =	vld [tilespmem:s20+$0x4030];
	_ =	sdelay $0x1  }
0x27d: {  	v14 =	vld [tilespmem:s20+$0x4020]  }
0x27e: {  	v16 =	vld [tilespmem:s20+$0x4040]  }
0x27f: {  	v17 =	vand.u32 $0x7F, v12;
	v12 =	vsub.s32 v12, v11  }
0x280: {  	v19 =	vld [tilespmem:s20+$0x4050];
	v18 =	vand.u32 $0x7F, v13;
	v13 =	vsub.s32 v13, v11;
	v61 =	vand.u32 $0x7F, v15  }
0x281: {  	v60 =	vld [tilespmem:s20+$0x4060];
	v15 =	vsub.s32 v15, v11;
	v12 =	vand.u32 $0xFFFFFF80, v12;
	v13 =	vand.u32 $0xFFFFFF80, v13  }
0x282: {  	v12 =	vor.u32 v17, v12;
	v17 =	vand.u32 $0x7F, v14;
	v14 =	vsub.s32 v14, v11  }
0x283: {  	v13 =	vor.u32 v18, v13;
	v18 =	vadd.s32 v4, v12;
	v12 =	vsub.s32 v16, v11  }
0x284: {  	v14 =	vand.u32 $0xFFFFFF80, v14;
	v16 =	vand.u32 $0x7F, v16;
	v63 =	vadd.s32 v0, v13  }
0x285: {  	v62 =	vld [tilespmem:s20+$0x4070];
	v12 =	vand.u32 $0xFFFFFF80, v12;
	v13 =	vor.u32 v17, v14;
	v14 =	vsub.s32 v19, v11  }
0x286: {  	v17 =	vand.u32 $0x7F, v19;
	v19 =	vsub.s32 v60, v11;
	v12 =	vor.u32 v16, v12  }
0x287: {  	v16 =	vadd.s32 v5, v13;
	v13 =	vand.u32 $0xFFFFFF80, v15;
	v14 =	vand.u32 $0xFFFFFF80, v14  }
0x288: {  	v15 =	vand.u32 $0x7F, v60;
	v12 =	vadd.s32 v7, v12;
	v13 =	vor.u32 v61, v13  }
0x289: {  	v14 =	vor.u32 v17, v14;
	v17 =	vand.u32 $0xFFFFFF80, v19;
	v13 =	vadd.s32 v6, v13  }
0x28a: {  	v15 =	vor.u32 v15, v17;
	v17 =	vsub.s32 v62, v11;
	[tilespmem:v63+s7+$0x0] =	vst.idx.msk $0xffff, v3  }
0x28b: {  	v19 =	vand.u32 $0x7F, v62;
	v14 =	vadd.s32 v8, v14;
	v17 =	vand.u32 $0xFFFFFF80, v17;
	[tilespmem:v18+s7+$0x0] =	vst.idx.msk $0xffff, v3  }
0x28c: {  	s15 =	simm.s32 $0x200;
	v15 =	vadd.s32 v9, v15;
	[tilespmem:v16+s7+$0x0] =	vst.idx.msk $0xffff, v3;
	v16 =	vor.u32 v19, v17  }
.LBB2_25:
0x28d: {  	p0 =	sne.s32 s15, $0x7E00;
	v16 =	vadd.s32 v10, v16;
	s18 =	smov.u32 s15;
	s15 =	sadd.s32 $0x200, s15  }
0x28e: {  	[tilespmem:v13+s7+$0x0] =	vst.idx.msk $0xffff, v3  }
0x28f: {  	[tilespmem:v12+s7+$0x0] =	vst.idx.msk $0xffff, v3  }
0x290: {  	[tilespmem:v14+s7+$0x0] =	vst.idx.msk $0xffff, v3  }
0x291: {  	s18 =	sshra.s32 s18, $0x2;
	[tilespmem:v15+s7+$0x0] =	vst.idx.msk $0xffff, v3  }
0x292: {  	[tilespmem:v16+s7+$0x0] =	vst.idx.msk $0xffff, v3  }
0x293: {  	v12 =	vld [tilespmem:s18+$0x4010]  }
0x294: {  	v13 =	vld [tilespmem:s18+$0x4000]  }
0x295: {  	v14 =	vld [tilespmem:s18+$0x4020]  }
0x296: {  	v15 =	vld [tilespmem:s18+$0x4030]  }
0x297: {  	v16 =	vld [tilespmem:s18+$0x4040]  }
0x298: {  	v17 =	vand.u32 $0x7F, v12;
	v12 =	vsub.s32 v12, v11  }
0x299: {  	v18 =	vand.u32 $0x7F, v13;
	v13 =	vsub.s32 v13, v11;
	v12 =	vand.u32 $0xFFFFFF80, v12  }
0x29a: {  	v19 =	vld [tilespmem:s18+$0x4050];
	v13 =	vand.u32 $0xFFFFFF80, v13;
	v12 =	vor.u32 v17, v12;
	v17 =	vand.u32 $0x7F, v14  }
0x29b: {  	v14 =	vsub.s32 v14, v11;
	v20 =	vld [tilespmem:s18+$0x4060];
	v21 =	vand.u32 $0x7F, v15;
	v15 =	vsub.s32 v15, v11  }
0x29c: {  	v13 =	vor.u32 v18, v13;
	v18 =	vadd.s32 v4, v12;
	v12 =	vsub.s32 v16, v11  }
0x29d: {  	v14 =	vand.u32 $0xFFFFFF80, v14;
	v16 =	vand.u32 $0x7F, v16;
	v12 =	vand.u32 $0xFFFFFF80, v12  }
0x29e: {  	v23 =	vadd.s32 v0, v13;
	v13 =	vor.u32 v17, v14;
	v22 =	vld [tilespmem:s18+$0x4070];
	v12 =	vor.u32 v16, v12  }
0x29f: {  	v16 =	vadd.s32 v5, v13;
	v13 =	vand.u32 $0xFFFFFF80, v15;
	v14 =	vsub.s32 v19, v11  }
0x2a0: {  	v12 =	vadd.s32 v7, v12;
	v14 =	vand.u32 $0xFFFFFF80, v14;
	v15 =	vand.u32 $0x7F, v20  }
.Ltmp11:
0x2a1: {  	v13 =	vor.u32 v21, v13;
	v17 =	vand.u32 $0x7F, v19;
	v19 =	vsub.s32 v20, v11;
	(pc) =	sbr.rel @p0 .LBB2_25-.Ltmp11, $4  }
0x2a2: {  	v13 =	vadd.s32 v6, v13;
	v14 =	vor.u32 v17, v14;
	v17 =	vand.u32 $0xFFFFFF80, v19  }
0x2a3: {  	v15 =	vor.u32 v15, v17;
	[tilespmem:v23+s7+$0x0] =	vst.idx.msk $0xffff, v3;
	v17 =	vand.u32 $0x7F, v22;
	v19 =	vsub.s32 v22, v11  }
0x2a4: {  	v14 =	vadd.s32 v8, v14;
	v15 =	vadd.s32 v9, v15;
	[tilespmem:v18+s7+$0x0] =	vst.idx.msk $0xffff, v3;
	v18 =	vand.u32 $0xFFFFFF80, v19  }
0x2a5: {  	[tilespmem:v16+s7+$0x0] =	vst.idx.msk $0xffff, v3;
	v16 =	vor.u32 v17, v18  }
0x2a6: {  	_ =	sdelay $0x2  }
0x2a7: {  	v16 =	vadd.s32 v10, v16  }
0x2a8: {  	[tilespmem:v13+s7+$0x0] =	vst.idx.msk $0xffff, v3  }
0x2a9: {  	[tilespmem:v12+s7+$0x0] =	vst.idx.msk $0xffff, v3  }
0x2aa: {  	[tilespmem:v14+s7+$0x0] =	vst.idx.msk $0xffff, v3  }
0x2ab: {  	[tilespmem:v15+s7+$0x0] =	vst.idx.msk $0xffff, v3  }
0x2ac: {  	s18 =	simm.s32 $0x0;
	[tilespmem:v16+s7+$0x0] =	vst.idx.msk $0xffff, v3  }
0x2ad: {  	s15 =	sshll.u32 s6, $0x1;
	v14 =	vld [tilespmem:s18+$0x8050]  }
0x2ae: {  	s15 =	sand.u32 $0x7E, s15;
	v15 =	vld [tilespmem:s18+$0x8040]  }
0x2af: {  	v12 =	vmov s15;
	v18 =	vld [tilespmem:s18+$0x8030]  }
0x2b0: {  	v12 =	vshll.u32 v12, $0x7;
	v24 =	vld [tilespmem:s18+$0x8010]  }
0x2b1: {  	v12 =	vbroadcast v12, $0x0;
	v25 =	vld [tilespmem:s18+$0x8000];
	_ =	sdelay $0x1  }
0x2b2: {  	v17 =	vsub.s32 v14, v12  }
0x2b3: {  	v20 =	vld [tilespmem:s18+$0x8020];
	v21 =	vsub.s32 v15, v12;
	v16 =	vand.u32 $0x7F, v14;
	v14 =	vsub.s32 v18, v12  }
0x2b4: {  	v13 =	vld [tilespmem:s18+$0x40];
	v19 =	vand.u32 $0x7F, v15;
	v26 =	vsub.s32 v24, v12;
	v22 =	vand.u32 $0x7F, v18  }
0x2b5: {  	v15 =	vld [tilespmem:s18+$0x8070];
	v27 =	vsub.s32 v25, v12;
	v24 =	vand.u32 $0x7F, v24;
	v25 =	vand.u32 $0x7F, v25  }
0x2b6: {  	v18 =	vld [tilespmem:s18+$0x8060];
	v17 =	vand.u32 $0xFFFFFF80, v17;
	v21 =	vand.u32 $0xFFFFFF80, v21;
	v28 =	vand.u32 $0xFFFFFF80, v26  }
0x2b7: {  	s19 =	simm.s32 $0x200;
	v23 =	vand.u32 $0xFFFFFF80, v14;
	v14 =	vld [tilespmem:s18+$0x70];
	v26 =	vand.u32 $0xFFFFFF80, v27;
	v24 =	vor.u32 v24, v28  }
.LBB2_27:
0x2b8: {  	p0 =	sne.s32 s19, $0x7E00;
	v27 =	vld [tilespmem:s18+$0x60];
	v25 =	vor.u32 v25, v26;
	v26 =	vsub.s32 v20, v12;
	v22 =	vor.u32 v22, v23;
	s20 =	smov.u32 s19;
	s19 =	sadd.s32 $0x200, s19  }
0x2b9: {  	v20 =	vand.u32 $0x7F, v20;
	v23 =	vld [tilespmem:s18+$0x0];
	v25 =	vadd.s32 v0, v25;
	v26 =	vand.u32 $0xFFFFFF80, v26  }
0x2ba: {  	v24 =	vadd.s32 v4, v24;
	v19 =	vor.u32 v19, v21;
	v28 =	vld [tilespmem:s18+$0x10];
	v20 =	vor.u32 v20, v26  }
0x2bb: {  	v16 =	vor.u32 v16, v17;
	v17 =	vsub.s32 v15, v12;
	v21 =	vld [tilespmem:s18+$0x20];
	v20 =	vadd.s32 v5, v20  }
0x2bc: {  	s20 =	sshra.s32 s20, $0x2;
	v22 =	vadd.s32 v6, v22;
	v17 =	vand.u32 $0xFFFFFF80, v17;
	v26 =	vld [tilespmem:s18+$0x30];
	v29 =	vsub.s32 v18, v12  }
0x2bd: {  	v19 =	vadd.s32 v7, v19;
	v18 =	vand.u32 $0x7F, v18;
	v30 =	vld [tilespmem:s18+$0x50];
	v29 =	vand.u32 $0xFFFFFF80, v29;
	s18 =	smov.u32 s20  }
0x2be: {  	v16 =	vadd.s32 v8, v16;
	v15 =	vand.u32 $0x7F, v15;
	[tilespmem:v25+s7+$0x0] =	vst.idx.msk $0xffff, v23;
	v18 =	vor.u32 v18, v29  }
0x2bf: {  	v15 =	vor.u32 v15, v17;
	[tilespmem:v24+s7+$0x0] =	vst.idx.msk $0xffff, v28;
	v18 =	vadd.s32 v9, v18  }
0x2c0: {  	v15 =	vadd.s32 v10, v15;
	[tilespmem:v20+s7+$0x0] =	vst.idx.msk $0xffff, v21  }
0x2c1: {  	[tilespmem:v22+s7+$0x0] =	vst.idx.msk $0xffff, v26  }
0x2c2: {  	[tilespmem:v19+s7+$0x0] =	vst.idx.msk $0xffff, v13  }
0x2c3: {  	[tilespmem:v16+s7+$0x0] =	vst.idx.msk $0xffff, v30  }
0x2c4: {  	[tilespmem:v18+s7+$0x0] =	vst.idx.msk $0xffff, v27  }
0x2c5: {  	[tilespmem:v15+s7+$0x0] =	vst.idx.msk $0xffff, v14  }
0x2c6: {  	v14 =	vld [tilespmem:s18+$0x8050]  }
0x2c7: {  	v18 =	vld [tilespmem:s18+$0x8040]  }
0x2c8: {  	v22 =	vld [tilespmem:s18+$0x8030]  }
0x2c9: {  	v24 =	vld [tilespmem:s18+$0x8010]  }
0x2ca: {  	v25 =	vld [tilespmem:s18+$0x8000]  }
0x2cb: {  	v13 =	vld [tilespmem:s18+$0x40];
	v15 =	vsub.s32 v14, v12  }
.Ltmp12:
0x2cc: {  	v16 =	vand.u32 $0x7F, v14;
	v20 =	vld [tilespmem:s18+$0x8020];
	v21 =	vsub.s32 v18, v12;
	v17 =	vand.u32 $0xFFFFFF80, v15;
	(pc) =	sbr.rel @p0 .LBB2_27-.Ltmp12, $4  }
0x2cd: {  	v19 =	vand.u32 $0x7F, v18;
	v15 =	vld [tilespmem:s18+$0x8070];
	v14 =	vsub.s32 v22, v12;
	v21 =	vand.u32 $0xFFFFFF80, v21  }
0x2ce: {  	v22 =	vand.u32 $0x7F, v22;
	v18 =	vsub.s32 v24, v12;
	v23 =	vand.u32 $0xFFFFFF80, v14  }
0x2cf: {  	v24 =	vand.u32 $0x7F, v24;
	v14 =	vld [tilespmem:s18+$0x70];
	v26 =	vsub.s32 v25, v12;
	v27 =	vand.u32 $0xFFFFFF80, v18  }
0x2d0: {  	v25 =	vand.u32 $0x7F, v25;
	v18 =	vld [tilespmem:s18+$0x8060];
	v26 =	vand.u32 $0xFFFFFF80, v26;
	v24 =	vor.u32 v24, v27  }
0x2d1: {  	v25 =	vor.u32 v25, v26;
	v55 =	vsub.s32 v20, v12;
	v22 =	vor.u32 v22, v23  }
0x2d2: {  	v56 =	vld [tilespmem:s18+$0x0];
	v57 =	vand.u32 $0x7F, v20;
	v25 =	vadd.s32 v0, v25;
	v26 =	vand.u32 $0xFFFFFF80, v55  }
0x2d3: {  	v28 =	vld [tilespmem:s18+$0x10];
	v24 =	vadd.s32 v4, v24;
	v19 =	vor.u32 v19, v21;
	v20 =	vor.u32 v57, v26  }
0x2d4: {  	v58 =	vld [tilespmem:s18+$0x20];
	v16 =	vor.u32 v16, v17;
	v17 =	vsub.s32 v15, v12;
	v20 =	vadd.s32 v5, v20  }
0x2d5: {  	v59 =	vld [tilespmem:s18+$0x30];
	v22 =	vadd.s32 v6, v22;
	v19 =	vadd.s32 v7, v19;
	v12 =	vsub.s32 v18, v12  }
0x2d6: {  	v27 =	vld [tilespmem:s18+$0x60];
	v16 =	vadd.s32 v8, v16;
	v18 =	vand.u32 $0x7F, v18;
	v12 =	vand.u32 $0xFFFFFF80, v12  }
0x2d7: {  	v29 =	vld [tilespmem:s18+$0x50];
	v15 =	vand.u32 $0x7F, v15;
	v17 =	vand.u32 $0xFFFFFF80, v17;
	[tilespmem:v25+s7+$0x0] =	vst.idx.msk $0xffff, v56;
	v12 =	vor.u32 v18, v12  }
0x2d8: {  	v15 =	vor.u32 v15, v17;
	[tilespmem:v24+s7+$0x0] =	vst.idx.msk $0xffff, v28;
	v12 =	vadd.s32 v9, v12  }
0x2d9: {  	v15 =	vadd.s32 v10, v15;
	[tilespmem:v20+s7+$0x0] =	vst.idx.msk $0xffff, v58  }
0x2da: {  	[tilespmem:v22+s7+$0x0] =	vst.idx.msk $0xffff, v59  }
0x2db: {  	s6 =	sshll.u32 s6, $0xD;
	s15 =	sshll.u32 s15, $0x4;
	s24 =	sshll.u32 s24, $0x4;
	[tilespmem:v19+s7+$0x0] =	vst.idx.msk $0xffff, v13  }
0x2dc: {  	s6 =	sor.u32 s15, s6;
	s18 =	sand.u32 $0x60, s24;
	[tilespmem:v16+s7+$0x0] =	vst.idx.msk $0xffff, v29  }
0x2dd: {  	s6 =	sand.u32 $0xFF80780, s6;
	s15 =	sadd.s32 s5, s18;
	[tilespmem:v12+s7+$0x0] =	vst.idx.msk $0xffff, v27  }
0x2de: {  	s6 =	sadd.s32 s6, s15;
	[tilespmem:v15+s7+$0x0] =	vst.idx.msk $0xffff, v14  }
0x2df: {  	[hbm4b:s6+s8] =	stream.strided.scatter [tilespmem:s7], [sflag:$0x7], $0x8000, s30, s8, $0x38;
	[tilespmem:$0x1C000] =	vst v63  }
0x2e0: {  	s19 =	smin.u32 s26, $0x1B;
	_ =	swait.ge [sflag:s9], $0x2000  }
0x2e1: {  	s6 =	sshrl.u32 s19, $0x1;
	[sflag:s9] =	ssyncset.done $0x0  }
0x2e2: {  	s6 =	sadd.s32 s4, s6;
	[sflag:s9] =	ssyncadd.s32 $0xFFFFE000  }
0x2e3: {  	s6 =	sshll.u32 s6, $0xB;
	_ =	swait.ge [sflag:s17], $0x2000  }
0x2e4: {  	s6 =	sadd.s32 $0x1000, s6;
	[sflag:s17] =	ssyncset.done $0x0  }
0x2e5: {  	s24 =	simm.s32 $0x0;
	s20 =	sadd.s32 s1, s6;
	[sflag:s17] =	ssyncadd.s32 $0xFFFFE000  }
0x2e6: {  	[tilespmem:s24], [sflag:$0x1] =	stream.strided.gather [hbm4b:s20+s28], $0x2000, s29, s28, $0x38;
	[tilespmem:$0x1C000] =	vst v63  }
0x2e7: {  	s6 =	sadd.s32 s3, s6  }
0x2e8: {  	[tilespmem:s30], [sflag:$0x3] =	stream.strided.gather [hbm4b:s6+s28], $0x2000, s29, s28, $0x38;
	[tilespmem:$0x1C000] =	vst v63  }
0x2e9: {  	_ =	swait.ge [sflag:s23], $0x8000  }
0x2ea: {  	[sflag:s23] =	ssyncset.done $0x0  }
0x2eb: {  	s26 =	simm.s32 $0x0;
	[sflag:s23] =	ssyncadd.s32 $0xFFFF8000  }
0x2ec: {  	v12 =	vld [tilespmem:s26+$0x6010]  }
0x2ed: {  	v13 =	vld [tilespmem:s26+$0x6000]  }
0x2ee: {  	v15 =	vld [tilespmem:s26+$0x6030];
	_ =	sdelay $0x1  }
0x2ef: {  	v14 =	vld [tilespmem:s26+$0x6020]  }
0x2f0: {  	v16 =	vld [tilespmem:s26+$0x6040]  }
0x2f1: {  	v17 =	vand.u32 $0x7F, v12;
	v12 =	vsub.s32 v12, v11  }
0x2f2: {  	v19 =	vld [tilespmem:s26+$0x6050];
	v18 =	vand.u32 $0x7F, v13;
	v13 =	vsub.s32 v13, v11;
	v61 =	vand.u32 $0x7F, v15  }
0x2f3: {  	v60 =	vld [tilespmem:s26+$0x6060];
	v15 =	vsub.s32 v15, v11;
	v12 =	vand.u32 $0xFFFFFF80, v12;
	v13 =	vand.u32 $0xFFFFFF80, v13  }
0x2f4: {  	v12 =	vor.u32 v17, v12;
	v17 =	vand.u32 $0x7F, v14;
	v14 =	vsub.s32 v14, v11  }
0x2f5: {  	v13 =	vor.u32 v18, v13;
	v18 =	vadd.s32 v4, v12;
	v12 =	vsub.s32 v16, v11  }
0x2f6: {  	v14 =	vand.u32 $0xFFFFFF80, v14;
	v16 =	vand.u32 $0x7F, v16;
	v63 =	vadd.s32 v0, v13  }
0x2f7: {  	v62 =	vld [tilespmem:s26+$0x6070];
	v12 =	vand.u32 $0xFFFFFF80, v12;
	v13 =	vor.u32 v17, v14;
	v14 =	vsub.s32 v19, v11  }
0x2f8: {  	v17 =	vand.u32 $0x7F, v19;
	v19 =	vsub.s32 v60, v11;
	v12 =	vor.u32 v16, v12  }
0x2f9: {  	v16 =	vadd.s32 v5, v13;
	v13 =	vand.u32 $0xFFFFFF80, v15;
	v14 =	vand.u32 $0xFFFFFF80, v14  }
0x2fa: {  	v15 =	vand.u32 $0x7F, v60;
	v12 =	vadd.s32 v7, v12;
	v13 =	vor.u32 v61, v13  }
0x2fb: {  	v14 =	vor.u32 v17, v14;
	v17 =	vand.u32 $0xFFFFFF80, v19;
	v13 =	vadd.s32 v6, v13  }
0x2fc: {  	v15 =	vor.u32 v15, v17;
	v17 =	vsub.s32 v62, v11;
	[tilespmem:v63+s13+$0x0] =	vst.idx.msk $0xffff, v3  }
0x2fd: {  	v19 =	vand.u32 $0x7F, v62;
	v14 =	vadd.s32 v8, v14;
	v17 =	vand.u32 $0xFFFFFF80, v17;
	[tilespmem:v18+s13+$0x0] =	vst.idx.msk $0xffff, v3  }
0x2fe: {  	s6 =	simm.s32 $0x200;
	v15 =	vadd.s32 v9, v15;
	[tilespmem:v16+s13+$0x0] =	vst.idx.msk $0xffff, v3;
	v16 =	vor.u32 v19, v17  }
.LBB2_29:
0x2ff: {  	p0 =	sne.s32 s6, $0x7E00;
	v16 =	vadd.s32 v10, v16;
	s15 =	smov.u32 s6;
	s6 =	sadd.s32 $0x200, s6  }
0x300: {  	[tilespmem:v13+s13+$0x0] =	vst.idx.msk $0xffff, v3  }
0x301: {  	[tilespmem:v12+s13+$0x0] =	vst.idx.msk $0xffff, v3  }
0x302: {  	[tilespmem:v14+s13+$0x0] =	vst.idx.msk $0xffff, v3  }
0x303: {  	s15 =	sshra.s32 s15, $0x2;
	[tilespmem:v15+s13+$0x0] =	vst.idx.msk $0xffff, v3  }
0x304: {  	[tilespmem:v16+s13+$0x0] =	vst.idx.msk $0xffff, v3  }
0x305: {  	v12 =	vld [tilespmem:s15+$0x6010]  }
0x306: {  	v13 =	vld [tilespmem:s15+$0x6000]  }
0x307: {  	v14 =	vld [tilespmem:s15+$0x6020]  }
0x308: {  	v15 =	vld [tilespmem:s15+$0x6030]  }
0x309: {  	v16 =	vld [tilespmem:s15+$0x6040]  }
0x30a: {  	v17 =	vand.u32 $0x7F, v12;
	v12 =	vsub.s32 v12, v11  }
0x30b: {  	v18 =	vand.u32 $0x7F, v13;
	v13 =	vsub.s32 v13, v11;
	v12 =	vand.u32 $0xFFFFFF80, v12  }
0x30c: {  	v19 =	vld [tilespmem:s15+$0x6050];
	v13 =	vand.u32 $0xFFFFFF80, v13;
	v12 =	vor.u32 v17, v12;
	v17 =	vand.u32 $0x7F, v14  }
0x30d: {  	v14 =	vsub.s32 v14, v11;
	v20 =	vld [tilespmem:s15+$0x6060];
	v21 =	vand.u32 $0x7F, v15;
	v15 =	vsub.s32 v15, v11  }
0x30e: {  	v13 =	vor.u32 v18, v13;
	v18 =	vadd.s32 v4, v12;
	v12 =	vsub.s32 v16, v11  }
0x30f: {  	v14 =	vand.u32 $0xFFFFFF80, v14;
	v16 =	vand.u32 $0x7F, v16;
	v12 =	vand.u32 $0xFFFFFF80, v12  }
0x310: {  	v23 =	vadd.s32 v0, v13;
	v13 =	vor.u32 v17, v14;
	v22 =	vld [tilespmem:s15+$0x6070];
	v12 =	vor.u32 v16, v12  }
0x311: {  	v16 =	vadd.s32 v5, v13;
	v13 =	vand.u32 $0xFFFFFF80, v15;
	v14 =	vsub.s32 v19, v11  }
0x312: {  	v12 =	vadd.s32 v7, v12;
	v14 =	vand.u32 $0xFFFFFF80, v14;
	v15 =	vand.u32 $0x7F, v20  }
.Ltmp13:
0x313: {  	v13 =	vor.u32 v21, v13;
	v17 =	vand.u32 $0x7F, v19;
	v19 =	vsub.s32 v20, v11;
	(pc) =	sbr.rel @p0 .LBB2_29-.Ltmp13, $4  }
0x314: {  	v13 =	vadd.s32 v6, v13;
	v14 =	vor.u32 v17, v14;
	v17 =	vand.u32 $0xFFFFFF80, v19  }
0x315: {  	v15 =	vor.u32 v15, v17;
	[tilespmem:v23+s13+$0x0] =	vst.idx.msk $0xffff, v3;
	v17 =	vand.u32 $0x7F, v22;
	v19 =	vsub.s32 v22, v11  }
0x316: {  	v14 =	vadd.s32 v8, v14;
	v15 =	vadd.s32 v9, v15;
	[tilespmem:v18+s13+$0x0] =	vst.idx.msk $0xffff, v3;
	v18 =	vand.u32 $0xFFFFFF80, v19  }
0x317: {  	[tilespmem:v16+s13+$0x0] =	vst.idx.msk $0xffff, v3;
	v16 =	vor.u32 v17, v18  }
0x318: {  	_ =	sdelay $0x2  }
0x319: {  	v11 =	vadd.s32 v10, v16  }
0x31a: {  	[tilespmem:v13+s13+$0x0] =	vst.idx.msk $0xffff, v3  }
0x31b: {  	[tilespmem:v12+s13+$0x0] =	vst.idx.msk $0xffff, v3  }
0x31c: {  	[tilespmem:v14+s13+$0x0] =	vst.idx.msk $0xffff, v3  }
0x31d: {  	[tilespmem:v15+s13+$0x0] =	vst.idx.msk $0xffff, v3  }
0x31e: {  	s6 =	sshll.u32 s12, $0x1;
	s12 =	simm.s32 $0x0;
	[tilespmem:v11+s13+$0x0] =	vst.idx.msk $0xffff, v3  }
0x31f: {  	v13 =	vld [tilespmem:s12+$0xA050]  }
0x320: {  	s6 =	sand.u32 $0x7E, s6;
	v14 =	vld [tilespmem:s12+$0xA040]  }
0x321: {  	v11 =	vmov s6;
	v17 =	vld [tilespmem:s12+$0xA030]  }
0x322: {  	v11 =	vshll.u32 v11, $0x7;
	v23 =	vld [tilespmem:s12+$0xA010]  }
0x323: {  	v24 =	vld [tilespmem:s12+$0xA000];
	v11 =	vbroadcast v11, $0x0;
	_ =	sdelay $0x1  }
0x324: {  	v16 =	vsub.s32 v13, v11  }
0x325: {  	v19 =	vld [tilespmem:s12+$0xA020];
	v20 =	vsub.s32 v14, v11;
	v15 =	vand.u32 $0x7F, v13;
	v13 =	vsub.s32 v17, v11  }
0x326: {  	v12 =	vld [tilespmem:s12+$0x2040];
	v18 =	vand.u32 $0x7F, v14;
	v25 =	vsub.s32 v23, v11;
	v21 =	vand.u32 $0x7F, v17  }
0x327: {  	v14 =	vld [tilespmem:s12+$0xA070];
	v26 =	vsub.s32 v24, v11;
	v23 =	vand.u32 $0x7F, v23;
	v24 =	vand.u32 $0x7F, v24  }
0x328: {  	v17 =	vld [tilespmem:s12+$0xA060];
	v16 =	vand.u32 $0xFFFFFF80, v16;
	v20 =	vand.u32 $0xFFFFFF80, v20;
	v27 =	vand.u32 $0xFFFFFF80, v25  }
0x329: {  	s15 =	simm.s32 $0x200;
	v22 =	vand.u32 $0xFFFFFF80, v13;
	v13 =	vld [tilespmem:s12+$0x2070];
	v25 =	vand.u32 $0xFFFFFF80, v26;
	v23 =	vor.u32 v23, v27  }
.LBB2_31:
0x32a: {  	p0 =	sne.s32 s15, $0x7E00;
	v26 =	vld [tilespmem:s12+$0x2060];
	v24 =	vor.u32 v24, v25;
	v25 =	vsub.s32 v19, v11;
	v21 =	vor.u32 v21, v22;
	s18 =	smov.u32 s15;
	s15 =	sadd.s32 $0x200, s15  }
0x32b: {  	v19 =	vand.u32 $0x7F, v19;
	v22 =	vld [tilespmem:s12+$0x2000];
	v24 =	vadd.s32 v0, v24;
	v25 =	vand.u32 $0xFFFFFF80, v25  }
0x32c: {  	v23 =	vadd.s32 v4, v23;
	v18 =	vor.u32 v18, v20;
	v27 =	vld [tilespmem:s12+$0x2010];
	v19 =	vor.u32 v19, v25  }
0x32d: {  	v15 =	vor.u32 v15, v16;
	v16 =	vsub.s32 v14, v11;
	v20 =	vld [tilespmem:s12+$0x2020];
	v19 =	vadd.s32 v5, v19  }
0x32e: {  	s18 =	sshra.s32 s18, $0x2;
	v21 =	vadd.s32 v6, v21;
	v16 =	vand.u32 $0xFFFFFF80, v16;
	v25 =	vld [tilespmem:s12+$0x2030];
	v28 =	vsub.s32 v17, v11  }
0x32f: {  	v18 =	vadd.s32 v7, v18;
	v17 =	vand.u32 $0x7F, v17;
	v29 =	vld [tilespmem:s12+$0x2050];
	v28 =	vand.u32 $0xFFFFFF80, v28;
	s12 =	smov.u32 s18  }
0x330: {  	v15 =	vadd.s32 v8, v15;
	v14 =	vand.u32 $0x7F, v14;
	[tilespmem:v24+s13+$0x0] =	vst.idx.msk $0xffff, v22;
	v17 =	vor.u32 v17, v28  }
0x331: {  	v14 =	vor.u32 v14, v16;
	[tilespmem:v23+s13+$0x0] =	vst.idx.msk $0xffff, v27;
	v17 =	vadd.s32 v9, v17  }
0x332: {  	v14 =	vadd.s32 v10, v14;
	[tilespmem:v19+s13+$0x0] =	vst.idx.msk $0xffff, v20  }
0x333: {  	[tilespmem:v21+s13+$0x0] =	vst.idx.msk $0xffff, v25  }
0x334: {  	[tilespmem:v18+s13+$0x0] =	vst.idx.msk $0xffff, v12  }
0x335: {  	[tilespmem:v15+s13+$0x0] =	vst.idx.msk $0xffff, v29  }
0x336: {  	[tilespmem:v17+s13+$0x0] =	vst.idx.msk $0xffff, v26  }
0x337: {  	[tilespmem:v14+s13+$0x0] =	vst.idx.msk $0xffff, v13  }
0x338: {  	v13 =	vld [tilespmem:s12+$0xA050]  }
0x339: {  	v17 =	vld [tilespmem:s12+$0xA040]  }
0x33a: {  	v21 =	vld [tilespmem:s12+$0xA030]  }
0x33b: {  	v23 =	vld [tilespmem:s12+$0xA010]  }
0x33c: {  	v24 =	vld [tilespmem:s12+$0xA000]  }
0x33d: {  	v12 =	vld [tilespmem:s12+$0x2040];
	v14 =	vsub.s32 v13, v11  }
.Ltmp14:
0x33e: {  	v15 =	vand.u32 $0x7F, v13;
	v19 =	vld [tilespmem:s12+$0xA020];
	v20 =	vsub.s32 v17, v11;
	v16 =	vand.u32 $0xFFFFFF80, v14;
	(pc) =	sbr.rel @p0 .LBB2_31-.Ltmp14, $4  }
0x33f: {  	v18 =	vand.u32 $0x7F, v17;
	v14 =	vld [tilespmem:s12+$0xA070];
	v13 =	vsub.s32 v21, v11;
	v20 =	vand.u32 $0xFFFFFF80, v20  }
0x340: {  	v21 =	vand.u32 $0x7F, v21;
	v17 =	vsub.s32 v23, v11;
	v22 =	vand.u32 $0xFFFFFF80, v13  }
0x341: {  	v23 =	vand.u32 $0x7F, v23;
	v13 =	vld [tilespmem:s12+$0x2070];
	v25 =	vsub.s32 v24, v11;
	v26 =	vand.u32 $0xFFFFFF80, v17  }
0x342: {  	v24 =	vand.u32 $0x7F, v24;
	v17 =	vld [tilespmem:s12+$0xA060];
	v25 =	vand.u32 $0xFFFFFF80, v25;
	v23 =	vor.u32 v23, v26  }
0x343: {  	v24 =	vor.u32 v24, v25;
	v56 =	vsub.s32 v19, v11;
	v21 =	vor.u32 v21, v22  }
0x344: {  	v57 =	vld [tilespmem:s12+$0x2000];
	v58 =	vand.u32 $0x7F, v19;
	v24 =	vadd.s32 v0, v24;
	v25 =	vand.u32 $0xFFFFFF80, v56  }
0x345: {  	v27 =	vld [tilespmem:s12+$0x2010];
	v23 =	vadd.s32 v4, v23;
	v18 =	vor.u32 v18, v20;
	v19 =	vor.u32 v58, v25  }
0x346: {  	v59 =	vld [tilespmem:s12+$0x2020];
	v15 =	vor.u32 v15, v16;
	v60 =	vsub.s32 v14, v11;
	v19 =	vadd.s32 v5, v19  }
0x347: {  	v61 =	vld [tilespmem:s12+$0x2030];
	v21 =	vadd.s32 v6, v21;
	v18 =	vadd.s32 v7, v18;
	v11 =	vsub.s32 v17, v11  }
0x348: {  	v26 =	vld [tilespmem:s12+$0x2060];
	v15 =	vadd.s32 v8, v15;
	v62 =	vand.u32 $0x7F, v17;
	v11 =	vand.u32 $0xFFFFFF80, v11  }
0x349: {  	v28 =	vld [tilespmem:s12+$0x2050];
	v63 =	vand.u32 $0x7F, v14;
	v16 =	vand.u32 $0xFFFFFF80, v60;
	[tilespmem:v24+s13+$0x0] =	vst.idx.msk $0xffff, v57;
	v11 =	vor.u32 v62, v11  }
0x34a: {  	v14 =	vor.u32 v63, v16;
	[tilespmem:v23+s13+$0x0] =	vst.idx.msk $0xffff, v27;
	v11 =	vadd.s32 v9, v11  }
0x34b: {  	s25 =	sadd.s32 $0x1, s25;
	v14 =	vadd.s32 v10, v14;
	[tilespmem:v19+s13+$0x0] =	vst.idx.msk $0xffff, v59  }
0x34c: {  	s6 =	sshll.u32 s6, $0x4;
	s11 =	sshll.u32 s11, $0x5;
	p0 =	sne.s32 s25, $0x8;
	[tilespmem:v21+s13+$0x0] =	vst.idx.msk $0xffff, v61  }
.Ltmp15:
0x34d: {  	s6 =	sand.u32 $0x780, s6;
	s11 =	sand.u32 $0x60, s11;
	[tilespmem:v18+s13+$0x0] =	vst.idx.msk $0xffff, v12;
	(pc) =	sbr.rel @p0 .LBB2_16-.Ltmp15, $4  }
0x34e: {  	s6 =	sor.u32 s11, s6;
	[tilespmem:v15+s13+$0x0] =	vst.idx.msk $0xffff, v28  }
0x34f: {  	s6 =	sor.u32 s22, s6;
	[tilespmem:v11+s13+$0x0] =	vst.idx.msk $0xffff, v26  }
0x350: {  	s6 =	sadd.s32 s5, s6;
	[tilespmem:v14+s13+$0x0] =	vst.idx.msk $0xffff, v13  }
0x351: {  	[hbm4b:s6+s8] =	stream.strided.scatter [tilespmem:s13], [sflag:$0x8], $0x8000, s30, s8, $0x38;
	[tilespmem:$0x1C000] =	vst v63  }
0x352: {  	_ =	swait.ge [sflag:s16], $0x8000  }
0x353: {  	[sflag:s16] =	ssyncset.done $0x0  }
0x354: {  	[sflag:s16] =	ssyncadd.s32 $0xFFFF8000  }
0x355: {  	_ =	swait.ge [sflag:s23], $0x8000  }
0x356: {  	[sflag:s23] =	ssyncset.done $0x0  }
0x357: {  	[sflag:s23] =	ssyncadd.s32 $0xFFFF8000  }
0x358: {  	_ =	swait.ge [sflag:s31], $0x2000  }
0x359: {  	[sflag:s31] =	ssyncset.done $0x0  }
0x35a: {  	[sflag:s31] =	ssyncadd.s32 $0xFFFFE000  }
0x35b: {  	_ =	swait.ge [sflag:s2], $0x2000  }
0x35c: {  	s11 =	rddreg [dreg:$0x16]  }
0x35d: {  	s6 =	rddreg [dreg:$0x12];
	s11 =	sadd.s32 $0x1, s11  }
0x35e: {  	p0 =	sne.s32 s11, s6  }
.Ltmp16:
0x35f: {  	_ = 	snop;
	(pc) =	sbr.rel @p0 .LBB2_1-.Ltmp16, $3  }
0x360: {  	_ =	sdelay $0x1  }
0x361: {  	[sflag:s2] =	ssyncset.done $0x0  }
0x362: {  	[sflag:s2] =	ssyncadd.s32 $0xFFFFE000  }
0x363: {  	_ =	sfence.sel $0x180000  }
0x364: {  	[bflag:$0x0] =	sbarrier.arrive $0xFFFF  }
0x365: {  	_ =	strace $0x90000047  }
0x366: {  	s0 =	stileid.u32;
	[bflag:$0x2] =	sbarrier.arrive $0xFFFF  }
0x367: {  	p0 =	sne.s32 s0, $0x0;
	s0 =	rddreg [dreg:$0x3]  }
0x368: {  	s0 =	sadd.s32 @!p0 $0x100000, s0  }
0x369: {  	[sflag:s0] =	ssyncadd.tile.s32 @!p0 $0x1;
	_ =	shalt  }
.Lfunc_end2:
_tile_overlayer_lowered:
.L_overlay_start_2:
0x36a: {  	(tag) =	ssettag $0x2  }
0x36b: {  	s0 =	rddreg [dreg:$0x0];
	s2 =	stileid.u32  }
0x36c: {  	s1 =	rddreg [dreg:$0x1];
	p0 =	sne.s32 s2, $0x0  }
0x36d: {  	s3 =	rddreg [dreg:$0x2];
	[bflag:$0x3] =	sbarrier.arrive $0xFFFF;
	s2 =	simm.s32 @!p0 $0x1C09  }
0x36e: {  	[timem:s3], [sflag:s2] =	dma.local @!p0 [hbm:s0], s1  }
0x36f: {  	s0 =	simm.s32 @!p0 $0x9  }
0x370: {  	_ =	swait.ge @!p0 [sflag:s0], s1  }
0x371: {  	s1 =	ssub.s32 @!p0 $0x0, s1;
	[sflag:s0] =	ssyncset.done @!p0 $0x0  }
0x372: {  	[sflag:s0] =	ssyncadd.s32 @!p0 s1  }
0x373: {  	[bflag:$0x3] =	sbarrier.arrive $0xFFFF  }
0x374: {  	_ =	shalt  }

</sc_bundles>
